<compile_context>
chip_gen: v7x
topology: tpu7x:2x2x1
jax: 0.10.2.dev20260603
libtpu: 0.0.44.dev20260713+nightly
codegen_flags: <defaults>
</compile_context>

<pallas_src>
import functools

import numpy as np

import jax
import jax.numpy as jnp
from jax import lax
from jax.experimental import pallas as pl
from jax.experimental.pallas import tpu as pltpu
from jax.experimental.pallas import tpu_sc as plsc

N_NODES = 10000
N_EDGES = 320000
IN_SIZE = 128
HID = 16
OUT = 64
H1 = 8
H2 = 1

NC = 2
NS = 16
NW = NC * NS
ROWB = 400
GRID = N_NODES // ROWB


def _make_sc_edge(n_nodes, n_edges, H, F):
  HF = H * F
  W = HF + 16
  EPW = n_edges // NW
  C = 80
  NCH = EPW // C
  G = C // 16
  RPT = n_nodes // NS
  NV = F // 16

  mesh = plsc.VectorSubcoreMesh(
      core_axis_name="c", subcore_axis_name="s", num_cores=NC,
      num_subcores=NS)

  @functools.partial(
      pl.kernel,
      out_type=jax.ShapeDtypeStruct((NC, n_nodes, W), jnp.float32),
      mesh=mesh,
      scratch_types=[
          pltpu.VMEM((2, C), jnp.int32),
          pltpu.VMEM((2, C), jnp.int32),
          pltpu.VMEM((2, C), jnp.int32),
          pltpu.VMEM((C,), jnp.int32),
          pltpu.VMEM((C,), jnp.int32),
          pltpu.VMEM((C,), jnp.int32),
          pltpu.VMEM((C, W), jnp.float32),
          pltpu.VMEM((C, W), jnp.float32),
          pltpu.VMEM((C, W), jnp.float32),
          pltpu.VMEM((C, 16), jnp.float32),
          pltpu.VMEM((C, 16), jnp.float32),
          pltpu.VMEM((C, 16), jnp.float32),
          pltpu.VMEM_SHARED((n_nodes, W), jnp.float32),
          pltpu.SemaphoreType.DMA,
          pltpu.SemaphoreType.DMA,
          pltpu.SemaphoreType.DMA,
          pltpu.SemaphoreType.DMA,
          pltpu.SemaphoreType.DMA,
          pltpu.SemaphoreType.DMA,
          pltpu.SemaphoreType.DMA,
          pltpu.SemaphoreType.DMA,
          pltpu.SemaphoreType.DMA,
      ],
      compiler_params=pltpu.CompilerParams(
          use_tc_tiling_on_sc=False, needs_layout_passes=False),
  )
  def sc_edge(ztab, ertab, eidx, zeros_h, out, ibuf0, ibuf1, ibuf2, dsc0,
              dsc1, dsc2, zbuf0, zbuf1, zbuf2, ebuf0, ebuf1, ebuf2, accum, isem0, isem1, isem2, gsem0, gsem1, gsem2, ssem0, ssem1,
              ssem2):
    cid = lax.axis_index("c")
    sid = lax.axis_index("s")
    wid = sid * NC + cid

    ibufs = [ibuf0, ibuf1, ibuf2]
    dscs = [dsc0, dsc1, dsc2]
    zbufs = [zbuf0, zbuf1, zbuf2]
    ebufs = [ebuf0, ebuf1, ebuf2]
    isems = [isem0, isem1, isem2]
    gsems = [gsem0, gsem1, gsem2]
    ssems = [ssem0, ssem1, ssem2]

    r0 = sid * RPT
    pltpu.sync_copy(zeros_h.at[pl.ds(r0, RPT)], accum.at[pl.ds(r0, RPT)])
    plsc.subcore_barrier()

    iota16 = lax.iota(jnp.int32, 16)

    def issue_idx(t, k):
      pltpu.async_copy(eidx.at[wid, t], ibufs[k], isems[k])

    def wait_idx(t, k):
      pltpu.make_async_copy(eidx.at[wid, t], ibufs[k], isems[k]).wait()

    def issue_gather(k):
      pltpu.async_copy(ztab.at[ibufs[k].at[0]], zbufs[k], gsems[k])
      pltpu.async_copy(ertab.at[ibufs[k].at[1]], ebufs[k], gsems[k])

    def wait_gather(k):
      pltpu.make_async_copy(ztab.at[ibufs[k].at[0]], zbufs[k], gsems[k]).wait()
      pltpu.make_async_copy(ertab.at[ibufs[k].at[1]], ebufs[k],
                            gsems[k]).wait()

    def copy_dst(k):
      for g in range(G):
        dscs[k][pl.ds(g * 16, 16)] = ibufs[k][1, pl.ds(g * 16, 16)]

    def issue_scatter(k):
      pltpu.async_copy(zbufs[k], accum.at[dscs[k]], ssems[k], add=True)

    def wait_scatter(k):
      pltpu.make_async_copy(zbufs[k], accum.at[dscs[k]], ssems[k]).wait()

    maskh = iota16 < H

    def process(zbuf, ebuf):
      def edge_body(i, carry2):
        elv = zbuf[i, pl.ds(HF, 16)]
        erv = ebuf[i, pl.ds(0, 16)]
        s = elv + erv
        e = jnp.where(s >= 0.0, s, 0.2 * s)
        ex = jnp.where(maskh, jnp.exp(e), 0.0)
        zbuf[i, pl.ds(HF, 16)] = ex
        for h in range(H):
          sc = ex[h]
          for j in range(NV):
            off = h * F + j * 16
            zbuf[i, pl.ds(off, 16)] = zbuf[i, pl.ds(off, 16)] * sc
        return carry2

      lax.fori_loop(0, C, edge_body, 0)

    def section(t, k, skip_swait=False):
      wait_gather(k)
      k2 = (k + 2) % 3
      copy_dst(k)

      @pl.when(t + 3 < NCH)
      def _():
        issue_idx(t + 3, k)

      process(zbufs[k], ebufs[k])

      @pl.when(t + 2 < NCH)
      def _():
        if not skip_swait:
          wait_scatter(k2)
        wait_idx(t + 2, k2)
        issue_gather(k2)

      issue_scatter(k)

    pltpu.sync_copy(eidx.at[wid, 0], ibuf0)
    pltpu.sync_copy(eidx.at[wid, 1], ibuf1)
    issue_gather(0)
    issue_gather(1)
    issue_idx(2, 2)

    section(0, 0, skip_swait=True)
    section(1, 1)
    section(2, 2)

    def pipe_body(u, carry):
      tA = 3 * u + 3
      section(tA, 0)
      section(tA + 1, 1)
      section(tA + 2, 2)
      return carry

    n_full = (NCH - 3) // 3
    lax.fori_loop(0, n_full, pipe_body, 0)
    for t in range(3 + 3 * n_full, NCH):
      section(t, t % 3)
    wait_scatter(0)
    wait_scatter(1)
    wait_scatter(2)
    plsc.subcore_barrier()
    pltpu.sync_copy(accum.at[pl.ds(r0, RPT)], out.at[cid, pl.ds(r0, RPT)])

  return sc_edge


_sc_edge_l1 = _make_sc_edge(N_NODES, N_EDGES, H1, HID)
_sc_edge_l2 = _make_sc_edge(N_NODES, N_EDGES, H2, OUT)


def _tc_pre1_body(x_ref, w_ref, al_ref, ar_ref, ztab_ref, ertab_ref):
  z = jnp.dot(x_ref[...], w_ref[...], preferred_element_type=jnp.float32)
  el = jnp.dot(z, al_ref[...], preferred_element_type=jnp.float32)
  er = jnp.dot(z, ar_ref[...], preferred_element_type=jnp.float32)
  pad = jnp.zeros((ROWB, 8), jnp.float32)
  ztab_ref[...] = jnp.concatenate([z, el, pad], axis=1)
  ertab_ref[...] = jnp.concatenate([er, pad], axis=1)


def _tc_mid_body(p_ref, w_ref, al_ref, ar_ref, r8_ref, ztab_ref, ertab_ref):
  p = p_ref[0] + p_ref[1]
  num = p[:, :IN_SIZE]
  den = p[:, IN_SIZE:IN_SIZE + H1]
  denw = jnp.dot(den, r8_ref[...], preferred_element_type=jnp.float32)
  h = num / (denw + 1e-9)
  h = jnp.where(h > 0.0, h, jnp.exp(h) - 1.0)
  z = jnp.dot(h, w_ref[...], preferred_element_type=jnp.float32)
  el = jnp.dot(z, al_ref[...], preferred_element_type=jnp.float32)
  er = jnp.dot(z, ar_ref[...], preferred_element_type=jnp.float32)
  pad = jnp.zeros((ROWB, 15), jnp.float32)
  ztab_ref[...] = jnp.concatenate([z, el, pad], axis=1)
  ertab_ref[...] = jnp.concatenate([er, pad], axis=1)


def _tc_post_body(p_ref, r1_ref, out_ref):
  p = p_ref[0] + p_ref[1]
  num = p[:, :OUT]
  den = p[:, OUT:OUT + 16]
  denw = jnp.dot(den, r1_ref[...], preferred_element_type=jnp.float32)
  out_ref[...] = num / (denw + 1e-9)


def kernel(x, edge_index, W1, aL1, aR1, W2, aL2, aR2):
  f32 = jnp.float32
  epw = N_EDGES // NW
  eidx = jnp.stack([
      edge_index[0].astype(jnp.int32).reshape(NW, epw // 80, 80),
      edge_index[1].astype(jnp.int32).reshape(NW, epw // 80, 80),
  ], axis=2)

  eye1 = jnp.eye(H1, dtype=f32)
  AL1 = (aL1[:, :, None] * eye1[:, None, :]).reshape(H1 * HID, H1)
  AR1 = (aR1[:, :, None] * eye1[:, None, :]).reshape(H1 * HID, H1)
  AL2 = jnp.transpose(aL2)
  AR2 = jnp.transpose(aR2)
  R8 = (jnp.arange(IN_SIZE)[None, :] // HID ==
        jnp.arange(H1)[:, None]).astype(f32)
  R1 = (jnp.arange(16)[:, None] == 0).astype(f32) * jnp.ones((16, OUT), f32)

  full = lambda shape: pl.BlockSpec(shape, lambda i: (0,) * len(shape))

  ztab1, ertab1 = pl.pallas_call(
      _tc_pre1_body,
      grid=(GRID,),
      in_specs=[
          pl.BlockSpec((ROWB, IN_SIZE), lambda i: (i, 0)),
          full((IN_SIZE, H1 * HID)),
          full((H1 * HID, H1)),
          full((H1 * HID, H1)),
      ],
      out_specs=[
          pl.BlockSpec((ROWB, IN_SIZE + 16), lambda i: (i, 0)),
          pl.BlockSpec((ROWB, 16), lambda i: (i, 0)),
      ],
      out_shape=[
          jax.ShapeDtypeStruct((N_NODES, IN_SIZE + 16), f32),
          jax.ShapeDtypeStruct((N_NODES, 16), f32),
      ],
  )(x, W1, AL1, AR1)

  zeros1 = jnp.zeros((N_NODES, IN_SIZE + 16), f32)
  parts1 = _sc_edge_l1(ztab1, ertab1, eidx, zeros1)

  ztab2, ertab2 = pl.pallas_call(
      _tc_mid_body,
      grid=(GRID,),
      in_specs=[
          pl.BlockSpec((NC, ROWB, IN_SIZE + 16), lambda i: (0, i, 0)),
          full((H1 * HID, H2 * OUT)),
          full((OUT, H2)),
          full((OUT, H2)),
          full((H1, IN_SIZE)),
      ],
      out_specs=[
          pl.BlockSpec((ROWB, OUT + 16), lambda i: (i, 0)),
          pl.BlockSpec((ROWB, 16), lambda i: (i, 0)),
      ],
      out_shape=[
          jax.ShapeDtypeStruct((N_NODES, OUT + 16), f32),
          jax.ShapeDtypeStruct((N_NODES, 16), f32),
      ],
  )(parts1, W2, AL2, AR2, R8)

  zeros2 = jnp.zeros((N_NODES, OUT + 16), f32)
  parts2 = _sc_edge_l2(ztab2, ertab2, eidx, zeros2)

  out = pl.pallas_call(
      _tc_post_body,
      grid=(GRID,),
      in_specs=[
          pl.BlockSpec((NC, ROWB, OUT + 16), lambda i: (0, i, 0)),
          full((16, OUT)),
      ],
      out_specs=pl.BlockSpec((ROWB, OUT), lambda i: (i, 0)),
      out_shape=jax.ShapeDtypeStruct((N_NODES, OUT), f32),
  )(parts2, R1)

  return out

# --- scband reference (transcript-rebuilt; emitter-appended) ---
"""Pipeline reference for scband-gat-82102594830489 (READ-ONLY COPY).

The authoritative reference and input builder live on the scoring server;
editing this copy changes nothing except your own understanding.
"""

import jax, jax.numpy as jnp
import numpy as np

N_NODES = 10000
N_EDGES = 320000
IN_SIZE = 128
HID = 16
OUT = 64
H1 = 8
H2 = 1


def setup_inputs(seed: int = 0) -> dict:
    key = jax.random.key(seed)
    ks = jax.random.split(key, 8)
    x = jax.random.normal(ks[0], (N_NODES, IN_SIZE), dtype=jnp.float32)
    edge_index = jax.random.randint(ks[1], (2, N_EDGES), 0, N_NODES, dtype=jnp.int64)
    # layer 1 params: in=128 -> heads=8, out=16
    W1 = jax.random.normal(ks[2], (IN_SIZE, H1 * HID), dtype=jnp.float32) * 0.1
    aL1 = jax.random.normal(ks[3], (H1, HID), dtype=jnp.float32) * 0.1
    aR1 = jax.random.normal(ks[4], (H1, HID), dtype=jnp.float32) * 0.1
    # layer 2 params: in=128 (= hid*heads0) -> heads=1, out=64
    W2 = jax.random.normal(ks[5], (H1 * HID, H2 * OUT), dtype=jnp.float32) * 0.1
    aL2 = jax.random.normal(ks[6], (H2, OUT), dtype=jnp.float32) * 0.1
    aR2 = jax.random.normal(ks[7], (H2, OUT), dtype=jnp.float32) * 0.1
    return {"x": x, "edge_index": edge_index, "W1": W1, "aL1": aL1, "aR1": aR1,
            "W2": W2, "aL2": aL2, "aR2": aR2}


def _gat_layer(h, src, dst, W, aL, aR, n_heads, out_f):
    n = h.shape[0]
    z = (h @ W).reshape(n, n_heads, out_f)            # [N, H, F]
    el = jnp.sum(z * aL[None, :, :], axis=-1)          # [N, H]
    er = jnp.sum(z * aR[None, :, :], axis=-1)          # [N, H]
    e = el[src] + er[dst]                              # [E, H]
    e = jax.nn.leaky_relu(e, negative_slope=0.2)
    # segment softmax over incoming edges of each dst node
    m = jax.ops.segment_max(e, dst, num_segments=n)    # [N, H]
    m = jnp.where(jnp.isfinite(m), m, 0.0)
    ex = jnp.exp(e - m[dst])                           # [E, H]
    denom = jax.ops.segment_sum(ex, dst, num_segments=n)
    alpha = ex / (denom[dst] + 1e-9)                   # [E, H]
    msg = z[src] * alpha[:, :, None]                   # [E, H, F]
    out = jax.ops.segment_sum(msg, dst, num_segments=n)  # [N, H, F]
    return out


def reference(x, edge_index, W1, aL1, aR1, W2, aL2, aR2):
    src = edge_index[0]
    dst = edge_index[1]
    # Layer 1: GATConv(128 -> 16, heads=8), activation=elu, flatten heads
    h = _gat_layer(x, src, dst, W1, aL1, aR1, H1, HID)   # [N, 8, 16]
    h = jax.nn.elu(h)
    h = h.reshape(h.shape[0], H1 * HID)                   # [N, 128]
    # Layer 2: GATConv(128 -> 64, heads=1), no activation, view(N*H, out)
    h = _gat_layer(h, src, dst, W2, aL2, aR2, H2, OUT)    # [N, 1, 64]
    h = h.reshape(h.shape[0] * H2, OUT)                   # [N, 64]
    return h

if __name__ == "__main__":
    import jax
    _d = setup_inputs()
    print(jax.jit(kernel)(*tuple(_d.values())))

</pallas_src>

<mosaic_0001>
#map = affine_map<(d0, d1) -> (0, 0)>
#map1 = affine_map<(d0, d1) -> (0, 0, 0, 0)>
#map2 = affine_map<(d0, d1) -> (0, 0, 0)>
module attributes {stable_mosaic.version = 14 : i64} {
  func.func @sc_edge(%arg0: i32, %arg1: i32, %arg2: memref<10000x144xf32, #tpu.memory_space<hbm>>, %arg3: memref<10000x16xf32, #tpu.memory_space<hbm>>, %arg4: memref<32x125x2x80xi32, #tpu.memory_space<hbm>>, %arg5: memref<10000x144xf32, #tpu.memory_space<hbm>>, %arg6: memref<2x10000x144xf32, #tpu.memory_space<hbm>>, %arg7: memref<2x80xi32, #tpu.memory_space<vmem>>, %arg8: memref<2x80xi32, #tpu.memory_space<vmem>>, %arg9: memref<2x80xi32, #tpu.memory_space<vmem>>, %arg10: memref<80xi32, #tpu.memory_space<vmem>>, %arg11: memref<80xi32, #tpu.memory_space<vmem>>, %arg12: memref<80xi32, #tpu.memory_space<vmem>>, %arg13: memref<80x144xf32, #tpu.memory_space<vmem>>, %arg14: memref<80x144xf32, #tpu.memory_space<vmem>>, %arg15: memref<80x144xf32, #tpu.memory_space<vmem>>, %arg16: memref<80x16xf32, #tpu.memory_space<vmem>>, %arg17: memref<80x16xf32, #tpu.memory_space<vmem>>, %arg18: memref<80x16xf32, #tpu.memory_space<vmem>>, %arg19: memref<10000x144xf32, #tpu.memory_space<vmem_shared>>, %arg20: memref<!tpu.dma_semaphore, #tpu.memory_space<semaphore_mem>>, %arg21: memref<!tpu.dma_semaphore, #tpu.memory_space<semaphore_mem>>, %arg22: memref<!tpu.dma_semaphore, #tpu.memory_space<semaphore_mem>>, %arg23: memref<!tpu.dma_semaphore, #tpu.memory_space<semaphore_mem>>, %arg24: memref<!tpu.dma_semaphore, #tpu.memory_space<semaphore_mem>>, %arg25: memref<!tpu.dma_semaphore, #tpu.memory_space<semaphore_mem>>, %arg26: memref<!tpu.dma_semaphore, #tpu.memory_space<semaphore_mem>>, %arg27: memref<!tpu.dma_semaphore, #tpu.memory_space<semaphore_mem>>, %arg28: memref<!tpu.dma_semaphore, #tpu.memory_space<semaphore_mem>>) attributes {dimension_semantics = [#tpu.dimension_semantics<core_parallel>, #tpu.dimension_semantics<subcore_parallel>], iteration_bounds = array<i64: 2, 16>, scalar_prefetch = 0 : i64, scratch_operands = 22 : i64, tpu.core_type = #tpu.core_type<sc_vector_subcore>, window_params = [{transform_indices = #map}, {transform_indices = #map}, {transform_indices = #map1}, {transform_indices = #map}, {transform_indices = #map2}]} {
    %mul3A = arith.constant 2 : i32
    %mul3A_0 = arith.muli %arg1, %mul3A : i32
    %add3A = arith.addi %mul3A_0, %arg0 : i32
    %mul3A_1 = arith.constant 625 : i32
    %mul3A_2 = arith.muli %arg1, %mul3A_1 : i32
    "tpu.region"() ({
      %run_scoped3A_421 = tpu.sem_alloc : memref<!tpu.dma_semaphore, #tpu.memory_space<semaphore_mem>>
      %dma_start3A_422 = arith.constant 0 : i32
      %dma_start3A_423 = tpu.memref_slice %arg19[%mul3A_2, %dma_start3A_422] : memref<10000x144xf32, #tpu.memory_space<vmem_shared>> -> memref<625x144xf32, #tpu.memory_space<vmem_shared>>
      %dma_start3A_424 = arith.constant 0 : i32
      %dma_start3A_425 = tpu.memref_slice %arg5[%mul3A_2, %dma_start3A_424] : memref<10000x144xf32, #tpu.memory_space<hbm>> -> memref<625x144xf32, #tpu.memory_space<hbm>>
      tpu.enqueue_dma source(%dma_start3A_425 : memref<625x144xf32, #tpu.memory_space<hbm>>) target(%dma_start3A_423 : memref<625x144xf32, #tpu.memory_space<vmem_shared>>) target_semaphore(%run_scoped3A_421 : memref<!tpu.dma_semaphore, #tpu.memory_space<semaphore_mem>>)
      %dma_wait3A_426 = arith.constant 0 : i32
      %dma_wait3A_427 = tpu.memref_slice %arg19[%mul3A_2, %dma_wait3A_426] : memref<10000x144xf32, #tpu.memory_space<vmem_shared>> -> memref<625x144xf32, #tpu.memory_space<vmem_shared>>
      %dma_wait3A_428 = arith.constant 0 : i32
      %dma_wait3A_429 = tpu.memref_slice %arg5[%mul3A_2, %dma_wait3A_428] : memref<10000x144xf32, #tpu.memory_space<hbm>> -> memref<625x144xf32, #tpu.memory_space<hbm>>
      tpu.wait_dma2 semaphore(%run_scoped3A_421 : memref<!tpu.dma_semaphore, #tpu.memory_space<semaphore_mem>>) src(%dma_wait3A_429 : memref<625x144xf32, #tpu.memory_space<hbm>>) dst(%dma_wait3A_427 : memref<625x144xf32, #tpu.memory_space<vmem_shared>>)
      tpu.yield
    }) : () -> ()
    %barrier3A = arith.constant 0 : index
    tpu.barrier barrier_id(%barrier3A)
    %iota3A = tpu.iota {dimensions = array<i32: 0>} : vector<16xi32>
    %lt3A = arith.constant 8 : i32
    %lt3A_3 = vector.broadcast %lt3A : i32 to vector<16xi32>
    %lt3A_4 = arith.cmpi slt, %iota3A, %lt3A_3 : vector<16xi32>
    %run_scoped3A = arith.constant 0 : i32
    "tpu.region"() ({
      %run_scoped3A_421 = tpu.sem_alloc : memref<!tpu.dma_semaphore, #tpu.memory_space<semaphore_mem>>
      %dma_start3A_422 = arith.constant 0 : i32
      %dma_start3A_423 = arith.constant 0 : i32
      %dma_start3A_424 = tpu.memref_slice %arg4[%add3A, %run_scoped3A, %dma_start3A_422, %dma_start3A_423] : memref<32x125x2x80xi32, #tpu.memory_space<hbm>> -> memref<1x1x2x80xi32, #tpu.memory_space<hbm>>
      %dma_start3A_425 = tpu.memref_squeeze %dma_start3A_424 : memref<1x1x2x80xi32, #tpu.memory_space<hbm>> -> memref<2x80xi32, #tpu.memory_space<hbm>>
      %dma_start3A_426 = arith.constant 0 : i32
      %dma_start3A_427 = arith.constant 0 : i32
      %dma_start3A_428 = tpu.memref_slice %arg4[%add3A, %run_scoped3A, %dma_start3A_426, %dma_start3A_427] : memref<32x125x2x80xi32, #tpu.memory_space<hbm>> -> memref<1x1x2x80xi32, #tpu.memory_space<hbm>>
      %dma_start3A_429 = tpu.memref_squeeze %dma_start3A_428 : memref<1x1x2x80xi32, #tpu.memory_space<hbm>> -> memref<2x80xi32, #tpu.memory_space<hbm>>
      tpu.enqueue_dma source(%dma_start3A_429 : memref<2x80xi32, #tpu.memory_space<hbm>>) target(%arg7 : memref<2x80xi32, #tpu.memory_space<vmem>>) target_semaphore(%run_scoped3A_421 : memref<!tpu.dma_semaphore, #tpu.memory_space<semaphore_mem>>)
      %dma_wait3A_430 = arith.constant 0 : i32
      %dma_wait3A_431 = arith.constant 0 : i32
      %dma_wait3A_432 = tpu.memref_slice %arg4[%add3A, %run_scoped3A, %dma_wait3A_430, %dma_wait3A_431] : memref<32x125x2x80xi32, #tpu.memory_space<hbm>> -> memref<1x1x2x80xi32, #tpu.memory_space<hbm>>
      %dma_wait3A_433 = tpu.memref_squeeze %dma_wait3A_432 : memref<1x1x2x80xi32, #tpu.memory_space<hbm>> -> memref<2x80xi32, #tpu.memory_space<hbm>>
      %dma_wait3A_434 = arith.constant 0 : i32
      %dma_wait3A_435 = arith.constant 0 : i32
      %dma_wait3A_436 = tpu.memref_slice %arg4[%add3A, %run_scoped3A, %dma_wait3A_434, %dma_wait3A_435] : memref<32x125x2x80xi32, #tpu.memory_space<hbm>> -> memref<1x1x2x80xi32, #tpu.memory_space<hbm>>
      %dma_wait3A_437 = tpu.memref_squeeze %dma_wait3A_436 : memref<1x1x2x80xi32, #tpu.memory_space<hbm>> -> memref<2x80xi32, #tpu.memory_space<hbm>>
      tpu.wait_dma2 semaphore(%run_scoped3A_421 : memref<!tpu.dma_semaphore, #tpu.memory_space<semaphore_mem>>) src(%dma_wait3A_437 : memref<2x80xi32, #tpu.memory_space<hbm>>) dst(%arg7 : memref<2x80xi32, #tpu.memory_space<vmem>>)
      tpu.yield
    }) : () -> ()
    %run_scoped3A_5 = arith.constant 1 : i32
    "tpu.region"() ({
      %run_scoped3A_421 = tpu.sem_alloc : memref<!tpu.dma_semaphore, #tpu.memory_space<semaphore_mem>>
      %dma_start3A_422 = arith.constant 0 : i32
      %dma_start3A_423 = arith.constant 0 : i32
      %dma_start3A_424 = tpu.memref_slice %arg4[%add3A, %run_scoped3A_5, %dma_start3A_422, %dma_start3A_423] : memref<32x125x2x80xi32, #tpu.memory_space<hbm>> -> memref<1x1x2x80xi32, #tpu.memory_space<hbm>>
      %dma_start3A_425 = tpu.memref_squeeze %dma_start3A_424 : memref<1x1x2x80xi32, #tpu.memory_space<hbm>> -> memref<2x80xi32, #tpu.memory_space<hbm>>
      %dma_start3A_426 = arith.constant 0 : i32
      %dma_start3A_427 = arith.constant 0 : i32
      %dma_start3A_428 = tpu.memref_slice %arg4[%add3A, %run_scoped3A_5, %dma_start3A_426, %dma_start3A_427] : memref<32x125x2x80xi32, #tpu.memory_space<hbm>> -> memref<1x1x2x80xi32, #tpu.memory_space<hbm>>
      %dma_start3A_429 = tpu.memref_squeeze %dma_start3A_428 : memref<1x1x2x80xi32, #tpu.memory_space<hbm>> -> memref<2x80xi32, #tpu.memory_space<hbm>>
      tpu.enqueue_dma source(%dma_start3A_429 : memref<2x80xi32, #tpu.memory_space<hbm>>) target(%arg8 : memref<2x80xi32, #tpu.memory_space<vmem>>) target_semaphore(%run_scoped3A_421 : memref<!tpu.dma_semaphore, #tpu.memory_space<semaphore_mem>>)
      %dma_wait3A_430 = arith.constant 0 : i32
      %dma_wait3A_431 = arith.constant 0 : i32
      %dma_wait3A_432 = tpu.memref_slice %arg4[%add3A, %run_scoped3A_5, %dma_wait3A_430, %dma_wait3A_431] : memref<32x125x2x80xi32, #tpu.memory_space<hbm>> -> memref<1x1x2x80xi32, #tpu.memory_space<hbm>>
      %dma_wait3A_433 = tpu.memref_squeeze %dma_wait3A_432 : memref<1x1x2x80xi32, #tpu.memory_space<hbm>> -> memref<2x80xi32, #tpu.memory_space<hbm>>
      %dma_wait3A_434 = arith.constant 0 : i32
      %dma_wait3A_435 = arith.constant 0 : i32
      %dma_wait3A_436 = tpu.memref_slice %arg4[%add3A, %run_scoped3A_5, %dma_wait3A_434, %dma_wait3A_435] : memref<32x125x2x80xi32, #tpu.memory_space<hbm>> -> memref<1x1x2x80xi32, #tpu.memory_space<hbm>>
      %dma_wait3A_437 = tpu.memref_squeeze %dma_wait3A_436 : memref<1x1x2x80xi32, #tpu.memory_space<hbm>> -> memref<2x80xi32, #tpu.memory_space<hbm>>
      tpu.wait_dma2 semaphore(%run_scoped3A_421 : memref<!tpu.dma_semaphore, #tpu.memory_space<semaphore_mem>>) src(%dma_wait3A_437 : memref<2x80xi32, #tpu.memory_space<hbm>>) dst(%arg8 : memref<2x80xi32, #tpu.memory_space<vmem>>)
      tpu.yield
    }) : () -> ()
    %dma_start3A = arith.constant 0 : i32
    %dma_start3A_6 = arith.constant 0 : i32
    %dma_start3A_7 = tpu.memref_slice %arg7[%dma_start3A, %dma_start3A_6] : memref<2x80xi32, #tpu.memory_space<vmem>> -> memref<1x80xi32, #tpu.memory_space<vmem>>
    %dma_start3A_8 = tpu.memref_squeeze %dma_start3A_7 : memref<1x80xi32, #tpu.memory_space<vmem>> -> memref<80xi32, #tpu.memory_space<vmem>>
    %dma_start3A_9 = arith.constant 0 : i32
    %dma_start3A_10 = arith.constant 0 : i32
    %dma_start3A_11 = tpu.memref_slice %arg2[%dma_start3A_9, %dma_start3A_10] : memref<10000x144xf32, #tpu.memory_space<hbm>> -> memref<10000x144xf32, #tpu.memory_space<hbm>>
    tpu.enqueue_indirect_dma source(%dma_start3A_11 : memref<10000x144xf32, #tpu.memory_space<hbm>>) target(%arg13 : memref<80x144xf32, #tpu.memory_space<vmem>>) offsets(%dma_start3A_8 : memref<80xi32, #tpu.memory_space<vmem>>) semaphore(%arg23 : memref<!tpu.dma_semaphore, #tpu.memory_space<semaphore_mem>>)
    %dma_start3A_12 = arith.constant 1 : i32
    %dma_start3A_13 = arith.constant 0 : i32
    %dma_start3A_14 = tpu.memref_slice %arg7[%dma_start3A_12, %dma_start3A_13] : memref<2x80xi32, #tpu.memory_space<vmem>> -> memref<1x80xi32, #tpu.memory_space<vmem>>
    %dma_start3A_15 = tpu.memref_squeeze %dma_start3A_14 : memref<1x80xi32, #tpu.memory_space<vmem>> -> memref<80xi32, #tpu.memory_space<vmem>>
    %dma_start3A_16 = arith.constant 0 : i32
    %dma_start3A_17 = arith.constant 0 : i32
    %dma_start3A_18 = tpu.memref_slice %arg3[%dma_start3A_16, %dma_start3A_17] : memref<10000x16xf32, #tpu.memory_space<hbm>> -> memref<10000x16xf32, #tpu.memory_space<hbm>>
    tpu.enqueue_indirect_dma source(%dma_start3A_18 : memref<10000x16xf32, #tpu.memory_space<hbm>>) target(%arg16 : memref<80x16xf32, #tpu.memory_space<vmem>>) offsets(%dma_start3A_15 : memref<80xi32, #tpu.memory_space<vmem>>) semaphore(%arg23 : memref<!tpu.dma_semaphore, #tpu.memory_space<semaphore_mem>>)
    %dma_start3A_19 = arith.constant 0 : i32
    %dma_start3A_20 = arith.constant 0 : i32
    %dma_start3A_21 = tpu.memref_slice %arg8[%dma_start3A_19, %dma_start3A_20] : memref<2x80xi32, #tpu.memory_space<vmem>> -> memref<1x80xi32, #tpu.memory_space<vmem>>
    %dma_start3A_22 = tpu.memref_squeeze %dma_start3A_21 : memref<1x80xi32, #tpu.memory_space<vmem>> -> memref<80xi32, #tpu.memory_space<vmem>>
    %dma_start3A_23 = arith.constant 0 : i32
    %dma_start3A_24 = arith.constant 0 : i32
    %dma_start3A_25 = tpu.memref_slice %arg2[%dma_start3A_23, %dma_start3A_24] : memref<10000x144xf32, #tpu.memory_space<hbm>> -> memref<10000x144xf32, #tpu.memory_space<hbm>>
    tpu.enqueue_indirect_dma source(%dma_start3A_25 : memref<10000x144xf32, #tpu.memory_space<hbm>>) target(%arg14 : memref<80x144xf32, #tpu.memory_space<vmem>>) offsets(%dma_start3A_22 : memref<80xi32, #tpu.memory_space<vmem>>) semaphore(%arg24 : memref<!tpu.dma_semaphore, #tpu.memory_space<semaphore_mem>>)
    %dma_start3A_26 = arith.constant 1 : i32
    %dma_start3A_27 = arith.constant 0 : i32
    %dma_start3A_28 = tpu.memref_slice %arg8[%dma_start3A_26, %dma_start3A_27] : memref<2x80xi32, #tpu.memory_space<vmem>> -> memref<1x80xi32, #tpu.memory_space<vmem>>
    %dma_start3A_29 = tpu.memref_squeeze %dma_start3A_28 : memref<1x80xi32, #tpu.memory_space<vmem>> -> memref<80xi32, #tpu.memory_space<vmem>>
    %dma_start3A_30 = arith.constant 0 : i32
    %dma_start3A_31 = arith.constant 0 : i32
    %dma_start3A_32 = tpu.memref_slice %arg3[%dma_start3A_30, %dma_start3A_31] : memref<10000x16xf32, #tpu.memory_space<hbm>> -> memref<10000x16xf32, #tpu.memory_space<hbm>>
    tpu.enqueue_indirect_dma source(%dma_start3A_32 : memref<10000x16xf32, #tpu.memory_space<hbm>>) target(%arg17 : memref<80x16xf32, #tpu.memory_space<vmem>>) offsets(%dma_start3A_29 : memref<80xi32, #tpu.memory_space<vmem>>) semaphore(%arg24 : memref<!tpu.dma_semaphore, #tpu.memory_space<semaphore_mem>>)
    %dma_start3A_33 = arith.constant 2 : i32
    %dma_start3A_34 = arith.constant 0 : i32
    %dma_start3A_35 = arith.constant 0 : i32
    %dma_start3A_36 = tpu.memref_slice %arg4[%add3A, %dma_start3A_33, %dma_start3A_34, %dma_start3A_35] : memref<32x125x2x80xi32, #tpu.memory_space<hbm>> -> memref<1x1x2x80xi32, #tpu.memory_space<hbm>>
    %dma_start3A_37 = tpu.memref_squeeze %dma_start3A_36 : memref<1x1x2x80xi32, #tpu.memory_space<hbm>> -> memref<2x80xi32, #tpu.memory_space<hbm>>
    %dma_start3A_38 = arith.constant 0 : i32
    %dma_start3A_39 = arith.constant 0 : i32
    %dma_start3A_40 = tpu.memref_slice %arg4[%add3A, %dma_start3A_33, %dma_start3A_38, %dma_start3A_39] : memref<32x125x2x80xi32, #tpu.memory_space<hbm>> -> memref<1x1x2x80xi32, #tpu.memory_space<hbm>>
    %dma_start3A_41 = tpu.memref_squeeze %dma_start3A_40 : memref<1x1x2x80xi32, #tpu.memory_space<hbm>> -> memref<2x80xi32, #tpu.memory_space<hbm>>
    tpu.enqueue_dma source(%dma_start3A_41 : memref<2x80xi32, #tpu.memory_space<hbm>>) target(%arg9 : memref<2x80xi32, #tpu.memory_space<vmem>>) target_semaphore(%arg22 : memref<!tpu.dma_semaphore, #tpu.memory_space<semaphore_mem>>)
    %dma_wait3A = arith.constant 0 : i32
    %dma_wait3A_42 = arith.constant 0 : i32
    %dma_wait3A_43 = tpu.memref_slice %arg7[%dma_wait3A, %dma_wait3A_42] : memref<2x80xi32, #tpu.memory_space<vmem>> -> memref<1x80xi32, #tpu.memory_space<vmem>>
    %dma_wait3A_44 = tpu.memref_squeeze %dma_wait3A_43 : memref<1x80xi32, #tpu.memory_space<vmem>> -> memref<80xi32, #tpu.memory_space<vmem>>
    %dma_wait3A_45 = arith.constant 0 : i32
    %dma_wait3A_46 = arith.constant 0 : i32
    %dma_wait3A_47 = tpu.memref_slice %arg2[%dma_wait3A_45, %dma_wait3A_46] : memref<10000x144xf32, #tpu.memory_space<hbm>> -> memref<10000x144xf32, #tpu.memory_space<hbm>>
    tpu.wait_indirect_dma semaphore(%arg23 : memref<!tpu.dma_semaphore, #tpu.memory_space<semaphore_mem>>) src(%dma_wait3A_47 : memref<10000x144xf32, #tpu.memory_space<hbm>>) dst(%arg13 : memref<80x144xf32, #tpu.memory_space<vmem>>)
    %dma_wait3A_48 = arith.constant 1 : i32
    %dma_wait3A_49 = arith.constant 0 : i32
    %dma_wait3A_50 = tpu.memref_slice %arg7[%dma_wait3A_48, %dma_wait3A_49] : memref<2x80xi32, #tpu.memory_space<vmem>> -> memref<1x80xi32, #tpu.memory_space<vmem>>
    %dma_wait3A_51 = tpu.memref_squeeze %dma_wait3A_50 : memref<1x80xi32, #tpu.memory_space<vmem>> -> memref<80xi32, #tpu.memory_space<vmem>>
    %dma_wait3A_52 = arith.constant 0 : i32
    %dma_wait3A_53 = arith.constant 0 : i32
    %dma_wait3A_54 = tpu.memref_slice %arg3[%dma_wait3A_52, %dma_wait3A_53] : memref<10000x16xf32, #tpu.memory_space<hbm>> -> memref<10000x16xf32, #tpu.memory_space<hbm>>
    tpu.wait_indirect_dma semaphore(%arg23 : memref<!tpu.dma_semaphore, #tpu.memory_space<semaphore_mem>>) src(%dma_wait3A_54 : memref<10000x16xf32, #tpu.memory_space<hbm>>) dst(%arg16 : memref<80x16xf32, #tpu.memory_space<vmem>>)
    %get3A = arith.constant 1 : i32
    %get3A_55 = arith.index_cast %get3A : i32 to index
    %get3A_56 = arith.constant 0 : index
    %get3A_57 = tpu.vector_load %arg7[%get3A_55, %get3A_56] {strides = array<i32>} : memref<2x80xi32, #tpu.memory_space<vmem>>, vector<16xi32>,
    %swap3A = arith.constant 0 : index
    %swap3A_58 = tpu.vector_load %arg10[%swap3A] {strides = array<i32>} : memref<80xi32, #tpu.memory_space<vmem>>, vector<16xi32>,
    tpu.vector_store %arg10[%swap3A], %get3A_57 {strides = array<i32>} : memref<80xi32, #tpu.memory_space<vmem>>, vector<16xi32>,
    %get3A_59 = arith.constant 1 : i32
    %get3A_60 = arith.index_cast %get3A_59 : i32 to index
    %get3A_61 = arith.constant 16 : index
    %get3A_62 = tpu.vector_load %arg7[%get3A_60, %get3A_61] {strides = array<i32>} : memref<2x80xi32, #tpu.memory_space<vmem>>, vector<16xi32>,
    %swap3A_63 = arith.constant 16 : index
    %swap3A_64 = tpu.vector_load %arg10[%swap3A_63] {strides = array<i32>} : memref<80xi32, #tpu.memory_space<vmem>>, vector<16xi32>,
    tpu.vector_store %arg10[%swap3A_63], %get3A_62 {strides = array<i32>} : memref<80xi32, #tpu.memory_space<vmem>>, vector<16xi32>,
    %get3A_65 = arith.constant 1 : i32
    %get3A_66 = arith.index_cast %get3A_65 : i32 to index
    %get3A_67 = arith.constant 32 : index
    %get3A_68 = tpu.vector_load %arg7[%get3A_66, %get3A_67] {strides = array<i32>} : memref<2x80xi32, #tpu.memory_space<vmem>>, vector<16xi32>,
    %swap3A_69 = arith.constant 32 : index
    %swap3A_70 = tpu.vector_load %arg10[%swap3A_69] {strides = array<i32>} : memref<80xi32, #tpu.memory_space<vmem>>, vector<16xi32>,
    tpu.vector_store %arg10[%swap3A_69], %get3A_68 {strides = array<i32>} : memref<80xi32, #tpu.memory_space<vmem>>, vector<16xi32>,
    %get3A_71 = arith.constant 1 : i32
    %get3A_72 = arith.index_cast %get3A_71 : i32 to index
    %get3A_73 = arith.constant 48 : index
    %get3A_74 = tpu.vector_load %arg7[%get3A_72, %get3A_73] {strides = array<i32>} : memref<2x80xi32, #tpu.memory_space<vmem>>, vector<16xi32>,
    %swap3A_75 = arith.constant 48 : index
    %swap3A_76 = tpu.vector_load %arg10[%swap3A_75] {strides = array<i32>} : memref<80xi32, #tpu.memory_space<vmem>>, vector<16xi32>,
    tpu.vector_store %arg10[%swap3A_75], %get3A_74 {strides = array<i32>} : memref<80xi32, #tpu.memory_space<vmem>>, vector<16xi32>,
    %get3A_77 = arith.constant 1 : i32
    %get3A_78 = arith.index_cast %get3A_77 : i32 to index
    %get3A_79 = arith.constant 64 : index
    %get3A_80 = tpu.vector_load %arg7[%get3A_78, %get3A_79] {strides = array<i32>} : memref<2x80xi32, #tpu.memory_space<vmem>>, vector<16xi32>,
    %swap3A_81 = arith.constant 64 : index
    %swap3A_82 = tpu.vector_load %arg10[%swap3A_81] {strides = array<i32>} : memref<80xi32, #tpu.memory_space<vmem>>, vector<16xi32>,
    tpu.vector_store %arg10[%swap3A_81], %get3A_80 {strides = array<i32>} : memref<80xi32, #tpu.memory_space<vmem>>, vector<16xi32>,
    %dma_start3A_83 = arith.constant 3 : i32
    %dma_start3A_84 = arith.constant 0 : i32
    %dma_start3A_85 = arith.constant 0 : i32
    %dma_start3A_86 = tpu.memref_slice %arg4[%add3A, %dma_start3A_83, %dma_start3A_84, %dma_start3A_85] : memref<32x125x2x80xi32, #tpu.memory_space<hbm>> -> memref<1x1x2x80xi32, #tpu.memory_space<hbm>>
    %dma_start3A_87 = tpu.memref_squeeze %dma_start3A_86 : memref<1x1x2x80xi32, #tpu.memory_space<hbm>> -> memref<2x80xi32, #tpu.memory_space<hbm>>
    %dma_start3A_88 = arith.constant 0 : i32
    %dma_start3A_89 = arith.constant 0 : i32
    %dma_start3A_90 = tpu.memref_slice %arg4[%add3A, %dma_start3A_83, %dma_start3A_88, %dma_start3A_89] : memref<32x125x2x80xi32, #tpu.memory_space<hbm>> -> memref<1x1x2x80xi32, #tpu.memory_space<hbm>>
    %dma_start3A_91 = tpu.memref_squeeze %dma_start3A_90 : memref<1x1x2x80xi32, #tpu.memory_space<hbm>> -> memref<2x80xi32, #tpu.memory_space<hbm>>
    tpu.enqueue_dma source(%dma_start3A_91 : memref<2x80xi32, #tpu.memory_space<hbm>>) target(%arg7 : memref<2x80xi32, #tpu.memory_space<vmem>>) target_semaphore(%arg20 : memref<!tpu.dma_semaphore, #tpu.memory_space<semaphore_mem>>)
    %scan3A = arith.constant 0 : i32
    %scan3A_92 = arith.constant 0 : i32
    %scan3A_93 = arith.constant 80 : i32
    %scan3A_94 = arith.addi %scan3A_92, %scan3A_93 : i32
    %scan3A_95 = arith.constant 1 : i32
    scf.for %scan3A_421 = %scan3A_92 to %scan3A_94 step %scan3A_95  : i32 {
      %get3A_422 = arith.index_cast %scan3A_421 : i32 to index
      %get3A_423 = arith.constant 128 : index
      %get3A_424 = tpu.vector_load %arg13[%get3A_422, %get3A_423] {strides = array<i32>} : memref<80x144xf32, #tpu.memory_space<vmem>>, vector<16xf32>,
      %get3A_425 = arith.index_cast %scan3A_421 : i32 to index
      %get3A_426 = arith.constant 0 : index
      %get3A_427 = tpu.vector_load %arg16[%get3A_425, %get3A_426] {strides = array<i32>} : memref<80x16xf32, #tpu.memory_space<vmem>>, vector<16xf32>,
      %add3A_428 = arith.addf %get3A_424, %get3A_427 : vector<16xf32>
      %ge3A = arith.constant 0.000000e+00 : f32
      %ge3A_429 = vector.broadcast %ge3A : f32 to vector<16xf32>
      %ge3A_430 = arith.cmpf oge, %add3A_428, %ge3A_429 : vector<16xf32>
      %mul3A_431 = arith.constant 2.000000e-01 : f32
      %mul3A_432 = vector.broadcast %mul3A_431 : f32 to vector<16xf32>
      %mul3A_433 = arith.mulf %mul3A_432, %add3A_428 : vector<16xf32>
      %select_n3A = arith.select %ge3A_430, %add3A_428, %mul3A_433 : vector<16xi1>, vector<16xf32>
      %exp3A = math.exp %select_n3A : vector<16xf32>
      %jit3A = arith.constant 0.000000e+00 : f32
      %broadcast_in_dim3A = vector.broadcast %jit3A : f32 to vector<16xf32>
      %select_n3A_434 = arith.select %lt3A_4, %exp3A, %broadcast_in_dim3A : vector<16xi1>, vector<16xf32>
      %swap3A_435 = arith.index_cast %scan3A_421 : i32 to index
      %swap3A_436 = arith.constant 128 : index
      %swap3A_437 = tpu.vector_load %arg13[%swap3A_435, %swap3A_436] {strides = array<i32>} : memref<80x144xf32, #tpu.memory_space<vmem>>, vector<16xf32>,
      tpu.vector_store %arg13[%swap3A_435, %swap3A_436], %select_n3A_434 {strides = array<i32>} : memref<80x144xf32, #tpu.memory_space<vmem>>, vector<16xf32>,
      %slice3A = vector.extract_strided_slice %select_n3A_434 {offsets = [0], sizes = [1], strides = [1]} : vector<16xf32> to vector<1xf32>
      %squeeze3A = vector.extract %slice3A[0] : f32 from vector<1xf32>
      %get3A_438 = arith.index_cast %scan3A_421 : i32 to index
      %get3A_439 = arith.constant 0 : index
      %get3A_440 = tpu.vector_load %arg13[%get3A_438, %get3A_439] {strides = array<i32>} : memref<80x144xf32, #tpu.memory_space<vmem>>, vector<16xf32>,
      %mul3A_441 = vector.broadcast %squeeze3A : f32 to vector<16xf32>
      %mul3A_442 = arith.mulf %get3A_440, %mul3A_441 : vector<16xf32>
      %swap3A_443 = arith.index_cast %scan3A_421 : i32 to index
      %swap3A_444 = arith.constant 0 : index
      %swap3A_445 = tpu.vector_load %arg13[%swap3A_443, %swap3A_444] {strides = array<i32>} : memref<80x144xf32, #tpu.memory_space<vmem>>, vector<16xf32>,
      tpu.vector_store %arg13[%swap3A_443, %swap3A_444], %mul3A_442 {strides = array<i32>} : memref<80x144xf32, #tpu.memory_space<vmem>>, vector<16xf32>,
      %slice3A_446 = vector.extract_strided_slice %select_n3A_434 {offsets = [1], sizes = [1], strides = [1]} : vector<16xf32> to vector<1xf32>
      %squeeze3A_447 = vector.extract %slice3A_446[0] : f32 from vector<1xf32>
      %get3A_448 = arith.index_cast %scan3A_421 : i32 to index
      %get3A_449 = arith.constant 16 : index
      %get3A_450 = tpu.vector_load %arg13[%get3A_448, %get3A_449] {strides = array<i32>} : memref<80x144xf32, #tpu.memory_space<vmem>>, vector<16xf32>,
      %mul3A_451 = vector.broadcast %squeeze3A_447 : f32 to vector<16xf32>
      %mul3A_452 = arith.mulf %get3A_450, %mul3A_451 : vector<16xf32>
      %swap3A_453 = arith.index_cast %scan3A_421 : i32 to index
      %swap3A_454 = arith.constant 16 : index
      %swap3A_455 = tpu.vector_load %arg13[%swap3A_453, %swap3A_454] {strides = array<i32>} : memref<80x144xf32, #tpu.memory_space<vmem>>, vector<16xf32>,
      tpu.vector_store %arg13[%swap3A_453, %swap3A_454], %mul3A_452 {strides = array<i32>} : memref<80x144xf32, #tpu.memory_space<vmem>>, vector<16xf32>,
      %slice3A_456 = vector.extract_strided_slice %select_n3A_434 {offsets = [2], sizes = [1], strides = [1]} : vector<16xf32> to vector<1xf32>
      %squeeze3A_457 = vector.extract %slice3A_456[0] : f32 from vector<1xf32>
      %get3A_458 = arith.index_cast %scan3A_421 : i32 to index
      %get3A_459 = arith.constant 32 : index
      %get3A_460 = tpu.vector_load %arg13[%get3A_458, %get3A_459] {strides = array<i32>} : memref<80x144xf32, #tpu.memory_space<vmem>>, vector<16xf32>,
      %mul3A_461 = vector.broadcast %squeeze3A_457 : f32 to vector<16xf32>
      %mul3A_462 = arith.mulf %get3A_460, %mul3A_461 : vector<16xf32>
      %swap3A_463 = arith.index_cast %scan3A_421 : i32 to index
      %swap3A_464 = arith.constant 32 : index
      %swap3A_465 = tpu.vector_load %arg13[%swap3A_463, %swap3A_464] {strides = array<i32>} : memref<80x144xf32, #tpu.memory_space<vmem>>, vector<16xf32>,
      tpu.vector_store %arg13[%swap3A_463, %swap3A_464], %mul3A_462 {strides = array<i32>} : memref<80x144xf32, #tpu.memory_space<vmem>>, vector<16xf32>,
      %slice3A_466 = vector.extract_strided_slice %select_n3A_434 {offsets = [3], sizes = [1], strides = [1]} : vector<16xf32> to vector<1xf32>
      %squeeze3A_467 = vector.extract %slice3A_466[0] : f32 from vector<1xf32>
      %get3A_468 = arith.index_cast %scan3A_421 : i32 to index
      %get3A_469 = arith.constant 48 : index
      %get3A_470 = tpu.vector_load %arg13[%get3A_468, %get3A_469] {strides = array<i32>} : memref<80x144xf32, #tpu.memory_space<vmem>>, vector<16xf32>,
      %mul3A_471 = vector.broadcast %squeeze3A_467 : f32 to vector<16xf32>
      %mul3A_472 = arith.mulf %get3A_470, %mul3A_471 : vector<16xf32>
      %swap3A_473 = arith.index_cast %scan3A_421 : i32 to index
      %swap3A_474 = arith.constant 48 : index
      %swap3A_475 = tpu.vector_load %arg13[%swap3A_473, %swap3A_474] {strides = array<i32>} : memref<80x144xf32, #tpu.memory_space<vmem>>, vector<16xf32>,
      tpu.vector_store %arg13[%swap3A_473, %swap3A_474], %mul3A_472 {strides = array<i32>} : memref<80x144xf32, #tpu.memory_space<vmem>>, vector<16xf32>,
      %slice3A_476 = vector.extract_strided_slice %select_n3A_434 {offsets = [4], sizes = [1], strides = [1]} : vector<16xf32> to vector<1xf32>
      %squeeze3A_477 = vector.extract %slice3A_476[0] : f32 from vector<1xf32>
      %get3A_478 = arith.index_cast %scan3A_421 : i32 to index
      %get3A_479 = arith.constant 64 : index
      %get3A_480 = tpu.vector_load %arg13[%get3A_478, %get3A_479] {strides = array<i32>} : memref<80x144xf32, #tpu.memory_space<vmem>>, vector<16xf32>,
      %mul3A_481 = vector.broadcast %squeeze3A_477 : f32 to vector<16xf32>
      %mul3A_482 = arith.mulf %get3A_480, %mul3A_481 : vector<16xf32>
      %swap3A_483 = arith.index_cast %scan3A_421 : i32 to index
      %swap3A_484 = arith.constant 64 : index
      %swap3A_485 = tpu.vector_load %arg13[%swap3A_483, %swap3A_484] {strides = array<i32>} : memref<80x144xf32, #tpu.memory_space<vmem>>, vector<16xf32>,
      tpu.vector_store %arg13[%swap3A_483, %swap3A_484], %mul3A_482 {strides = array<i32>} : memref<80x144xf32, #tpu.memory_space<vmem>>, vector<16xf32>,
      %slice3A_486 = vector.extract_strided_slice %select_n3A_434 {offsets = [5], sizes = [1], strides = [1]} : vector<16xf32> to vector<1xf32>
      %squeeze3A_487 = vector.extract %slice3A_486[0] : f32 from vector<1xf32>
      %get3A_488 = arith.index_cast %scan3A_421 : i32 to index
      %get3A_489 = arith.constant 80 : index
      %get3A_490 = tpu.vector_load %arg13[%get3A_488, %get3A_489] {strides = array<i32>} : memref<80x144xf32, #tpu.memory_space<vmem>>, vector<16xf32>,
      %mul3A_491 = vector.broadcast %squeeze3A_487 : f32 to vector<16xf32>
      %mul3A_492 = arith.mulf %get3A_490, %mul3A_491 : vector<16xf32>
      %swap3A_493 = arith.index_cast %scan3A_421 : i32 to index
      %swap3A_494 = arith.constant 80 : index
      %swap3A_495 = tpu.vector_load %arg13[%swap3A_493, %swap3A_494] {strides = array<i32>} : memref<80x144xf32, #tpu.memory_space<vmem>>, vector<16xf32>,
      tpu.vector_store %arg13[%swap3A_493, %swap3A_494], %mul3A_492 {strides = array<i32>} : memref<80x144xf32, #tpu.memory_space<vmem>>, vector<16xf32>,
      %slice3A_496 = vector.extract_strided_slice %select_n3A_434 {offsets = [6], sizes = [1], strides = [1]} : vector<16xf32> to vector<1xf32>
      %squeeze3A_497 = vector.extract %slice3A_496[0] : f32 from vector<1xf32>
      %get3A_498 = arith.index_cast %scan3A_421 : i32 to index
      %get3A_499 = arith.constant 96 : index
      %get3A_500 = tpu.vector_load %arg13[%get3A_498, %get3A_499] {strides = array<i32>} : memref<80x144xf32, #tpu.memory_space<vmem>>, vector<16xf32>,
      %mul3A_501 = vector.broadcast %squeeze3A_497 : f32 to vector<16xf32>
      %mul3A_502 = arith.mulf %get3A_500, %mul3A_501 : vector<16xf32>
      %swap3A_503 = arith.index_cast %scan3A_421 : i32 to index
      %swap3A_504 = arith.constant 96 : index
      %swap3A_505 = tpu.vector_load %arg13[%swap3A_503, %swap3A_504] {strides = array<i32>} : memref<80x144xf32, #tpu.memory_space<vmem>>, vector<16xf32>,
      tpu.vector_store %arg13[%swap3A_503, %swap3A_504], %mul3A_502 {strides = array<i32>} : memref<80x144xf32, #tpu.memory_space<vmem>>, vector<16xf32>,
      %slice3A_506 = vector.extract_strided_slice %select_n3A_434 {offsets = [7], sizes = [1], strides = [1]} : vector<16xf32> to vector<1xf32>
      %squeeze3A_507 = vector.extract %slice3A_506[0] : f32 from vector<1xf32>
      %get3A_508 = arith.index_cast %scan3A_421 : i32 to index
      %get3A_509 = arith.constant 112 : index
      %get3A_510 = tpu.vector_load %arg13[%get3A_508, %get3A_509] {strides = array<i32>} : memref<80x144xf32, #tpu.memory_space<vmem>>, vector<16xf32>,
      %mul3A_511 = vector.broadcast %squeeze3A_507 : f32 to vector<16xf32>
      %mul3A_512 = arith.mulf %get3A_510, %mul3A_511 : vector<16xf32>
      %swap3A_513 = arith.index_cast %scan3A_421 : i32 to index
      %swap3A_514 = arith.constant 112 : index
      %swap3A_515 = tpu.vector_load %arg13[%swap3A_513, %swap3A_514] {strides = array<i32>} : memref<80x144xf32, #tpu.memory_space<vmem>>, vector<16xf32>,
      tpu.vector_store %arg13[%swap3A_513, %swap3A_514], %mul3A_512 {strides = array<i32>} : memref<80x144xf32, #tpu.memory_space<vmem>>, vector<16xf32>,
    }
    %scan3A_96 = arith.constant 80 : i32
    %dma_wait3A_97 = arith.constant 2 : i32
    %dma_wait3A_98 = arith.constant 0 : i32
    %dma_wait3A_99 = arith.constant 0 : i32
    %dma_wait3A_100 = tpu.memref_slice %arg4[%add3A, %dma_wait3A_97, %dma_wait3A_98, %dma_wait3A_99] : memref<32x125x2x80xi32, #tpu.memory_space<hbm>> -> memref<1x1x2x80xi32, #tpu.memory_space<hbm>>
    %dma_wait3A_101 = tpu.memref_squeeze %dma_wait3A_100 : memref<1x1x2x80xi32, #tpu.memory_space<hbm>> -> memref<2x80xi32, #tpu.memory_space<hbm>>
    %dma_wait3A_102 = arith.constant 0 : i32
    %dma_wait3A_103 = arith.constant 0 : i32
    %dma_wait3A_104 = tpu.memref_slice %arg4[%add3A, %dma_wait3A_97, %dma_wait3A_102, %dma_wait3A_103] : memref<32x125x2x80xi32, #tpu.memory_space<hbm>> -> memref<1x1x2x80xi32, #tpu.memory_space<hbm>>
    %dma_wait3A_105 = tpu.memref_squeeze %dma_wait3A_104 : memref<1x1x2x80xi32, #tpu.memory_space<hbm>> -> memref<2x80xi32, #tpu.memory_space<hbm>>
    tpu.wait_dma2 semaphore(%arg22 : memref<!tpu.dma_semaphore, #tpu.memory_space<semaphore_mem>>) src(%dma_wait3A_105 : memref<2x80xi32, #tpu.memory_space<hbm>>) dst(%arg9 : memref<2x80xi32, #tpu.memory_space<vmem>>)
    %dma_start3A_106 = arith.constant 0 : i32
    %dma_start3A_107 = arith.constant 0 : i32
    %dma_start3A_108 = tpu.memref_slice %arg9[%dma_start3A_106, %dma_start3A_107] : memref<2x80xi32, #tpu.memory_space<vmem>> -> memref<1x80xi32, #tpu.memory_space<vmem>>
    %dma_start3A_109 = tpu.memref_squeeze %dma_start3A_108 : memref<1x80xi32, #tpu.memory_space<vmem>> -> memref<80xi32, #tpu.memory_space<vmem>>
    %dma_start3A_110 = arith.constant 0 : i32
    %dma_start3A_111 = arith.constant 0 : i32
    %dma_start3A_112 = tpu.memref_slice %arg2[%dma_start3A_110, %dma_start3A_111] : memref<10000x144xf32, #tpu.memory_space<hbm>> -> memref<10000x144xf32, #tpu.memory_space<hbm>>
    tpu.enqueue_indirect_dma source(%dma_start3A_112 : memref<10000x144xf32, #tpu.memory_space<hbm>>) target(%arg15 : memref<80x144xf32, #tpu.memory_space<vmem>>) offsets(%dma_start3A_109 : memref<80xi32, #tpu.memory_space<vmem>>) semaphore(%arg25 : memref<!tpu.dma_semaphore, #tpu.memory_space<semaphore_mem>>)
    %dma_start3A_113 = arith.constant 1 : i32
    %dma_start3A_114 = arith.constant 0 : i32
    %dma_start3A_115 = tpu.memref_slice %arg9[%dma_start3A_113, %dma_start3A_114] : memref<2x80xi32, #tpu.memory_space<vmem>> -> memref<1x80xi32, #tpu.memory_space<vmem>>
    %dma_start3A_116 = tpu.memref_squeeze %dma_start3A_115 : memref<1x80xi32, #tpu.memory_space<vmem>> -> memref<80xi32, #tpu.memory_space<vmem>>
    %dma_start3A_117 = arith.constant 0 : i32
    %dma_start3A_118 = arith.constant 0 : i32
    %dma_start3A_119 = tpu.memref_slice %arg3[%dma_start3A_117, %dma_start3A_118] : memref<10000x16xf32, #tpu.memory_space<hbm>> -> memref<10000x16xf32, #tpu.memory_space<hbm>>
    tpu.enqueue_indirect_dma source(%dma_start3A_119 : memref<10000x16xf32, #tpu.memory_space<hbm>>) target(%arg18 : memref<80x16xf32, #tpu.memory_space<vmem>>) offsets(%dma_start3A_116 : memref<80xi32, #tpu.memory_space<vmem>>) semaphore(%arg25 : memref<!tpu.dma_semaphore, #tpu.memory_space<semaphore_mem>>)
    %dma_start3A_120 = arith.constant 0 : i32
    %dma_start3A_121 = arith.constant 0 : i32
    %dma_start3A_122 = tpu.memref_slice %arg19[%dma_start3A_120, %dma_start3A_121] : memref<10000x144xf32, #tpu.memory_space<vmem_shared>> -> memref<10000x144xf32, #tpu.memory_space<vmem_shared>>
    tpu.enqueue_indirect_dma source(%arg13 : memref<80x144xf32, #tpu.memory_space<vmem>>) target(%dma_start3A_122 : memref<10000x144xf32, #tpu.memory_space<vmem_shared>>) offsets(%arg10 : memref<80xi32, #tpu.memory_space<vmem>>) semaphore(%arg26 : memref<!tpu.dma_semaphore, #tpu.memory_space<semaphore_mem>>) {add = true}
    %dma_wait3A_123 = arith.constant 0 : i32
    %dma_wait3A_124 = arith.constant 0 : i32
    %dma_wait3A_125 = tpu.memref_slice %arg8[%dma_wait3A_123, %dma_wait3A_124] : memref<2x80xi32, #tpu.memory_space<vmem>> -> memref<1x80xi32, #tpu.memory_space<vmem>>
    %dma_wait3A_126 = tpu.memref_squeeze %dma_wait3A_125 : memref<1x80xi32, #tpu.memory_space<vmem>> -> memref<80xi32, #tpu.memory_space<vmem>>
    %dma_wait3A_127 = arith.constant 0 : i32
    %dma_wait3A_128 = arith.constant 0 : i32
    %dma_wait3A_129 = tpu.memref_slice %arg2[%dma_wait3A_127, %dma_wait3A_128] : memref<10000x144xf32, #tpu.memory_space<hbm>> -> memref<10000x144xf32, #tpu.memory_space<hbm>>
    tpu.wait_indirect_dma semaphore(%arg24 : memref<!tpu.dma_semaphore, #tpu.memory_space<semaphore_mem>>) src(%dma_wait3A_129 : memref<10000x144xf32, #tpu.memory_space<hbm>>) dst(%arg14 : memref<80x144xf32, #tpu.memory_space<vmem>>)
    %dma_wait3A_130 = arith.constant 1 : i32
    %dma_wait3A_131 = arith.constant 0 : i32
    %dma_wait3A_132 = tpu.memref_slice %arg8[%dma_wait3A_130, %dma_wait3A_131] : memref<2x80xi32, #tpu.memory_space<vmem>> -> memref<1x80xi32, #tpu.memory_space<vmem>>
    %dma_wait3A_133 = tpu.memref_squeeze %dma_wait3A_132 : memref<1x80xi32, #tpu.memory_space<vmem>> -> memref<80xi32, #tpu.memory_space<vmem>>
    %dma_wait3A_134 = arith.constant 0 : i32
    %dma_wait3A_135 = arith.constant 0 : i32
    %dma_wait3A_136 = tpu.memref_slice %arg3[%dma_wait3A_134, %dma_wait3A_135] : memref<10000x16xf32, #tpu.memory_space<hbm>> -> memref<10000x16xf32, #tpu.memory_space<hbm>>
    tpu.wait_indirect_dma semaphore(%arg24 : memref<!tpu.dma_semaphore, #tpu.memory_space<semaphore_mem>>) src(%dma_wait3A_136 : memref<10000x16xf32, #tpu.memory_space<hbm>>) dst(%arg17 : memref<80x16xf32, #tpu.memory_space<vmem>>)
    %get3A_137 = arith.constant 1 : i32
    %get3A_138 = arith.index_cast %get3A_137 : i32 to index
    %get3A_139 = arith.constant 0 : index
    %get3A_140 = tpu.vector_load %arg8[%get3A_138, %get3A_139] {strides = array<i32>} : memref<2x80xi32, #tpu.memory_space<vmem>>, vector<16xi32>,
    %swap3A_141 = arith.constant 0 : index
    %swap3A_142 = tpu.vector_load %arg11[%swap3A_141] {strides = array<i32>} : memref<80xi32, #tpu.memory_space<vmem>>, vector<16xi32>,
    tpu.vector_store %arg11[%swap3A_141], %get3A_140 {strides = array<i32>} : memref<80xi32, #tpu.memory_space<vmem>>, vector<16xi32>,
    %get3A_143 = arith.constant 1 : i32
    %get3A_144 = arith.index_cast %get3A_143 : i32 to index
    %get3A_145 = arith.constant 16 : index
    %get3A_146 = tpu.vector_load %arg8[%get3A_144, %get3A_145] {strides = array<i32>} : memref<2x80xi32, #tpu.memory_space<vmem>>, vector<16xi32>,
    %swap3A_147 = arith.constant 16 : index
    %swap3A_148 = tpu.vector_load %arg11[%swap3A_147] {strides = array<i32>} : memref<80xi32, #tpu.memory_space<vmem>>, vector<16xi32>,
    tpu.vector_store %arg11[%swap3A_147], %get3A_146 {strides = array<i32>} : memref<80xi32, #tpu.memory_space<vmem>>, vector<16xi32>,
    %get3A_149 = arith.constant 1 : i32
    %get3A_150 = arith.index_cast %get3A_149 : i32 to index
    %get3A_151 = arith.constant 32 : index
    %get3A_152 = tpu.vector_load %arg8[%get3A_150, %get3A_151] {strides = array<i32>} : memref<2x80xi32, #tpu.memory_space<vmem>>, vector<16xi32>,
    %swap3A_153 = arith.constant 32 : index
    %swap3A_154 = tpu.vector_load %arg11[%swap3A_153] {strides = array<i32>} : memref<80xi32, #tpu.memory_space<vmem>>, vector<16xi32>,
    tpu.vector_store %arg11[%swap3A_153], %get3A_152 {strides = array<i32>} : memref<80xi32, #tpu.memory_space<vmem>>, vector<16xi32>,
    %get3A_155 = arith.constant 1 : i32
    %get3A_156 = arith.index_cast %get3A_155 : i32 to index
    %get3A_157 = arith.constant 48 : index
    %get3A_158 = tpu.vector_load %arg8[%get3A_156, %get3A_157] {strides = array<i32>} : memref<2x80xi32, #tpu.memory_space<vmem>>, vector<16xi32>,
    %swap3A_159 = arith.constant 48 : index
    %swap3A_160 = tpu.vector_load %arg11[%swap3A_159] {strides = array<i32>} : memref<80xi32, #tpu.memory_space<vmem>>, vector<16xi32>,
    tpu.vector_store %arg11[%swap3A_159], %get3A_158 {strides = array<i32>} : memref<80xi32, #tpu.memory_space<vmem>>, vector<16xi32>,
    %get3A_161 = arith.constant 1 : i32
    %get3A_162 = arith.index_cast %get3A_161 : i32 to index
    %get3A_163 = arith.constant 64 : index
    %get3A_164 = tpu.vector_load %arg8[%get3A_162, %get3A_163] {strides = array<i32>} : memref<2x80xi32, #tpu.memory_space<vmem>>, vector<16xi32>,
    %swap3A_165 = arith.constant 64 : index
    %swap3A_166 = tpu.vector_load %arg11[%swap3A_165] {strides = array<i32>} : memref<80xi32, #tpu.memory_space<vmem>>, vector<16xi32>,
    tpu.vector_store %arg11[%swap3A_165], %get3A_164 {strides = array<i32>} : memref<80xi32, #tpu.memory_space<vmem>>, vector<16xi32>,
    %dma_start3A_167 = arith.constant 4 : i32
    %dma_start3A_168 = arith.constant 0 : i32
    %dma_start3A_169 = arith.constant 0 : i32
    %dma_start3A_170 = tpu.memref_slice %arg4[%add3A, %dma_start3A_167, %dma_start3A_168, %dma_start3A_169] : memref<32x125x2x80xi32, #tpu.memory_space<hbm>> -> memref<1x1x2x80xi32, #tpu.memory_space<hbm>>
    %dma_start3A_171 = tpu.memref_squeeze %dma_start3A_170 : memref<1x1x2x80xi32, #tpu.memory_space<hbm>> -> memref<2x80xi32, #tpu.memory_space<hbm>>
    %dma_start3A_172 = arith.constant 0 : i32
    %dma_start3A_173 = arith.constant 0 : i32
    %dma_start3A_174 = tpu.memref_slice %arg4[%add3A, %dma_start3A_167, %dma_start3A_172, %dma_start3A_173] : memref<32x125x2x80xi32, #tpu.memory_space<hbm>> -> memref<1x1x2x80xi32, #tpu.memory_space<hbm>>
    %dma_start3A_175 = tpu.memref_squeeze %dma_start3A_174 : memref<1x1x2x80xi32, #tpu.memory_space<hbm>> -> memref<2x80xi32, #tpu.memory_space<hbm>>
    tpu.enqueue_dma source(%dma_start3A_175 : memref<2x80xi32, #tpu.memory_space<hbm>>) target(%arg8 : memref<2x80xi32, #tpu.memory_space<vmem>>) target_semaphore(%arg21 : memref<!tpu.dma_semaphore, #tpu.memory_space<semaphore_mem>>)
    %scan3A_176 = arith.constant 0 : i32
    %scan3A_177 = arith.constant 0 : i32
    %scan3A_178 = arith.constant 80 : i32
    %scan3A_179 = arith.addi %scan3A_177, %scan3A_178 : i32
    %scan3A_180 = arith.constant 1 : i32
    scf.for %scan3A_421 = %scan3A_177 to %scan3A_179 step %scan3A_180  : i32 {
      %get3A_422 = arith.index_cast %scan3A_421 : i32 to index
      %get3A_423 = arith.constant 128 : index
      %get3A_424 = tpu.vector_load %arg14[%get3A_422, %get3A_423] {strides = array<i32>} : memref<80x144xf32, #tpu.memory_space<vmem>>, vector<16xf32>,
      %get3A_425 = arith.index_cast %scan3A_421 : i32 to index
      %get3A_426 = arith.constant 0 : index
      %get3A_427 = tpu.vector_load %arg17[%get3A_425, %get3A_426] {strides = array<i32>} : memref<80x16xf32, #tpu.memory_space<vmem>>, vector<16xf32>,
      %add3A_428 = arith.addf %get3A_424, %get3A_427 : vector<16xf32>
      %ge3A = arith.constant 0.000000e+00 : f32
      %ge3A_429 = vector.broadcast %ge3A : f32 to vector<16xf32>
      %ge3A_430 = arith.cmpf oge, %add3A_428, %ge3A_429 : vector<16xf32>
      %mul3A_431 = arith.constant 2.000000e-01 : f32
      %mul3A_432 = vector.broadcast %mul3A_431 : f32 to vector<16xf32>
      %mul3A_433 = arith.mulf %mul3A_432, %add3A_428 : vector<16xf32>
      %select_n3A = arith.select %ge3A_430, %add3A_428, %mul3A_433 : vector<16xi1>, vector<16xf32>
      %exp3A = math.exp %select_n3A : vector<16xf32>
      %jit3A = arith.constant 0.000000e+00 : f32
      %broadcast_in_dim3A = vector.broadcast %jit3A : f32 to vector<16xf32>
      %select_n3A_434 = arith.select %lt3A_4, %exp3A, %broadcast_in_dim3A : vector<16xi1>, vector<16xf32>
      %swap3A_435 = arith.index_cast %scan3A_421 : i32 to index
      %swap3A_436 = arith.constant 128 : index
      %swap3A_437 = tpu.vector_load %arg14[%swap3A_435, %swap3A_436] {strides = array<i32>} : memref<80x144xf32, #tpu.memory_space<vmem>>, vector<16xf32>,
      tpu.vector_store %arg14[%swap3A_435, %swap3A_436], %select_n3A_434 {strides = array<i32>} : memref<80x144xf32, #tpu.memory_space<vmem>>, vector<16xf32>,
      %slice3A = vector.extract_strided_slice %select_n3A_434 {offsets = [0], sizes = [1], strides = [1]} : vector<16xf32> to vector<1xf32>
      %squeeze3A = vector.extract %slice3A[0] : f32 from vector<1xf32>
      %get3A_438 = arith.index_cast %scan3A_421 : i32 to index
      %get3A_439 = arith.constant 0 : index
      %get3A_440 = tpu.vector_load %arg14[%get3A_438, %get3A_439] {strides = array<i32>} : memref<80x144xf32, #tpu.memory_space<vmem>>, vector<16xf32>,
      %mul3A_441 = vector.broadcast %squeeze3A : f32 to vector<16xf32>
      %mul3A_442 = arith.mulf %get3A_440, %mul3A_441 : vector<16xf32>
      %swap3A_443 = arith.index_cast %scan3A_421 : i32 to index
      %swap3A_444 = arith.constant 0 : index
      %swap3A_445 = tpu.vector_load %arg14[%swap3A_443, %swap3A_444] {strides = array<i32>} : memref<80x144xf32, #tpu.memory_space<vmem>>, vector<16xf32>,
      tpu.vector_store %arg14[%swap3A_443, %swap3A_444], %mul3A_442 {strides = array<i32>} : memref<80x144xf32, #tpu.memory_space<vmem>>, vector<16xf32>,
      %slice3A_446 = vector.extract_strided_slice %select_n3A_434 {offsets = [1], sizes = [1], strides = [1]} : vector<16xf32> to vector<1xf32>
      %squeeze3A_447 = vector.extract %slice3A_446[0] : f32 from vector<1xf32>
      %get3A_448 = arith.index_cast %scan3A_421 : i32 to index
      %get3A_449 = arith.constant 16 : index
      %get3A_450 = tpu.vector_load %arg14[%get3A_448, %get3A_449] {strides = array<i32>} : memref<80x144xf32, #tpu.memory_space<vmem>>, vector<16xf32>,
      %mul3A_451 = vector.broadcast %squeeze3A_447 : f32 to vector<16xf32>
      %mul3A_452 = arith.mulf %get3A_450, %mul3A_451 : vector<16xf32>
      %swap3A_453 = arith.index_cast %scan3A_421 : i32 to index
      %swap3A_454 = arith.constant 16 : index
      %swap3A_455 = tpu.vector_load %arg14[%swap3A_453, %swap3A_454] {strides = array<i32>} : memref<80x144xf32, #tpu.memory_space<vmem>>, vector<16xf32>,
      tpu.vector_store %arg14[%swap3A_453, %swap3A_454], %mul3A_452 {strides = array<i32>} : memref<80x144xf32, #tpu.memory_space<vmem>>, vector<16xf32>,
      %slice3A_456 = vector.extract_strided_slice %select_n3A_434 {offsets = [2], sizes = [1], strides = [1]} : vector<16xf32> to vector<1xf32>
      %squeeze3A_457 = vector.extract %slice3A_456[0] : f32 from vector<1xf32>
      %get3A_458 = arith.index_cast %scan3A_421 : i32 to index
      %get3A_459 = arith.constant 32 : index
      %get3A_460 = tpu.vector_load %arg14[%get3A_458, %get3A_459] {strides = array<i32>} : memref<80x144xf32, #tpu.memory_space<vmem>>, vector<16xf32>,
      %mul3A_461 = vector.broadcast %squeeze3A_457 : f32 to vector<16xf32>
      %mul3A_462 = arith.mulf %get3A_460, %mul3A_461 : vector<16xf32>
      %swap3A_463 = arith.index_cast %scan3A_421 : i32 to index
      %swap3A_464 = arith.constant 32 : index
      %swap3A_465 = tpu.vector_load %arg14[%swap3A_463, %swap3A_464] {strides = array<i32>} : memref<80x144xf32, #tpu.memory_space<vmem>>, vector<16xf32>,
      tpu.vector_store %arg14[%swap3A_463, %swap3A_464], %mul3A_462 {strides = array<i32>} : memref<80x144xf32, #tpu.memory_space<vmem>>, vector<16xf32>,
      %slice3A_466 = vector.extract_strided_slice %select_n3A_434 {offsets = [3], sizes = [1], strides = [1]} : vector<16xf32> to vector<1xf32>
      %squeeze3A_467 = vector.extract %slice3A_466[0] : f32 from vector<1xf32>
      %get3A_468 = arith.index_cast %scan3A_421 : i32 to index
      %get3A_469 = arith.constant 48 : index
      %get3A_470 = tpu.vector_load %arg14[%get3A_468, %get3A_469] {strides = array<i32>} : memref<80x144xf32, #tpu.memory_space<vmem>>, vector<16xf32>,
      %mul3A_471 = vector.broadcast %squeeze3A_467 : f32 to vector<16xf32>
      %mul3A_472 = arith.mulf %get3A_470, %mul3A_471 : vector<16xf32>
      %swap3A_473 = arith.index_cast %scan3A_421 : i32 to index
      %swap3A_474 = arith.constant 48 : index
      %swap3A_475 = tpu.vector_load %arg14[%swap3A_473, %swap3A_474] {strides = array<i32>} : memref<80x144xf32, #tpu.memory_space<vmem>>, vector<16xf32>,
      tpu.vector_store %arg14[%swap3A_473, %swap3A_474], %mul3A_472 {strides = array<i32>} : memref<80x144xf32, #tpu.memory_space<vmem>>, vector<16xf32>,
      %slice3A_476 = vector.extract_strided_slice %select_n3A_434 {offsets = [4], sizes = [1], strides = [1]} : vector<16xf32> to vector<1xf32>
      %squeeze3A_477 = vector.extract %slice3A_476[0] : f32 from vector<1xf32>
      %get3A_478 = arith.index_cast %scan3A_421 : i32 to index
      %get3A_479 = arith.constant 64 : index
      %get3A_480 = tpu.vector_load %arg14[%get3A_478, %get3A_479] {strides = array<i32>} : memref<80x144xf32, #tpu.memory_space<vmem>>, vector<16xf32>,
      %mul3A_481 = vector.broadcast %squeeze3A_477 : f32 to vector<16xf32>
      %mul3A_482 = arith.mulf %get3A_480, %mul3A_481 : vector<16xf32>
      %swap3A_483 = arith.index_cast %scan3A_421 : i32 to index
      %swap3A_484 = arith.constant 64 : index
      %swap3A_485 = tpu.vector_load %arg14[%swap3A_483, %swap3A_484] {strides = array<i32>} : memref<80x144xf32, #tpu.memory_space<vmem>>, vector<16xf32>,
      tpu.vector_store %arg14[%swap3A_483, %swap3A_484], %mul3A_482 {strides = array<i32>} : memref<80x144xf32, #tpu.memory_space<vmem>>, vector<16xf32>,
      %slice3A_486 = vector.extract_strided_slice %select_n3A_434 {offsets = [5], sizes = [1], strides = [1]} : vector<16xf32> to vector<1xf32>
      %squeeze3A_487 = vector.extract %slice3A_486[0] : f32 from vector<1xf32>
      %get3A_488 = arith.index_cast %scan3A_421 : i32 to index
      %get3A_489 = arith.constant 80 : index
      %get3A_490 = tpu.vector_load %arg14[%get3A_488, %get3A_489] {strides = array<i32>} : memref<80x144xf32, #tpu.memory_space<vmem>>, vector<16xf32>,
      %mul3A_491 = vector.broadcast %squeeze3A_487 : f32 to vector<16xf32>
      %mul3A_492 = arith.mulf %get3A_490, %mul3A_491 : vector<16xf32>
      %swap3A_493 = arith.index_cast %scan3A_421 : i32 to index
      %swap3A_494 = arith.constant 80 : index
      %swap3A_495 = tpu.vector_load %arg14[%swap3A_493, %swap3A_494] {strides = array<i32>} : memref<80x144xf32, #tpu.memory_space<vmem>>, vector<16xf32>,
      tpu.vector_store %arg14[%swap3A_493, %swap3A_494], %mul3A_492 {strides = array<i32>} : memref<80x144xf32, #tpu.memory_space<vmem>>, vector<16xf32>,
      %slice3A_496 = vector.extract_strided_slice %select_n3A_434 {offsets = [6], sizes = [1], strides = [1]} : vector<16xf32> to vector<1xf32>
      %squeeze3A_497 = vector.extract %slice3A_496[0] : f32 from vector<1xf32>
      %get3A_498 = arith.index_cast %scan3A_421 : i32 to index
      %get3A_499 = arith.constant 96 : index
      %get3A_500 = tpu.vector_load %arg14[%get3A_498, %get3A_499] {strides = array<i32>} : memref<80x144xf32, #tpu.memory_space<vmem>>, vector<16xf32>,
      %mul3A_501 = vector.broadcast %squeeze3A_497 : f32 to vector<16xf32>
      %mul3A_502 = arith.mulf %get3A_500, %mul3A_501 : vector<16xf32>
      %swap3A_503 = arith.index_cast %scan3A_421 : i32 to index
      %swap3A_504 = arith.constant 96 : index
      %swap3A_505 = tpu.vector_load %arg14[%swap3A_503, %swap3A_504] {strides = array<i32>} : memref<80x144xf32, #tpu.memory_space<vmem>>, vector<16xf32>,
      tpu.vector_store %arg14[%swap3A_503, %swap3A_504], %mul3A_502 {strides = array<i32>} : memref<80x144xf32, #tpu.memory_space<vmem>>, vector<16xf32>,
      %slice3A_506 = vector.extract_strided_slice %select_n3A_434 {offsets = [7], sizes = [1], strides = [1]} : vector<16xf32> to vector<1xf32>
      %squeeze3A_507 = vector.extract %slice3A_506[0] : f32 from vector<1xf32>
      %get3A_508 = arith.index_cast %scan3A_421 : i32 to index
      %get3A_509 = arith.constant 112 : index
      %get3A_510 = tpu.vector_load %arg14[%get3A_508, %get3A_509] {strides = array<i32>} : memref<80x144xf32, #tpu.memory_space<vmem>>, vector<16xf32>,
      %mul3A_511 = vector.broadcast %squeeze3A_507 : f32 to vector<16xf32>
      %mul3A_512 = arith.mulf %get3A_510, %mul3A_511 : vector<16xf32>
      %swap3A_513 = arith.index_cast %scan3A_421 : i32 to index
      %swap3A_514 = arith.constant 112 : index
      %swap3A_515 = tpu.vector_load %arg14[%swap3A_513, %swap3A_514] {strides = array<i32>} : memref<80x144xf32, #tpu.memory_space<vmem>>, vector<16xf32>,
      tpu.vector_store %arg14[%swap3A_513, %swap3A_514], %mul3A_512 {strides = array<i32>} : memref<80x144xf32, #tpu.memory_space<vmem>>, vector<16xf32>,
    }
    %scan3A_181 = arith.constant 80 : i32
    %dma_wait3A_182 = arith.constant 0 : i32
    %dma_wait3A_183 = arith.constant 0 : i32
    %dma_wait3A_184 = tpu.memref_slice %arg19[%dma_wait3A_182, %dma_wait3A_183] : memref<10000x144xf32, #tpu.memory_space<vmem_shared>> -> memref<10000x144xf32, #tpu.memory_space<vmem_shared>>
    tpu.wait_indirect_dma semaphore(%arg26 : memref<!tpu.dma_semaphore, #tpu.memory_space<semaphore_mem>>) src(%arg13 : memref<80x144xf32, #tpu.memory_space<vmem>>) dst(%dma_wait3A_184 : memref<10000x144xf32, #tpu.memory_space<vmem_shared>>)
    %dma_wait3A_185 = arith.constant 3 : i32
    %dma_wait3A_186 = arith.constant 0 : i32
    %dma_wait3A_187 = arith.constant 0 : i32
    %dma_wait3A_188 = tpu.memref_slice %arg4[%add3A, %dma_wait3A_185, %dma_wait3A_186, %dma_wait3A_187] : memref<32x125x2x80xi32, #tpu.memory_space<hbm>> -> memref<1x1x2x80xi32, #tpu.memory_space<hbm>>
    %dma_wait3A_189 = tpu.memref_squeeze %dma_wait3A_188 : memref<1x1x2x80xi32, #tpu.memory_space<hbm>> -> memref<2x80xi32, #tpu.memory_space<hbm>>
    %dma_wait3A_190 = arith.constant 0 : i32
    %dma_wait3A_191 = arith.constant 0 : i32
    %dma_wait3A_192 = tpu.memref_slice %arg4[%add3A, %dma_wait3A_185, %dma_wait3A_190, %dma_wait3A_191] : memref<32x125x2x80xi32, #tpu.memory_space<hbm>> -> memref<1x1x2x80xi32, #tpu.memory_space<hbm>>
    %dma_wait3A_193 = tpu.memref_squeeze %dma_wait3A_192 : memref<1x1x2x80xi32, #tpu.memory_space<hbm>> -> memref<2x80xi32, #tpu.memory_space<hbm>>
    tpu.wait_dma2 semaphore(%arg20 : memref<!tpu.dma_semaphore, #tpu.memory_space<semaphore_mem>>) src(%dma_wait3A_193 : memref<2x80xi32, #tpu.memory_space<hbm>>) dst(%arg7 : memref<2x80xi32, #tpu.memory_space<vmem>>)
    %dma_start3A_194 = arith.constant 0 : i32
    %dma_start3A_195 = arith.constant 0 : i32
    %dma_start3A_196 = tpu.memref_slice %arg7[%dma_start3A_194, %dma_start3A_195] : memref<2x80xi32, #tpu.memory_space<vmem>> -> memref<1x80xi32, #tpu.memory_space<vmem>>
    %dma_start3A_197 = tpu.memref_squeeze %dma_start3A_196 : memref<1x80xi32, #tpu.memory_space<vmem>> -> memref<80xi32, #tpu.memory_space<vmem>>
    %dma_start3A_198 = arith.constant 0 : i32
    %dma_start3A_199 = arith.constant 0 : i32
    %dma_start3A_200 = tpu.memref_slice %arg2[%dma_start3A_198, %dma_start3A_199] : memref<10000x144xf32, #tpu.memory_space<hbm>> -> memref<10000x144xf32, #tpu.memory_space<hbm>>
    tpu.enqueue_indirect_dma source(%dma_start3A_200 : memref<10000x144xf32, #tpu.memory_space<hbm>>) target(%arg13 : memref<80x144xf32, #tpu.memory_space<vmem>>) offsets(%dma_start3A_197 : memref<80xi32, #tpu.memory_space<vmem>>) semaphore(%arg23 : memref<!tpu.dma_semaphore, #tpu.memory_space<semaphore_mem>>)
    %dma_start3A_201 = arith.constant 1 : i32
    %dma_start3A_202 = arith.constant 0 : i32
    %dma_start3A_203 = tpu.memref_slice %arg7[%dma_start3A_201, %dma_start3A_202] : memref<2x80xi32, #tpu.memory_space<vmem>> -> memref<1x80xi32, #tpu.memory_space<vmem>>
    %dma_start3A_204 = tpu.memref_squeeze %dma_start3A_203 : memref<1x80xi32, #tpu.memory_space<vmem>> -> memref<80xi32, #tpu.memory_space<vmem>>
    %dma_start3A_205 = arith.constant 0 : i32
    %dma_start3A_206 = arith.constant 0 : i32
    %dma_start3A_207 = tpu.memref_slice %arg3[%dma_start3A_205, %dma_start3A_206] : memref<10000x16xf32, #tpu.memory_space<hbm>> -> memref<10000x16xf32, #tpu.memory_space<hbm>>
    tpu.enqueue_indirect_dma source(%dma_start3A_207 : memref<10000x16xf32, #tpu.memory_space<hbm>>) target(%arg16 : memref<80x16xf32, #tpu.memory_space<vmem>>) offsets(%dma_start3A_204 : memref<80xi32, #tpu.memory_space<vmem>>) semaphore(%arg23 : memref<!tpu.dma_semaphore, #tpu.memory_space<semaphore_mem>>)
    %dma_start3A_208 = arith.constant 0 : i32
    %dma_start3A_209 = arith.constant 0 : i32
    %dma_start3A_210 = tpu.memref_slice %arg19[%dma_start3A_208, %dma_start3A_209] : memref<10000x144xf32, #tpu.memory_space<vmem_shared>> -> memref<10000x144xf32, #tpu.memory_space<vmem_shared>>
    tpu.enqueue_indirect_dma source(%arg14 : memref<80x144xf32, #tpu.memory_space<vmem>>) target(%dma_start3A_210 : memref<10000x144xf32, #tpu.memory_space<vmem_shared>>) offsets(%arg11 : memref<80xi32, #tpu.memory_space<vmem>>) semaphore(%arg27 : memref<!tpu.dma_semaphore, #tpu.memory_space<semaphore_mem>>) {add = true}
    %dma_wait3A_211 = arith.constant 0 : i32
    %dma_wait3A_212 = arith.constant 0 : i32
    %dma_wait3A_213 = tpu.memref_slice %arg9[%dma_wait3A_211, %dma_wait3A_212] : memref<2x80xi32, #tpu.memory_space<vmem>> -> memref<1x80xi32, #tpu.memory_space<vmem>>
    %dma_wait3A_214 = tpu.memref_squeeze %dma_wait3A_213 : memref<1x80xi32, #tpu.memory_space<vmem>> -> memref<80xi32, #tpu.memory_space<vmem>>
    %dma_wait3A_215 = arith.constant 0 : i32
    %dma_wait3A_216 = arith.constant 0 : i32
    %dma_wait3A_217 = tpu.memref_slice %arg2[%dma_wait3A_215, %dma_wait3A_216] : memref<10000x144xf32, #tpu.memory_space<hbm>> -> memref<10000x144xf32, #tpu.memory_space<hbm>>
    tpu.wait_indirect_dma semaphore(%arg25 : memref<!tpu.dma_semaphore, #tpu.memory_space<semaphore_mem>>) src(%dma_wait3A_217 : memref<10000x144xf32, #tpu.memory_space<hbm>>) dst(%arg15 : memref<80x144xf32, #tpu.memory_space<vmem>>)
    %dma_wait3A_218 = arith.constant 1 : i32
    %dma_wait3A_219 = arith.constant 0 : i32
    %dma_wait3A_220 = tpu.memref_slice %arg9[%dma_wait3A_218, %dma_wait3A_219] : memref<2x80xi32, #tpu.memory_space<vmem>> -> memref<1x80xi32, #tpu.memory_space<vmem>>
    %dma_wait3A_221 = tpu.memref_squeeze %dma_wait3A_220 : memref<1x80xi32, #tpu.memory_space<vmem>> -> memref<80xi32, #tpu.memory_space<vmem>>
    %dma_wait3A_222 = arith.constant 0 : i32
    %dma_wait3A_223 = arith.constant 0 : i32
    %dma_wait3A_224 = tpu.memref_slice %arg3[%dma_wait3A_222, %dma_wait3A_223] : memref<10000x16xf32, #tpu.memory_space<hbm>> -> memref<10000x16xf32, #tpu.memory_space<hbm>>
    tpu.wait_indirect_dma semaphore(%arg25 : memref<!tpu.dma_semaphore, #tpu.memory_space<semaphore_mem>>) src(%dma_wait3A_224 : memref<10000x16xf32, #tpu.memory_space<hbm>>) dst(%arg18 : memref<80x16xf32, #tpu.memory_space<vmem>>)
    %get3A_225 = arith.constant 1 : i32
    %get3A_226 = arith.index_cast %get3A_225 : i32 to index
    %get3A_227 = arith.constant 0 : index
    %get3A_228 = tpu.vector_load %arg9[%get3A_226, %get3A_227] {strides = array<i32>} : memref<2x80xi32, #tpu.memory_space<vmem>>, vector<16xi32>,
    %swap3A_229 = arith.constant 0 : index
    %swap3A_230 = tpu.vector_load %arg12[%swap3A_229] {strides = array<i32>} : memref<80xi32, #tpu.memory_space<vmem>>, vector<16xi32>,
    tpu.vector_store %arg12[%swap3A_229], %get3A_228 {strides = array<i32>} : memref<80xi32, #tpu.memory_space<vmem>>, vector<16xi32>,
    %get3A_231 = arith.constant 1 : i32
    %get3A_232 = arith.index_cast %get3A_231 : i32 to index
    %get3A_233 = arith.constant 16 : index
    %get3A_234 = tpu.vector_load %arg9[%get3A_232, %get3A_233] {strides = array<i32>} : memref<2x80xi32, #tpu.memory_space<vmem>>, vector<16xi32>,
    %swap3A_235 = arith.constant 16 : index
    %swap3A_236 = tpu.vector_load %arg12[%swap3A_235] {strides = array<i32>} : memref<80xi32, #tpu.memory_space<vmem>>, vector<16xi32>,
    tpu.vector_store %arg12[%swap3A_235], %get3A_234 {strides = array<i32>} : memref<80xi32, #tpu.memory_space<vmem>>, vector<16xi32>,
    %get3A_237 = arith.constant 1 : i32
    %get3A_238 = arith.index_cast %get3A_237 : i32 to index
    %get3A_239 = arith.constant 32 : index
    %get3A_240 = tpu.vector_load %arg9[%get3A_238, %get3A_239] {strides = array<i32>} : memref<2x80xi32, #tpu.memory_space<vmem>>, vector<16xi32>,
    %swap3A_241 = arith.constant 32 : index
    %swap3A_242 = tpu.vector_load %arg12[%swap3A_241] {strides = array<i32>} : memref<80xi32, #tpu.memory_space<vmem>>, vector<16xi32>,
    tpu.vector_store %arg12[%swap3A_241], %get3A_240 {strides = array<i32>} : memref<80xi32, #tpu.memory_space<vmem>>, vector<16xi32>,
    %get3A_243 = arith.constant 1 : i32
    %get3A_244 = arith.index_cast %get3A_243 : i32 to index
    %get3A_245 = arith.constant 48 : index
    %get3A_246 = tpu.vector_load %arg9[%get3A_244, %get3A_245] {strides = array<i32>} : memref<2x80xi32, #tpu.memory_space<vmem>>, vector<16xi32>,
    %swap3A_247 = arith.constant 48 : index
    %swap3A_248 = tpu.vector_load %arg12[%swap3A_247] {strides = array<i32>} : memref<80xi32, #tpu.memory_space<vmem>>, vector<16xi32>,
    tpu.vector_store %arg12[%swap3A_247], %get3A_246 {strides = array<i32>} : memref<80xi32, #tpu.memory_space<vmem>>, vector<16xi32>,
    %get3A_249 = arith.constant 1 : i32
    %get3A_250 = arith.index_cast %get3A_249 : i32 to index
    %get3A_251 = arith.constant 64 : index
    %get3A_252 = tpu.vector_load %arg9[%get3A_250, %get3A_251] {strides = array<i32>} : memref<2x80xi32, #tpu.memory_space<vmem>>, vector<16xi32>,
    %swap3A_253 = arith.constant 64 : index
    %swap3A_254 = tpu.vector_load %arg12[%swap3A_253] {strides = array<i32>} : memref<80xi32, #tpu.memory_space<vmem>>, vector<16xi32>,
    tpu.vector_store %arg12[%swap3A_253], %get3A_252 {strides = array<i32>} : memref<80xi32, #tpu.memory_space<vmem>>, vector<16xi32>,
    %dma_start3A_255 = arith.constant 5 : i32
    %dma_start3A_256 = arith.constant 0 : i32
    %dma_start3A_257 = arith.constant 0 : i32
    %dma_start3A_258 = tpu.memref_slice %arg4[%add3A, %dma_start3A_255, %dma_start3A_256, %dma_start3A_257] : memref<32x125x2x80xi32, #tpu.memory_space<hbm>> -> memref<1x1x2x80xi32, #tpu.memory_space<hbm>>
    %dma_start3A_259 = tpu.memref_squeeze %dma_start3A_258 : memref<1x1x2x80xi32, #tpu.memory_space<hbm>> -> memref<2x80xi32, #tpu.memory_space<hbm>>
    %dma_start3A_260 = arith.constant 0 : i32
    %dma_start3A_261 = arith.constant 0 : i32
    %dma_start3A_262 = tpu.memref_slice %arg4[%add3A, %dma_start3A_255, %dma_start3A_260, %dma_start3A_261] : memref<32x125x2x80xi32, #tpu.memory_space<hbm>> -> memref<1x1x2x80xi32, #tpu.memory_space<hbm>>
    %dma_start3A_263 = tpu.memref_squeeze %dma_start3A_262 : memref<1x1x2x80xi32, #tpu.memory_space<hbm>> -> memref<2x80xi32, #tpu.memory_space<hbm>>
    tpu.enqueue_dma source(%dma_start3A_263 : memref<2x80xi32, #tpu.memory_space<hbm>>) target(%arg9 : memref<2x80xi32, #tpu.memory_space<vmem>>) target_semaphore(%arg22 : memref<!tpu.dma_semaphore, #tpu.memory_space<semaphore_mem>>)
    %scan3A_264 = arith.constant 0 : i32
    %scan3A_265 = arith.constant 0 : i32
    %scan3A_266 = arith.constant 80 : i32
    %scan3A_267 = arith.addi %scan3A_265, %scan3A_266 : i32
    %scan3A_268 = arith.constant 1 : i32
    scf.for %scan3A_421 = %scan3A_265 to %scan3A_267 step %scan3A_268  : i32 {
      %get3A_422 = arith.index_cast %scan3A_421 : i32 to index
      %get3A_423 = arith.constant 128 : index
      %get3A_424 = tpu.vector_load %arg15[%get3A_422, %get3A_423] {strides = array<i32>} : memref<80x144xf32, #tpu.memory_space<vmem>>, vector<16xf32>,
      %get3A_425 = arith.index_cast %scan3A_421 : i32 to index
      %get3A_426 = arith.constant 0 : index
      %get3A_427 = tpu.vector_load %arg18[%get3A_425, %get3A_426] {strides = array<i32>} : memref<80x16xf32, #tpu.memory_space<vmem>>, vector<16xf32>,
      %add3A_428 = arith.addf %get3A_424, %get3A_427 : vector<16xf32>
      %ge3A = arith.constant 0.000000e+00 : f32
      %ge3A_429 = vector.broadcast %ge3A : f32 to vector<16xf32>
      %ge3A_430 = arith.cmpf oge, %add3A_428, %ge3A_429 : vector<16xf32>
      %mul3A_431 = arith.constant 2.000000e-01 : f32
      %mul3A_432 = vector.broadcast %mul3A_431 : f32 to vector<16xf32>
      %mul3A_433 = arith.mulf %mul3A_432, %add3A_428 : vector<16xf32>
      %select_n3A = arith.select %ge3A_430, %add3A_428, %mul3A_433 : vector<16xi1>, vector<16xf32>
      %exp3A = math.exp %select_n3A : vector<16xf32>
      %jit3A = arith.constant 0.000000e+00 : f32
      %broadcast_in_dim3A = vector.broadcast %jit3A : f32 to vector<16xf32>
      %select_n3A_434 = arith.select %lt3A_4, %exp3A, %broadcast_in_dim3A : vector<16xi1>, vector<16xf32>
      %swap3A_435 = arith.index_cast %scan3A_421 : i32 to index
      %swap3A_436 = arith.constant 128 : index
      %swap3A_437 = tpu.vector_load %arg15[%swap3A_435, %swap3A_436] {strides = array<i32>} : memref<80x144xf32, #tpu.memory_space<vmem>>, vector<16xf32>,
      tpu.vector_store %arg15[%swap3A_435, %swap3A_436], %select_n3A_434 {strides = array<i32>} : memref<80x144xf32, #tpu.memory_space<vmem>>, vector<16xf32>,
      %slice3A = vector.extract_strided_slice %select_n3A_434 {offsets = [0], sizes = [1], strides = [1]} : vector<16xf32> to vector<1xf32>
      %squeeze3A = vector.extract %slice3A[0] : f32 from vector<1xf32>
      %get3A_438 = arith.index_cast %scan3A_421 : i32 to index
      %get3A_439 = arith.constant 0 : index
      %get3A_440 = tpu.vector_load %arg15[%get3A_438, %get3A_439] {strides = array<i32>} : memref<80x144xf32, #tpu.memory_space<vmem>>, vector<16xf32>,
      %mul3A_441 = vector.broadcast %squeeze3A : f32 to vector<16xf32>
      %mul3A_442 = arith.mulf %get3A_440, %mul3A_441 : vector<16xf32>
      %swap3A_443 = arith.index_cast %scan3A_421 : i32 to index
      %swap3A_444 = arith.constant 0 : index
      %swap3A_445 = tpu.vector_load %arg15[%swap3A_443, %swap3A_444] {strides = array<i32>} : memref<80x144xf32, #tpu.memory_space<vmem>>, vector<16xf32>,
      tpu.vector_store %arg15[%swap3A_443, %swap3A_444], %mul3A_442 {strides = array<i32>} : memref<80x144xf32, #tpu.memory_space<vmem>>, vector<16xf32>,
      %slice3A_446 = vector.extract_strided_slice %select_n3A_434 {offsets = [1], sizes = [1], strides = [1]} : vector<16xf32> to vector<1xf32>
      %squeeze3A_447 = vector.extract %slice3A_446[0] : f32 from vector<1xf32>
      %get3A_448 = arith.index_cast %scan3A_421 : i32 to index
      %get3A_449 = arith.constant 16 : index
      %get3A_450 = tpu.vector_load %arg15[%get3A_448, %get3A_449] {strides = array<i32>} : memref<80x144xf32, #tpu.memory_space<vmem>>, vector<16xf32>,
      %mul3A_451 = vector.broadcast %squeeze3A_447 : f32 to vector<16xf32>
      %mul3A_452 = arith.mulf %get3A_450, %mul3A_451 : vector<16xf32>
      %swap3A_453 = arith.index_cast %scan3A_421 : i32 to index
      %swap3A_454 = arith.constant 16 : index
      %swap3A_455 = tpu.vector_load %arg15[%swap3A_453, %swap3A_454] {strides = array<i32>} : memref<80x144xf32, #tpu.memory_space<vmem>>, vector<16xf32>,
      tpu.vector_store %arg15[%swap3A_453, %swap3A_454], %mul3A_452 {strides = array<i32>} : memref<80x144xf32, #tpu.memory_space<vmem>>, vector<16xf32>,
      %slice3A_456 = vector.extract_strided_slice %select_n3A_434 {offsets = [2], sizes = [1], strides = [1]} : vector<16xf32> to vector<1xf32>
      %squeeze3A_457 = vector.extract %slice3A_456[0] : f32 from vector<1xf32>
      %get3A_458 = arith.index_cast %scan3A_421 : i32 to index
      %get3A_459 = arith.constant 32 : index
      %get3A_460 = tpu.vector_load %arg15[%get3A_458, %get3A_459] {strides = array<i32>} : memref<80x144xf32, #tpu.memory_space<vmem>>, vector<16xf32>,
      %mul3A_461 = vector.broadcast %squeeze3A_457 : f32 to vector<16xf32>
      %mul3A_462 = arith.mulf %get3A_460, %mul3A_461 : vector<16xf32>
      %swap3A_463 = arith.index_cast %scan3A_421 : i32 to index
      %swap3A_464 = arith.constant 32 : index
      %swap3A_465 = tpu.vector_load %arg15[%swap3A_463, %swap3A_464] {strides = array<i32>} : memref<80x144xf32, #tpu.memory_space<vmem>>, vector<16xf32>,
      tpu.vector_store %arg15[%swap3A_463, %swap3A_464], %mul3A_462 {strides = array<i32>} : memref<80x144xf32, #tpu.memory_space<vmem>>, vector<16xf32>,
      %slice3A_466 = vector.extract_strided_slice %select_n3A_434 {offsets = [3], sizes = [1], strides = [1]} : vector<16xf32> to vector<1xf32>
      %squeeze3A_467 = vector.extract %slice3A_466[0] : f32 from vector<1xf32>
      %get3A_468 = arith.index_cast %scan3A_421 : i32 to index
      %get3A_469 = arith.constant 48 : index
      %get3A_470 = tpu.vector_load %arg15[%get3A_468, %get3A_469] {strides = array<i32>} : memref<80x144xf32, #tpu.memory_space<vmem>>, vector<16xf32>,
      %mul3A_471 = vector.broadcast %squeeze3A_467 : f32 to vector<16xf32>
      %mul3A_472 = arith.mulf %get3A_470, %mul3A_471 : vector<16xf32>
      %swap3A_473 = arith.index_cast %scan3A_421 : i32 to index
      %swap3A_474 = arith.constant 48 : index
      %swap3A_475 = tpu.vector_load %arg15[%swap3A_473, %swap3A_474] {strides = array<i32>} : memref<80x144xf32, #tpu.memory_space<vmem>>, vector<16xf32>,
      tpu.vector_store %arg15[%swap3A_473, %swap3A_474], %mul3A_472 {strides = array<i32>} : memref<80x144xf32, #tpu.memory_space<vmem>>, vector<16xf32>,
      %slice3A_476 = vector.extract_strided_slice %select_n3A_434 {offsets = [4], sizes = [1], strides = [1]} : vector<16xf32> to vector<1xf32>
      %squeeze3A_477 = vector.extract %slice3A_476[0] : f32 from vector<1xf32>
      %get3A_478 = arith.index_cast %scan3A_421 : i32 to index
      %get3A_479 = arith.constant 64 : index
      %get3A_480 = tpu.vector_load %arg15[%get3A_478, %get3A_479] {strides = array<i32>} : memref<80x144xf32, #tpu.memory_space<vmem>>, vector<16xf32>,
      %mul3A_481 = vector.broadcast %squeeze3A_477 : f32 to vector<16xf32>
      %mul3A_482 = arith.mulf %get3A_480, %mul3A_481 : vector<16xf32>
      %swap3A_483 = arith.index_cast %scan3A_421 : i32 to index
      %swap3A_484 = arith.constant 64 : index
      %swap3A_485 = tpu.vector_load %arg15[%swap3A_483, %swap3A_484] {strides = array<i32>} : memref<80x144xf32, #tpu.memory_space<vmem>>, vector<16xf32>,
      tpu.vector_store %arg15[%swap3A_483, %swap3A_484], %mul3A_482 {strides = array<i32>} : memref<80x144xf32, #tpu.memory_space<vmem>>, vector<16xf32>,
      %slice3A_486 = vector.extract_strided_slice %select_n3A_434 {offsets = [5], sizes = [1], strides = [1]} : vector<16xf32> to vector<1xf32>
      %squeeze3A_487 = vector.extract %slice3A_486[0] : f32 from vector<1xf32>
      %get3A_488 = arith.index_cast %scan3A_421 : i32 to index
      %get3A_489 = arith.constant 80 : index
      %get3A_490 = tpu.vector_load %arg15[%get3A_488, %get3A_489] {strides = array<i32>} : memref<80x144xf32, #tpu.memory_space<vmem>>, vector<16xf32>,
      %mul3A_491 = vector.broadcast %squeeze3A_487 : f32 to vector<16xf32>
      %mul3A_492 = arith.mulf %get3A_490, %mul3A_491 : vector<16xf32>
      %swap3A_493 = arith.index_cast %scan3A_421 : i32 to index
      %swap3A_494 = arith.constant 80 : index
      %swap3A_495 = tpu.vector_load %arg15[%swap3A_493, %swap3A_494] {strides = array<i32>} : memref<80x144xf32, #tpu.memory_space<vmem>>, vector<16xf32>,
      tpu.vector_store %arg15[%swap3A_493, %swap3A_494], %mul3A_492 {strides = array<i32>} : memref<80x144xf32, #tpu.memory_space<vmem>>, vector<16xf32>,
      %slice3A_496 = vector.extract_strided_slice %select_n3A_434 {offsets = [6], sizes = [1], strides = [1]} : vector<16xf32> to vector<1xf32>
      %squeeze3A_497 = vector.extract %slice3A_496[0] : f32 from vector<1xf32>
      %get3A_498 = arith.index_cast %scan3A_421 : i32 to index
      %get3A_499 = arith.constant 96 : index
      %get3A_500 = tpu.vector_load %arg15[%get3A_498, %get3A_499] {strides = array<i32>} : memref<80x144xf32, #tpu.memory_space<vmem>>, vector<16xf32>,
      %mul3A_501 = vector.broadcast %squeeze3A_497 : f32 to vector<16xf32>
      %mul3A_502 = arith.mulf %get3A_500, %mul3A_501 : vector<16xf32>
      %swap3A_503 = arith.index_cast %scan3A_421 : i32 to index
      %swap3A_504 = arith.constant 96 : index
      %swap3A_505 = tpu.vector_load %arg15[%swap3A_503, %swap3A_504] {strides = array<i32>} : memref<80x144xf32, #tpu.memory_space<vmem>>, vector<16xf32>,
      tpu.vector_store %arg15[%swap3A_503, %swap3A_504], %mul3A_502 {strides = array<i32>} : memref<80x144xf32, #tpu.memory_space<vmem>>, vector<16xf32>,
      %slice3A_506 = vector.extract_strided_slice %select_n3A_434 {offsets = [7], sizes = [1], strides = [1]} : vector<16xf32> to vector<1xf32>
      %squeeze3A_507 = vector.extract %slice3A_506[0] : f32 from vector<1xf32>
      %get3A_508 = arith.index_cast %scan3A_421 : i32 to index
      %get3A_509 = arith.constant 112 : index
      %get3A_510 = tpu.vector_load %arg15[%get3A_508, %get3A_509] {strides = array<i32>} : memref<80x144xf32, #tpu.memory_space<vmem>>, vector<16xf32>,
      %mul3A_511 = vector.broadcast %squeeze3A_507 : f32 to vector<16xf32>
      %mul3A_512 = arith.mulf %get3A_510, %mul3A_511 : vector<16xf32>
      %swap3A_513 = arith.index_cast %scan3A_421 : i32 to index
      %swap3A_514 = arith.constant 112 : index
      %swap3A_515 = tpu.vector_load %arg15[%swap3A_513, %swap3A_514] {strides = array<i32>} : memref<80x144xf32, #tpu.memory_space<vmem>>, vector<16xf32>,
      tpu.vector_store %arg15[%swap3A_513, %swap3A_514], %mul3A_512 {strides = array<i32>} : memref<80x144xf32, #tpu.memory_space<vmem>>, vector<16xf32>,
    }
    %scan3A_269 = arith.constant 80 : i32
    %dma_wait3A_270 = arith.constant 0 : i32
    %dma_wait3A_271 = arith.constant 0 : i32
    %dma_wait3A_272 = tpu.memref_slice %arg19[%dma_wait3A_270, %dma_wait3A_271] : memref<10000x144xf32, #tpu.memory_space<vmem_shared>> -> memref<10000x144xf32, #tpu.memory_space<vmem_shared>>
    tpu.wait_indirect_dma semaphore(%arg27 : memref<!tpu.dma_semaphore, #tpu.memory_space<semaphore_mem>>) src(%arg14 : memref<80x144xf32, #tpu.memory_space<vmem>>) dst(%dma_wait3A_272 : memref<10000x144xf32, #tpu.memory_space<vmem_shared>>)
    %dma_wait3A_273 = arith.constant 4 : i32
    %dma_wait3A_274 = arith.constant 0 : i32
    %dma_wait3A_275 = arith.constant 0 : i32
    %dma_wait3A_276 = tpu.memref_slice %arg4[%add3A, %dma_wait3A_273, %dma_wait3A_274, %dma_wait3A_275] : memref<32x125x2x80xi32, #tpu.memory_space<hbm>> -> memref<1x1x2x80xi32, #tpu.memory_space<hbm>>
    %dma_wait3A_277 = tpu.memref_squeeze %dma_wait3A_276 : memref<1x1x2x80xi32, #tpu.memory_space<hbm>> -> memref<2x80xi32, #tpu.memory_space<hbm>>
    %dma_wait3A_278 = arith.constant 0 : i32
    %dma_wait3A_279 = arith.constant 0 : i32
    %dma_wait3A_280 = tpu.memref_slice %arg4[%add3A, %dma_wait3A_273, %dma_wait3A_278, %dma_wait3A_279] : memref<32x125x2x80xi32, #tpu.memory_space<hbm>> -> memref<1x1x2x80xi32, #tpu.memory_space<hbm>>
    %dma_wait3A_281 = tpu.memref_squeeze %dma_wait3A_280 : memref<1x1x2x80xi32, #tpu.memory_space<hbm>> -> memref<2x80xi32, #tpu.memory_space<hbm>>
    tpu.wait_dma2 semaphore(%arg21 : memref<!tpu.dma_semaphore, #tpu.memory_space<semaphore_mem>>) src(%dma_wait3A_281 : memref<2x80xi32, #tpu.memory_space<hbm>>) dst(%arg8 : memref<2x80xi32, #tpu.memory_space<vmem>>)
    %dma_start3A_282 = arith.constant 0 : i32
    %dma_start3A_283 = arith.constant 0 : i32
    %dma_start3A_284 = tpu.memref_slice %arg8[%dma_start3A_282, %dma_start3A_283] : memref<2x80xi32, #tpu.memory_space<vmem>> -> memref<1x80xi32, #tpu.memory_space<vmem>>
    %dma_start3A_285 = tpu.memref_squeeze %dma_start3A_284 : memref<1x80xi32, #tpu.memory_space<vmem>> -> memref<80xi32, #tpu.memory_space<vmem>>
    %dma_start3A_286 = arith.constant 0 : i32
    %dma_start3A_287 = arith.constant 0 : i32
    %dma_start3A_288 = tpu.memref_slice %arg2[%dma_start3A_286, %dma_start3A_287] : memref<10000x144xf32, #tpu.memory_space<hbm>> -> memref<10000x144xf32, #tpu.memory_space<hbm>>
    tpu.enqueue_indirect_dma source(%dma_start3A_288 : memref<10000x144xf32, #tpu.memory_space<hbm>>) target(%arg14 : memref<80x144xf32, #tpu.memory_space<vmem>>) offsets(%dma_start3A_285 : memref<80xi32, #tpu.memory_space<vmem>>) semaphore(%arg24 : memref<!tpu.dma_semaphore, #tpu.memory_space<semaphore_mem>>)
    %dma_start3A_289 = arith.constant 1 : i32
    %dma_start3A_290 = arith.constant 0 : i32
    %dma_start3A_291 = tpu.memref_slice %arg8[%dma_start3A_289, %dma_start3A_290] : memref<2x80xi32, #tpu.memory_space<vmem>> -> memref<1x80xi32, #tpu.memory_space<vmem>>
    %dma_start3A_292 = tpu.memref_squeeze %dma_start3A_291 : memref<1x80xi32, #tpu.memory_space<vmem>> -> memref<80xi32, #tpu.memory_space<vmem>>
    %dma_start3A_293 = arith.constant 0 : i32
    %dma_start3A_294 = arith.constant 0 : i32
    %dma_start3A_295 = tpu.memref_slice %arg3[%dma_start3A_293, %dma_start3A_294] : memref<10000x16xf32, #tpu.memory_space<hbm>> -> memref<10000x16xf32, #tpu.memory_space<hbm>>
    tpu.enqueue_indirect_dma source(%dma_start3A_295 : memref<10000x16xf32, #tpu.memory_space<hbm>>) target(%arg17 : memref<80x16xf32, #tpu.memory_space<vmem>>) offsets(%dma_start3A_292 : memref<80xi32, #tpu.memory_space<vmem>>) semaphore(%arg24 : memref<!tpu.dma_semaphore, #tpu.memory_space<semaphore_mem>>)
    %dma_start3A_296 = arith.constant 0 : i32
    %dma_start3A_297 = arith.constant 0 : i32
    %dma_start3A_298 = tpu.memref_slice %arg19[%dma_start3A_296, %dma_start3A_297] : memref<10000x144xf32, #tpu.memory_space<vmem_shared>> -> memref<10000x144xf32, #tpu.memory_space<vmem_shared>>
    tpu.enqueue_indirect_dma source(%arg15 : memref<80x144xf32, #tpu.memory_space<vmem>>) target(%dma_start3A_298 : memref<10000x144xf32, #tpu.memory_space<vmem_shared>>) offsets(%arg12 : memref<80xi32, #tpu.memory_space<vmem>>) semaphore(%arg28 : memref<!tpu.dma_semaphore, #tpu.memory_space<semaphore_mem>>) {add = true}
    %scan3A_299 = arith.constant 0 : i32
    %scan3A_300 = arith.constant 0 : i32
    %scan3A_301 = arith.constant 40 : i32
    %scan3A_302 = arith.addi %scan3A_300, %scan3A_301 : i32
    %scan3A_303 = arith.constant 1 : i32
    scf.for %scan3A_421 = %scan3A_300 to %scan3A_302 step %scan3A_303  : i32 {
      %mul3A_422 = arith.constant 3 : i32
      %mul3A_423 = arith.muli %mul3A_422, %scan3A_421 : i32
      %add3A_424 = arith.constant 3 : i32
      %add3A_425 = arith.addi %mul3A_423, %add3A_424 : i32
      %dma_wait3A_426 = arith.constant 0 : i32
      %dma_wait3A_427 = arith.constant 0 : i32
      %dma_wait3A_428 = tpu.memref_slice %arg7[%dma_wait3A_426, %dma_wait3A_427] : memref<2x80xi32, #tpu.memory_space<vmem>> -> memref<1x80xi32, #tpu.memory_space<vmem>>
      %dma_wait3A_429 = tpu.memref_squeeze %dma_wait3A_428 : memref<1x80xi32, #tpu.memory_space<vmem>> -> memref<80xi32, #tpu.memory_space<vmem>>
      %dma_wait3A_430 = arith.constant 0 : i32
      %dma_wait3A_431 = arith.constant 0 : i32
      %dma_wait3A_432 = tpu.memref_slice %arg2[%dma_wait3A_430, %dma_wait3A_431] : memref<10000x144xf32, #tpu.memory_space<hbm>> -> memref<10000x144xf32, #tpu.memory_space<hbm>>
      tpu.wait_indirect_dma semaphore(%arg23 : memref<!tpu.dma_semaphore, #tpu.memory_space<semaphore_mem>>) src(%dma_wait3A_432 : memref<10000x144xf32, #tpu.memory_space<hbm>>) dst(%arg13 : memref<80x144xf32, #tpu.memory_space<vmem>>)
      %dma_wait3A_433 = arith.constant 1 : i32
      %dma_wait3A_434 = arith.constant 0 : i32
      %dma_wait3A_435 = tpu.memref_slice %arg7[%dma_wait3A_433, %dma_wait3A_434] : memref<2x80xi32, #tpu.memory_space<vmem>> -> memref<1x80xi32, #tpu.memory_space<vmem>>
      %dma_wait3A_436 = tpu.memref_squeeze %dma_wait3A_435 : memref<1x80xi32, #tpu.memory_space<vmem>> -> memref<80xi32, #tpu.memory_space<vmem>>
      %dma_wait3A_437 = arith.constant 0 : i32
      %dma_wait3A_438 = arith.constant 0 : i32
      %dma_wait3A_439 = tpu.memref_slice %arg3[%dma_wait3A_437, %dma_wait3A_438] : memref<10000x16xf32, #tpu.memory_space<hbm>> -> memref<10000x16xf32, #tpu.memory_space<hbm>>
      tpu.wait_indirect_dma semaphore(%arg23 : memref<!tpu.dma_semaphore, #tpu.memory_space<semaphore_mem>>) src(%dma_wait3A_439 : memref<10000x16xf32, #tpu.memory_space<hbm>>) dst(%arg16 : memref<80x16xf32, #tpu.memory_space<vmem>>)
      %get3A_440 = arith.constant 1 : i32
      %get3A_441 = arith.index_cast %get3A_440 : i32 to index
      %get3A_442 = arith.constant 0 : index
      %get3A_443 = tpu.vector_load %arg7[%get3A_441, %get3A_442] {strides = array<i32>} : memref<2x80xi32, #tpu.memory_space<vmem>>, vector<16xi32>,
      %swap3A_444 = arith.constant 0 : index
      %swap3A_445 = tpu.vector_load %arg10[%swap3A_444] {strides = array<i32>} : memref<80xi32, #tpu.memory_space<vmem>>, vector<16xi32>,
      tpu.vector_store %arg10[%swap3A_444], %get3A_443 {strides = array<i32>} : memref<80xi32, #tpu.memory_space<vmem>>, vector<16xi32>,
      %get3A_446 = arith.constant 1 : i32
      %get3A_447 = arith.index_cast %get3A_446 : i32 to index
      %get3A_448 = arith.constant 16 : index
      %get3A_449 = tpu.vector_load %arg7[%get3A_447, %get3A_448] {strides = array<i32>} : memref<2x80xi32, #tpu.memory_space<vmem>>, vector<16xi32>,
      %swap3A_450 = arith.constant 16 : index
      %swap3A_451 = tpu.vector_load %arg10[%swap3A_450] {strides = array<i32>} : memref<80xi32, #tpu.memory_space<vmem>>, vector<16xi32>,
      tpu.vector_store %arg10[%swap3A_450], %get3A_449 {strides = array<i32>} : memref<80xi32, #tpu.memory_space<vmem>>, vector<16xi32>,
      %get3A_452 = arith.constant 1 : i32
      %get3A_453 = arith.index_cast %get3A_452 : i32 to index
      %get3A_454 = arith.constant 32 : index
      %get3A_455 = tpu.vector_load %arg7[%get3A_453, %get3A_454] {strides = array<i32>} : memref<2x80xi32, #tpu.memory_space<vmem>>, vector<16xi32>,
      %swap3A_456 = arith.constant 32 : index
      %swap3A_457 = tpu.vector_load %arg10[%swap3A_456] {strides = array<i32>} : memref<80xi32, #tpu.memory_space<vmem>>, vector<16xi32>,
      tpu.vector_store %arg10[%swap3A_456], %get3A_455 {strides = array<i32>} : memref<80xi32, #tpu.memory_space<vmem>>, vector<16xi32>,
      %get3A_458 = arith.constant 1 : i32
      %get3A_459 = arith.index_cast %get3A_458 : i32 to index
      %get3A_460 = arith.constant 48 : index
      %get3A_461 = tpu.vector_load %arg7[%get3A_459, %get3A_460] {strides = array<i32>} : memref<2x80xi32, #tpu.memory_space<vmem>>, vector<16xi32>,
      %swap3A_462 = arith.constant 48 : index
      %swap3A_463 = tpu.vector_load %arg10[%swap3A_462] {strides = array<i32>} : memref<80xi32, #tpu.memory_space<vmem>>, vector<16xi32>,
      tpu.vector_store %arg10[%swap3A_462], %get3A_461 {strides = array<i32>} : memref<80xi32, #tpu.memory_space<vmem>>, vector<16xi32>,
      %get3A_464 = arith.constant 1 : i32
      %get3A_465 = arith.index_cast %get3A_464 : i32 to index
      %get3A_466 = arith.constant 64 : index
      %get3A_467 = tpu.vector_load %arg7[%get3A_465, %get3A_466] {strides = array<i32>} : memref<2x80xi32, #tpu.memory_space<vmem>>, vector<16xi32>,
      %swap3A_468 = arith.constant 64 : index
      %swap3A_469 = tpu.vector_load %arg10[%swap3A_468] {strides = array<i32>} : memref<80xi32, #tpu.memory_space<vmem>>, vector<16xi32>,
      tpu.vector_store %arg10[%swap3A_468], %get3A_467 {strides = array<i32>} : memref<80xi32, #tpu.memory_space<vmem>>, vector<16xi32>,
      %add3A_470 = arith.constant 3 : i32
      %add3A_471 = arith.addi %add3A_425, %add3A_470 : i32
      %lt3A_472 = arith.constant 125 : i32
      %lt3A_473 = arith.cmpi slt, %add3A_471, %lt3A_472 : i32
      %convert_element_type3A = arith.extui %lt3A_473 : i1 to i32
      %cond3A = arith.constant 0 : i32
      %cond3A_474 = arith.cmpi ne, %convert_element_type3A, %cond3A : i32
      scf.if %cond3A_474 {
        %add3A_629 = arith.constant 3 : i32
        %add3A_630 = arith.addi %add3A_425, %add3A_629 : i32
        %dma_start3A_631 = arith.constant 0 : i32
        %dma_start3A_632 = arith.constant 0 : i32
        %dma_start3A_633 = tpu.memref_slice %arg4[%add3A, %add3A_630, %dma_start3A_631, %dma_start3A_632] : memref<32x125x2x80xi32, #tpu.memory_space<hbm>> -> memref<1x1x2x80xi32, #tpu.memory_space<hbm>>
        %dma_start3A_634 = tpu.memref_squeeze %dma_start3A_633 : memref<1x1x2x80xi32, #tpu.memory_space<hbm>> -> memref<2x80xi32, #tpu.memory_space<hbm>>
        %dma_start3A_635 = arith.constant 0 : i32
        %dma_start3A_636 = arith.constant 0 : i32
        %dma_start3A_637 = tpu.memref_slice %arg4[%add3A, %add3A_630, %dma_start3A_635, %dma_start3A_636] : memref<32x125x2x80xi32, #tpu.memory_space<hbm>> -> memref<1x1x2x80xi32, #tpu.memory_space<hbm>>
        %dma_start3A_638 = tpu.memref_squeeze %dma_start3A_637 : memref<1x1x2x80xi32, #tpu.memory_space<hbm>> -> memref<2x80xi32, #tpu.memory_space<hbm>>
        tpu.enqueue_dma source(%dma_start3A_638 : memref<2x80xi32, #tpu.memory_space<hbm>>) target(%arg7 : memref<2x80xi32, #tpu.memory_space<vmem>>) target_semaphore(%arg20 : memref<!tpu.dma_semaphore, #tpu.memory_space<semaphore_mem>>)
      } else {
      }
      %scan3A_475 = arith.constant 0 : i32
      %scan3A_476 = arith.constant 0 : i32
      %scan3A_477 = arith.constant 80 : i32
      %scan3A_478 = arith.addi %scan3A_476, %scan3A_477 : i32
      %scan3A_479 = arith.constant 1 : i32
      scf.for %scan3A_629 = %scan3A_476 to %scan3A_478 step %scan3A_479  : i32 {
        %get3A_630 = arith.index_cast %scan3A_629 : i32 to index
        %get3A_631 = arith.constant 128 : index
        %get3A_632 = tpu.vector_load %arg13[%get3A_630, %get3A_631] {strides = array<i32>} : memref<80x144xf32, #tpu.memory_space<vmem>>, vector<16xf32>,
        %get3A_633 = arith.index_cast %scan3A_629 : i32 to index
        %get3A_634 = arith.constant 0 : index
        %get3A_635 = tpu.vector_load %arg16[%get3A_633, %get3A_634] {strides = array<i32>} : memref<80x16xf32, #tpu.memory_space<vmem>>, vector<16xf32>,
        %add3A_636 = arith.addf %get3A_632, %get3A_635 : vector<16xf32>
        %ge3A = arith.constant 0.000000e+00 : f32
        %ge3A_637 = vector.broadcast %ge3A : f32 to vector<16xf32>
        %ge3A_638 = arith.cmpf oge, %add3A_636, %ge3A_637 : vector<16xf32>
        %mul3A_639 = arith.constant 2.000000e-01 : f32
        %mul3A_640 = vector.broadcast %mul3A_639 : f32 to vector<16xf32>
        %mul3A_641 = arith.mulf %mul3A_640, %add3A_636 : vector<16xf32>
        %select_n3A = arith.select %ge3A_638, %add3A_636, %mul3A_641 : vector<16xi1>, vector<16xf32>
        %exp3A = math.exp %select_n3A : vector<16xf32>
        %jit3A = arith.constant 0.000000e+00 : f32
        %broadcast_in_dim3A = vector.broadcast %jit3A : f32 to vector<16xf32>
        %select_n3A_642 = arith.select %lt3A_4, %exp3A, %broadcast_in_dim3A : vector<16xi1>, vector<16xf32>
        %swap3A_643 = arith.index_cast %scan3A_629 : i32 to index
        %swap3A_644 = arith.constant 128 : index
        %swap3A_645 = tpu.vector_load %arg13[%swap3A_643, %swap3A_644] {strides = array<i32>} : memref<80x144xf32, #tpu.memory_space<vmem>>, vector<16xf32>,
        tpu.vector_store %arg13[%swap3A_643, %swap3A_644], %select_n3A_642 {strides = array<i32>} : memref<80x144xf32, #tpu.memory_space<vmem>>, vector<16xf32>,
        %slice3A = vector.extract_strided_slice %select_n3A_642 {offsets = [0], sizes = [1], strides = [1]} : vector<16xf32> to vector<1xf32>
        %squeeze3A = vector.extract %slice3A[0] : f32 from vector<1xf32>
        %get3A_646 = arith.index_cast %scan3A_629 : i32 to index
        %get3A_647 = arith.constant 0 : index
        %get3A_648 = tpu.vector_load %arg13[%get3A_646, %get3A_647] {strides = array<i32>} : memref<80x144xf32, #tpu.memory_space<vmem>>, vector<16xf32>,
        %mul3A_649 = vector.broadcast %squeeze3A : f32 to vector<16xf32>
        %mul3A_650 = arith.mulf %get3A_648, %mul3A_649 : vector<16xf32>
        %swap3A_651 = arith.index_cast %scan3A_629 : i32 to index
        %swap3A_652 = arith.constant 0 : index
        %swap3A_653 = tpu.vector_load %arg13[%swap3A_651, %swap3A_652] {strides = array<i32>} : memref<80x144xf32, #tpu.memory_space<vmem>>, vector<16xf32>,
        tpu.vector_store %arg13[%swap3A_651, %swap3A_652], %mul3A_650 {strides = array<i32>} : memref<80x144xf32, #tpu.memory_space<vmem>>, vector<16xf32>,
        %slice3A_654 = vector.extract_strided_slice %select_n3A_642 {offsets = [1], sizes = [1], strides = [1]} : vector<16xf32> to vector<1xf32>
        %squeeze3A_655 = vector.extract %slice3A_654[0] : f32 from vector<1xf32>
        %get3A_656 = arith.index_cast %scan3A_629 : i32 to index
        %get3A_657 = arith.constant 16 : index
        %get3A_658 = tpu.vector_load %arg13[%get3A_656, %get3A_657] {strides = array<i32>} : memref<80x144xf32, #tpu.memory_space<vmem>>, vector<16xf32>,
        %mul3A_659 = vector.broadcast %squeeze3A_655 : f32 to vector<16xf32>
        %mul3A_660 = arith.mulf %get3A_658, %mul3A_659 : vector<16xf32>
        %swap3A_661 = arith.index_cast %scan3A_629 : i32 to index
        %swap3A_662 = arith.constant 16 : index
        %swap3A_663 = tpu.vector_load %arg13[%swap3A_661, %swap3A_662] {strides = array<i32>} : memref<80x144xf32, #tpu.memory_space<vmem>>, vector<16xf32>,
        tpu.vector_store %arg13[%swap3A_661, %swap3A_662], %mul3A_660 {strides = array<i32>} : memref<80x144xf32, #tpu.memory_space<vmem>>, vector<16xf32>,
        %slice3A_664 = vector.extract_strided_slice %select_n3A_642 {offsets = [2], sizes = [1], strides = [1]} : vector<16xf32> to vector<1xf32>
        %squeeze3A_665 = vector.extract %slice3A_664[0] : f32 from vector<1xf32>
        %get3A_666 = arith.index_cast %scan3A_629 : i32 to index
        %get3A_667 = arith.constant 32 : index
        %get3A_668 = tpu.vector_load %arg13[%get3A_666, %get3A_667] {strides = array<i32>} : memref<80x144xf32, #tpu.memory_space<vmem>>, vector<16xf32>,
        %mul3A_669 = vector.broadcast %squeeze3A_665 : f32 to vector<16xf32>
        %mul3A_670 = arith.mulf %get3A_668, %mul3A_669 : vector<16xf32>
        %swap3A_671 = arith.index_cast %scan3A_629 : i32 to index
        %swap3A_672 = arith.constant 32 : index
        %swap3A_673 = tpu.vector_load %arg13[%swap3A_671, %swap3A_672] {strides = array<i32>} : memref<80x144xf32, #tpu.memory_space<vmem>>, vector<16xf32>,
        tpu.vector_store %arg13[%swap3A_671, %swap3A_672], %mul3A_670 {strides = array<i32>} : memref<80x144xf32, #tpu.memory_space<vmem>>, vector<16xf32>,
        %slice3A_674 = vector.extract_strided_slice %select_n3A_642 {offsets = [3], sizes = [1], strides = [1]} : vector<16xf32> to vector<1xf32>
        %squeeze3A_675 = vector.extract %slice3A_674[0] : f32 from vector<1xf32>
        %get3A_676 = arith.index_cast %scan3A_629 : i32 to index
        %get3A_677 = arith.constant 48 : index
        %get3A_678 = tpu.vector_load %arg13[%get3A_676, %get3A_677] {strides = array<i32>} : memref<80x144xf32, #tpu.memory_space<vmem>>, vector<16xf32>,
        %mul3A_679 = vector.broadcast %squeeze3A_675 : f32 to vector<16xf32>
        %mul3A_680 = arith.mulf %get3A_678, %mul3A_679 : vector<16xf32>
        %swap3A_681 = arith.index_cast %scan3A_629 : i32 to index
        %swap3A_682 = arith.constant 48 : index
        %swap3A_683 = tpu.vector_load %arg13[%swap3A_681, %swap3A_682] {strides = array<i32>} : memref<80x144xf32, #tpu.memory_space<vmem>>, vector<16xf32>,
        tpu.vector_store %arg13[%swap3A_681, %swap3A_682], %mul3A_680 {strides = array<i32>} : memref<80x144xf32, #tpu.memory_space<vmem>>, vector<16xf32>,
        %slice3A_684 = vector.extract_strided_slice %select_n3A_642 {offsets = [4], sizes = [1], strides = [1]} : vector<16xf32> to vector<1xf32>
        %squeeze3A_685 = vector.extract %slice3A_684[0] : f32 from vector<1xf32>
        %get3A_686 = arith.index_cast %scan3A_629 : i32 to index
        %get3A_687 = arith.constant 64 : index
        %get3A_688 = tpu.vector_load %arg13[%get3A_686, %get3A_687] {strides = array<i32>} : memref<80x144xf32, #tpu.memory_space<vmem>>, vector<16xf32>,
        %mul3A_689 = vector.broadcast %squeeze3A_685 : f32 to vector<16xf32>
        %mul3A_690 = arith.mulf %get3A_688, %mul3A_689 : vector<16xf32>
        %swap3A_691 = arith.index_cast %scan3A_629 : i32 to index
        %swap3A_692 = arith.constant 64 : index
        %swap3A_693 = tpu.vector_load %arg13[%swap3A_691, %swap3A_692] {strides = array<i32>} : memref<80x144xf32, #tpu.memory_space<vmem>>, vector<16xf32>,
        tpu.vector_store %arg13[%swap3A_691, %swap3A_692], %mul3A_690 {strides = array<i32>} : memref<80x144xf32, #tpu.memory_space<vmem>>, vector<16xf32>,
        %slice3A_694 = vector.extract_strided_slice %select_n3A_642 {offsets = [5], sizes = [1], strides = [1]} : vector<16xf32> to vector<1xf32>
        %squeeze3A_695 = vector.extract %slice3A_694[0] : f32 from vector<1xf32>
        %get3A_696 = arith.index_cast %scan3A_629 : i32 to index
        %get3A_697 = arith.constant 80 : index
        %get3A_698 = tpu.vector_load %arg13[%get3A_696, %get3A_697] {strides = array<i32>} : memref<80x144xf32, #tpu.memory_space<vmem>>, vector<16xf32>,
        %mul3A_699 = vector.broadcast %squeeze3A_695 : f32 to vector<16xf32>
        %mul3A_700 = arith.mulf %get3A_698, %mul3A_699 : vector<16xf32>
        %swap3A_701 = arith.index_cast %scan3A_629 : i32 to index
        %swap3A_702 = arith.constant 80 : index
        %swap3A_703 = tpu.vector_load %arg13[%swap3A_701, %swap3A_702] {strides = array<i32>} : memref<80x144xf32, #tpu.memory_space<vmem>>, vector<16xf32>,
        tpu.vector_store %arg13[%swap3A_701, %swap3A_702], %mul3A_700 {strides = array<i32>} : memref<80x144xf32, #tpu.memory_space<vmem>>, vector<16xf32>,
        %slice3A_704 = vector.extract_strided_slice %select_n3A_642 {offsets = [6], sizes = [1], strides = [1]} : vector<16xf32> to vector<1xf32>
        %squeeze3A_705 = vector.extract %slice3A_704[0] : f32 from vector<1xf32>
        %get3A_706 = arith.index_cast %scan3A_629 : i32 to index
        %get3A_707 = arith.constant 96 : index
        %get3A_708 = tpu.vector_load %arg13[%get3A_706, %get3A_707] {strides = array<i32>} : memref<80x144xf32, #tpu.memory_space<vmem>>, vector<16xf32>,
        %mul3A_709 = vector.broadcast %squeeze3A_705 : f32 to vector<16xf32>
        %mul3A_710 = arith.mulf %get3A_708, %mul3A_709 : vector<16xf32>
        %swap3A_711 = arith.index_cast %scan3A_629 : i32 to index
        %swap3A_712 = arith.constant 96 : index
        %swap3A_713 = tpu.vector_load %arg13[%swap3A_711, %swap3A_712] {strides = array<i32>} : memref<80x144xf32, #tpu.memory_space<vmem>>, vector<16xf32>,
        tpu.vector_store %arg13[%swap3A_711, %swap3A_712], %mul3A_710 {strides = array<i32>} : memref<80x144xf32, #tpu.memory_space<vmem>>, vector<16xf32>,
        %slice3A_714 = vector.extract_strided_slice %select_n3A_642 {offsets = [7], sizes = [1], strides = [1]} : vector<16xf32> to vector<1xf32>
        %squeeze3A_715 = vector.extract %slice3A_714[0] : f32 from vector<1xf32>
        %get3A_716 = arith.index_cast %scan3A_629 : i32 to index
        %get3A_717 = arith.constant 112 : index
        %get3A_718 = tpu.vector_load %arg13[%get3A_716, %get3A_717] {strides = array<i32>} : memref<80x144xf32, #tpu.memory_space<vmem>>, vector<16xf32>,
        %mul3A_719 = vector.broadcast %squeeze3A_715 : f32 to vector<16xf32>
        %mul3A_720 = arith.mulf %get3A_718, %mul3A_719 : vector<16xf32>
        %swap3A_721 = arith.index_cast %scan3A_629 : i32 to index
        %swap3A_722 = arith.constant 112 : index
        %swap3A_723 = tpu.vector_load %arg13[%swap3A_721, %swap3A_722] {strides = array<i32>} : memref<80x144xf32, #tpu.memory_space<vmem>>, vector<16xf32>,
        tpu.vector_store %arg13[%swap3A_721, %swap3A_722], %mul3A_720 {strides = array<i32>} : memref<80x144xf32, #tpu.memory_space<vmem>>, vector<16xf32>,
      }
      %scan3A_480 = arith.constant 80 : i32
      %add3A_481 = arith.constant 2 : i32
      %add3A_482 = arith.addi %add3A_425, %add3A_481 : i32
      %lt3A_483 = arith.constant 125 : i32
      %lt3A_484 = arith.cmpi slt, %add3A_482, %lt3A_483 : i32
      %convert_element_type3A_485 = arith.extui %lt3A_484 : i1 to i32
      %cond3A_486 = arith.constant 0 : i32
      %cond3A_487 = arith.cmpi ne, %convert_element_type3A_485, %cond3A_486 : i32
      scf.if %cond3A_487 {
        %dma_wait3A_629 = arith.constant 0 : i32
        %dma_wait3A_630 = arith.constant 0 : i32
        %dma_wait3A_631 = tpu.memref_slice %arg19[%dma_wait3A_629, %dma_wait3A_630] : memref<10000x144xf32, #tpu.memory_space<vmem_shared>> -> memref<10000x144xf32, #tpu.memory_space<vmem_shared>>
        tpu.wait_indirect_dma semaphore(%arg28 : memref<!tpu.dma_semaphore, #tpu.memory_space<semaphore_mem>>) src(%arg15 : memref<80x144xf32, #tpu.memory_space<vmem>>) dst(%dma_wait3A_631 : memref<10000x144xf32, #tpu.memory_space<vmem_shared>>)
        %add3A_632 = arith.constant 2 : i32
        %add3A_633 = arith.addi %add3A_425, %add3A_632 : i32
        %dma_wait3A_634 = arith.constant 0 : i32
        %dma_wait3A_635 = arith.constant 0 : i32
        %dma_wait3A_636 = tpu.memref_slice %arg4[%add3A, %add3A_633, %dma_wait3A_634, %dma_wait3A_635] : memref<32x125x2x80xi32, #tpu.memory_space<hbm>> -> memref<1x1x2x80xi32, #tpu.memory_space<hbm>>
        %dma_wait3A_637 = tpu.memref_squeeze %dma_wait3A_636 : memref<1x1x2x80xi32, #tpu.memory_space<hbm>> -> memref<2x80xi32, #tpu.memory_space<hbm>>
        %dma_wait3A_638 = arith.constant 0 : i32
        %dma_wait3A_639 = arith.constant 0 : i32
        %dma_wait3A_640 = tpu.memref_slice %arg4[%add3A, %add3A_633, %dma_wait3A_638, %dma_wait3A_639] : memref<32x125x2x80xi32, #tpu.memory_space<hbm>> -> memref<1x1x2x80xi32, #tpu.memory_space<hbm>>
        %dma_wait3A_641 = tpu.memref_squeeze %dma_wait3A_640 : memref<1x1x2x80xi32, #tpu.memory_space<hbm>> -> memref<2x80xi32, #tpu.memory_space<hbm>>
        tpu.wait_dma2 semaphore(%arg22 : memref<!tpu.dma_semaphore, #tpu.memory_space<semaphore_mem>>) src(%dma_wait3A_641 : memref<2x80xi32, #tpu.memory_space<hbm>>) dst(%arg9 : memref<2x80xi32, #tpu.memory_space<vmem>>)
        %dma_start3A_642 = arith.constant 0 : i32
        %dma_start3A_643 = arith.constant 0 : i32
        %dma_start3A_644 = tpu.memref_slice %arg9[%dma_start3A_642, %dma_start3A_643] : memref<2x80xi32, #tpu.memory_space<vmem>> -> memref<1x80xi32, #tpu.memory_space<vmem>>
        %dma_start3A_645 = tpu.memref_squeeze %dma_start3A_644 : memref<1x80xi32, #tpu.memory_space<vmem>> -> memref<80xi32, #tpu.memory_space<vmem>>
        %dma_start3A_646 = arith.constant 0 : i32
        %dma_start3A_647 = arith.constant 0 : i32
        %dma_start3A_648 = tpu.memref_slice %arg2[%dma_start3A_646, %dma_start3A_647] : memref<10000x144xf32, #tpu.memory_space<hbm>> -> memref<10000x144xf32, #tpu.memory_space<hbm>>
        tpu.enqueue_indirect_dma source(%dma_start3A_648 : memref<10000x144xf32, #tpu.memory_space<hbm>>) target(%arg15 : memref<80x144xf32, #tpu.memory_space<vmem>>) offsets(%dma_start3A_645 : memref<80xi32, #tpu.memory_space<vmem>>) semaphore(%arg25 : memref<!tpu.dma_semaphore, #tpu.memory_space<semaphore_mem>>)
        %dma_start3A_649 = arith.constant 1 : i32
        %dma_start3A_650 = arith.constant 0 : i32
        %dma_start3A_651 = tpu.memref_slice %arg9[%dma_start3A_649, %dma_start3A_650] : memref<2x80xi32, #tpu.memory_space<vmem>> -> memref<1x80xi32, #tpu.memory_space<vmem>>
        %dma_start3A_652 = tpu.memref_squeeze %dma_start3A_651 : memref<1x80xi32, #tpu.memory_space<vmem>> -> memref<80xi32, #tpu.memory_space<vmem>>
        %dma_start3A_653 = arith.constant 0 : i32
        %dma_start3A_654 = arith.constant 0 : i32
        %dma_start3A_655 = tpu.memref_slice %arg3[%dma_start3A_653, %dma_start3A_654] : memref<10000x16xf32, #tpu.memory_space<hbm>> -> memref<10000x16xf32, #tpu.memory_space<hbm>>
        tpu.enqueue_indirect_dma source(%dma_start3A_655 : memref<10000x16xf32, #tpu.memory_space<hbm>>) target(%arg18 : memref<80x16xf32, #tpu.memory_space<vmem>>) offsets(%dma_start3A_652 : memref<80xi32, #tpu.memory_space<vmem>>) semaphore(%arg25 : memref<!tpu.dma_semaphore, #tpu.memory_space<semaphore_mem>>)
      } else {
      }
      %dma_start3A_488 = arith.constant 0 : i32
      %dma_start3A_489 = arith.constant 0 : i32
      %dma_start3A_490 = tpu.memref_slice %arg19[%dma_start3A_488, %dma_start3A_489] : memref<10000x144xf32, #tpu.memory_space<vmem_shared>> -> memref<10000x144xf32, #tpu.memory_space<vmem_shared>>
      tpu.enqueue_indirect_dma source(%arg13 : memref<80x144xf32, #tpu.memory_space<vmem>>) target(%dma_start3A_490 : memref<10000x144xf32, #tpu.memory_space<vmem_shared>>) offsets(%arg10 : memref<80xi32, #tpu.memory_space<vmem>>) semaphore(%arg26 : memref<!tpu.dma_semaphore, #tpu.memory_space<semaphore_mem>>) {add = true}
      %add3A_491 = arith.constant 1 : i32
      %add3A_492 = arith.addi %add3A_425, %add3A_491 : i32
      %dma_wait3A_493 = arith.constant 0 : i32
      %dma_wait3A_494 = arith.constant 0 : i32
      %dma_wait3A_495 = tpu.memref_slice %arg8[%dma_wait3A_493, %dma_wait3A_494] : memref<2x80xi32, #tpu.memory_space<vmem>> -> memref<1x80xi32, #tpu.memory_space<vmem>>
      %dma_wait3A_496 = tpu.memref_squeeze %dma_wait3A_495 : memref<1x80xi32, #tpu.memory_space<vmem>> -> memref<80xi32, #tpu.memory_space<vmem>>
      %dma_wait3A_497 = arith.constant 0 : i32
      %dma_wait3A_498 = arith.constant 0 : i32
      %dma_wait3A_499 = tpu.memref_slice %arg2[%dma_wait3A_497, %dma_wait3A_498] : memref<10000x144xf32, #tpu.memory_space<hbm>> -> memref<10000x144xf32, #tpu.memory_space<hbm>>
      tpu.wait_indirect_dma semaphore(%arg24 : memref<!tpu.dma_semaphore, #tpu.memory_space<semaphore_mem>>) src(%dma_wait3A_499 : memref<10000x144xf32, #tpu.memory_space<hbm>>) dst(%arg14 : memref<80x144xf32, #tpu.memory_space<vmem>>)
      %dma_wait3A_500 = arith.constant 1 : i32
      %dma_wait3A_501 = arith.constant 0 : i32
      %dma_wait3A_502 = tpu.memref_slice %arg8[%dma_wait3A_500, %dma_wait3A_501] : memref<2x80xi32, #tpu.memory_space<vmem>> -> memref<1x80xi32, #tpu.memory_space<vmem>>
      %dma_wait3A_503 = tpu.memref_squeeze %dma_wait3A_502 : memref<1x80xi32, #tpu.memory_space<vmem>> -> memref<80xi32, #tpu.memory_space<vmem>>
      %dma_wait3A_504 = arith.constant 0 : i32
      %dma_wait3A_505 = arith.constant 0 : i32
      %dma_wait3A_506 = tpu.memref_slice %arg3[%dma_wait3A_504, %dma_wait3A_505] : memref<10000x16xf32, #tpu.memory_space<hbm>> -> memref<10000x16xf32, #tpu.memory_space<hbm>>
      tpu.wait_indirect_dma semaphore(%arg24 : memref<!tpu.dma_semaphore, #tpu.memory_space<semaphore_mem>>) src(%dma_wait3A_506 : memref<10000x16xf32, #tpu.memory_space<hbm>>) dst(%arg17 : memref<80x16xf32, #tpu.memory_space<vmem>>)
      %get3A_507 = arith.constant 1 : i32
      %get3A_508 = arith.index_cast %get3A_507 : i32 to index
      %get3A_509 = arith.constant 0 : index
      %get3A_510 = tpu.vector_load %arg8[%get3A_508, %get3A_509] {strides = array<i32>} : memref<2x80xi32, #tpu.memory_space<vmem>>, vector<16xi32>,
      %swap3A_511 = arith.constant 0 : index
      %swap3A_512 = tpu.vector_load %arg11[%swap3A_511] {strides = array<i32>} : memref<80xi32, #tpu.memory_space<vmem>>, vector<16xi32>,
      tpu.vector_store %arg11[%swap3A_511], %get3A_510 {strides = array<i32>} : memref<80xi32, #tpu.memory_space<vmem>>, vector<16xi32>,
      %get3A_513 = arith.constant 1 : i32
      %get3A_514 = arith.index_cast %get3A_513 : i32 to index
      %get3A_515 = arith.constant 16 : index
      %get3A_516 = tpu.vector_load %arg8[%get3A_514, %get3A_515] {strides = array<i32>} : memref<2x80xi32, #tpu.memory_space<vmem>>, vector<16xi32>,
      %swap3A_517 = arith.constant 16 : index
      %swap3A_518 = tpu.vector_load %arg11[%swap3A_517] {strides = array<i32>} : memref<80xi32, #tpu.memory_space<vmem>>, vector<16xi32>,
      tpu.vector_store %arg11[%swap3A_517], %get3A_516 {strides = array<i32>} : memref<80xi32, #tpu.memory_space<vmem>>, vector<16xi32>,
      %get3A_519 = arith.constant 1 : i32
      %get3A_520 = arith.index_cast %get3A_519 : i32 to index
      %get3A_521 = arith.constant 32 : index
      %get3A_522 = tpu.vector_load %arg8[%get3A_520, %get3A_521] {strides = array<i32>} : memref<2x80xi32, #tpu.memory_space<vmem>>, vector<16xi32>,
      %swap3A_523 = arith.constant 32 : index
      %swap3A_524 = tpu.vector_load %arg11[%swap3A_523] {strides = array<i32>} : memref<80xi32, #tpu.memory_space<vmem>>, vector<16xi32>,
      tpu.vector_store %arg11[%swap3A_523], %get3A_522 {strides = array<i32>} : memref<80xi32, #tpu.memory_space<vmem>>, vector<16xi32>,
      %get3A_525 = arith.constant 1 : i32
      %get3A_526 = arith.index_cast %get3A_525 : i32 to index
      %get3A_527 = arith.constant 48 : index
      %get3A_528 = tpu.vector_load %arg8[%get3A_526, %get3A_527] {strides = array<i32>} : memref<2x80xi32, #tpu.memory_space<vmem>>, vector<16xi32>,
      %swap3A_529 = arith.constant 48 : index
      %swap3A_530 = tpu.vector_load %arg11[%swap3A_529] {strides = array<i32>} : memref<80xi32, #tpu.memory_space<vmem>>, vector<16xi32>,
      tpu.vector_store %arg11[%swap3A_529], %get3A_528 {strides = array<i32>} : memref<80xi32, #tpu.memory_space<vmem>>, vector<16xi32>,
      %get3A_531 = arith.constant 1 : i32
      %get3A_532 = arith.index_cast %get3A_531 : i32 to index
      %get3A_533 = arith.constant 64 : index
      %get3A_534 = tpu.vector_load %arg8[%get3A_532, %get3A_533] {strides = array<i32>} : memref<2x80xi32, #tpu.memory_space<vmem>>, vector<16xi32>,
      %swap3A_535 = arith.constant 64 : index
      %swap3A_536 = tpu.vector_load %arg11[%swap3A_535] {strides = array<i32>} : memref<80xi32, #tpu.memory_space<vmem>>, vector<16xi32>,
      tpu.vector_store %arg11[%swap3A_535], %get3A_534 {strides = array<i32>} : memref<80xi32, #tpu.memory_space<vmem>>, vector<16xi32>,
      %add3A_537 = arith.constant 3 : i32
      %add3A_538 = arith.addi %add3A_492, %add3A_537 : i32
      %lt3A_539 = arith.constant 125 : i32
      %lt3A_540 = arith.cmpi slt, %add3A_538, %lt3A_539 : i32
      %convert_element_type3A_541 = arith.extui %lt3A_540 : i1 to i32
      %cond3A_542 = arith.constant 0 : i32
      %cond3A_543 = arith.cmpi ne, %convert_element_type3A_541, %cond3A_542 : i32
      scf.if %cond3A_543 {
        %add3A_629 = arith.constant 3 : i32
        %add3A_630 = arith.addi %add3A_492, %add3A_629 : i32
        %dma_start3A_631 = arith.constant 0 : i32
        %dma_start3A_632 = arith.constant 0 : i32
        %dma_start3A_633 = tpu.memref_slice %arg4[%add3A, %add3A_630, %dma_start3A_631, %dma_start3A_632] : memref<32x125x2x80xi32, #tpu.memory_space<hbm>> -> memref<1x1x2x80xi32, #tpu.memory_space<hbm>>
        %dma_start3A_634 = tpu.memref_squeeze %dma_start3A_633 : memref<1x1x2x80xi32, #tpu.memory_space<hbm>> -> memref<2x80xi32, #tpu.memory_space<hbm>>
        %dma_start3A_635 = arith.constant 0 : i32
        %dma_start3A_636 = arith.constant 0 : i32
        %dma_start3A_637 = tpu.memref_slice %arg4[%add3A, %add3A_630, %dma_start3A_635, %dma_start3A_636] : memref<32x125x2x80xi32, #tpu.memory_space<hbm>> -> memref<1x1x2x80xi32, #tpu.memory_space<hbm>>
        %dma_start3A_638 = tpu.memref_squeeze %dma_start3A_637 : memref<1x1x2x80xi32, #tpu.memory_space<hbm>> -> memref<2x80xi32, #tpu.memory_space<hbm>>
        tpu.enqueue_dma source(%dma_start3A_638 : memref<2x80xi32, #tpu.memory_space<hbm>>) target(%arg8 : memref<2x80xi32, #tpu.memory_space<vmem>>) target_semaphore(%arg21 : memref<!tpu.dma_semaphore, #tpu.memory_space<semaphore_mem>>)
      } else {
      }
      %scan3A_544 = arith.constant 0 : i32
      %scan3A_545 = arith.constant 0 : i32
      %scan3A_546 = arith.constant 80 : i32
      %scan3A_547 = arith.addi %scan3A_545, %scan3A_546 : i32
      %scan3A_548 = arith.constant 1 : i32
      scf.for %scan3A_629 = %scan3A_545 to %scan3A_547 step %scan3A_548  : i32 {
        %get3A_630 = arith.index_cast %scan3A_629 : i32 to index
        %get3A_631 = arith.constant 128 : index
        %get3A_632 = tpu.vector_load %arg14[%get3A_630, %get3A_631] {strides = array<i32>} : memref<80x144xf32, #tpu.memory_space<vmem>>, vector<16xf32>,
        %get3A_633 = arith.index_cast %scan3A_629 : i32 to index
        %get3A_634 = arith.constant 0 : index
        %get3A_635 = tpu.vector_load %arg17[%get3A_633, %get3A_634] {strides = array<i32>} : memref<80x16xf32, #tpu.memory_space<vmem>>, vector<16xf32>,
        %add3A_636 = arith.addf %get3A_632, %get3A_635 : vector<16xf32>
        %ge3A = arith.constant 0.000000e+00 : f32
        %ge3A_637 = vector.broadcast %ge3A : f32 to vector<16xf32>
        %ge3A_638 = arith.cmpf oge, %add3A_636, %ge3A_637 : vector<16xf32>
        %mul3A_639 = arith.constant 2.000000e-01 : f32
        %mul3A_640 = vector.broadcast %mul3A_639 : f32 to vector<16xf32>
        %mul3A_641 = arith.mulf %mul3A_640, %add3A_636 : vector<16xf32>
        %select_n3A = arith.select %ge3A_638, %add3A_636, %mul3A_641 : vector<16xi1>, vector<16xf32>
        %exp3A = math.exp %select_n3A : vector<16xf32>
        %jit3A = arith.constant 0.000000e+00 : f32
        %broadcast_in_dim3A = vector.broadcast %jit3A : f32 to vector<16xf32>
        %select_n3A_642 = arith.select %lt3A_4, %exp3A, %broadcast_in_dim3A : vector<16xi1>, vector<16xf32>
        %swap3A_643 = arith.index_cast %scan3A_629 : i32 to index
        %swap3A_644 = arith.constant 128 : index
        %swap3A_645 = tpu.vector_load %arg14[%swap3A_643, %swap3A_644] {strides = array<i32>} : memref<80x144xf32, #tpu.memory_space<vmem>>, vector<16xf32>,
        tpu.vector_store %arg14[%swap3A_643, %swap3A_644], %select_n3A_642 {strides = array<i32>} : memref<80x144xf32, #tpu.memory_space<vmem>>, vector<16xf32>,
        %slice3A = vector.extract_strided_slice %select_n3A_642 {offsets = [0], sizes = [1], strides = [1]} : vector<16xf32> to vector<1xf32>
        %squeeze3A = vector.extract %slice3A[0] : f32 from vector<1xf32>
        %get3A_646 = arith.index_cast %scan3A_629 : i32 to index
        %get3A_647 = arith.constant 0 : index
        %get3A_648 = tpu.vector_load %arg14[%get3A_646, %get3A_647] {strides = array<i32>} : memref<80x144xf32, #tpu.memory_space<vmem>>, vector<16xf32>,
        %mul3A_649 = vector.broadcast %squeeze3A : f32 to vector<16xf32>
        %mul3A_650 = arith.mulf %get3A_648, %mul3A_649 : vector<16xf32>
        %swap3A_651 = arith.index_cast %scan3A_629 : i32 to index
        %swap3A_652 = arith.constant 0 : index
        %swap3A_653 = tpu.vector_load %arg14[%swap3A_651, %swap3A_652] {strides = array<i32>} : memref<80x144xf32, #tpu.memory_space<vmem>>, vector<16xf32>,
        tpu.vector_store %arg14[%swap3A_651, %swap3A_652], %mul3A_650 {strides = array<i32>} : memref<80x144xf32, #tpu.memory_space<vmem>>, vector<16xf32>,
        %slice3A_654 = vector.extract_strided_slice %select_n3A_642 {offsets = [1], sizes = [1], strides = [1]} : vector<16xf32> to vector<1xf32>
        %squeeze3A_655 = vector.extract %slice3A_654[0] : f32 from vector<1xf32>
        %get3A_656 = arith.index_cast %scan3A_629 : i32 to index
        %get3A_657 = arith.constant 16 : index
        %get3A_658 = tpu.vector_load %arg14[%get3A_656, %get3A_657] {strides = array<i32>} : memref<80x144xf32, #tpu.memory_space<vmem>>, vector<16xf32>,
        %mul3A_659 = vector.broadcast %squeeze3A_655 : f32 to vector<16xf32>
        %mul3A_660 = arith.mulf %get3A_658, %mul3A_659 : vector<16xf32>
        %swap3A_661 = arith.index_cast %scan3A_629 : i32 to index
        %swap3A_662 = arith.constant 16 : index
        %swap3A_663 = tpu.vector_load %arg14[%swap3A_661, %swap3A_662] {strides = array<i32>} : memref<80x144xf32, #tpu.memory_space<vmem>>, vector<16xf32>,
        tpu.vector_store %arg14[%swap3A_661, %swap3A_662], %mul3A_660 {strides = array<i32>} : memref<80x144xf32, #tpu.memory_space<vmem>>, vector<16xf32>,
        %slice3A_664 = vector.extract_strided_slice %select_n3A_642 {offsets = [2], sizes = [1], strides = [1]} : vector<16xf32> to vector<1xf32>
        %squeeze3A_665 = vector.extract %slice3A_664[0] : f32 from vector<1xf32>
        %get3A_666 = arith.index_cast %scan3A_629 : i32 to index
        %get3A_667 = arith.constant 32 : index
        %get3A_668 = tpu.vector_load %arg14[%get3A_666, %get3A_667] {strides = array<i32>} : memref<80x144xf32, #tpu.memory_space<vmem>>, vector<16xf32>,
        %mul3A_669 = vector.broadcast %squeeze3A_665 : f32 to vector<16xf32>
        %mul3A_670 = arith.mulf %get3A_668, %mul3A_669 : vector<16xf32>
        %swap3A_671 = arith.index_cast %scan3A_629 : i32 to index
        %swap3A_672 = arith.constant 32 : index
        %swap3A_673 = tpu.vector_load %arg14[%swap3A_671, %swap3A_672] {strides = array<i32>} : memref<80x144xf32, #tpu.memory_space<vmem>>, vector<16xf32>,
        tpu.vector_store %arg14[%swap3A_671, %swap3A_672], %mul3A_670 {strides = array<i32>} : memref<80x144xf32, #tpu.memory_space<vmem>>, vector<16xf32>,
        %slice3A_674 = vector.extract_strided_slice %select_n3A_642 {offsets = [3], sizes = [1], strides = [1]} : vector<16xf32> to vector<1xf32>
        %squeeze3A_675 = vector.extract %slice3A_674[0] : f32 from vector<1xf32>
        %get3A_676 = arith.index_cast %scan3A_629 : i32 to index
        %get3A_677 = arith.constant 48 : index
        %get3A_678 = tpu.vector_load %arg14[%get3A_676, %get3A_677] {strides = array<i32>} : memref<80x144xf32, #tpu.memory_space<vmem>>, vector<16xf32>,
        %mul3A_679 = vector.broadcast %squeeze3A_675 : f32 to vector<16xf32>
        %mul3A_680 = arith.mulf %get3A_678, %mul3A_679 : vector<16xf32>
        %swap3A_681 = arith.index_cast %scan3A_629 : i32 to index
        %swap3A_682 = arith.constant 48 : index
        %swap3A_683 = tpu.vector_load %arg14[%swap3A_681, %swap3A_682] {strides = array<i32>} : memref<80x144xf32, #tpu.memory_space<vmem>>, vector<16xf32>,
        tpu.vector_store %arg14[%swap3A_681, %swap3A_682], %mul3A_680 {strides = array<i32>} : memref<80x144xf32, #tpu.memory_space<vmem>>, vector<16xf32>,
        %slice3A_684 = vector.extract_strided_slice %select_n3A_642 {offsets = [4], sizes = [1], strides = [1]} : vector<16xf32> to vector<1xf32>
        %squeeze3A_685 = vector.extract %slice3A_684[0] : f32 from vector<1xf32>
        %get3A_686 = arith.index_cast %scan3A_629 : i32 to index
        %get3A_687 = arith.constant 64 : index
        %get3A_688 = tpu.vector_load %arg14[%get3A_686, %get3A_687] {strides = array<i32>} : memref<80x144xf32, #tpu.memory_space<vmem>>, vector<16xf32>,
        %mul3A_689 = vector.broadcast %squeeze3A_685 : f32 to vector<16xf32>
        %mul3A_690 = arith.mulf %get3A_688, %mul3A_689 : vector<16xf32>
        %swap3A_691 = arith.index_cast %scan3A_629 : i32 to index
        %swap3A_692 = arith.constant 64 : index
        %swap3A_693 = tpu.vector_load %arg14[%swap3A_691, %swap3A_692] {strides = array<i32>} : memref<80x144xf32, #tpu.memory_space<vmem>>, vector<16xf32>,
        tpu.vector_store %arg14[%swap3A_691, %swap3A_692], %mul3A_690 {strides = array<i32>} : memref<80x144xf32, #tpu.memory_space<vmem>>, vector<16xf32>,
        %slice3A_694 = vector.extract_strided_slice %select_n3A_642 {offsets = [5], sizes = [1], strides = [1]} : vector<16xf32> to vector<1xf32>
        %squeeze3A_695 = vector.extract %slice3A_694[0] : f32 from vector<1xf32>
        %get3A_696 = arith.index_cast %scan3A_629 : i32 to index
        %get3A_697 = arith.constant 80 : index
        %get3A_698 = tpu.vector_load %arg14[%get3A_696, %get3A_697] {strides = array<i32>} : memref<80x144xf32, #tpu.memory_space<vmem>>, vector<16xf32>,
        %mul3A_699 = vector.broadcast %squeeze3A_695 : f32 to vector<16xf32>
        %mul3A_700 = arith.mulf %get3A_698, %mul3A_699 : vector<16xf32>
        %swap3A_701 = arith.index_cast %scan3A_629 : i32 to index
        %swap3A_702 = arith.constant 80 : index
        %swap3A_703 = tpu.vector_load %arg14[%swap3A_701, %swap3A_702] {strides = array<i32>} : memref<80x144xf32, #tpu.memory_space<vmem>>, vector<16xf32>,
        tpu.vector_store %arg14[%swap3A_701, %swap3A_702], %mul3A_700 {strides = array<i32>} : memref<80x144xf32, #tpu.memory_space<vmem>>, vector<16xf32>,
        %slice3A_704 = vector.extract_strided_slice %select_n3A_642 {offsets = [6], sizes = [1], strides = [1]} : vector<16xf32> to vector<1xf32>
        %squeeze3A_705 = vector.extract %slice3A_704[0] : f32 from vector<1xf32>
        %get3A_706 = arith.index_cast %scan3A_629 : i32 to index
        %get3A_707 = arith.constant 96 : index
        %get3A_708 = tpu.vector_load %arg14[%get3A_706, %get3A_707] {strides = array<i32>} : memref<80x144xf32, #tpu.memory_space<vmem>>, vector<16xf32>,
        %mul3A_709 = vector.broadcast %squeeze3A_705 : f32 to vector<16xf32>
        %mul3A_710 = arith.mulf %get3A_708, %mul3A_709 : vector<16xf32>
        %swap3A_711 = arith.index_cast %scan3A_629 : i32 to index
        %swap3A_712 = arith.constant 96 : index
        %swap3A_713 = tpu.vector_load %arg14[%swap3A_711, %swap3A_712] {strides = array<i32>} : memref<80x144xf32, #tpu.memory_space<vmem>>, vector<16xf32>,
        tpu.vector_store %arg14[%swap3A_711, %swap3A_712], %mul3A_710 {strides = array<i32>} : memref<80x144xf32, #tpu.memory_space<vmem>>, vector<16xf32>,
        %slice3A_714 = vector.extract_strided_slice %select_n3A_642 {offsets = [7], sizes = [1], strides = [1]} : vector<16xf32> to vector<1xf32>
        %squeeze3A_715 = vector.extract %slice3A_714[0] : f32 from vector<1xf32>
        %get3A_716 = arith.index_cast %scan3A_629 : i32 to index
        %get3A_717 = arith.constant 112 : index
        %get3A_718 = tpu.vector_load %arg14[%get3A_716, %get3A_717] {strides = array<i32>} : memref<80x144xf32, #tpu.memory_space<vmem>>, vector<16xf32>,
        %mul3A_719 = vector.broadcast %squeeze3A_715 : f32 to vector<16xf32>
        %mul3A_720 = arith.mulf %get3A_718, %mul3A_719 : vector<16xf32>
        %swap3A_721 = arith.index_cast %scan3A_629 : i32 to index
        %swap3A_722 = arith.constant 112 : index
        %swap3A_723 = tpu.vector_load %arg14[%swap3A_721, %swap3A_722] {strides = array<i32>} : memref<80x144xf32, #tpu.memory_space<vmem>>, vector<16xf32>,
        tpu.vector_store %arg14[%swap3A_721, %swap3A_722], %mul3A_720 {strides = array<i32>} : memref<80x144xf32, #tpu.memory_space<vmem>>, vector<16xf32>,
      }
      %scan3A_549 = arith.constant 80 : i32
      %add3A_550 = arith.constant 2 : i32
      %add3A_551 = arith.addi %add3A_492, %add3A_550 : i32
      %lt3A_552 = arith.constant 125 : i32
      %lt3A_553 = arith.cmpi slt, %add3A_551, %lt3A_552 : i32
      %convert_element_type3A_554 = arith.extui %lt3A_553 : i1 to i32
      %cond3A_555 = arith.constant 0 : i32
      %cond3A_556 = arith.cmpi ne, %convert_element_type3A_554, %cond3A_555 : i32
      scf.if %cond3A_556 {
        %dma_wait3A_629 = arith.constant 0 : i32
        %dma_wait3A_630 = arith.constant 0 : i32
        %dma_wait3A_631 = tpu.memref_slice %arg19[%dma_wait3A_629, %dma_wait3A_630] : memref<10000x144xf32, #tpu.memory_space<vmem_shared>> -> memref<10000x144xf32, #tpu.memory_space<vmem_shared>>
        tpu.wait_indirect_dma semaphore(%arg26 : memref<!tpu.dma_semaphore, #tpu.memory_space<semaphore_mem>>) src(%arg13 : memref<80x144xf32, #tpu.memory_space<vmem>>) dst(%dma_wait3A_631 : memref<10000x144xf32, #tpu.memory_space<vmem_shared>>)
        %add3A_632 = arith.constant 2 : i32
        %add3A_633 = arith.addi %add3A_492, %add3A_632 : i32
        %dma_wait3A_634 = arith.constant 0 : i32
        %dma_wait3A_635 = arith.constant 0 : i32
        %dma_wait3A_636 = tpu.memref_slice %arg4[%add3A, %add3A_633, %dma_wait3A_634, %dma_wait3A_635] : memref<32x125x2x80xi32, #tpu.memory_space<hbm>> -> memref<1x1x2x80xi32, #tpu.memory_space<hbm>>
        %dma_wait3A_637 = tpu.memref_squeeze %dma_wait3A_636 : memref<1x1x2x80xi32, #tpu.memory_space<hbm>> -> memref<2x80xi32, #tpu.memory_space<hbm>>
        %dma_wait3A_638 = arith.constant 0 : i32
        %dma_wait3A_639 = arith.constant 0 : i32
        %dma_wait3A_640 = tpu.memref_slice %arg4[%add3A, %add3A_633, %dma_wait3A_638, %dma_wait3A_639] : memref<32x125x2x80xi32, #tpu.memory_space<hbm>> -> memref<1x1x2x80xi32, #tpu.memory_space<hbm>>
        %dma_wait3A_641 = tpu.memref_squeeze %dma_wait3A_640 : memref<1x1x2x80xi32, #tpu.memory_space<hbm>> -> memref<2x80xi32, #tpu.memory_space<hbm>>
        tpu.wait_dma2 semaphore(%arg20 : memref<!tpu.dma_semaphore, #tpu.memory_space<semaphore_mem>>) src(%dma_wait3A_641 : memref<2x80xi32, #tpu.memory_space<hbm>>) dst(%arg7 : memref<2x80xi32, #tpu.memory_space<vmem>>)
        %dma_start3A_642 = arith.constant 0 : i32
        %dma_start3A_643 = arith.constant 0 : i32
        %dma_start3A_644 = tpu.memref_slice %arg7[%dma_start3A_642, %dma_start3A_643] : memref<2x80xi32, #tpu.memory_space<vmem>> -> memref<1x80xi32, #tpu.memory_space<vmem>>
        %dma_start3A_645 = tpu.memref_squeeze %dma_start3A_644 : memref<1x80xi32, #tpu.memory_space<vmem>> -> memref<80xi32, #tpu.memory_space<vmem>>
        %dma_start3A_646 = arith.constant 0 : i32
        %dma_start3A_647 = arith.constant 0 : i32
        %dma_start3A_648 = tpu.memref_slice %arg2[%dma_start3A_646, %dma_start3A_647] : memref<10000x144xf32, #tpu.memory_space<hbm>> -> memref<10000x144xf32, #tpu.memory_space<hbm>>
        tpu.enqueue_indirect_dma source(%dma_start3A_648 : memref<10000x144xf32, #tpu.memory_space<hbm>>) target(%arg13 : memref<80x144xf32, #tpu.memory_space<vmem>>) offsets(%dma_start3A_645 : memref<80xi32, #tpu.memory_space<vmem>>) semaphore(%arg23 : memref<!tpu.dma_semaphore, #tpu.memory_space<semaphore_mem>>)
        %dma_start3A_649 = arith.constant 1 : i32
        %dma_start3A_650 = arith.constant 0 : i32
        %dma_start3A_651 = tpu.memref_slice %arg7[%dma_start3A_649, %dma_start3A_650] : memref<2x80xi32, #tpu.memory_space<vmem>> -> memref<1x80xi32, #tpu.memory_space<vmem>>
        %dma_start3A_652 = tpu.memref_squeeze %dma_start3A_651 : memref<1x80xi32, #tpu.memory_space<vmem>> -> memref<80xi32, #tpu.memory_space<vmem>>
        %dma_start3A_653 = arith.constant 0 : i32
        %dma_start3A_654 = arith.constant 0 : i32
        %dma_start3A_655 = tpu.memref_slice %arg3[%dma_start3A_653, %dma_start3A_654] : memref<10000x16xf32, #tpu.memory_space<hbm>> -> memref<10000x16xf32, #tpu.memory_space<hbm>>
        tpu.enqueue_indirect_dma source(%dma_start3A_655 : memref<10000x16xf32, #tpu.memory_space<hbm>>) target(%arg16 : memref<80x16xf32, #tpu.memory_space<vmem>>) offsets(%dma_start3A_652 : memref<80xi32, #tpu.memory_space<vmem>>) semaphore(%arg23 : memref<!tpu.dma_semaphore, #tpu.memory_space<semaphore_mem>>)
      } else {
      }
      %dma_start3A_557 = arith.constant 0 : i32
      %dma_start3A_558 = arith.constant 0 : i32
      %dma_start3A_559 = tpu.memref_slice %arg19[%dma_start3A_557, %dma_start3A_558] : memref<10000x144xf32, #tpu.memory_space<vmem_shared>> -> memref<10000x144xf32, #tpu.memory_space<vmem_shared>>
      tpu.enqueue_indirect_dma source(%arg14 : memref<80x144xf32, #tpu.memory_space<vmem>>) target(%dma_start3A_559 : memref<10000x144xf32, #tpu.memory_space<vmem_shared>>) offsets(%arg11 : memref<80xi32, #tpu.memory_space<vmem>>) semaphore(%arg27 : memref<!tpu.dma_semaphore, #tpu.memory_space<semaphore_mem>>) {add = true}
      %add3A_560 = arith.constant 2 : i32
      %add3A_561 = arith.addi %add3A_425, %add3A_560 : i32
      %dma_wait3A_562 = arith.constant 0 : i32
      %dma_wait3A_563 = arith.constant 0 : i32
      %dma_wait3A_564 = tpu.memref_slice %arg9[%dma_wait3A_562, %dma_wait3A_563] : memref<2x80xi32, #tpu.memory_space<vmem>> -> memref<1x80xi32, #tpu.memory_space<vmem>>
      %dma_wait3A_565 = tpu.memref_squeeze %dma_wait3A_564 : memref<1x80xi32, #tpu.memory_space<vmem>> -> memref<80xi32, #tpu.memory_space<vmem>>
      %dma_wait3A_566 = arith.constant 0 : i32
      %dma_wait3A_567 = arith.constant 0 : i32
      %dma_wait3A_568 = tpu.memref_slice %arg2[%dma_wait3A_566, %dma_wait3A_567] : memref<10000x144xf32, #tpu.memory_space<hbm>> -> memref<10000x144xf32, #tpu.memory_space<hbm>>
      tpu.wait_indirect_dma semaphore(%arg25 : memref<!tpu.dma_semaphore, #tpu.memory_space<semaphore_mem>>) src(%dma_wait3A_568 : memref<10000x144xf32, #tpu.memory_space<hbm>>) dst(%arg15 : memref<80x144xf32, #tpu.memory_space<vmem>>)
      %dma_wait3A_569 = arith.constant 1 : i32
      %dma_wait3A_570 = arith.constant 0 : i32
      %dma_wait3A_571 = tpu.memref_slice %arg9[%dma_wait3A_569, %dma_wait3A_570] : memref<2x80xi32, #tpu.memory_space<vmem>> -> memref<1x80xi32, #tpu.memory_space<vmem>>
      %dma_wait3A_572 = tpu.memref_squeeze %dma_wait3A_571 : memref<1x80xi32, #tpu.memory_space<vmem>> -> memref<80xi32, #tpu.memory_space<vmem>>
      %dma_wait3A_573 = arith.constant 0 : i32
      %dma_wait3A_574 = arith.constant 0 : i32
      %dma_wait3A_575 = tpu.memref_slice %arg3[%dma_wait3A_573, %dma_wait3A_574] : memref<10000x16xf32, #tpu.memory_space<hbm>> -> memref<10000x16xf32, #tpu.memory_space<hbm>>
      tpu.wait_indirect_dma semaphore(%arg25 : memref<!tpu.dma_semaphore, #tpu.memory_space<semaphore_mem>>) src(%dma_wait3A_575 : memref<10000x16xf32, #tpu.memory_space<hbm>>) dst(%arg18 : memref<80x16xf32, #tpu.memory_space<vmem>>)
      %get3A_576 = arith.constant 1 : i32
      %get3A_577 = arith.index_cast %get3A_576 : i32 to index
      %get3A_578 = arith.constant 0 : index
      %get3A_579 = tpu.vector_load %arg9[%get3A_577, %get3A_578] {strides = array<i32>} : memref<2x80xi32, #tpu.memory_space<vmem>>, vector<16xi32>,
      %swap3A_580 = arith.constant 0 : index
      %swap3A_581 = tpu.vector_load %arg12[%swap3A_580] {strides = array<i32>} : memref<80xi32, #tpu.memory_space<vmem>>, vector<16xi32>,
      tpu.vector_store %arg12[%swap3A_580], %get3A_579 {strides = array<i32>} : memref<80xi32, #tpu.memory_space<vmem>>, vector<16xi32>,
      %get3A_582 = arith.constant 1 : i32
      %get3A_583 = arith.index_cast %get3A_582 : i32 to index
      %get3A_584 = arith.constant 16 : index
      %get3A_585 = tpu.vector_load %arg9[%get3A_583, %get3A_584] {strides = array<i32>} : memref<2x80xi32, #tpu.memory_space<vmem>>, vector<16xi32>,
      %swap3A_586 = arith.constant 16 : index
      %swap3A_587 = tpu.vector_load %arg12[%swap3A_586] {strides = array<i32>} : memref<80xi32, #tpu.memory_space<vmem>>, vector<16xi32>,
      tpu.vector_store %arg12[%swap3A_586], %get3A_585 {strides = array<i32>} : memref<80xi32, #tpu.memory_space<vmem>>, vector<16xi32>,
      %get3A_588 = arith.constant 1 : i32
      %get3A_589 = arith.index_cast %get3A_588 : i32 to index
      %get3A_590 = arith.constant 32 : index
      %get3A_591 = tpu.vector_load %arg9[%get3A_589, %get3A_590] {strides = array<i32>} : memref<2x80xi32, #tpu.memory_space<vmem>>, vector<16xi32>,
      %swap3A_592 = arith.constant 32 : index
      %swap3A_593 = tpu.vector_load %arg12[%swap3A_592] {strides = array<i32>} : memref<80xi32, #tpu.memory_space<vmem>>, vector<16xi32>,
      tpu.vector_store %arg12[%swap3A_592], %get3A_591 {strides = array<i32>} : memref<80xi32, #tpu.memory_space<vmem>>, vector<16xi32>,
      %get3A_594 = arith.constant 1 : i32
      %get3A_595 = arith.index_cast %get3A_594 : i32 to index
      %get3A_596 = arith.constant 48 : index
      %get3A_597 = tpu.vector_load %arg9[%get3A_595, %get3A_596] {strides = array<i32>} : memref<2x80xi32, #tpu.memory_space<vmem>>, vector<16xi32>,
      %swap3A_598 = arith.constant 48 : index
      %swap3A_599 = tpu.vector_load %arg12[%swap3A_598] {strides = array<i32>} : memref<80xi32, #tpu.memory_space<vmem>>, vector<16xi32>,
      tpu.vector_store %arg12[%swap3A_598], %get3A_597 {strides = array<i32>} : memref<80xi32, #tpu.memory_space<vmem>>, vector<16xi32>,
      %get3A_600 = arith.constant 1 : i32
      %get3A_601 = arith.index_cast %get3A_600 : i32 to index
      %get3A_602 = arith.constant 64 : index
      %get3A_603 = tpu.vector_load %arg9[%get3A_601, %get3A_602] {strides = array<i32>} : memref<2x80xi32, #tpu.memory_space<vmem>>, vector<16xi32>,
      %swap3A_604 = arith.constant 64 : index
      %swap3A_605 = tpu.vector_load %arg12[%swap3A_604] {strides = array<i32>} : memref<80xi32, #tpu.memory_space<vmem>>, vector<16xi32>,
      tpu.vector_store %arg12[%swap3A_604], %get3A_603 {strides = array<i32>} : memref<80xi32, #tpu.memory_space<vmem>>, vector<16xi32>,
      %add3A_606 = arith.constant 3 : i32
      %add3A_607 = arith.addi %add3A_561, %add3A_606 : i32
      %lt3A_608 = arith.constant 125 : i32
      %lt3A_609 = arith.cmpi slt, %add3A_607, %lt3A_608 : i32
      %convert_element_type3A_610 = arith.extui %lt3A_609 : i1 to i32
      %cond3A_611 = arith.constant 0 : i32
      %cond3A_612 = arith.cmpi ne, %convert_element_type3A_610, %cond3A_611 : i32
      scf.if %cond3A_612 {
        %add3A_629 = arith.constant 3 : i32
        %add3A_630 = arith.addi %add3A_561, %add3A_629 : i32
        %dma_start3A_631 = arith.constant 0 : i32
        %dma_start3A_632 = arith.constant 0 : i32
        %dma_start3A_633 = tpu.memref_slice %arg4[%add3A, %add3A_630, %dma_start3A_631, %dma_start3A_632] : memref<32x125x2x80xi32, #tpu.memory_space<hbm>> -> memref<1x1x2x80xi32, #tpu.memory_space<hbm>>
        %dma_start3A_634 = tpu.memref_squeeze %dma_start3A_633 : memref<1x1x2x80xi32, #tpu.memory_space<hbm>> -> memref<2x80xi32, #tpu.memory_space<hbm>>
        %dma_start3A_635 = arith.constant 0 : i32
        %dma_start3A_636 = arith.constant 0 : i32
        %dma_start3A_637 = tpu.memref_slice %arg4[%add3A, %add3A_630, %dma_start3A_635, %dma_start3A_636] : memref<32x125x2x80xi32, #tpu.memory_space<hbm>> -> memref<1x1x2x80xi32, #tpu.memory_space<hbm>>
        %dma_start3A_638 = tpu.memref_squeeze %dma_start3A_637 : memref<1x1x2x80xi32, #tpu.memory_space<hbm>> -> memref<2x80xi32, #tpu.memory_space<hbm>>
        tpu.enqueue_dma source(%dma_start3A_638 : memref<2x80xi32, #tpu.memory_space<hbm>>) target(%arg9 : memref<2x80xi32, #tpu.memory_space<vmem>>) target_semaphore(%arg22 : memref<!tpu.dma_semaphore, #tpu.memory_space<semaphore_mem>>)
      } else {
      }
      %scan3A_613 = arith.constant 0 : i32
      %scan3A_614 = arith.constant 0 : i32
      %scan3A_615 = arith.constant 80 : i32
      %scan3A_616 = arith.addi %scan3A_614, %scan3A_615 : i32
      %scan3A_617 = arith.constant 1 : i32
      scf.for %scan3A_629 = %scan3A_614 to %scan3A_616 step %scan3A_617  : i32 {
        %get3A_630 = arith.index_cast %scan3A_629 : i32 to index
        %get3A_631 = arith.constant 128 : index
        %get3A_632 = tpu.vector_load %arg15[%get3A_630, %get3A_631] {strides = array<i32>} : memref<80x144xf32, #tpu.memory_space<vmem>>, vector<16xf32>,
        %get3A_633 = arith.index_cast %scan3A_629 : i32 to index
        %get3A_634 = arith.constant 0 : index
        %get3A_635 = tpu.vector_load %arg18[%get3A_633, %get3A_634] {strides = array<i32>} : memref<80x16xf32, #tpu.memory_space<vmem>>, vector<16xf32>,
        %add3A_636 = arith.addf %get3A_632, %get3A_635 : vector<16xf32>
        %ge3A = arith.constant 0.000000e+00 : f32
        %ge3A_637 = vector.broadcast %ge3A : f32 to vector<16xf32>
        %ge3A_638 = arith.cmpf oge, %add3A_636, %ge3A_637 : vector<16xf32>
        %mul3A_639 = arith.constant 2.000000e-01 : f32
        %mul3A_640 = vector.broadcast %mul3A_639 : f32 to vector<16xf32>
        %mul3A_641 = arith.mulf %mul3A_640, %add3A_636 : vector<16xf32>
        %select_n3A = arith.select %ge3A_638, %add3A_636, %mul3A_641 : vector<16xi1>, vector<16xf32>
        %exp3A = math.exp %select_n3A : vector<16xf32>
        %jit3A = arith.constant 0.000000e+00 : f32
        %broadcast_in_dim3A = vector.broadcast %jit3A : f32 to vector<16xf32>
        %select_n3A_642 = arith.select %lt3A_4, %exp3A, %broadcast_in_dim3A : vector<16xi1>, vector<16xf32>
        %swap3A_643 = arith.index_cast %scan3A_629 : i32 to index
        %swap3A_644 = arith.constant 128 : index
        %swap3A_645 = tpu.vector_load %arg15[%swap3A_643, %swap3A_644] {strides = array<i32>} : memref<80x144xf32, #tpu.memory_space<vmem>>, vector<16xf32>,
        tpu.vector_store %arg15[%swap3A_643, %swap3A_644], %select_n3A_642 {strides = array<i32>} : memref<80x144xf32, #tpu.memory_space<vmem>>, vector<16xf32>,
        %slice3A = vector.extract_strided_slice %select_n3A_642 {offsets = [0], sizes = [1], strides = [1]} : vector<16xf32> to vector<1xf32>
        %squeeze3A = vector.extract %slice3A[0] : f32 from vector<1xf32>
        %get3A_646 = arith.index_cast %scan3A_629 : i32 to index
        %get3A_647 = arith.constant 0 : index
        %get3A_648 = tpu.vector_load %arg15[%get3A_646, %get3A_647] {strides = array<i32>} : memref<80x144xf32, #tpu.memory_space<vmem>>, vector<16xf32>,
        %mul3A_649 = vector.broadcast %squeeze3A : f32 to vector<16xf32>
        %mul3A_650 = arith.mulf %get3A_648, %mul3A_649 : vector<16xf32>
        %swap3A_651 = arith.index_cast %scan3A_629 : i32 to index
        %swap3A_652 = arith.constant 0 : index
        %swap3A_653 = tpu.vector_load %arg15[%swap3A_651, %swap3A_652] {strides = array<i32>} : memref<80x144xf32, #tpu.memory_space<vmem>>, vector<16xf32>,
        tpu.vector_store %arg15[%swap3A_651, %swap3A_652], %mul3A_650 {strides = array<i32>} : memref<80x144xf32, #tpu.memory_space<vmem>>, vector<16xf32>,
        %slice3A_654 = vector.extract_strided_slice %select_n3A_642 {offsets = [1], sizes = [1], strides = [1]} : vector<16xf32> to vector<1xf32>
        %squeeze3A_655 = vector.extract %slice3A_654[0] : f32 from vector<1xf32>
        %get3A_656 = arith.index_cast %scan3A_629 : i32 to index
        %get3A_657 = arith.constant 16 : index
        %get3A_658 = tpu.vector_load %arg15[%get3A_656, %get3A_657] {strides = array<i32>} : memref<80x144xf32, #tpu.memory_space<vmem>>, vector<16xf32>,
        %mul3A_659 = vector.broadcast %squeeze3A_655 : f32 to vector<16xf32>
        %mul3A_660 = arith.mulf %get3A_658, %mul3A_659 : vector<16xf32>
        %swap3A_661 = arith.index_cast %scan3A_629 : i32 to index
        %swap3A_662 = arith.constant 16 : index
        %swap3A_663 = tpu.vector_load %arg15[%swap3A_661, %swap3A_662] {strides = array<i32>} : memref<80x144xf32, #tpu.memory_space<vmem>>, vector<16xf32>,
        tpu.vector_store %arg15[%swap3A_661, %swap3A_662], %mul3A_660 {strides = array<i32>} : memref<80x144xf32, #tpu.memory_space<vmem>>, vector<16xf32>,
        %slice3A_664 = vector.extract_strided_slice %select_n3A_642 {offsets = [2], sizes = [1], strides = [1]} : vector<16xf32> to vector<1xf32>
        %squeeze3A_665 = vector.extract %slice3A_664[0] : f32 from vector<1xf32>
        %get3A_666 = arith.index_cast %scan3A_629 : i32 to index
        %get3A_667 = arith.constant 32 : index
        %get3A_668 = tpu.vector_load %arg15[%get3A_666, %get3A_667] {strides = array<i32>} : memref<80x144xf32, #tpu.memory_space<vmem>>, vector<16xf32>,
        %mul3A_669 = vector.broadcast %squeeze3A_665 : f32 to vector<16xf32>
        %mul3A_670 = arith.mulf %get3A_668, %mul3A_669 : vector<16xf32>
        %swap3A_671 = arith.index_cast %scan3A_629 : i32 to index
        %swap3A_672 = arith.constant 32 : index
        %swap3A_673 = tpu.vector_load %arg15[%swap3A_671, %swap3A_672] {strides = array<i32>} : memref<80x144xf32, #tpu.memory_space<vmem>>, vector<16xf32>,
        tpu.vector_store %arg15[%swap3A_671, %swap3A_672], %mul3A_670 {strides = array<i32>} : memref<80x144xf32, #tpu.memory_space<vmem>>, vector<16xf32>,
        %slice3A_674 = vector.extract_strided_slice %select_n3A_642 {offsets = [3], sizes = [1], strides = [1]} : vector<16xf32> to vector<1xf32>
        %squeeze3A_675 = vector.extract %slice3A_674[0] : f32 from vector<1xf32>
        %get3A_676 = arith.index_cast %scan3A_629 : i32 to index
        %get3A_677 = arith.constant 48 : index
        %get3A_678 = tpu.vector_load %arg15[%get3A_676, %get3A_677] {strides = array<i32>} : memref<80x144xf32, #tpu.memory_space<vmem>>, vector<16xf32>,
        %mul3A_679 = vector.broadcast %squeeze3A_675 : f32 to vector<16xf32>
        %mul3A_680 = arith.mulf %get3A_678, %mul3A_679 : vector<16xf32>
        %swap3A_681 = arith.index_cast %scan3A_629 : i32 to index
        %swap3A_682 = arith.constant 48 : index
        %swap3A_683 = tpu.vector_load %arg15[%swap3A_681, %swap3A_682] {strides = array<i32>} : memref<80x144xf32, #tpu.memory_space<vmem>>, vector<16xf32>,
        tpu.vector_store %arg15[%swap3A_681, %swap3A_682], %mul3A_680 {strides = array<i32>} : memref<80x144xf32, #tpu.memory_space<vmem>>, vector<16xf32>,
        %slice3A_684 = vector.extract_strided_slice %select_n3A_642 {offsets = [4], sizes = [1], strides = [1]} : vector<16xf32> to vector<1xf32>
        %squeeze3A_685 = vector.extract %slice3A_684[0] : f32 from vector<1xf32>
        %get3A_686 = arith.index_cast %scan3A_629 : i32 to index
        %get3A_687 = arith.constant 64 : index
        %get3A_688 = tpu.vector_load %arg15[%get3A_686, %get3A_687] {strides = array<i32>} : memref<80x144xf32, #tpu.memory_space<vmem>>, vector<16xf32>,
        %mul3A_689 = vector.broadcast %squeeze3A_685 : f32 to vector<16xf32>
        %mul3A_690 = arith.mulf %get3A_688, %mul3A_689 : vector<16xf32>
        %swap3A_691 = arith.index_cast %scan3A_629 : i32 to index
        %swap3A_692 = arith.constant 64 : index
        %swap3A_693 = tpu.vector_load %arg15[%swap3A_691, %swap3A_692] {strides = array<i32>} : memref<80x144xf32, #tpu.memory_space<vmem>>, vector<16xf32>,
        tpu.vector_store %arg15[%swap3A_691, %swap3A_692], %mul3A_690 {strides = array<i32>} : memref<80x144xf32, #tpu.memory_space<vmem>>, vector<16xf32>,
        %slice3A_694 = vector.extract_strided_slice %select_n3A_642 {offsets = [5], sizes = [1], strides = [1]} : vector<16xf32> to vector<1xf32>
        %squeeze3A_695 = vector.extract %slice3A_694[0] : f32 from vector<1xf32>
        %get3A_696 = arith.index_cast %scan3A_629 : i32 to index
        %get3A_697 = arith.constant 80 : index
        %get3A_698 = tpu.vector_load %arg15[%get3A_696, %get3A_697] {strides = array<i32>} : memref<80x144xf32, #tpu.memory_space<vmem>>, vector<16xf32>,
        %mul3A_699 = vector.broadcast %squeeze3A_695 : f32 to vector<16xf32>
        %mul3A_700 = arith.mulf %get3A_698, %mul3A_699 : vector<16xf32>
        %swap3A_701 = arith.index_cast %scan3A_629 : i32 to index
        %swap3A_702 = arith.constant 80 : index
        %swap3A_703 = tpu.vector_load %arg15[%swap3A_701, %swap3A_702] {strides = array<i32>} : memref<80x144xf32, #tpu.memory_space<vmem>>, vector<16xf32>,
        tpu.vector_store %arg15[%swap3A_701, %swap3A_702], %mul3A_700 {strides = array<i32>} : memref<80x144xf32, #tpu.memory_space<vmem>>, vector<16xf32>,
        %slice3A_704 = vector.extract_strided_slice %select_n3A_642 {offsets = [6], sizes = [1], strides = [1]} : vector<16xf32> to vector<1xf32>
        %squeeze3A_705 = vector.extract %slice3A_704[0] : f32 from vector<1xf32>
        %get3A_706 = arith.index_cast %scan3A_629 : i32 to index
        %get3A_707 = arith.constant 96 : index
        %get3A_708 = tpu.vector_load %arg15[%get3A_706, %get3A_707] {strides = array<i32>} : memref<80x144xf32, #tpu.memory_space<vmem>>, vector<16xf32>,
        %mul3A_709 = vector.broadcast %squeeze3A_705 : f32 to vector<16xf32>
        %mul3A_710 = arith.mulf %get3A_708, %mul3A_709 : vector<16xf32>
        %swap3A_711 = arith.index_cast %scan3A_629 : i32 to index
        %swap3A_712 = arith.constant 96 : index
        %swap3A_713 = tpu.vector_load %arg15[%swap3A_711, %swap3A_712] {strides = array<i32>} : memref<80x144xf32, #tpu.memory_space<vmem>>, vector<16xf32>,
        tpu.vector_store %arg15[%swap3A_711, %swap3A_712], %mul3A_710 {strides = array<i32>} : memref<80x144xf32, #tpu.memory_space<vmem>>, vector<16xf32>,
        %slice3A_714 = vector.extract_strided_slice %select_n3A_642 {offsets = [7], sizes = [1], strides = [1]} : vector<16xf32> to vector<1xf32>
        %squeeze3A_715 = vector.extract %slice3A_714[0] : f32 from vector<1xf32>
        %get3A_716 = arith.index_cast %scan3A_629 : i32 to index
        %get3A_717 = arith.constant 112 : index
        %get3A_718 = tpu.vector_load %arg15[%get3A_716, %get3A_717] {strides = array<i32>} : memref<80x144xf32, #tpu.memory_space<vmem>>, vector<16xf32>,
        %mul3A_719 = vector.broadcast %squeeze3A_715 : f32 to vector<16xf32>
        %mul3A_720 = arith.mulf %get3A_718, %mul3A_719 : vector<16xf32>
        %swap3A_721 = arith.index_cast %scan3A_629 : i32 to index
        %swap3A_722 = arith.constant 112 : index
        %swap3A_723 = tpu.vector_load %arg15[%swap3A_721, %swap3A_722] {strides = array<i32>} : memref<80x144xf32, #tpu.memory_space<vmem>>, vector<16xf32>,
        tpu.vector_store %arg15[%swap3A_721, %swap3A_722], %mul3A_720 {strides = array<i32>} : memref<80x144xf32, #tpu.memory_space<vmem>>, vector<16xf32>,
      }
      %scan3A_618 = arith.constant 80 : i32
      %add3A_619 = arith.constant 2 : i32
      %add3A_620 = arith.addi %add3A_561, %add3A_619 : i32
      %lt3A_621 = arith.constant 125 : i32
      %lt3A_622 = arith.cmpi slt, %add3A_620, %lt3A_621 : i32
      %convert_element_type3A_623 = arith.extui %lt3A_622 : i1 to i32
      %cond3A_624 = arith.constant 0 : i32
      %cond3A_625 = arith.cmpi ne, %convert_element_type3A_623, %cond3A_624 : i32
      scf.if %cond3A_625 {
        %dma_wait3A_629 = arith.constant 0 : i32
        %dma_wait3A_630 = arith.constant 0 : i32
        %dma_wait3A_631 = tpu.memref_slice %arg19[%dma_wait3A_629, %dma_wait3A_630] : memref<10000x144xf32, #tpu.memory_space<vmem_shared>> -> memref<10000x144xf32, #tpu.memory_space<vmem_shared>>
        tpu.wait_indirect_dma semaphore(%arg27 : memref<!tpu.dma_semaphore, #tpu.memory_space<semaphore_mem>>) src(%arg14 : memref<80x144xf32, #tpu.memory_space<vmem>>) dst(%dma_wait3A_631 : memref<10000x144xf32, #tpu.memory_space<vmem_shared>>)
        %add3A_632 = arith.constant 2 : i32
        %add3A_633 = arith.addi %add3A_561, %add3A_632 : i32
        %dma_wait3A_634 = arith.constant 0 : i32
        %dma_wait3A_635 = arith.constant 0 : i32
        %dma_wait3A_636 = tpu.memref_slice %arg4[%add3A, %add3A_633, %dma_wait3A_634, %dma_wait3A_635] : memref<32x125x2x80xi32, #tpu.memory_space<hbm>> -> memref<1x1x2x80xi32, #tpu.memory_space<hbm>>
        %dma_wait3A_637 = tpu.memref_squeeze %dma_wait3A_636 : memref<1x1x2x80xi32, #tpu.memory_space<hbm>> -> memref<2x80xi32, #tpu.memory_space<hbm>>
        %dma_wait3A_638 = arith.constant 0 : i32
        %dma_wait3A_639 = arith.constant 0 : i32
        %dma_wait3A_640 = tpu.memref_slice %arg4[%add3A, %add3A_633, %dma_wait3A_638, %dma_wait3A_639] : memref<32x125x2x80xi32, #tpu.memory_space<hbm>> -> memref<1x1x2x80xi32, #tpu.memory_space<hbm>>
        %dma_wait3A_641 = tpu.memref_squeeze %dma_wait3A_640 : memref<1x1x2x80xi32, #tpu.memory_space<hbm>> -> memref<2x80xi32, #tpu.memory_space<hbm>>
        tpu.wait_dma2 semaphore(%arg21 : memref<!tpu.dma_semaphore, #tpu.memory_space<semaphore_mem>>) src(%dma_wait3A_641 : memref<2x80xi32, #tpu.memory_space<hbm>>) dst(%arg8 : memref<2x80xi32, #tpu.memory_space<vmem>>)
        %dma_start3A_642 = arith.constant 0 : i32
        %dma_start3A_643 = arith.constant 0 : i32
        %dma_start3A_644 = tpu.memref_slice %arg8[%dma_start3A_642, %dma_start3A_643] : memref<2x80xi32, #tpu.memory_space<vmem>> -> memref<1x80xi32, #tpu.memory_space<vmem>>
        %dma_start3A_645 = tpu.memref_squeeze %dma_start3A_644 : memref<1x80xi32, #tpu.memory_space<vmem>> -> memref<80xi32, #tpu.memory_space<vmem>>
        %dma_start3A_646 = arith.constant 0 : i32
        %dma_start3A_647 = arith.constant 0 : i32
        %dma_start3A_648 = tpu.memref_slice %arg2[%dma_start3A_646, %dma_start3A_647] : memref<10000x144xf32, #tpu.memory_space<hbm>> -> memref<10000x144xf32, #tpu.memory_space<hbm>>
        tpu.enqueue_indirect_dma source(%dma_start3A_648 : memref<10000x144xf32, #tpu.memory_space<hbm>>) target(%arg14 : memref<80x144xf32, #tpu.memory_space<vmem>>) offsets(%dma_start3A_645 : memref<80xi32, #tpu.memory_space<vmem>>) semaphore(%arg24 : memref<!tpu.dma_semaphore, #tpu.memory_space<semaphore_mem>>)
        %dma_start3A_649 = arith.constant 1 : i32
        %dma_start3A_650 = arith.constant 0 : i32
        %dma_start3A_651 = tpu.memref_slice %arg8[%dma_start3A_649, %dma_start3A_650] : memref<2x80xi32, #tpu.memory_space<vmem>> -> memref<1x80xi32, #tpu.memory_space<vmem>>
        %dma_start3A_652 = tpu.memref_squeeze %dma_start3A_651 : memref<1x80xi32, #tpu.memory_space<vmem>> -> memref<80xi32, #tpu.memory_space<vmem>>
        %dma_start3A_653 = arith.constant 0 : i32
        %dma_start3A_654 = arith.constant 0 : i32
        %dma_start3A_655 = tpu.memref_slice %arg3[%dma_start3A_653, %dma_start3A_654] : memref<10000x16xf32, #tpu.memory_space<hbm>> -> memref<10000x16xf32, #tpu.memory_space<hbm>>
        tpu.enqueue_indirect_dma source(%dma_start3A_655 : memref<10000x16xf32, #tpu.memory_space<hbm>>) target(%arg17 : memref<80x16xf32, #tpu.memory_space<vmem>>) offsets(%dma_start3A_652 : memref<80xi32, #tpu.memory_space<vmem>>) semaphore(%arg24 : memref<!tpu.dma_semaphore, #tpu.memory_space<semaphore_mem>>)
      } else {
      }
      %dma_start3A_626 = arith.constant 0 : i32
      %dma_start3A_627 = arith.constant 0 : i32
      %dma_start3A_628 = tpu.memref_slice %arg19[%dma_start3A_626, %dma_start3A_627] : memref<10000x144xf32, #tpu.memory_space<vmem_shared>> -> memref<10000x144xf32, #tpu.memory_space<vmem_shared>>
      tpu.enqueue_indirect_dma source(%arg15 : memref<80x144xf32, #tpu.memory_space<vmem>>) target(%dma_start3A_628 : memref<10000x144xf32, #tpu.memory_space<vmem_shared>>) offsets(%arg12 : memref<80xi32, #tpu.memory_space<vmem>>) semaphore(%arg28 : memref<!tpu.dma_semaphore, #tpu.memory_space<semaphore_mem>>) {add = true}
    }
    %scan3A_304 = arith.constant 40 : i32
    %dma_wait3A_305 = arith.constant 0 : i32
    %dma_wait3A_306 = arith.constant 0 : i32
    %dma_wait3A_307 = tpu.memref_slice %arg7[%dma_wait3A_305, %dma_wait3A_306] : memref<2x80xi32, #tpu.memory_space<vmem>> -> memref<1x80xi32, #tpu.memory_space<vmem>>
    %dma_wait3A_308 = tpu.memref_squeeze %dma_wait3A_307 : memref<1x80xi32, #tpu.memory_space<vmem>> -> memref<80xi32, #tpu.memory_space<vmem>>
    %dma_wait3A_309 = arith.constant 0 : i32
    %dma_wait3A_310 = arith.constant 0 : i32
    %dma_wait3A_311 = tpu.memref_slice %arg2[%dma_wait3A_309, %dma_wait3A_310] : memref<10000x144xf32, #tpu.memory_space<hbm>> -> memref<10000x144xf32, #tpu.memory_space<hbm>>
    tpu.wait_indirect_dma semaphore(%arg23 : memref<!tpu.dma_semaphore, #tpu.memory_space<semaphore_mem>>) src(%dma_wait3A_311 : memref<10000x144xf32, #tpu.memory_space<hbm>>) dst(%arg13 : memref<80x144xf32, #tpu.memory_space<vmem>>)
    %dma_wait3A_312 = arith.constant 1 : i32
    %dma_wait3A_313 = arith.constant 0 : i32
    %dma_wait3A_314 = tpu.memref_slice %arg7[%dma_wait3A_312, %dma_wait3A_313] : memref<2x80xi32, #tpu.memory_space<vmem>> -> memref<1x80xi32, #tpu.memory_space<vmem>>
    %dma_wait3A_315 = tpu.memref_squeeze %dma_wait3A_314 : memref<1x80xi32, #tpu.memory_space<vmem>> -> memref<80xi32, #tpu.memory_space<vmem>>
    %dma_wait3A_316 = arith.constant 0 : i32
    %dma_wait3A_317 = arith.constant 0 : i32
    %dma_wait3A_318 = tpu.memref_slice %arg3[%dma_wait3A_316, %dma_wait3A_317] : memref<10000x16xf32, #tpu.memory_space<hbm>> -> memref<10000x16xf32, #tpu.memory_space<hbm>>
    tpu.wait_indirect_dma semaphore(%arg23 : memref<!tpu.dma_semaphore, #tpu.memory_space<semaphore_mem>>) src(%dma_wait3A_318 : memref<10000x16xf32, #tpu.memory_space<hbm>>) dst(%arg16 : memref<80x16xf32, #tpu.memory_space<vmem>>)
    %get3A_319 = arith.constant 1 : i32
    %get3A_320 = arith.index_cast %get3A_319 : i32 to index
    %get3A_321 = arith.constant 0 : index
    %get3A_322 = tpu.vector_load %arg7[%get3A_320, %get3A_321] {strides = array<i32>} : memref<2x80xi32, #tpu.memory_space<vmem>>, vector<16xi32>,
    %swap3A_323 = arith.constant 0 : index
    %swap3A_324 = tpu.vector_load %arg10[%swap3A_323] {strides = array<i32>} : memref<80xi32, #tpu.memory_space<vmem>>, vector<16xi32>,
    tpu.vector_store %arg10[%swap3A_323], %get3A_322 {strides = array<i32>} : memref<80xi32, #tpu.memory_space<vmem>>, vector<16xi32>,
    %get3A_325 = arith.constant 1 : i32
    %get3A_326 = arith.index_cast %get3A_325 : i32 to index
    %get3A_327 = arith.constant 16 : index
    %get3A_328 = tpu.vector_load %arg7[%get3A_326, %get3A_327] {strides = array<i32>} : memref<2x80xi32, #tpu.memory_space<vmem>>, vector<16xi32>,
    %swap3A_329 = arith.constant 16 : index
    %swap3A_330 = tpu.vector_load %arg10[%swap3A_329] {strides = array<i32>} : memref<80xi32, #tpu.memory_space<vmem>>, vector<16xi32>,
    tpu.vector_store %arg10[%swap3A_329], %get3A_328 {strides = array<i32>} : memref<80xi32, #tpu.memory_space<vmem>>, vector<16xi32>,
    %get3A_331 = arith.constant 1 : i32
    %get3A_332 = arith.index_cast %get3A_331 : i32 to index
    %get3A_333 = arith.constant 32 : index
    %get3A_334 = tpu.vector_load %arg7[%get3A_332, %get3A_333] {strides = array<i32>} : memref<2x80xi32, #tpu.memory_space<vmem>>, vector<16xi32>,
    %swap3A_335 = arith.constant 32 : index
    %swap3A_336 = tpu.vector_load %arg10[%swap3A_335] {strides = array<i32>} : memref<80xi32, #tpu.memory_space<vmem>>, vector<16xi32>,
    tpu.vector_store %arg10[%swap3A_335], %get3A_334 {strides = array<i32>} : memref<80xi32, #tpu.memory_space<vmem>>, vector<16xi32>,
    %get3A_337 = arith.constant 1 : i32
    %get3A_338 = arith.index_cast %get3A_337 : i32 to index
    %get3A_339 = arith.constant 48 : index
    %get3A_340 = tpu.vector_load %arg7[%get3A_338, %get3A_339] {strides = array<i32>} : memref<2x80xi32, #tpu.memory_space<vmem>>, vector<16xi32>,
    %swap3A_341 = arith.constant 48 : index
    %swap3A_342 = tpu.vector_load %arg10[%swap3A_341] {strides = array<i32>} : memref<80xi32, #tpu.memory_space<vmem>>, vector<16xi32>,
    tpu.vector_store %arg10[%swap3A_341], %get3A_340 {strides = array<i32>} : memref<80xi32, #tpu.memory_space<vmem>>, vector<16xi32>,
    %get3A_343 = arith.constant 1 : i32
    %get3A_344 = arith.index_cast %get3A_343 : i32 to index
    %get3A_345 = arith.constant 64 : index
    %get3A_346 = tpu.vector_load %arg7[%get3A_344, %get3A_345] {strides = array<i32>} : memref<2x80xi32, #tpu.memory_space<vmem>>, vector<16xi32>,
    %swap3A_347 = arith.constant 64 : index
    %swap3A_348 = tpu.vector_load %arg10[%swap3A_347] {strides = array<i32>} : memref<80xi32, #tpu.memory_space<vmem>>, vector<16xi32>,
    tpu.vector_store %arg10[%swap3A_347], %get3A_346 {strides = array<i32>} : memref<80xi32, #tpu.memory_space<vmem>>, vector<16xi32>,
    %scan3A_349 = arith.constant 0 : i32
    %scan3A_350 = arith.constant 0 : i32
    %scan3A_351 = arith.constant 80 : i32
    %scan3A_352 = arith.addi %scan3A_350, %scan3A_351 : i32
    %scan3A_353 = arith.constant 1 : i32
    scf.for %scan3A_421 = %scan3A_350 to %scan3A_352 step %scan3A_353  : i32 {
      %get3A_422 = arith.index_cast %scan3A_421 : i32 to index
      %get3A_423 = arith.constant 128 : index
      %get3A_424 = tpu.vector_load %arg13[%get3A_422, %get3A_423] {strides = array<i32>} : memref<80x144xf32, #tpu.memory_space<vmem>>, vector<16xf32>,
      %get3A_425 = arith.index_cast %scan3A_421 : i32 to index
      %get3A_426 = arith.constant 0 : index
      %get3A_427 = tpu.vector_load %arg16[%get3A_425, %get3A_426] {strides = array<i32>} : memref<80x16xf32, #tpu.memory_space<vmem>>, vector<16xf32>,
      %add3A_428 = arith.addf %get3A_424, %get3A_427 : vector<16xf32>
      %ge3A = arith.constant 0.000000e+00 : f32
      %ge3A_429 = vector.broadcast %ge3A : f32 to vector<16xf32>
      %ge3A_430 = arith.cmpf oge, %add3A_428, %ge3A_429 : vector<16xf32>
      %mul3A_431 = arith.constant 2.000000e-01 : f32
      %mul3A_432 = vector.broadcast %mul3A_431 : f32 to vector<16xf32>
      %mul3A_433 = arith.mulf %mul3A_432, %add3A_428 : vector<16xf32>
      %select_n3A = arith.select %ge3A_430, %add3A_428, %mul3A_433 : vector<16xi1>, vector<16xf32>
      %exp3A = math.exp %select_n3A : vector<16xf32>
      %jit3A = arith.constant 0.000000e+00 : f32
      %broadcast_in_dim3A = vector.broadcast %jit3A : f32 to vector<16xf32>
      %select_n3A_434 = arith.select %lt3A_4, %exp3A, %broadcast_in_dim3A : vector<16xi1>, vector<16xf32>
      %swap3A_435 = arith.index_cast %scan3A_421 : i32 to index
      %swap3A_436 = arith.constant 128 : index
      %swap3A_437 = tpu.vector_load %arg13[%swap3A_435, %swap3A_436] {strides = array<i32>} : memref<80x144xf32, #tpu.memory_space<vmem>>, vector<16xf32>,
      tpu.vector_store %arg13[%swap3A_435, %swap3A_436], %select_n3A_434 {strides = array<i32>} : memref<80x144xf32, #tpu.memory_space<vmem>>, vector<16xf32>,
      %slice3A = vector.extract_strided_slice %select_n3A_434 {offsets = [0], sizes = [1], strides = [1]} : vector<16xf32> to vector<1xf32>
      %squeeze3A = vector.extract %slice3A[0] : f32 from vector<1xf32>
      %get3A_438 = arith.index_cast %scan3A_421 : i32 to index
      %get3A_439 = arith.constant 0 : index
      %get3A_440 = tpu.vector_load %arg13[%get3A_438, %get3A_439] {strides = array<i32>} : memref<80x144xf32, #tpu.memory_space<vmem>>, vector<16xf32>,
      %mul3A_441 = vector.broadcast %squeeze3A : f32 to vector<16xf32>
      %mul3A_442 = arith.mulf %get3A_440, %mul3A_441 : vector<16xf32>
      %swap3A_443 = arith.index_cast %scan3A_421 : i32 to index
      %swap3A_444 = arith.constant 0 : index
      %swap3A_445 = tpu.vector_load %arg13[%swap3A_443, %swap3A_444] {strides = array<i32>} : memref<80x144xf32, #tpu.memory_space<vmem>>, vector<16xf32>,
      tpu.vector_store %arg13[%swap3A_443, %swap3A_444], %mul3A_442 {strides = array<i32>} : memref<80x144xf32, #tpu.memory_space<vmem>>, vector<16xf32>,
      %slice3A_446 = vector.extract_strided_slice %select_n3A_434 {offsets = [1], sizes = [1], strides = [1]} : vector<16xf32> to vector<1xf32>
      %squeeze3A_447 = vector.extract %slice3A_446[0] : f32 from vector<1xf32>
      %get3A_448 = arith.index_cast %scan3A_421 : i32 to index
      %get3A_449 = arith.constant 16 : index
      %get3A_450 = tpu.vector_load %arg13[%get3A_448, %get3A_449] {strides = array<i32>} : memref<80x144xf32, #tpu.memory_space<vmem>>, vector<16xf32>,
      %mul3A_451 = vector.broadcast %squeeze3A_447 : f32 to vector<16xf32>
      %mul3A_452 = arith.mulf %get3A_450, %mul3A_451 : vector<16xf32>
      %swap3A_453 = arith.index_cast %scan3A_421 : i32 to index
      %swap3A_454 = arith.constant 16 : index
      %swap3A_455 = tpu.vector_load %arg13[%swap3A_453, %swap3A_454] {strides = array<i32>} : memref<80x144xf32, #tpu.memory_space<vmem>>, vector<16xf32>,
      tpu.vector_store %arg13[%swap3A_453, %swap3A_454], %mul3A_452 {strides = array<i32>} : memref<80x144xf32, #tpu.memory_space<vmem>>, vector<16xf32>,
      %slice3A_456 = vector.extract_strided_slice %select_n3A_434 {offsets = [2], sizes = [1], strides = [1]} : vector<16xf32> to vector<1xf32>
      %squeeze3A_457 = vector.extract %slice3A_456[0] : f32 from vector<1xf32>
      %get3A_458 = arith.index_cast %scan3A_421 : i32 to index
      %get3A_459 = arith.constant 32 : index
      %get3A_460 = tpu.vector_load %arg13[%get3A_458, %get3A_459] {strides = array<i32>} : memref<80x144xf32, #tpu.memory_space<vmem>>, vector<16xf32>,
      %mul3A_461 = vector.broadcast %squeeze3A_457 : f32 to vector<16xf32>
      %mul3A_462 = arith.mulf %get3A_460, %mul3A_461 : vector<16xf32>
      %swap3A_463 = arith.index_cast %scan3A_421 : i32 to index
      %swap3A_464 = arith.constant 32 : index
      %swap3A_465 = tpu.vector_load %arg13[%swap3A_463, %swap3A_464] {strides = array<i32>} : memref<80x144xf32, #tpu.memory_space<vmem>>, vector<16xf32>,
      tpu.vector_store %arg13[%swap3A_463, %swap3A_464], %mul3A_462 {strides = array<i32>} : memref<80x144xf32, #tpu.memory_space<vmem>>, vector<16xf32>,
      %slice3A_466 = vector.extract_strided_slice %select_n3A_434 {offsets = [3], sizes = [1], strides = [1]} : vector<16xf32> to vector<1xf32>
      %squeeze3A_467 = vector.extract %slice3A_466[0] : f32 from vector<1xf32>
      %get3A_468 = arith.index_cast %scan3A_421 : i32 to index
      %get3A_469 = arith.constant 48 : index
      %get3A_470 = tpu.vector_load %arg13[%get3A_468, %get3A_469] {strides = array<i32>} : memref<80x144xf32, #tpu.memory_space<vmem>>, vector<16xf32>,
      %mul3A_471 = vector.broadcast %squeeze3A_467 : f32 to vector<16xf32>
      %mul3A_472 = arith.mulf %get3A_470, %mul3A_471 : vector<16xf32>
      %swap3A_473 = arith.index_cast %scan3A_421 : i32 to index
      %swap3A_474 = arith.constant 48 : index
      %swap3A_475 = tpu.vector_load %arg13[%swap3A_473, %swap3A_474] {strides = array<i32>} : memref<80x144xf32, #tpu.memory_space<vmem>>, vector<16xf32>,
      tpu.vector_store %arg13[%swap3A_473, %swap3A_474], %mul3A_472 {strides = array<i32>} : memref<80x144xf32, #tpu.memory_space<vmem>>, vector<16xf32>,
      %slice3A_476 = vector.extract_strided_slice %select_n3A_434 {offsets = [4], sizes = [1], strides = [1]} : vector<16xf32> to vector<1xf32>
      %squeeze3A_477 = vector.extract %slice3A_476[0] : f32 from vector<1xf32>
      %get3A_478 = arith.index_cast %scan3A_421 : i32 to index
      %get3A_479 = arith.constant 64 : index
      %get3A_480 = tpu.vector_load %arg13[%get3A_478, %get3A_479] {strides = array<i32>} : memref<80x144xf32, #tpu.memory_space<vmem>>, vector<16xf32>,
      %mul3A_481 = vector.broadcast %squeeze3A_477 : f32 to vector<16xf32>
      %mul3A_482 = arith.mulf %get3A_480, %mul3A_481 : vector<16xf32>
      %swap3A_483 = arith.index_cast %scan3A_421 : i32 to index
      %swap3A_484 = arith.constant 64 : index
      %swap3A_485 = tpu.vector_load %arg13[%swap3A_483, %swap3A_484] {strides = array<i32>} : memref<80x144xf32, #tpu.memory_space<vmem>>, vector<16xf32>,
      tpu.vector_store %arg13[%swap3A_483, %swap3A_484], %mul3A_482 {strides = array<i32>} : memref<80x144xf32, #tpu.memory_space<vmem>>, vector<16xf32>,
      %slice3A_486 = vector.extract_strided_slice %select_n3A_434 {offsets = [5], sizes = [1], strides = [1]} : vector<16xf32> to vector<1xf32>
      %squeeze3A_487 = vector.extract %slice3A_486[0] : f32 from vector<1xf32>
      %get3A_488 = arith.index_cast %scan3A_421 : i32 to index
      %get3A_489 = arith.constant 80 : index
      %get3A_490 = tpu.vector_load %arg13[%get3A_488, %get3A_489] {strides = array<i32>} : memref<80x144xf32, #tpu.memory_space<vmem>>, vector<16xf32>,
      %mul3A_491 = vector.broadcast %squeeze3A_487 : f32 to vector<16xf32>
      %mul3A_492 = arith.mulf %get3A_490, %mul3A_491 : vector<16xf32>
      %swap3A_493 = arith.index_cast %scan3A_421 : i32 to index
      %swap3A_494 = arith.constant 80 : index
      %swap3A_495 = tpu.vector_load %arg13[%swap3A_493, %swap3A_494] {strides = array<i32>} : memref<80x144xf32, #tpu.memory_space<vmem>>, vector<16xf32>,
      tpu.vector_store %arg13[%swap3A_493, %swap3A_494], %mul3A_492 {strides = array<i32>} : memref<80x144xf32, #tpu.memory_space<vmem>>, vector<16xf32>,
      %slice3A_496 = vector.extract_strided_slice %select_n3A_434 {offsets = [6], sizes = [1], strides = [1]} : vector<16xf32> to vector<1xf32>
      %squeeze3A_497 = vector.extract %slice3A_496[0] : f32 from vector<1xf32>
      %get3A_498 = arith.index_cast %scan3A_421 : i32 to index
      %get3A_499 = arith.constant 96 : index
      %get3A_500 = tpu.vector_load %arg13[%get3A_498, %get3A_499] {strides = array<i32>} : memref<80x144xf32, #tpu.memory_space<vmem>>, vector<16xf32>,
      %mul3A_501 = vector.broadcast %squeeze3A_497 : f32 to vector<16xf32>
      %mul3A_502 = arith.mulf %get3A_500, %mul3A_501 : vector<16xf32>
      %swap3A_503 = arith.index_cast %scan3A_421 : i32 to index
      %swap3A_504 = arith.constant 96 : index
      %swap3A_505 = tpu.vector_load %arg13[%swap3A_503, %swap3A_504] {strides = array<i32>} : memref<80x144xf32, #tpu.memory_space<vmem>>, vector<16xf32>,
      tpu.vector_store %arg13[%swap3A_503, %swap3A_504], %mul3A_502 {strides = array<i32>} : memref<80x144xf32, #tpu.memory_space<vmem>>, vector<16xf32>,
      %slice3A_506 = vector.extract_strided_slice %select_n3A_434 {offsets = [7], sizes = [1], strides = [1]} : vector<16xf32> to vector<1xf32>
      %squeeze3A_507 = vector.extract %slice3A_506[0] : f32 from vector<1xf32>
      %get3A_508 = arith.index_cast %scan3A_421 : i32 to index
      %get3A_509 = arith.constant 112 : index
      %get3A_510 = tpu.vector_load %arg13[%get3A_508, %get3A_509] {strides = array<i32>} : memref<80x144xf32, #tpu.memory_space<vmem>>, vector<16xf32>,
      %mul3A_511 = vector.broadcast %squeeze3A_507 : f32 to vector<16xf32>
      %mul3A_512 = arith.mulf %get3A_510, %mul3A_511 : vector<16xf32>
      %swap3A_513 = arith.index_cast %scan3A_421 : i32 to index
      %swap3A_514 = arith.constant 112 : index
      %swap3A_515 = tpu.vector_load %arg13[%swap3A_513, %swap3A_514] {strides = array<i32>} : memref<80x144xf32, #tpu.memory_space<vmem>>, vector<16xf32>,
      tpu.vector_store %arg13[%swap3A_513, %swap3A_514], %mul3A_512 {strides = array<i32>} : memref<80x144xf32, #tpu.memory_space<vmem>>, vector<16xf32>,
    }
    %scan3A_354 = arith.constant 80 : i32
    %dma_start3A_355 = arith.constant 0 : i32
    %dma_start3A_356 = arith.constant 0 : i32
    %dma_start3A_357 = tpu.memref_slice %arg19[%dma_start3A_355, %dma_start3A_356] : memref<10000x144xf32, #tpu.memory_space<vmem_shared>> -> memref<10000x144xf32, #tpu.memory_space<vmem_shared>>
    tpu.enqueue_indirect_dma source(%arg13 : memref<80x144xf32, #tpu.memory_space<vmem>>) target(%dma_start3A_357 : memref<10000x144xf32, #tpu.memory_space<vmem_shared>>) offsets(%arg10 : memref<80xi32, #tpu.memory_space<vmem>>) semaphore(%arg26 : memref<!tpu.dma_semaphore, #tpu.memory_space<semaphore_mem>>) {add = true}
    %dma_wait3A_358 = arith.constant 0 : i32
    %dma_wait3A_359 = arith.constant 0 : i32
    %dma_wait3A_360 = tpu.memref_slice %arg8[%dma_wait3A_358, %dma_wait3A_359] : memref<2x80xi32, #tpu.memory_space<vmem>> -> memref<1x80xi32, #tpu.memory_space<vmem>>
    %dma_wait3A_361 = tpu.memref_squeeze %dma_wait3A_360 : memref<1x80xi32, #tpu.memory_space<vmem>> -> memref<80xi32, #tpu.memory_space<vmem>>
    %dma_wait3A_362 = arith.constant 0 : i32
    %dma_wait3A_363 = arith.constant 0 : i32
    %dma_wait3A_364 = tpu.memref_slice %arg2[%dma_wait3A_362, %dma_wait3A_363] : memref<10000x144xf32, #tpu.memory_space<hbm>> -> memref<10000x144xf32, #tpu.memory_space<hbm>>
    tpu.wait_indirect_dma semaphore(%arg24 : memref<!tpu.dma_semaphore, #tpu.memory_space<semaphore_mem>>) src(%dma_wait3A_364 : memref<10000x144xf32, #tpu.memory_space<hbm>>) dst(%arg14 : memref<80x144xf32, #tpu.memory_space<vmem>>)
    %dma_wait3A_365 = arith.constant 1 : i32
    %dma_wait3A_366 = arith.constant 0 : i32
    %dma_wait3A_367 = tpu.memref_slice %arg8[%dma_wait3A_365, %dma_wait3A_366] : memref<2x80xi32, #tpu.memory_space<vmem>> -> memref<1x80xi32, #tpu.memory_space<vmem>>
    %dma_wait3A_368 = tpu.memref_squeeze %dma_wait3A_367 : memref<1x80xi32, #tpu.memory_space<vmem>> -> memref<80xi32, #tpu.memory_space<vmem>>
    %dma_wait3A_369 = arith.constant 0 : i32
    %dma_wait3A_370 = arith.constant 0 : i32
    %dma_wait3A_371 = tpu.memref_slice %arg3[%dma_wait3A_369, %dma_wait3A_370] : memref<10000x16xf32, #tpu.memory_space<hbm>> -> memref<10000x16xf32, #tpu.memory_space<hbm>>
    tpu.wait_indirect_dma semaphore(%arg24 : memref<!tpu.dma_semaphore, #tpu.memory_space<semaphore_mem>>) src(%dma_wait3A_371 : memref<10000x16xf32, #tpu.memory_space<hbm>>) dst(%arg17 : memref<80x16xf32, #tpu.memory_space<vmem>>)
    %get3A_372 = arith.constant 1 : i32
    %get3A_373 = arith.index_cast %get3A_372 : i32 to index
    %get3A_374 = arith.constant 0 : index
    %get3A_375 = tpu.vector_load %arg8[%get3A_373, %get3A_374] {strides = array<i32>} : memref<2x80xi32, #tpu.memory_space<vmem>>, vector<16xi32>,
    %swap3A_376 = arith.constant 0 : index
    %swap3A_377 = tpu.vector_load %arg11[%swap3A_376] {strides = array<i32>} : memref<80xi32, #tpu.memory_space<vmem>>, vector<16xi32>,
    tpu.vector_store %arg11[%swap3A_376], %get3A_375 {strides = array<i32>} : memref<80xi32, #tpu.memory_space<vmem>>, vector<16xi32>,
    %get3A_378 = arith.constant 1 : i32
    %get3A_379 = arith.index_cast %get3A_378 : i32 to index
    %get3A_380 = arith.constant 16 : index
    %get3A_381 = tpu.vector_load %arg8[%get3A_379, %get3A_380] {strides = array<i32>} : memref<2x80xi32, #tpu.memory_space<vmem>>, vector<16xi32>,
    %swap3A_382 = arith.constant 16 : index
    %swap3A_383 = tpu.vector_load %arg11[%swap3A_382] {strides = array<i32>} : memref<80xi32, #tpu.memory_space<vmem>>, vector<16xi32>,
    tpu.vector_store %arg11[%swap3A_382], %get3A_381 {strides = array<i32>} : memref<80xi32, #tpu.memory_space<vmem>>, vector<16xi32>,
    %get3A_384 = arith.constant 1 : i32
    %get3A_385 = arith.index_cast %get3A_384 : i32 to index
    %get3A_386 = arith.constant 32 : index
    %get3A_387 = tpu.vector_load %arg8[%get3A_385, %get3A_386] {strides = array<i32>} : memref<2x80xi32, #tpu.memory_space<vmem>>, vector<16xi32>,
    %swap3A_388 = arith.constant 32 : index
    %swap3A_389 = tpu.vector_load %arg11[%swap3A_388] {strides = array<i32>} : memref<80xi32, #tpu.memory_space<vmem>>, vector<16xi32>,
    tpu.vector_store %arg11[%swap3A_388], %get3A_387 {strides = array<i32>} : memref<80xi32, #tpu.memory_space<vmem>>, vector<16xi32>,
    %get3A_390 = arith.constant 1 : i32
    %get3A_391 = arith.index_cast %get3A_390 : i32 to index
    %get3A_392 = arith.constant 48 : index
    %get3A_393 = tpu.vector_load %arg8[%get3A_391, %get3A_392] {strides = array<i32>} : memref<2x80xi32, #tpu.memory_space<vmem>>, vector<16xi32>,
    %swap3A_394 = arith.constant 48 : index
    %swap3A_395 = tpu.vector_load %arg11[%swap3A_394] {strides = array<i32>} : memref<80xi32, #tpu.memory_space<vmem>>, vector<16xi32>,
    tpu.vector_store %arg11[%swap3A_394], %get3A_393 {strides = array<i32>} : memref<80xi32, #tpu.memory_space<vmem>>, vector<16xi32>,
    %get3A_396 = arith.constant 1 : i32
    %get3A_397 = arith.index_cast %get3A_396 : i32 to index
    %get3A_398 = arith.constant 64 : index
    %get3A_399 = tpu.vector_load %arg8[%get3A_397, %get3A_398] {strides = array<i32>} : memref<2x80xi32, #tpu.memory_space<vmem>>, vector<16xi32>,
    %swap3A_400 = arith.constant 64 : index
    %swap3A_401 = tpu.vector_load %arg11[%swap3A_400] {strides = array<i32>} : memref<80xi32, #tpu.memory_space<vmem>>, vector<16xi32>,
    tpu.vector_store %arg11[%swap3A_400], %get3A_399 {strides = array<i32>} : memref<80xi32, #tpu.memory_space<vmem>>, vector<16xi32>,
    %scan3A_402 = arith.constant 0 : i32
    %scan3A_403 = arith.constant 0 : i32
    %scan3A_404 = arith.constant 80 : i32
    %scan3A_405 = arith.addi %scan3A_403, %scan3A_404 : i32
    %scan3A_406 = arith.constant 1 : i32
    scf.for %scan3A_421 = %scan3A_403 to %scan3A_405 step %scan3A_406  : i32 {
      %get3A_422 = arith.index_cast %scan3A_421 : i32 to index
      %get3A_423 = arith.constant 128 : index
      %get3A_424 = tpu.vector_load %arg14[%get3A_422, %get3A_423] {strides = array<i32>} : memref<80x144xf32, #tpu.memory_space<vmem>>, vector<16xf32>,
      %get3A_425 = arith.index_cast %scan3A_421 : i32 to index
      %get3A_426 = arith.constant 0 : index
      %get3A_427 = tpu.vector_load %arg17[%get3A_425, %get3A_426] {strides = array<i32>} : memref<80x16xf32, #tpu.memory_space<vmem>>, vector<16xf32>,
      %add3A_428 = arith.addf %get3A_424, %get3A_427 : vector<16xf32>
      %ge3A = arith.constant 0.000000e+00 : f32
      %ge3A_429 = vector.broadcast %ge3A : f32 to vector<16xf32>
      %ge3A_430 = arith.cmpf oge, %add3A_428, %ge3A_429 : vector<16xf32>
      %mul3A_431 = arith.constant 2.000000e-01 : f32
      %mul3A_432 = vector.broadcast %mul3A_431 : f32 to vector<16xf32>
      %mul3A_433 = arith.mulf %mul3A_432, %add3A_428 : vector<16xf32>
      %select_n3A = arith.select %ge3A_430, %add3A_428, %mul3A_433 : vector<16xi1>, vector<16xf32>
      %exp3A = math.exp %select_n3A : vector<16xf32>
      %jit3A = arith.constant 0.000000e+00 : f32
      %broadcast_in_dim3A = vector.broadcast %jit3A : f32 to vector<16xf32>
      %select_n3A_434 = arith.select %lt3A_4, %exp3A, %broadcast_in_dim3A : vector<16xi1>, vector<16xf32>
      %swap3A_435 = arith.index_cast %scan3A_421 : i32 to index
      %swap3A_436 = arith.constant 128 : index
      %swap3A_437 = tpu.vector_load %arg14[%swap3A_435, %swap3A_436] {strides = array<i32>} : memref<80x144xf32, #tpu.memory_space<vmem>>, vector<16xf32>,
      tpu.vector_store %arg14[%swap3A_435, %swap3A_436], %select_n3A_434 {strides = array<i32>} : memref<80x144xf32, #tpu.memory_space<vmem>>, vector<16xf32>,
      %slice3A = vector.extract_strided_slice %select_n3A_434 {offsets = [0], sizes = [1], strides = [1]} : vector<16xf32> to vector<1xf32>
      %squeeze3A = vector.extract %slice3A[0] : f32 from vector<1xf32>
      %get3A_438 = arith.index_cast %scan3A_421 : i32 to index
      %get3A_439 = arith.constant 0 : index
      %get3A_440 = tpu.vector_load %arg14[%get3A_438, %get3A_439] {strides = array<i32>} : memref<80x144xf32, #tpu.memory_space<vmem>>, vector<16xf32>,
      %mul3A_441 = vector.broadcast %squeeze3A : f32 to vector<16xf32>
      %mul3A_442 = arith.mulf %get3A_440, %mul3A_441 : vector<16xf32>
      %swap3A_443 = arith.index_cast %scan3A_421 : i32 to index
      %swap3A_444 = arith.constant 0 : index
      %swap3A_445 = tpu.vector_load %arg14[%swap3A_443, %swap3A_444] {strides = array<i32>} : memref<80x144xf32, #tpu.memory_space<vmem>>, vector<16xf32>,
      tpu.vector_store %arg14[%swap3A_443, %swap3A_444], %mul3A_442 {strides = array<i32>} : memref<80x144xf32, #tpu.memory_space<vmem>>, vector<16xf32>,
      %slice3A_446 = vector.extract_strided_slice %select_n3A_434 {offsets = [1], sizes = [1], strides = [1]} : vector<16xf32> to vector<1xf32>
      %squeeze3A_447 = vector.extract %slice3A_446[0] : f32 from vector<1xf32>
      %get3A_448 = arith.index_cast %scan3A_421 : i32 to index
      %get3A_449 = arith.constant 16 : index
      %get3A_450 = tpu.vector_load %arg14[%get3A_448, %get3A_449] {strides = array<i32>} : memref<80x144xf32, #tpu.memory_space<vmem>>, vector<16xf32>,
      %mul3A_451 = vector.broadcast %squeeze3A_447 : f32 to vector<16xf32>
      %mul3A_452 = arith.mulf %get3A_450, %mul3A_451 : vector<16xf32>
      %swap3A_453 = arith.index_cast %scan3A_421 : i32 to index
      %swap3A_454 = arith.constant 16 : index
      %swap3A_455 = tpu.vector_load %arg14[%swap3A_453, %swap3A_454] {strides = array<i32>} : memref<80x144xf32, #tpu.memory_space<vmem>>, vector<16xf32>,
      tpu.vector_store %arg14[%swap3A_453, %swap3A_454], %mul3A_452 {strides = array<i32>} : memref<80x144xf32, #tpu.memory_space<vmem>>, vector<16xf32>,
      %slice3A_456 = vector.extract_strided_slice %select_n3A_434 {offsets = [2], sizes = [1], strides = [1]} : vector<16xf32> to vector<1xf32>
      %squeeze3A_457 = vector.extract %slice3A_456[0] : f32 from vector<1xf32>
      %get3A_458 = arith.index_cast %scan3A_421 : i32 to index
      %get3A_459 = arith.constant 32 : index
      %get3A_460 = tpu.vector_load %arg14[%get3A_458, %get3A_459] {strides = array<i32>} : memref<80x144xf32, #tpu.memory_space<vmem>>, vector<16xf32>,
      %mul3A_461 = vector.broadcast %squeeze3A_457 : f32 to vector<16xf32>
      %mul3A_462 = arith.mulf %get3A_460, %mul3A_461 : vector<16xf32>
      %swap3A_463 = arith.index_cast %scan3A_421 : i32 to index
      %swap3A_464 = arith.constant 32 : index
      %swap3A_465 = tpu.vector_load %arg14[%swap3A_463, %swap3A_464] {strides = array<i32>} : memref<80x144xf32, #tpu.memory_space<vmem>>, vector<16xf32>,
      tpu.vector_store %arg14[%swap3A_463, %swap3A_464], %mul3A_462 {strides = array<i32>} : memref<80x144xf32, #tpu.memory_space<vmem>>, vector<16xf32>,
      %slice3A_466 = vector.extract_strided_slice %select_n3A_434 {offsets = [3], sizes = [1], strides = [1]} : vector<16xf32> to vector<1xf32>
      %squeeze3A_467 = vector.extract %slice3A_466[0] : f32 from vector<1xf32>
      %get3A_468 = arith.index_cast %scan3A_421 : i32 to index
      %get3A_469 = arith.constant 48 : index
      %get3A_470 = tpu.vector_load %arg14[%get3A_468, %get3A_469] {strides = array<i32>} : memref<80x144xf32, #tpu.memory_space<vmem>>, vector<16xf32>,
      %mul3A_471 = vector.broadcast %squeeze3A_467 : f32 to vector<16xf32>
      %mul3A_472 = arith.mulf %get3A_470, %mul3A_471 : vector<16xf32>
      %swap3A_473 = arith.index_cast %scan3A_421 : i32 to index
      %swap3A_474 = arith.constant 48 : index
      %swap3A_475 = tpu.vector_load %arg14[%swap3A_473, %swap3A_474] {strides = array<i32>} : memref<80x144xf32, #tpu.memory_space<vmem>>, vector<16xf32>,
      tpu.vector_store %arg14[%swap3A_473, %swap3A_474], %mul3A_472 {strides = array<i32>} : memref<80x144xf32, #tpu.memory_space<vmem>>, vector<16xf32>,
      %slice3A_476 = vector.extract_strided_slice %select_n3A_434 {offsets = [4], sizes = [1], strides = [1]} : vector<16xf32> to vector<1xf32>
      %squeeze3A_477 = vector.extract %slice3A_476[0] : f32 from vector<1xf32>
      %get3A_478 = arith.index_cast %scan3A_421 : i32 to index
      %get3A_479 = arith.constant 64 : index
      %get3A_480 = tpu.vector_load %arg14[%get3A_478, %get3A_479] {strides = array<i32>} : memref<80x144xf32, #tpu.memory_space<vmem>>, vector<16xf32>,
      %mul3A_481 = vector.broadcast %squeeze3A_477 : f32 to vector<16xf32>
      %mul3A_482 = arith.mulf %get3A_480, %mul3A_481 : vector<16xf32>
      %swap3A_483 = arith.index_cast %scan3A_421 : i32 to index
      %swap3A_484 = arith.constant 64 : index
      %swap3A_485 = tpu.vector_load %arg14[%swap3A_483, %swap3A_484] {strides = array<i32>} : memref<80x144xf32, #tpu.memory_space<vmem>>, vector<16xf32>,
      tpu.vector_store %arg14[%swap3A_483, %swap3A_484], %mul3A_482 {strides = array<i32>} : memref<80x144xf32, #tpu.memory_space<vmem>>, vector<16xf32>,
      %slice3A_486 = vector.extract_strided_slice %select_n3A_434 {offsets = [5], sizes = [1], strides = [1]} : vector<16xf32> to vector<1xf32>
      %squeeze3A_487 = vector.extract %slice3A_486[0] : f32 from vector<1xf32>
      %get3A_488 = arith.index_cast %scan3A_421 : i32 to index
      %get3A_489 = arith.constant 80 : index
      %get3A_490 = tpu.vector_load %arg14[%get3A_488, %get3A_489] {strides = array<i32>} : memref<80x144xf32, #tpu.memory_space<vmem>>, vector<16xf32>,
      %mul3A_491 = vector.broadcast %squeeze3A_487 : f32 to vector<16xf32>
      %mul3A_492 = arith.mulf %get3A_490, %mul3A_491 : vector<16xf32>
      %swap3A_493 = arith.index_cast %scan3A_421 : i32 to index
      %swap3A_494 = arith.constant 80 : index
      %swap3A_495 = tpu.vector_load %arg14[%swap3A_493, %swap3A_494] {strides = array<i32>} : memref<80x144xf32, #tpu.memory_space<vmem>>, vector<16xf32>,
      tpu.vector_store %arg14[%swap3A_493, %swap3A_494], %mul3A_492 {strides = array<i32>} : memref<80x144xf32, #tpu.memory_space<vmem>>, vector<16xf32>,
      %slice3A_496 = vector.extract_strided_slice %select_n3A_434 {offsets = [6], sizes = [1], strides = [1]} : vector<16xf32> to vector<1xf32>
      %squeeze3A_497 = vector.extract %slice3A_496[0] : f32 from vector<1xf32>
      %get3A_498 = arith.index_cast %scan3A_421 : i32 to index
      %get3A_499 = arith.constant 96 : index
      %get3A_500 = tpu.vector_load %arg14[%get3A_498, %get3A_499] {strides = array<i32>} : memref<80x144xf32, #tpu.memory_space<vmem>>, vector<16xf32>,
      %mul3A_501 = vector.broadcast %squeeze3A_497 : f32 to vector<16xf32>
      %mul3A_502 = arith.mulf %get3A_500, %mul3A_501 : vector<16xf32>
      %swap3A_503 = arith.index_cast %scan3A_421 : i32 to index
      %swap3A_504 = arith.constant 96 : index
      %swap3A_505 = tpu.vector_load %arg14[%swap3A_503, %swap3A_504] {strides = array<i32>} : memref<80x144xf32, #tpu.memory_space<vmem>>, vector<16xf32>,
      tpu.vector_store %arg14[%swap3A_503, %swap3A_504], %mul3A_502 {strides = array<i32>} : memref<80x144xf32, #tpu.memory_space<vmem>>, vector<16xf32>,
      %slice3A_506 = vector.extract_strided_slice %select_n3A_434 {offsets = [7], sizes = [1], strides = [1]} : vector<16xf32> to vector<1xf32>
      %squeeze3A_507 = vector.extract %slice3A_506[0] : f32 from vector<1xf32>
      %get3A_508 = arith.index_cast %scan3A_421 : i32 to index
      %get3A_509 = arith.constant 112 : index
      %get3A_510 = tpu.vector_load %arg14[%get3A_508, %get3A_509] {strides = array<i32>} : memref<80x144xf32, #tpu.memory_space<vmem>>, vector<16xf32>,
      %mul3A_511 = vector.broadcast %squeeze3A_507 : f32 to vector<16xf32>
      %mul3A_512 = arith.mulf %get3A_510, %mul3A_511 : vector<16xf32>
      %swap3A_513 = arith.index_cast %scan3A_421 : i32 to index
      %swap3A_514 = arith.constant 112 : index
      %swap3A_515 = tpu.vector_load %arg14[%swap3A_513, %swap3A_514] {strides = array<i32>} : memref<80x144xf32, #tpu.memory_space<vmem>>, vector<16xf32>,
      tpu.vector_store %arg14[%swap3A_513, %swap3A_514], %mul3A_512 {strides = array<i32>} : memref<80x144xf32, #tpu.memory_space<vmem>>, vector<16xf32>,
    }
    %scan3A_407 = arith.constant 80 : i32
    %dma_start3A_408 = arith.constant 0 : i32
    %dma_start3A_409 = arith.constant 0 : i32
    %dma_start3A_410 = tpu.memref_slice %arg19[%dma_start3A_408, %dma_start3A_409] : memref<10000x144xf32, #tpu.memory_space<vmem_shared>> -> memref<10000x144xf32, #tpu.memory_space<vmem_shared>>
    tpu.enqueue_indirect_dma source(%arg14 : memref<80x144xf32, #tpu.memory_space<vmem>>) target(%dma_start3A_410 : memref<10000x144xf32, #tpu.memory_space<vmem_shared>>) offsets(%arg11 : memref<80xi32, #tpu.memory_space<vmem>>) semaphore(%arg27 : memref<!tpu.dma_semaphore, #tpu.memory_space<semaphore_mem>>) {add = true}
    %dma_wait3A_411 = arith.constant 0 : i32
    %dma_wait3A_412 = arith.constant 0 : i32
    %dma_wait3A_413 = tpu.memref_slice %arg19[%dma_wait3A_411, %dma_wait3A_412] : memref<10000x144xf32, #tpu.memory_space<vmem_shared>> -> memref<10000x144xf32, #tpu.memory_space<vmem_shared>>
    tpu.wait_indirect_dma semaphore(%arg26 : memref<!tpu.dma_semaphore, #tpu.memory_space<semaphore_mem>>) src(%arg13 : memref<80x144xf32, #tpu.memory_space<vmem>>) dst(%dma_wait3A_413 : memref<10000x144xf32, #tpu.memory_space<vmem_shared>>)
    %dma_wait3A_414 = arith.constant 0 : i32
    %dma_wait3A_415 = arith.constant 0 : i32
    %dma_wait3A_416 = tpu.memref_slice %arg19[%dma_wait3A_414, %dma_wait3A_415] : memref<10000x144xf32, #tpu.memory_space<vmem_shared>> -> memref<10000x144xf32, #tpu.memory_space<vmem_shared>>
    tpu.wait_indirect_dma semaphore(%arg27 : memref<!tpu.dma_semaphore, #tpu.memory_space<semaphore_mem>>) src(%arg14 : memref<80x144xf32, #tpu.memory_space<vmem>>) dst(%dma_wait3A_416 : memref<10000x144xf32, #tpu.memory_space<vmem_shared>>)
    %dma_wait3A_417 = arith.constant 0 : i32
    %dma_wait3A_418 = arith.constant 0 : i32
    %dma_wait3A_419 = tpu.memref_slice %arg19[%dma_wait3A_417, %dma_wait3A_418] : memref<10000x144xf32, #tpu.memory_space<vmem_shared>> -> memref<10000x144xf32, #tpu.memory_space<vmem_shared>>
    tpu.wait_indirect_dma semaphore(%arg28 : memref<!tpu.dma_semaphore, #tpu.memory_space<semaphore_mem>>) src(%arg15 : memref<80x144xf32, #tpu.memory_space<vmem>>) dst(%dma_wait3A_419 : memref<10000x144xf32, #tpu.memory_space<vmem_shared>>)
    %barrier3A_420 = arith.constant 0 : index
    tpu.barrier barrier_id(%barrier3A_420)
    "tpu.region"() ({
      %run_scoped3A_421 = tpu.sem_alloc : memref<!tpu.dma_semaphore, #tpu.memory_space<semaphore_mem>>
      %dma_start3A_422 = arith.constant 0 : i32
      %dma_start3A_423 = tpu.memref_slice %arg6[%arg0, %mul3A_2, %dma_start3A_422] : memref<2x10000x144xf32, #tpu.memory_space<hbm>> -> memref<1x625x144xf32, #tpu.memory_space<hbm>>
      %dma_start3A_424 = tpu.memref_squeeze %dma_start3A_423 : memref<1x625x144xf32, #tpu.memory_space<hbm>> -> memref<625x144xf32, #tpu.memory_space<hbm>>
      %dma_start3A_425 = arith.constant 0 : i32
      %dma_start3A_426 = tpu.memref_slice %arg19[%mul3A_2, %dma_start3A_425] : memref<10000x144xf32, #tpu.memory_space<vmem_shared>> -> memref<625x144xf32, #tpu.memory_space<vmem_shared>>
      tpu.enqueue_dma source(%dma_start3A_426 : memref<625x144xf32, #tpu.memory_space<vmem_shared>>) target(%dma_start3A_424 : memref<625x144xf32, #tpu.memory_space<hbm>>) target_semaphore(%run_scoped3A_421 : memref<!tpu.dma_semaphore, #tpu.memory_space<semaphore_mem>>)
      %dma_wait3A_427 = arith.constant 0 : i32
      %dma_wait3A_428 = tpu.memref_slice %arg6[%arg0, %mul3A_2, %dma_wait3A_427] : memref<2x10000x144xf32, #tpu.memory_space<hbm>> -> memref<1x625x144xf32, #tpu.memory_space<hbm>>
      %dma_wait3A_429 = tpu.memref_squeeze %dma_wait3A_428 : memref<1x625x144xf32, #tpu.memory_space<hbm>> -> memref<625x144xf32, #tpu.memory_space<hbm>>
      %dma_wait3A_430 = arith.constant 0 : i32
      %dma_wait3A_431 = tpu.memref_slice %arg19[%mul3A_2, %dma_wait3A_430] : memref<10000x144xf32, #tpu.memory_space<vmem_shared>> -> memref<625x144xf32, #tpu.memory_space<vmem_shared>>
      tpu.wait_dma2 semaphore(%run_scoped3A_421 : memref<!tpu.dma_semaphore, #tpu.memory_space<semaphore_mem>>) src(%dma_wait3A_431 : memref<625x144xf32, #tpu.memory_space<vmem_shared>>) dst(%dma_wait3A_429 : memref<625x144xf32, #tpu.memory_space<hbm>>)
      tpu.yield
    }) : () -> ()
    return
  }
}

#map = affine_map<(d0, d1) -> (0, 0)>
#map1 = affine_map<(d0, d1) -> (0, 0, 0, 0)>
#map2 = affine_map<(d0, d1) -> (0, 0, 0)>
module attributes {stable_mosaic.version = 14 : i64} {
  func.func @sc_edge(%arg0: i32, %arg1: i32, %arg2: memref<10000x80xf32, #tpu.memory_space<hbm>>, %arg3: memref<10000x16xf32, #tpu.memory_space<hbm>>, %arg4: memref<32x125x2x80xi32, #tpu.memory_space<hbm>>, %arg5: memref<10000x80xf32, #tpu.memory_space<hbm>>, %arg6: memref<2x10000x80xf32, #tpu.memory_space<hbm>>, %arg7: memref<2x80xi32, #tpu.memory_space<vmem>>, %arg8: memref<2x80xi32, #tpu.memory_space<vmem>>, %arg9: memref<2x80xi32, #tpu.memory_space<vmem>>, %arg10: memref<80xi32, #tpu.memory_space<vmem>>, %arg11: memref<80xi32, #tpu.memory_space<vmem>>, %arg12: memref<80xi32, #tpu.memory_space<vmem>>, %arg13: memref<80x80xf32, #tpu.memory_space<vmem>>, %arg14: memref<80x80xf32, #tpu.memory_space<vmem>>, %arg15: memref<80x80xf32, #tpu.memory_space<vmem>>, %arg16: memref<80x16xf32, #tpu.memory_space<vmem>>, %arg17: memref<80x16xf32, #tpu.memory_space<vmem>>, %arg18: memref<80x16xf32, #tpu.memory_space<vmem>>, %arg19: memref<10000x80xf32, #tpu.memory_space<vmem_shared>>, %arg20: memref<!tpu.dma_semaphore, #tpu.memory_space<semaphore_mem>>, %arg21: memref<!tpu.dma_semaphore, #tpu.memory_space<semaphore_mem>>, %arg22: memref<!tpu.dma_semaphore, #tpu.memory_space<semaphore_mem>>, %arg23: memref<!tpu.dma_semaphore, #tpu.memory_space<semaphore_mem>>, %arg24: memref<!tpu.dma_semaphore, #tpu.memory_space<semaphore_mem>>, %arg25: memref<!tpu.dma_semaphore, #tpu.memory_space<semaphore_mem>>, %arg26: memref<!tpu.dma_semaphore, #tpu.memory_space<semaphore_mem>>, %arg27: memref<!tpu.dma_semaphore, #tpu.memory_space<semaphore_mem>>, %arg28: memref<!tpu.dma_semaphore, #tpu.memory_space<semaphore_mem>>) attributes {dimension_semantics = [#tpu.dimension_semantics<core_parallel>, #tpu.dimension_semantics<subcore_parallel>], iteration_bounds = array<i64: 2, 16>, scalar_prefetch = 0 : i64, scratch_operands = 22 : i64, tpu.core_type = #tpu.core_type<sc_vector_subcore>, window_params = [{transform_indices = #map}, {transform_indices = #map}, {transform_indices = #map1}, {transform_indices = #map}, {transform_indices = #map2}]} {
    %mul3A = arith.constant 2 : i32
    %mul3A_0 = arith.muli %arg1, %mul3A : i32
    %add3A = arith.addi %mul3A_0, %arg0 : i32
    %mul3A_1 = arith.constant 625 : i32
    %mul3A_2 = arith.muli %arg1, %mul3A_1 : i32
    "tpu.region"() ({
      %run_scoped3A_421 = tpu.sem_alloc : memref<!tpu.dma_semaphore, #tpu.memory_space<semaphore_mem>>
      %dma_start3A_422 = arith.constant 0 : i32
      %dma_start3A_423 = tpu.memref_slice %arg19[%mul3A_2, %dma_start3A_422] : memref<10000x80xf32, #tpu.memory_space<vmem_shared>> -> memref<625x80xf32, #tpu.memory_space<vmem_shared>>
      %dma_start3A_424 = arith.constant 0 : i32
      %dma_start3A_425 = tpu.memref_slice %arg5[%mul3A_2, %dma_start3A_424] : memref<10000x80xf32, #tpu.memory_space<hbm>> -> memref<625x80xf32, #tpu.memory_space<hbm>>
      tpu.enqueue_dma source(%dma_start3A_425 : memref<625x80xf32, #tpu.memory_space<hbm>>) target(%dma_start3A_423 : memref<625x80xf32, #tpu.memory_space<vmem_shared>>) target_semaphore(%run_scoped3A_421 : memref<!tpu.dma_semaphore, #tpu.memory_space<semaphore_mem>>)
      %dma_wait3A_426 = arith.constant 0 : i32
      %dma_wait3A_427 = tpu.memref_slice %arg19[%mul3A_2, %dma_wait3A_426] : memref<10000x80xf32, #tpu.memory_space<vmem_shared>> -> memref<625x80xf32, #tpu.memory_space<vmem_shared>>
      %dma_wait3A_428 = arith.constant 0 : i32
      %dma_wait3A_429 = tpu.memref_slice %arg5[%mul3A_2, %dma_wait3A_428] : memref<10000x80xf32, #tpu.memory_space<hbm>> -> memref<625x80xf32, #tpu.memory_space<hbm>>
      tpu.wait_dma2 semaphore(%run_scoped3A_421 : memref<!tpu.dma_semaphore, #tpu.memory_space<semaphore_mem>>) src(%dma_wait3A_429 : memref<625x80xf32, #tpu.memory_space<hbm>>) dst(%dma_wait3A_427 : memref<625x80xf32, #tpu.memory_space<vmem_shared>>)
      tpu.yield
    }) : () -> ()
    %barrier3A = arith.constant 0 : index
    tpu.barrier barrier_id(%barrier3A)
    %iota3A = tpu.iota {dimensions = array<i32: 0>} : vector<16xi32>
    %lt3A = arith.constant 1 : i32
    %lt3A_3 = vector.broadcast %lt3A : i32 to vector<16xi32>
    %lt3A_4 = arith.cmpi slt, %iota3A, %lt3A_3 : vector<16xi32>
    %run_scoped3A = arith.constant 0 : i32
    "tpu.region"() ({
      %run_scoped3A_421 = tpu.sem_alloc : memref<!tpu.dma_semaphore, #tpu.memory_space<semaphore_mem>>
      %dma_start3A_422 = arith.constant 0 : i32
      %dma_start3A_423 = arith.constant 0 : i32
      %dma_start3A_424 = tpu.memref_slice %arg4[%add3A, %run_scoped3A, %dma_start3A_422, %dma_start3A_423] : memref<32x125x2x80xi32, #tpu.memory_space<hbm>> -> memref<1x1x2x80xi32, #tpu.memory_space<hbm>>
      %dma_start3A_425 = tpu.memref_squeeze %dma_start3A_424 : memref<1x1x2x80xi32, #tpu.memory_space<hbm>> -> memref<2x80xi32, #tpu.memory_space<hbm>>
      %dma_start3A_426 = arith.constant 0 : i32
      %dma_start3A_427 = arith.constant 0 : i32
      %dma_start3A_428 = tpu.memref_slice %arg4[%add3A, %run_scoped3A, %dma_start3A_426, %dma_start3A_427] : memref<32x125x2x80xi32, #tpu.memory_space<hbm>> -> memref<1x1x2x80xi32, #tpu.memory_space<hbm>>
      %dma_start3A_429 = tpu.memref_squeeze %dma_start3A_428 : memref<1x1x2x80xi32, #tpu.memory_space<hbm>> -> memref<2x80xi32, #tpu.memory_space<hbm>>
      tpu.enqueue_dma source(%dma_start3A_429 : memref<2x80xi32, #tpu.memory_space<hbm>>) target(%arg7 : memref<2x80xi32, #tpu.memory_space<vmem>>) target_semaphore(%run_scoped3A_421 : memref<!tpu.dma_semaphore, #tpu.memory_space<semaphore_mem>>)
      %dma_wait3A_430 = arith.constant 0 : i32
      %dma_wait3A_431 = arith.constant 0 : i32
      %dma_wait3A_432 = tpu.memref_slice %arg4[%add3A, %run_scoped3A, %dma_wait3A_430, %dma_wait3A_431] : memref<32x125x2x80xi32, #tpu.memory_space<hbm>> -> memref<1x1x2x80xi32, #tpu.memory_space<hbm>>
      %dma_wait3A_433 = tpu.memref_squeeze %dma_wait3A_432 : memref<1x1x2x80xi32, #tpu.memory_space<hbm>> -> memref<2x80xi32, #tpu.memory_space<hbm>>
      %dma_wait3A_434 = arith.constant 0 : i32
      %dma_wait3A_435 = arith.constant 0 : i32
      %dma_wait3A_436 = tpu.memref_slice %arg4[%add3A, %run_scoped3A, %dma_wait3A_434, %dma_wait3A_435] : memref<32x125x2x80xi32, #tpu.memory_space<hbm>> -> memref<1x1x2x80xi32, #tpu.memory_space<hbm>>
      %dma_wait3A_437 = tpu.memref_squeeze %dma_wait3A_436 : memref<1x1x2x80xi32, #tpu.memory_space<hbm>> -> memref<2x80xi32, #tpu.memory_space<hbm>>
      tpu.wait_dma2 semaphore(%run_scoped3A_421 : memref<!tpu.dma_semaphore, #tpu.memory_space<semaphore_mem>>) src(%dma_wait3A_437 : memref<2x80xi32, #tpu.memory_space<hbm>>) dst(%arg7 : memref<2x80xi32, #tpu.memory_space<vmem>>)
      tpu.yield
    }) : () -> ()
    %run_scoped3A_5 = arith.constant 1 : i32
    "tpu.region"() ({
      %run_scoped3A_421 = tpu.sem_alloc : memref<!tpu.dma_semaphore, #tpu.memory_space<semaphore_mem>>
      %dma_start3A_422 = arith.constant 0 : i32
      %dma_start3A_423 = arith.constant 0 : i32
      %dma_start3A_424 = tpu.memref_slice %arg4[%add3A, %run_scoped3A_5, %dma_start3A_422, %dma_start3A_423] : memref<32x125x2x80xi32, #tpu.memory_space<hbm>> -> memref<1x1x2x80xi32, #tpu.memory_space<hbm>>
      %dma_start3A_425 = tpu.memref_squeeze %dma_start3A_424 : memref<1x1x2x80xi32, #tpu.memory_space<hbm>> -> memref<2x80xi32, #tpu.memory_space<hbm>>
      %dma_start3A_426 = arith.constant 0 : i32
      %dma_start3A_427 = arith.constant 0 : i32
      %dma_start3A_428 = tpu.memref_slice %arg4[%add3A, %run_scoped3A_5, %dma_start3A_426, %dma_start3A_427] : memref<32x125x2x80xi32, #tpu.memory_space<hbm>> -> memref<1x1x2x80xi32, #tpu.memory_space<hbm>>
      %dma_start3A_429 = tpu.memref_squeeze %dma_start3A_428 : memref<1x1x2x80xi32, #tpu.memory_space<hbm>> -> memref<2x80xi32, #tpu.memory_space<hbm>>
      tpu.enqueue_dma source(%dma_start3A_429 : memref<2x80xi32, #tpu.memory_space<hbm>>) target(%arg8 : memref<2x80xi32, #tpu.memory_space<vmem>>) target_semaphore(%run_scoped3A_421 : memref<!tpu.dma_semaphore, #tpu.memory_space<semaphore_mem>>)
      %dma_wait3A_430 = arith.constant 0 : i32
      %dma_wait3A_431 = arith.constant 0 : i32
      %dma_wait3A_432 = tpu.memref_slice %arg4[%add3A, %run_scoped3A_5, %dma_wait3A_430, %dma_wait3A_431] : memref<32x125x2x80xi32, #tpu.memory_space<hbm>> -> memref<1x1x2x80xi32, #tpu.memory_space<hbm>>
      %dma_wait3A_433 = tpu.memref_squeeze %dma_wait3A_432 : memref<1x1x2x80xi32, #tpu.memory_space<hbm>> -> memref<2x80xi32, #tpu.memory_space<hbm>>
      %dma_wait3A_434 = arith.constant 0 : i32
      %dma_wait3A_435 = arith.constant 0 : i32
      %dma_wait3A_436 = tpu.memref_slice %arg4[%add3A, %run_scoped3A_5, %dma_wait3A_434, %dma_wait3A_435] : memref<32x125x2x80xi32, #tpu.memory_space<hbm>> -> memref<1x1x2x80xi32, #tpu.memory_space<hbm>>
      %dma_wait3A_437 = tpu.memref_squeeze %dma_wait3A_436 : memref<1x1x2x80xi32, #tpu.memory_space<hbm>> -> memref<2x80xi32, #tpu.memory_space<hbm>>
      tpu.wait_dma2 semaphore(%run_scoped3A_421 : memref<!tpu.dma_semaphore, #tpu.memory_space<semaphore_mem>>) src(%dma_wait3A_437 : memref<2x80xi32, #tpu.memory_space<hbm>>) dst(%arg8 : memref<2x80xi32, #tpu.memory_space<vmem>>)
      tpu.yield
    }) : () -> ()
    %dma_start3A = arith.constant 0 : i32
    %dma_start3A_6 = arith.constant 0 : i32
    %dma_start3A_7 = tpu.memref_slice %arg7[%dma_start3A, %dma_start3A_6] : memref<2x80xi32, #tpu.memory_space<vmem>> -> memref<1x80xi32, #tpu.memory_space<vmem>>
    %dma_start3A_8 = tpu.memref_squeeze %dma_start3A_7 : memref<1x80xi32, #tpu.memory_space<vmem>> -> memref<80xi32, #tpu.memory_space<vmem>>
    %dma_start3A_9 = arith.constant 0 : i32
    %dma_start3A_10 = arith.constant 0 : i32
    %dma_start3A_11 = tpu.memref_slice %arg2[%dma_start3A_9, %dma_start3A_10] : memref<10000x80xf32, #tpu.memory_space<hbm>> -> memref<10000x80xf32, #tpu.memory_space<hbm>>
    tpu.enqueue_indirect_dma source(%dma_start3A_11 : memref<10000x80xf32, #tpu.memory_space<hbm>>) target(%arg13 : memref<80x80xf32, #tpu.memory_space<vmem>>) offsets(%dma_start3A_8 : memref<80xi32, #tpu.memory_space<vmem>>) semaphore(%arg23 : memref<!tpu.dma_semaphore, #tpu.memory_space<semaphore_mem>>)
    %dma_start3A_12 = arith.constant 1 : i32
    %dma_start3A_13 = arith.constant 0 : i32
    %dma_start3A_14 = tpu.memref_slice %arg7[%dma_start3A_12, %dma_start3A_13] : memref<2x80xi32, #tpu.memory_space<vmem>> -> memref<1x80xi32, #tpu.memory_space<vmem>>
    %dma_start3A_15 = tpu.memref_squeeze %dma_start3A_14 : memref<1x80xi32, #tpu.memory_space<vmem>> -> memref<80xi32, #tpu.memory_space<vmem>>
    %dma_start3A_16 = arith.constant 0 : i32
    %dma_start3A_17 = arith.constant 0 : i32
    %dma_start3A_18 = tpu.memref_slice %arg3[%dma_start3A_16, %dma_start3A_17] : memref<10000x16xf32, #tpu.memory_space<hbm>> -> memref<10000x16xf32, #tpu.memory_space<hbm>>
    tpu.enqueue_indirect_dma source(%dma_start3A_18 : memref<10000x16xf32, #tpu.memory_space<hbm>>) target(%arg16 : memref<80x16xf32, #tpu.memory_space<vmem>>) offsets(%dma_start3A_15 : memref<80xi32, #tpu.memory_space<vmem>>) semaphore(%arg23 : memref<!tpu.dma_semaphore, #tpu.memory_space<semaphore_mem>>)
    %dma_start3A_19 = arith.constant 0 : i32
    %dma_start3A_20 = arith.constant 0 : i32
    %dma_start3A_21 = tpu.memref_slice %arg8[%dma_start3A_19, %dma_start3A_20] : memref<2x80xi32, #tpu.memory_space<vmem>> -> memref<1x80xi32, #tpu.memory_space<vmem>>
    %dma_start3A_22 = tpu.memref_squeeze %dma_start3A_21 : memref<1x80xi32, #tpu.memory_space<vmem>> -> memref<80xi32, #tpu.memory_space<vmem>>
    %dma_start3A_23 = arith.constant 0 : i32
    %dma_start3A_24 = arith.constant 0 : i32
    %dma_start3A_25 = tpu.memref_slice %arg2[%dma_start3A_23, %dma_start3A_24] : memref<10000x80xf32, #tpu.memory_space<hbm>> -> memref<10000x80xf32, #tpu.memory_space<hbm>>
    tpu.enqueue_indirect_dma source(%dma_start3A_25 : memref<10000x80xf32, #tpu.memory_space<hbm>>) target(%arg14 : memref<80x80xf32, #tpu.memory_space<vmem>>) offsets(%dma_start3A_22 : memref<80xi32, #tpu.memory_space<vmem>>) semaphore(%arg24 : memref<!tpu.dma_semaphore, #tpu.memory_space<semaphore_mem>>)
    %dma_start3A_26 = arith.constant 1 : i32
    %dma_start3A_27 = arith.constant 0 : i32
    %dma_start3A_28 = tpu.memref_slice %arg8[%dma_start3A_26, %dma_start3A_27] : memref<2x80xi32, #tpu.memory_space<vmem>> -> memref<1x80xi32, #tpu.memory_space<vmem>>
    %dma_start3A_29 = tpu.memref_squeeze %dma_start3A_28 : memref<1x80xi32, #tpu.memory_space<vmem>> -> memref<80xi32, #tpu.memory_space<vmem>>
    %dma_start3A_30 = arith.constant 0 : i32
    %dma_start3A_31 = arith.constant 0 : i32
    %dma_start3A_32 = tpu.memref_slice %arg3[%dma_start3A_30, %dma_start3A_31] : memref<10000x16xf32, #tpu.memory_space<hbm>> -> memref<10000x16xf32, #tpu.memory_space<hbm>>
    tpu.enqueue_indirect_dma source(%dma_start3A_32 : memref<10000x16xf32, #tpu.memory_space<hbm>>) target(%arg17 : memref<80x16xf32, #tpu.memory_space<vmem>>) offsets(%dma_start3A_29 : memref<80xi32, #tpu.memory_space<vmem>>) semaphore(%arg24 : memref<!tpu.dma_semaphore, #tpu.memory_space<semaphore_mem>>)
    %dma_start3A_33 = arith.constant 2 : i32
    %dma_start3A_34 = arith.constant 0 : i32
    %dma_start3A_35 = arith.constant 0 : i32
    %dma_start3A_36 = tpu.memref_slice %arg4[%add3A, %dma_start3A_33, %dma_start3A_34, %dma_start3A_35] : memref<32x125x2x80xi32, #tpu.memory_space<hbm>> -> memref<1x1x2x80xi32, #tpu.memory_space<hbm>>
    %dma_start3A_37 = tpu.memref_squeeze %dma_start3A_36 : memref<1x1x2x80xi32, #tpu.memory_space<hbm>> -> memref<2x80xi32, #tpu.memory_space<hbm>>
    %dma_start3A_38 = arith.constant 0 : i32
    %dma_start3A_39 = arith.constant 0 : i32
    %dma_start3A_40 = tpu.memref_slice %arg4[%add3A, %dma_start3A_33, %dma_start3A_38, %dma_start3A_39] : memref<32x125x2x80xi32, #tpu.memory_space<hbm>> -> memref<1x1x2x80xi32, #tpu.memory_space<hbm>>
    %dma_start3A_41 = tpu.memref_squeeze %dma_start3A_40 : memref<1x1x2x80xi32, #tpu.memory_space<hbm>> -> memref<2x80xi32, #tpu.memory_space<hbm>>
    tpu.enqueue_dma source(%dma_start3A_41 : memref<2x80xi32, #tpu.memory_space<hbm>>) target(%arg9 : memref<2x80xi32, #tpu.memory_space<vmem>>) target_semaphore(%arg22 : memref<!tpu.dma_semaphore, #tpu.memory_space<semaphore_mem>>)
    %dma_wait3A = arith.constant 0 : i32
    %dma_wait3A_42 = arith.constant 0 : i32
    %dma_wait3A_43 = tpu.memref_slice %arg7[%dma_wait3A, %dma_wait3A_42] : memref<2x80xi32, #tpu.memory_space<vmem>> -> memref<1x80xi32, #tpu.memory_space<vmem>>
    %dma_wait3A_44 = tpu.memref_squeeze %dma_wait3A_43 : memref<1x80xi32, #tpu.memory_space<vmem>> -> memref<80xi32, #tpu.memory_space<vmem>>
    %dma_wait3A_45 = arith.constant 0 : i32
    %dma_wait3A_46 = arith.constant 0 : i32
    %dma_wait3A_47 = tpu.memref_slice %arg2[%dma_wait3A_45, %dma_wait3A_46] : memref<10000x80xf32, #tpu.memory_space<hbm>> -> memref<10000x80xf32, #tpu.memory_space<hbm>>
    tpu.wait_indirect_dma semaphore(%arg23 : memref<!tpu.dma_semaphore, #tpu.memory_space<semaphore_mem>>) src(%dma_wait3A_47 : memref<10000x80xf32, #tpu.memory_space<hbm>>) dst(%arg13 : memref<80x80xf32, #tpu.memory_space<vmem>>)
    %dma_wait3A_48 = arith.constant 1 : i32
    %dma_wait3A_49 = arith.constant 0 : i32
    %dma_wait3A_50 = tpu.memref_slice %arg7[%dma_wait3A_48, %dma_wait3A_49] : memref<2x80xi32, #tpu.memory_space<vmem>> -> memref<1x80xi32, #tpu.memory_space<vmem>>
    %dma_wait3A_51 = tpu.memref_squeeze %dma_wait3A_50 : memref<1x80xi32, #tpu.memory_space<vmem>> -> memref<80xi32, #tpu.memory_space<vmem>>
    %dma_wait3A_52 = arith.constant 0 : i32
    %dma_wait3A_53 = arith.constant 0 : i32
    %dma_wait3A_54 = tpu.memref_slice %arg3[%dma_wait3A_52, %dma_wait3A_53] : memref<10000x16xf32, #tpu.memory_space<hbm>> -> memref<10000x16xf32, #tpu.memory_space<hbm>>
    tpu.wait_indirect_dma semaphore(%arg23 : memref<!tpu.dma_semaphore, #tpu.memory_space<semaphore_mem>>) src(%dma_wait3A_54 : memref<10000x16xf32, #tpu.memory_space<hbm>>) dst(%arg16 : memref<80x16xf32, #tpu.memory_space<vmem>>)
    %get3A = arith.constant 1 : i32
    %get3A_55 = arith.index_cast %get3A : i32 to index
    %get3A_56 = arith.constant 0 : index
    %get3A_57 = tpu.vector_load %arg7[%get3A_55, %get3A_56] {strides = array<i32>} : memref<2x80xi32, #tpu.memory_space<vmem>>, vector<16xi32>,
    %swap3A = arith.constant 0 : index
    %swap3A_58 = tpu.vector_load %arg10[%swap3A] {strides = array<i32>} : memref<80xi32, #tpu.memory_space<vmem>>, vector<16xi32>,
    tpu.vector_store %arg10[%swap3A], %get3A_57 {strides = array<i32>} : memref<80xi32, #tpu.memory_space<vmem>>, vector<16xi32>,
    %get3A_59 = arith.constant 1 : i32
    %get3A_60 = arith.index_cast %get3A_59 : i32 to index
    %get3A_61 = arith.constant 16 : index
    %get3A_62 = tpu.vector_load %arg7[%get3A_60, %get3A_61] {strides = array<i32>} : memref<2x80xi32, #tpu.memory_space<vmem>>, vector<16xi32>,
    %swap3A_63 = arith.constant 16 : index
    %swap3A_64 = tpu.vector_load %arg10[%swap3A_63] {strides = array<i32>} : memref<80xi32, #tpu.memory_space<vmem>>, vector<16xi32>,
    tpu.vector_store %arg10[%swap3A_63], %get3A_62 {strides = array<i32>} : memref<80xi32, #tpu.memory_space<vmem>>, vector<16xi32>,
    %get3A_65 = arith.constant 1 : i32
    %get3A_66 = arith.index_cast %get3A_65 : i32 to index
    %get3A_67 = arith.constant 32 : index
    %get3A_68 = tpu.vector_load %arg7[%get3A_66, %get3A_67] {strides = array<i32>} : memref<2x80xi32, #tpu.memory_space<vmem>>, vector<16xi32>,
    %swap3A_69 = arith.constant 32 : index
    %swap3A_70 = tpu.vector_load %arg10[%swap3A_69] {strides = array<i32>} : memref<80xi32, #tpu.memory_space<vmem>>, vector<16xi32>,
    tpu.vector_store %arg10[%swap3A_69], %get3A_68 {strides = array<i32>} : memref<80xi32, #tpu.memory_space<vmem>>, vector<16xi32>,
    %get3A_71 = arith.constant 1 : i32
    %get3A_72 = arith.index_cast %get3A_71 : i32 to index
    %get3A_73 = arith.constant 48 : index
    %get3A_74 = tpu.vector_load %arg7[%get3A_72, %get3A_73] {strides = array<i32>} : memref<2x80xi32, #tpu.memory_space<vmem>>, vector<16xi32>,
    %swap3A_75 = arith.constant 48 : index
    %swap3A_76 = tpu.vector_load %arg10[%swap3A_75] {strides = array<i32>} : memref<80xi32, #tpu.memory_space<vmem>>, vector<16xi32>,
    tpu.vector_store %arg10[%swap3A_75], %get3A_74 {strides = array<i32>} : memref<80xi32, #tpu.memory_space<vmem>>, vector<16xi32>,
    %get3A_77 = arith.constant 1 : i32
    %get3A_78 = arith.index_cast %get3A_77 : i32 to index
    %get3A_79 = arith.constant 64 : index
    %get3A_80 = tpu.vector_load %arg7[%get3A_78, %get3A_79] {strides = array<i32>} : memref<2x80xi32, #tpu.memory_space<vmem>>, vector<16xi32>,
    %swap3A_81 = arith.constant 64 : index
    %swap3A_82 = tpu.vector_load %arg10[%swap3A_81] {strides = array<i32>} : memref<80xi32, #tpu.memory_space<vmem>>, vector<16xi32>,
    tpu.vector_store %arg10[%swap3A_81], %get3A_80 {strides = array<i32>} : memref<80xi32, #tpu.memory_space<vmem>>, vector<16xi32>,
    %dma_start3A_83 = arith.constant 3 : i32
    %dma_start3A_84 = arith.constant 0 : i32
    %dma_start3A_85 = arith.constant 0 : i32
    %dma_start3A_86 = tpu.memref_slice %arg4[%add3A, %dma_start3A_83, %dma_start3A_84, %dma_start3A_85] : memref<32x125x2x80xi32, #tpu.memory_space<hbm>> -> memref<1x1x2x80xi32, #tpu.memory_space<hbm>>
    %dma_start3A_87 = tpu.memref_squeeze %dma_start3A_86 : memref<1x1x2x80xi32, #tpu.memory_space<hbm>> -> memref<2x80xi32, #tpu.memory_space<hbm>>
    %dma_start3A_88 = arith.constant 0 : i32
    %dma_start3A_89 = arith.constant 0 : i32
    %dma_start3A_90 = tpu.memref_slice %arg4[%add3A, %dma_start3A_83, %dma_start3A_88, %dma_start3A_89] : memref<32x125x2x80xi32, #tpu.memory_space<hbm>> -> memref<1x1x2x80xi32, #tpu.memory_space<hbm>>
    %dma_start3A_91 = tpu.memref_squeeze %dma_start3A_90 : memref<1x1x2x80xi32, #tpu.memory_space<hbm>> -> memref<2x80xi32, #tpu.memory_space<hbm>>
    tpu.enqueue_dma source(%dma_start3A_91 : memref<2x80xi32, #tpu.memory_space<hbm>>) target(%arg7 : memref<2x80xi32, #tpu.memory_space<vmem>>) target_semaphore(%arg20 : memref<!tpu.dma_semaphore, #tpu.memory_space<semaphore_mem>>)
    %scan3A = arith.constant 0 : i32
    %scan3A_92 = arith.constant 0 : i32
    %scan3A_93 = arith.constant 80 : i32
    %scan3A_94 = arith.addi %scan3A_92, %scan3A_93 : i32
    %scan3A_95 = arith.constant 1 : i32
    scf.for %scan3A_421 = %scan3A_92 to %scan3A_94 step %scan3A_95  : i32 {
      %get3A_422 = arith.index_cast %scan3A_421 : i32 to index
      %get3A_423 = arith.constant 64 : index
      %get3A_424 = tpu.vector_load %arg13[%get3A_422, %get3A_423] {strides = array<i32>} : memref<80x80xf32, #tpu.memory_space<vmem>>, vector<16xf32>,
      %get3A_425 = arith.index_cast %scan3A_421 : i32 to index
      %get3A_426 = arith.constant 0 : index
      %get3A_427 = tpu.vector_load %arg16[%get3A_425, %get3A_426] {strides = array<i32>} : memref<80x16xf32, #tpu.memory_space<vmem>>, vector<16xf32>,
      %add3A_428 = arith.addf %get3A_424, %get3A_427 : vector<16xf32>
      %ge3A = arith.constant 0.000000e+00 : f32
      %ge3A_429 = vector.broadcast %ge3A : f32 to vector<16xf32>
      %ge3A_430 = arith.cmpf oge, %add3A_428, %ge3A_429 : vector<16xf32>
      %mul3A_431 = arith.constant 2.000000e-01 : f32
      %mul3A_432 = vector.broadcast %mul3A_431 : f32 to vector<16xf32>
      %mul3A_433 = arith.mulf %mul3A_432, %add3A_428 : vector<16xf32>
      %select_n3A = arith.select %ge3A_430, %add3A_428, %mul3A_433 : vector<16xi1>, vector<16xf32>
      %exp3A = math.exp %select_n3A : vector<16xf32>
      %jit3A = arith.constant 0.000000e+00 : f32
      %broadcast_in_dim3A = vector.broadcast %jit3A : f32 to vector<16xf32>
      %select_n3A_434 = arith.select %lt3A_4, %exp3A, %broadcast_in_dim3A : vector<16xi1>, vector<16xf32>
      %swap3A_435 = arith.index_cast %scan3A_421 : i32 to index
      %swap3A_436 = arith.constant 64 : index
      %swap3A_437 = tpu.vector_load %arg13[%swap3A_435, %swap3A_436] {strides = array<i32>} : memref<80x80xf32, #tpu.memory_space<vmem>>, vector<16xf32>,
      tpu.vector_store %arg13[%swap3A_435, %swap3A_436], %select_n3A_434 {strides = array<i32>} : memref<80x80xf32, #tpu.memory_space<vmem>>, vector<16xf32>,
      %slice3A = vector.extract_strided_slice %select_n3A_434 {offsets = [0], sizes = [1], strides = [1]} : vector<16xf32> to vector<1xf32>
      %squeeze3A = vector.extract %slice3A[0] : f32 from vector<1xf32>
      %get3A_438 = arith.index_cast %scan3A_421 : i32 to index
      %get3A_439 = arith.constant 0 : index
      %get3A_440 = tpu.vector_load %arg13[%get3A_438, %get3A_439] {strides = array<i32>} : memref<80x80xf32, #tpu.memory_space<vmem>>, vector<16xf32>,
      %mul3A_441 = vector.broadcast %squeeze3A : f32 to vector<16xf32>
      %mul3A_442 = arith.mulf %get3A_440, %mul3A_441 : vector<16xf32>
      %swap3A_443 = arith.index_cast %scan3A_421 : i32 to index
      %swap3A_444 = arith.constant 0 : index
      %swap3A_445 = tpu.vector_load %arg13[%swap3A_443, %swap3A_444] {strides = array<i32>} : memref<80x80xf32, #tpu.memory_space<vmem>>, vector<16xf32>,
      tpu.vector_store %arg13[%swap3A_443, %swap3A_444], %mul3A_442 {strides = array<i32>} : memref<80x80xf32, #tpu.memory_space<vmem>>, vector<16xf32>,
      %get3A_446 = arith.index_cast %scan3A_421 : i32 to index
      %get3A_447 = arith.constant 16 : index
      %get3A_448 = tpu.vector_load %arg13[%get3A_446, %get3A_447] {strides = array<i32>} : memref<80x80xf32, #tpu.memory_space<vmem>>, vector<16xf32>,
      %mul3A_449 = vector.broadcast %squeeze3A : f32 to vector<16xf32>
      %mul3A_450 = arith.mulf %get3A_448, %mul3A_449 : vector<16xf32>
      %swap3A_451 = arith.index_cast %scan3A_421 : i32 to index
      %swap3A_452 = arith.constant 16 : index
      %swap3A_453 = tpu.vector_load %arg13[%swap3A_451, %swap3A_452] {strides = array<i32>} : memref<80x80xf32, #tpu.memory_space<vmem>>, vector<16xf32>,
      tpu.vector_store %arg13[%swap3A_451, %swap3A_452], %mul3A_450 {strides = array<i32>} : memref<80x80xf32, #tpu.memory_space<vmem>>, vector<16xf32>,
      %get3A_454 = arith.index_cast %scan3A_421 : i32 to index
      %get3A_455 = arith.constant 32 : index
      %get3A_456 = tpu.vector_load %arg13[%get3A_454, %get3A_455] {strides = array<i32>} : memref<80x80xf32, #tpu.memory_space<vmem>>, vector<16xf32>,
      %mul3A_457 = vector.broadcast %squeeze3A : f32 to vector<16xf32>
      %mul3A_458 = arith.mulf %get3A_456, %mul3A_457 : vector<16xf32>
      %swap3A_459 = arith.index_cast %scan3A_421 : i32 to index
      %swap3A_460 = arith.constant 32 : index
      %swap3A_461 = tpu.vector_load %arg13[%swap3A_459, %swap3A_460] {strides = array<i32>} : memref<80x80xf32, #tpu.memory_space<vmem>>, vector<16xf32>,
      tpu.vector_store %arg13[%swap3A_459, %swap3A_460], %mul3A_458 {strides = array<i32>} : memref<80x80xf32, #tpu.memory_space<vmem>>, vector<16xf32>,
      %get3A_462 = arith.index_cast %scan3A_421 : i32 to index
      %get3A_463 = arith.constant 48 : index
      %get3A_464 = tpu.vector_load %arg13[%get3A_462, %get3A_463] {strides = array<i32>} : memref<80x80xf32, #tpu.memory_space<vmem>>, vector<16xf32>,
      %mul3A_465 = vector.broadcast %squeeze3A : f32 to vector<16xf32>
      %mul3A_466 = arith.mulf %get3A_464, %mul3A_465 : vector<16xf32>
      %swap3A_467 = arith.index_cast %scan3A_421 : i32 to index
      %swap3A_468 = arith.constant 48 : index
      %swap3A_469 = tpu.vector_load %arg13[%swap3A_467, %swap3A_468] {strides = array<i32>} : memref<80x80xf32, #tpu.memory_space<vmem>>, vector<16xf32>,
      tpu.vector_store %arg13[%swap3A_467, %swap3A_468], %mul3A_466 {strides = array<i32>} : memref<80x80xf32, #tpu.memory_space<vmem>>, vector<16xf32>,
    }
    %scan3A_96 = arith.constant 80 : i32
    %dma_wait3A_97 = arith.constant 2 : i32
    %dma_wait3A_98 = arith.constant 0 : i32
    %dma_wait3A_99 = arith.constant 0 : i32
    %dma_wait3A_100 = tpu.memref_slice %arg4[%add3A, %dma_wait3A_97, %dma_wait3A_98, %dma_wait3A_99] : memref<32x125x2x80xi32, #tpu.memory_space<hbm>> -> memref<1x1x2x80xi32, #tpu.memory_space<hbm>>
    %dma_wait3A_101 = tpu.memref_squeeze %dma_wait3A_100 : memref<1x1x2x80xi32, #tpu.memory_space<hbm>> -> memref<2x80xi32, #tpu.memory_space<hbm>>
    %dma_wait3A_102 = arith.constant 0 : i32
    %dma_wait3A_103 = arith.constant 0 : i32
    %dma_wait3A_104 = tpu.memref_slice %arg4[%add3A, %dma_wait3A_97, %dma_wait3A_102, %dma_wait3A_103] : memref<32x125x2x80xi32, #tpu.memory_space<hbm>> -> memref<1x1x2x80xi32, #tpu.memory_space<hbm>>
    %dma_wait3A_105 = tpu.memref_squeeze %dma_wait3A_104 : memref<1x1x2x80xi32, #tpu.memory_space<hbm>> -> memref<2x80xi32, #tpu.memory_space<hbm>>
    tpu.wait_dma2 semaphore(%arg22 : memref<!tpu.dma_semaphore, #tpu.memory_space<semaphore_mem>>) src(%dma_wait3A_105 : memref<2x80xi32, #tpu.memory_space<hbm>>) dst(%arg9 : memref<2x80xi32, #tpu.memory_space<vmem>>)
    %dma_start3A_106 = arith.constant 0 : i32
    %dma_start3A_107 = arith.constant 0 : i32
    %dma_start3A_108 = tpu.memref_slice %arg9[%dma_start3A_106, %dma_start3A_107] : memref<2x80xi32, #tpu.memory_space<vmem>> -> memref<1x80xi32, #tpu.memory_space<vmem>>
    %dma_start3A_109 = tpu.memref_squeeze %dma_start3A_108 : memref<1x80xi32, #tpu.memory_space<vmem>> -> memref<80xi32, #tpu.memory_space<vmem>>
    %dma_start3A_110 = arith.constant 0 : i32
    %dma_start3A_111 = arith.constant 0 : i32
    %dma_start3A_112 = tpu.memref_slice %arg2[%dma_start3A_110, %dma_start3A_111] : memref<10000x80xf32, #tpu.memory_space<hbm>> -> memref<10000x80xf32, #tpu.memory_space<hbm>>
    tpu.enqueue_indirect_dma source(%dma_start3A_112 : memref<10000x80xf32, #tpu.memory_space<hbm>>) target(%arg15 : memref<80x80xf32, #tpu.memory_space<vmem>>) offsets(%dma_start3A_109 : memref<80xi32, #tpu.memory_space<vmem>>) semaphore(%arg25 : memref<!tpu.dma_semaphore, #tpu.memory_space<semaphore_mem>>)
    %dma_start3A_113 = arith.constant 1 : i32
    %dma_start3A_114 = arith.constant 0 : i32
    %dma_start3A_115 = tpu.memref_slice %arg9[%dma_start3A_113, %dma_start3A_114] : memref<2x80xi32, #tpu.memory_space<vmem>> -> memref<1x80xi32, #tpu.memory_space<vmem>>
    %dma_start3A_116 = tpu.memref_squeeze %dma_start3A_115 : memref<1x80xi32, #tpu.memory_space<vmem>> -> memref<80xi32, #tpu.memory_space<vmem>>
    %dma_start3A_117 = arith.constant 0 : i32
    %dma_start3A_118 = arith.constant 0 : i32
    %dma_start3A_119 = tpu.memref_slice %arg3[%dma_start3A_117, %dma_start3A_118] : memref<10000x16xf32, #tpu.memory_space<hbm>> -> memref<10000x16xf32, #tpu.memory_space<hbm>>
    tpu.enqueue_indirect_dma source(%dma_start3A_119 : memref<10000x16xf32, #tpu.memory_space<hbm>>) target(%arg18 : memref<80x16xf32, #tpu.memory_space<vmem>>) offsets(%dma_start3A_116 : memref<80xi32, #tpu.memory_space<vmem>>) semaphore(%arg25 : memref<!tpu.dma_semaphore, #tpu.memory_space<semaphore_mem>>)
    %dma_start3A_120 = arith.constant 0 : i32
    %dma_start3A_121 = arith.constant 0 : i32
    %dma_start3A_122 = tpu.memref_slice %arg19[%dma_start3A_120, %dma_start3A_121] : memref<10000x80xf32, #tpu.memory_space<vmem_shared>> -> memref<10000x80xf32, #tpu.memory_space<vmem_shared>>
    tpu.enqueue_indirect_dma source(%arg13 : memref<80x80xf32, #tpu.memory_space<vmem>>) target(%dma_start3A_122 : memref<10000x80xf32, #tpu.memory_space<vmem_shared>>) offsets(%arg10 : memref<80xi32, #tpu.memory_space<vmem>>) semaphore(%arg26 : memref<!tpu.dma_semaphore, #tpu.memory_space<semaphore_mem>>) {add = true}
    %dma_wait3A_123 = arith.constant 0 : i32
    %dma_wait3A_124 = arith.constant 0 : i32
    %dma_wait3A_125 = tpu.memref_slice %arg8[%dma_wait3A_123, %dma_wait3A_124] : memref<2x80xi32, #tpu.memory_space<vmem>> -> memref<1x80xi32, #tpu.memory_space<vmem>>
    %dma_wait3A_126 = tpu.memref_squeeze %dma_wait3A_125 : memref<1x80xi32, #tpu.memory_space<vmem>> -> memref<80xi32, #tpu.memory_space<vmem>>
    %dma_wait3A_127 = arith.constant 0 : i32
    %dma_wait3A_128 = arith.constant 0 : i32
    %dma_wait3A_129 = tpu.memref_slice %arg2[%dma_wait3A_127, %dma_wait3A_128] : memref<10000x80xf32, #tpu.memory_space<hbm>> -> memref<10000x80xf32, #tpu.memory_space<hbm>>
    tpu.wait_indirect_dma semaphore(%arg24 : memref<!tpu.dma_semaphore, #tpu.memory_space<semaphore_mem>>) src(%dma_wait3A_129 : memref<10000x80xf32, #tpu.memory_space<hbm>>) dst(%arg14 : memref<80x80xf32, #tpu.memory_space<vmem>>)
    %dma_wait3A_130 = arith.constant 1 : i32
    %dma_wait3A_131 = arith.constant 0 : i32
    %dma_wait3A_132 = tpu.memref_slice %arg8[%dma_wait3A_130, %dma_wait3A_131] : memref<2x80xi32, #tpu.memory_space<vmem>> -> memref<1x80xi32, #tpu.memory_space<vmem>>
    %dma_wait3A_133 = tpu.memref_squeeze %dma_wait3A_132 : memref<1x80xi32, #tpu.memory_space<vmem>> -> memref<80xi32, #tpu.memory_space<vmem>>
    %dma_wait3A_134 = arith.constant 0 : i32
    %dma_wait3A_135 = arith.constant 0 : i32
    %dma_wait3A_136 = tpu.memref_slice %arg3[%dma_wait3A_134, %dma_wait3A_135] : memref<10000x16xf32, #tpu.memory_space<hbm>> -> memref<10000x16xf32, #tpu.memory_space<hbm>>
    tpu.wait_indirect_dma semaphore(%arg24 : memref<!tpu.dma_semaphore, #tpu.memory_space<semaphore_mem>>) src(%dma_wait3A_136 : memref<10000x16xf32, #tpu.memory_space<hbm>>) dst(%arg17 : memref<80x16xf32, #tpu.memory_space<vmem>>)
    %get3A_137 = arith.constant 1 : i32
    %get3A_138 = arith.index_cast %get3A_137 : i32 to index
    %get3A_139 = arith.constant 0 : index
    %get3A_140 = tpu.vector_load %arg8[%get3A_138, %get3A_139] {strides = array<i32>} : memref<2x80xi32, #tpu.memory_space<vmem>>, vector<16xi32>,
    %swap3A_141 = arith.constant 0 : index
    %swap3A_142 = tpu.vector_load %arg11[%swap3A_141] {strides = array<i32>} : memref<80xi32, #tpu.memory_space<vmem>>, vector<16xi32>,
    tpu.vector_store %arg11[%swap3A_141], %get3A_140 {strides = array<i32>} : memref<80xi32, #tpu.memory_space<vmem>>, vector<16xi32>,
    %get3A_143 = arith.constant 1 : i32
    %get3A_144 = arith.index_cast %get3A_143 : i32 to index
    %get3A_145 = arith.constant 16 : index
    %get3A_146 = tpu.vector_load %arg8[%get3A_144, %get3A_145] {strides = array<i32>} : memref<2x80xi32, #tpu.memory_space<vmem>>, vector<16xi32>,
    %swap3A_147 = arith.constant 16 : index
    %swap3A_148 = tpu.vector_load %arg11[%swap3A_147] {strides = array<i32>} : memref<80xi32, #tpu.memory_space<vmem>>, vector<16xi32>,
    tpu.vector_store %arg11[%swap3A_147], %get3A_146 {strides = array<i32>} : memref<80xi32, #tpu.memory_space<vmem>>, vector<16xi32>,
    %get3A_149 = arith.constant 1 : i32
    %get3A_150 = arith.index_cast %get3A_149 : i32 to index
    %get3A_151 = arith.constant 32 : index
    %get3A_152 = tpu.vector_load %arg8[%get3A_150, %get3A_151] {strides = array<i32>} : memref<2x80xi32, #tpu.memory_space<vmem>>, vector<16xi32>,
    %swap3A_153 = arith.constant 32 : index
    %swap3A_154 = tpu.vector_load %arg11[%swap3A_153] {strides = array<i32>} : memref<80xi32, #tpu.memory_space<vmem>>, vector<16xi32>,
    tpu.vector_store %arg11[%swap3A_153], %get3A_152 {strides = array<i32>} : memref<80xi32, #tpu.memory_space<vmem>>, vector<16xi32>,
    %get3A_155 = arith.constant 1 : i32
    %get3A_156 = arith.index_cast %get3A_155 : i32 to index
    %get3A_157 = arith.constant 48 : index
    %get3A_158 = tpu.vector_load %arg8[%get3A_156, %get3A_157] {strides = array<i32>} : memref<2x80xi32, #tpu.memory_space<vmem>>, vector<16xi32>,
    %swap3A_159 = arith.constant 48 : index
    %swap3A_160 = tpu.vector_load %arg11[%swap3A_159] {strides = array<i32>} : memref<80xi32, #tpu.memory_space<vmem>>, vector<16xi32>,
    tpu.vector_store %arg11[%swap3A_159], %get3A_158 {strides = array<i32>} : memref<80xi32, #tpu.memory_space<vmem>>, vector<16xi32>,
    %get3A_161 = arith.constant 1 : i32
    %get3A_162 = arith.index_cast %get3A_161 : i32 to index
    %get3A_163 = arith.constant 64 : index
    %get3A_164 = tpu.vector_load %arg8[%get3A_162, %get3A_163] {strides = array<i32>} : memref<2x80xi32, #tpu.memory_space<vmem>>, vector<16xi32>,
    %swap3A_165 = arith.constant 64 : index
    %swap3A_166 = tpu.vector_load %arg11[%swap3A_165] {strides = array<i32>} : memref<80xi32, #tpu.memory_space<vmem>>, vector<16xi32>,
    tpu.vector_store %arg11[%swap3A_165], %get3A_164 {strides = array<i32>} : memref<80xi32, #tpu.memory_space<vmem>>, vector<16xi32>,
    %dma_start3A_167 = arith.constant 4 : i32
    %dma_start3A_168 = arith.constant 0 : i32
    %dma_start3A_169 = arith.constant 0 : i32
    %dma_start3A_170 = tpu.memref_slice %arg4[%add3A, %dma_start3A_167, %dma_start3A_168, %dma_start3A_169] : memref<32x125x2x80xi32, #tpu.memory_space<hbm>> -> memref<1x1x2x80xi32, #tpu.memory_space<hbm>>
    %dma_start3A_171 = tpu.memref_squeeze %dma_start3A_170 : memref<1x1x2x80xi32, #tpu.memory_space<hbm>> -> memref<2x80xi32, #tpu.memory_space<hbm>>
    %dma_start3A_172 = arith.constant 0 : i32
    %dma_start3A_173 = arith.constant 0 : i32
    %dma_start3A_174 = tpu.memref_slice %arg4[%add3A, %dma_start3A_167, %dma_start3A_172, %dma_start3A_173] : memref<32x125x2x80xi32, #tpu.memory_space<hbm>> -> memref<1x1x2x80xi32, #tpu.memory_space<hbm>>
    %dma_start3A_175 = tpu.memref_squeeze %dma_start3A_174 : memref<1x1x2x80xi32, #tpu.memory_space<hbm>> -> memref<2x80xi32, #tpu.memory_space<hbm>>
    tpu.enqueue_dma source(%dma_start3A_175 : memref<2x80xi32, #tpu.memory_space<hbm>>) target(%arg8 : memref<2x80xi32, #tpu.memory_space<vmem>>) target_semaphore(%arg21 : memref<!tpu.dma_semaphore, #tpu.memory_space<semaphore_mem>>)
    %scan3A_176 = arith.constant 0 : i32
    %scan3A_177 = arith.constant 0 : i32
    %scan3A_178 = arith.constant 80 : i32
    %scan3A_179 = arith.addi %scan3A_177, %scan3A_178 : i32
    %scan3A_180 = arith.constant 1 : i32
    scf.for %scan3A_421 = %scan3A_177 to %scan3A_179 step %scan3A_180  : i32 {
      %get3A_422 = arith.index_cast %scan3A_421 : i32 to index
      %get3A_423 = arith.constant 64 : index
      %get3A_424 = tpu.vector_load %arg14[%get3A_422, %get3A_423] {strides = array<i32>} : memref<80x80xf32, #tpu.memory_space<vmem>>, vector<16xf32>,
      %get3A_425 = arith.index_cast %scan3A_421 : i32 to index
      %get3A_426 = arith.constant 0 : index
      %get3A_427 = tpu.vector_load %arg17[%get3A_425, %get3A_426] {strides = array<i32>} : memref<80x16xf32, #tpu.memory_space<vmem>>, vector<16xf32>,
      %add3A_428 = arith.addf %get3A_424, %get3A_427 : vector<16xf32>
      %ge3A = arith.constant 0.000000e+00 : f32
      %ge3A_429 = vector.broadcast %ge3A : f32 to vector<16xf32>
      %ge3A_430 = arith.cmpf oge, %add3A_428, %ge3A_429 : vector<16xf32>
      %mul3A_431 = arith.constant 2.000000e-01 : f32
      %mul3A_432 = vector.broadcast %mul3A_431 : f32 to vector<16xf32>
      %mul3A_433 = arith.mulf %mul3A_432, %add3A_428 : vector<16xf32>
      %select_n3A = arith.select %ge3A_430, %add3A_428, %mul3A_433 : vector<16xi1>, vector<16xf32>
      %exp3A = math.exp %select_n3A : vector<16xf32>
      %jit3A = arith.constant 0.000000e+00 : f32
      %broadcast_in_dim3A = vector.broadcast %jit3A : f32 to vector<16xf32>
      %select_n3A_434 = arith.select %lt3A_4, %exp3A, %broadcast_in_dim3A : vector<16xi1>, vector<16xf32>
      %swap3A_435 = arith.index_cast %scan3A_421 : i32 to index
      %swap3A_436 = arith.constant 64 : index
      %swap3A_437 = tpu.vector_load %arg14[%swap3A_435, %swap3A_436] {strides = array<i32>} : memref<80x80xf32, #tpu.memory_space<vmem>>, vector<16xf32>,
      tpu.vector_store %arg14[%swap3A_435, %swap3A_436], %select_n3A_434 {strides = array<i32>} : memref<80x80xf32, #tpu.memory_space<vmem>>, vector<16xf32>,
      %slice3A = vector.extract_strided_slice %select_n3A_434 {offsets = [0], sizes = [1], strides = [1]} : vector<16xf32> to vector<1xf32>
      %squeeze3A = vector.extract %slice3A[0] : f32 from vector<1xf32>
      %get3A_438 = arith.index_cast %scan3A_421 : i32 to index
      %get3A_439 = arith.constant 0 : index
      %get3A_440 = tpu.vector_load %arg14[%get3A_438, %get3A_439] {strides = array<i32>} : memref<80x80xf32, #tpu.memory_space<vmem>>, vector<16xf32>,
      %mul3A_441 = vector.broadcast %squeeze3A : f32 to vector<16xf32>
      %mul3A_442 = arith.mulf %get3A_440, %mul3A_441 : vector<16xf32>
      %swap3A_443 = arith.index_cast %scan3A_421 : i32 to index
      %swap3A_444 = arith.constant 0 : index
      %swap3A_445 = tpu.vector_load %arg14[%swap3A_443, %swap3A_444] {strides = array<i32>} : memref<80x80xf32, #tpu.memory_space<vmem>>, vector<16xf32>,
      tpu.vector_store %arg14[%swap3A_443, %swap3A_444], %mul3A_442 {strides = array<i32>} : memref<80x80xf32, #tpu.memory_space<vmem>>, vector<16xf32>,
      %get3A_446 = arith.index_cast %scan3A_421 : i32 to index
      %get3A_447 = arith.constant 16 : index
      %get3A_448 = tpu.vector_load %arg14[%get3A_446, %get3A_447] {strides = array<i32>} : memref<80x80xf32, #tpu.memory_space<vmem>>, vector<16xf32>,
      %mul3A_449 = vector.broadcast %squeeze3A : f32 to vector<16xf32>
      %mul3A_450 = arith.mulf %get3A_448, %mul3A_449 : vector<16xf32>
      %swap3A_451 = arith.index_cast %scan3A_421 : i32 to index
      %swap3A_452 = arith.constant 16 : index
      %swap3A_453 = tpu.vector_load %arg14[%swap3A_451, %swap3A_452] {strides = array<i32>} : memref<80x80xf32, #tpu.memory_space<vmem>>, vector<16xf32>,
      tpu.vector_store %arg14[%swap3A_451, %swap3A_452], %mul3A_450 {strides = array<i32>} : memref<80x80xf32, #tpu.memory_space<vmem>>, vector<16xf32>,
      %get3A_454 = arith.index_cast %scan3A_421 : i32 to index
      %get3A_455 = arith.constant 32 : index
      %get3A_456 = tpu.vector_load %arg14[%get3A_454, %get3A_455] {strides = array<i32>} : memref<80x80xf32, #tpu.memory_space<vmem>>, vector<16xf32>,
      %mul3A_457 = vector.broadcast %squeeze3A : f32 to vector<16xf32>
      %mul3A_458 = arith.mulf %get3A_456, %mul3A_457 : vector<16xf32>
      %swap3A_459 = arith.index_cast %scan3A_421 : i32 to index
      %swap3A_460 = arith.constant 32 : index
      %swap3A_461 = tpu.vector_load %arg14[%swap3A_459, %swap3A_460] {strides = array<i32>} : memref<80x80xf32, #tpu.memory_space<vmem>>, vector<16xf32>,
      tpu.vector_store %arg14[%swap3A_459, %swap3A_460], %mul3A_458 {strides = array<i32>} : memref<80x80xf32, #tpu.memory_space<vmem>>, vector<16xf32>,
      %get3A_462 = arith.index_cast %scan3A_421 : i32 to index
      %get3A_463 = arith.constant 48 : index
      %get3A_464 = tpu.vector_load %arg14[%get3A_462, %get3A_463] {strides = array<i32>} : memref<80x80xf32, #tpu.memory_space<vmem>>, vector<16xf32>,
      %mul3A_465 = vector.broadcast %squeeze3A : f32 to vector<16xf32>
      %mul3A_466 = arith.mulf %get3A_464, %mul3A_465 : vector<16xf32>
      %swap3A_467 = arith.index_cast %scan3A_421 : i32 to index
      %swap3A_468 = arith.constant 48 : index
      %swap3A_469 = tpu.vector_load %arg14[%swap3A_467, %swap3A_468] {strides = array<i32>} : memref<80x80xf32, #tpu.memory_space<vmem>>, vector<16xf32>,
      tpu.vector_store %arg14[%swap3A_467, %swap3A_468], %mul3A_466 {strides = array<i32>} : memref<80x80xf32, #tpu.memory_space<vmem>>, vector<16xf32>,
    }
    %scan3A_181 = arith.constant 80 : i32
    %dma_wait3A_182 = arith.constant 0 : i32
    %dma_wait3A_183 = arith.constant 0 : i32
    %dma_wait3A_184 = tpu.memref_slice %arg19[%dma_wait3A_182, %dma_wait3A_183] : memref<10000x80xf32, #tpu.memory_space<vmem_shared>> -> memref<10000x80xf32, #tpu.memory_space<vmem_shared>>
    tpu.wait_indirect_dma semaphore(%arg26 : memref<!tpu.dma_semaphore, #tpu.memory_space<semaphore_mem>>) src(%arg13 : memref<80x80xf32, #tpu.memory_space<vmem>>) dst(%dma_wait3A_184 : memref<10000x80xf32, #tpu.memory_space<vmem_shared>>)
    %dma_wait3A_185 = arith.constant 3 : i32
    %dma_wait3A_186 = arith.constant 0 : i32
    %dma_wait3A_187 = arith.constant 0 : i32
    %dma_wait3A_188 = tpu.memref_slice %arg4[%add3A, %dma_wait3A_185, %dma_wait3A_186, %dma_wait3A_187] : memref<32x125x2x80xi32, #tpu.memory_space<hbm>> -> memref<1x1x2x80xi32, #tpu.memory_space<hbm>>
    %dma_wait3A_189 = tpu.memref_squeeze %dma_wait3A_188 : memref<1x1x2x80xi32, #tpu.memory_space<hbm>> -> memref<2x80xi32, #tpu.memory_space<hbm>>
    %dma_wait3A_190 = arith.constant 0 : i32
    %dma_wait3A_191 = arith.constant 0 : i32
    %dma_wait3A_192 = tpu.memref_slice %arg4[%add3A, %dma_wait3A_185, %dma_wait3A_190, %dma_wait3A_191] : memref<32x125x2x80xi32, #tpu.memory_space<hbm>> -> memref<1x1x2x80xi32, #tpu.memory_space<hbm>>
    %dma_wait3A_193 = tpu.memref_squeeze %dma_wait3A_192 : memref<1x1x2x80xi32, #tpu.memory_space<hbm>> -> memref<2x80xi32, #tpu.memory_space<hbm>>
    tpu.wait_dma2 semaphore(%arg20 : memref<!tpu.dma_semaphore, #tpu.memory_space<semaphore_mem>>) src(%dma_wait3A_193 : memref<2x80xi32, #tpu.memory_space<hbm>>) dst(%arg7 : memref<2x80xi32, #tpu.memory_space<vmem>>)
    %dma_start3A_194 = arith.constant 0 : i32
    %dma_start3A_195 = arith.constant 0 : i32
    %dma_start3A_196 = tpu.memref_slice %arg7[%dma_start3A_194, %dma_start3A_195] : memref<2x80xi32, #tpu.memory_space<vmem>> -> memref<1x80xi32, #tpu.memory_space<vmem>>
    %dma_start3A_197 = tpu.memref_squeeze %dma_start3A_196 : memref<1x80xi32, #tpu.memory_space<vmem>> -> memref<80xi32, #tpu.memory_space<vmem>>
    %dma_start3A_198 = arith.constant 0 : i32
    %dma_start3A_199 = arith.constant 0 : i32
    %dma_start3A_200 = tpu.memref_slice %arg2[%dma_start3A_198, %dma_start3A_199] : memref<10000x80xf32, #tpu.memory_space<hbm>> -> memref<10000x80xf32, #tpu.memory_space<hbm>>
    tpu.enqueue_indirect_dma source(%dma_start3A_200 : memref<10000x80xf32, #tpu.memory_space<hbm>>) target(%arg13 : memref<80x80xf32, #tpu.memory_space<vmem>>) offsets(%dma_start3A_197 : memref<80xi32, #tpu.memory_space<vmem>>) semaphore(%arg23 : memref<!tpu.dma_semaphore, #tpu.memory_space<semaphore_mem>>)
    %dma_start3A_201 = arith.constant 1 : i32
    %dma_start3A_202 = arith.constant 0 : i32
    %dma_start3A_203 = tpu.memref_slice %arg7[%dma_start3A_201, %dma_start3A_202] : memref<2x80xi32, #tpu.memory_space<vmem>> -> memref<1x80xi32, #tpu.memory_space<vmem>>
    %dma_start3A_204 = tpu.memref_squeeze %dma_start3A_203 : memref<1x80xi32, #tpu.memory_space<vmem>> -> memref<80xi32, #tpu.memory_space<vmem>>
    %dma_start3A_205 = arith.constant 0 : i32
    %dma_start3A_206 = arith.constant 0 : i32
    %dma_start3A_207 = tpu.memref_slice %arg3[%dma_start3A_205, %dma_start3A_206] : memref<10000x16xf32, #tpu.memory_space<hbm>> -> memref<10000x16xf32, #tpu.memory_space<hbm>>
    tpu.enqueue_indirect_dma source(%dma_start3A_207 : memref<10000x16xf32, #tpu.memory_space<hbm>>) target(%arg16 : memref<80x16xf32, #tpu.memory_space<vmem>>) offsets(%dma_start3A_204 : memref<80xi32, #tpu.memory_space<vmem>>) semaphore(%arg23 : memref<!tpu.dma_semaphore, #tpu.memory_space<semaphore_mem>>)
    %dma_start3A_208 = arith.constant 0 : i32
    %dma_start3A_209 = arith.constant 0 : i32
    %dma_start3A_210 = tpu.memref_slice %arg19[%dma_start3A_208, %dma_start3A_209] : memref<10000x80xf32, #tpu.memory_space<vmem_shared>> -> memref<10000x80xf32, #tpu.memory_space<vmem_shared>>
    tpu.enqueue_indirect_dma source(%arg14 : memref<80x80xf32, #tpu.memory_space<vmem>>) target(%dma_start3A_210 : memref<10000x80xf32, #tpu.memory_space<vmem_shared>>) offsets(%arg11 : memref<80xi32, #tpu.memory_space<vmem>>) semaphore(%arg27 : memref<!tpu.dma_semaphore, #tpu.memory_space<semaphore_mem>>) {add = true}
    %dma_wait3A_211 = arith.constant 0 : i32
    %dma_wait3A_212 = arith.constant 0 : i32
    %dma_wait3A_213 = tpu.memref_slice %arg9[%dma_wait3A_211, %dma_wait3A_212] : memref<2x80xi32, #tpu.memory_space<vmem>> -> memref<1x80xi32, #tpu.memory_space<vmem>>
    %dma_wait3A_214 = tpu.memref_squeeze %dma_wait3A_213 : memref<1x80xi32, #tpu.memory_space<vmem>> -> memref<80xi32, #tpu.memory_space<vmem>>
    %dma_wait3A_215 = arith.constant 0 : i32
    %dma_wait3A_216 = arith.constant 0 : i32
    %dma_wait3A_217 = tpu.memref_slice %arg2[%dma_wait3A_215, %dma_wait3A_216] : memref<10000x80xf32, #tpu.memory_space<hbm>> -> memref<10000x80xf32, #tpu.memory_space<hbm>>
    tpu.wait_indirect_dma semaphore(%arg25 : memref<!tpu.dma_semaphore, #tpu.memory_space<semaphore_mem>>) src(%dma_wait3A_217 : memref<10000x80xf32, #tpu.memory_space<hbm>>) dst(%arg15 : memref<80x80xf32, #tpu.memory_space<vmem>>)
    %dma_wait3A_218 = arith.constant 1 : i32
    %dma_wait3A_219 = arith.constant 0 : i32
    %dma_wait3A_220 = tpu.memref_slice %arg9[%dma_wait3A_218, %dma_wait3A_219] : memref<2x80xi32, #tpu.memory_space<vmem>> -> memref<1x80xi32, #tpu.memory_space<vmem>>
    %dma_wait3A_221 = tpu.memref_squeeze %dma_wait3A_220 : memref<1x80xi32, #tpu.memory_space<vmem>> -> memref<80xi32, #tpu.memory_space<vmem>>
    %dma_wait3A_222 = arith.constant 0 : i32
    %dma_wait3A_223 = arith.constant 0 : i32
    %dma_wait3A_224 = tpu.memref_slice %arg3[%dma_wait3A_222, %dma_wait3A_223] : memref<10000x16xf32, #tpu.memory_space<hbm>> -> memref<10000x16xf32, #tpu.memory_space<hbm>>
    tpu.wait_indirect_dma semaphore(%arg25 : memref<!tpu.dma_semaphore, #tpu.memory_space<semaphore_mem>>) src(%dma_wait3A_224 : memref<10000x16xf32, #tpu.memory_space<hbm>>) dst(%arg18 : memref<80x16xf32, #tpu.memory_space<vmem>>)
    %get3A_225 = arith.constant 1 : i32
    %get3A_226 = arith.index_cast %get3A_225 : i32 to index
    %get3A_227 = arith.constant 0 : index
    %get3A_228 = tpu.vector_load %arg9[%get3A_226, %get3A_227] {strides = array<i32>} : memref<2x80xi32, #tpu.memory_space<vmem>>, vector<16xi32>,
    %swap3A_229 = arith.constant 0 : index
    %swap3A_230 = tpu.vector_load %arg12[%swap3A_229] {strides = array<i32>} : memref<80xi32, #tpu.memory_space<vmem>>, vector<16xi32>,
    tpu.vector_store %arg12[%swap3A_229], %get3A_228 {strides = array<i32>} : memref<80xi32, #tpu.memory_space<vmem>>, vector<16xi32>,
    %get3A_231 = arith.constant 1 : i32
    %get3A_232 = arith.index_cast %get3A_231 : i32 to index
    %get3A_233 = arith.constant 16 : index
    %get3A_234 = tpu.vector_load %arg9[%get3A_232, %get3A_233] {strides = array<i32>} : memref<2x80xi32, #tpu.memory_space<vmem>>, vector<16xi32>,
    %swap3A_235 = arith.constant 16 : index
    %swap3A_236 = tpu.vector_load %arg12[%swap3A_235] {strides = array<i32>} : memref<80xi32, #tpu.memory_space<vmem>>, vector<16xi32>,
    tpu.vector_store %arg12[%swap3A_235], %get3A_234 {strides = array<i32>} : memref<80xi32, #tpu.memory_space<vmem>>, vector<16xi32>,
    %get3A_237 = arith.constant 1 : i32
    %get3A_238 = arith.index_cast %get3A_237 : i32 to index
    %get3A_239 = arith.constant 32 : index
    %get3A_240 = tpu.vector_load %arg9[%get3A_238, %get3A_239] {strides = array<i32>} : memref<2x80xi32, #tpu.memory_space<vmem>>, vector<16xi32>,
    %swap3A_241 = arith.constant 32 : index
    %swap3A_242 = tpu.vector_load %arg12[%swap3A_241] {strides = array<i32>} : memref<80xi32, #tpu.memory_space<vmem>>, vector<16xi32>,
    tpu.vector_store %arg12[%swap3A_241], %get3A_240 {strides = array<i32>} : memref<80xi32, #tpu.memory_space<vmem>>, vector<16xi32>,
    %get3A_243 = arith.constant 1 : i32
    %get3A_244 = arith.index_cast %get3A_243 : i32 to index
    %get3A_245 = arith.constant 48 : index
    %get3A_246 = tpu.vector_load %arg9[%get3A_244, %get3A_245] {strides = array<i32>} : memref<2x80xi32, #tpu.memory_space<vmem>>, vector<16xi32>,
    %swap3A_247 = arith.constant 48 : index
    %swap3A_248 = tpu.vector_load %arg12[%swap3A_247] {strides = array<i32>} : memref<80xi32, #tpu.memory_space<vmem>>, vector<16xi32>,
    tpu.vector_store %arg12[%swap3A_247], %get3A_246 {strides = array<i32>} : memref<80xi32, #tpu.memory_space<vmem>>, vector<16xi32>,
    %get3A_249 = arith.constant 1 : i32
    %get3A_250 = arith.index_cast %get3A_249 : i32 to index
    %get3A_251 = arith.constant 64 : index
    %get3A_252 = tpu.vector_load %arg9[%get3A_250, %get3A_251] {strides = array<i32>} : memref<2x80xi32, #tpu.memory_space<vmem>>, vector<16xi32>,
    %swap3A_253 = arith.constant 64 : index
    %swap3A_254 = tpu.vector_load %arg12[%swap3A_253] {strides = array<i32>} : memref<80xi32, #tpu.memory_space<vmem>>, vector<16xi32>,
    tpu.vector_store %arg12[%swap3A_253], %get3A_252 {strides = array<i32>} : memref<80xi32, #tpu.memory_space<vmem>>, vector<16xi32>,
    %dma_start3A_255 = arith.constant 5 : i32
    %dma_start3A_256 = arith.constant 0 : i32
    %dma_start3A_257 = arith.constant 0 : i32
    %dma_start3A_258 = tpu.memref_slice %arg4[%add3A, %dma_start3A_255, %dma_start3A_256, %dma_start3A_257] : memref<32x125x2x80xi32, #tpu.memory_space<hbm>> -> memref<1x1x2x80xi32, #tpu.memory_space<hbm>>
    %dma_start3A_259 = tpu.memref_squeeze %dma_start3A_258 : memref<1x1x2x80xi32, #tpu.memory_space<hbm>> -> memref<2x80xi32, #tpu.memory_space<hbm>>
    %dma_start3A_260 = arith.constant 0 : i32
    %dma_start3A_261 = arith.constant 0 : i32
    %dma_start3A_262 = tpu.memref_slice %arg4[%add3A, %dma_start3A_255, %dma_start3A_260, %dma_start3A_261] : memref<32x125x2x80xi32, #tpu.memory_space<hbm>> -> memref<1x1x2x80xi32, #tpu.memory_space<hbm>>
    %dma_start3A_263 = tpu.memref_squeeze %dma_start3A_262 : memref<1x1x2x80xi32, #tpu.memory_space<hbm>> -> memref<2x80xi32, #tpu.memory_space<hbm>>
    tpu.enqueue_dma source(%dma_start3A_263 : memref<2x80xi32, #tpu.memory_space<hbm>>) target(%arg9 : memref<2x80xi32, #tpu.memory_space<vmem>>) target_semaphore(%arg22 : memref<!tpu.dma_semaphore, #tpu.memory_space<semaphore_mem>>)
    %scan3A_264 = arith.constant 0 : i32
    %scan3A_265 = arith.constant 0 : i32
    %scan3A_266 = arith.constant 80 : i32
    %scan3A_267 = arith.addi %scan3A_265, %scan3A_266 : i32
    %scan3A_268 = arith.constant 1 : i32
    scf.for %scan3A_421 = %scan3A_265 to %scan3A_267 step %scan3A_268  : i32 {
      %get3A_422 = arith.index_cast %scan3A_421 : i32 to index
      %get3A_423 = arith.constant 64 : index
      %get3A_424 = tpu.vector_load %arg15[%get3A_422, %get3A_423] {strides = array<i32>} : memref<80x80xf32, #tpu.memory_space<vmem>>, vector<16xf32>,
      %get3A_425 = arith.index_cast %scan3A_421 : i32 to index
      %get3A_426 = arith.constant 0 : index
      %get3A_427 = tpu.vector_load %arg18[%get3A_425, %get3A_426] {strides = array<i32>} : memref<80x16xf32, #tpu.memory_space<vmem>>, vector<16xf32>,
      %add3A_428 = arith.addf %get3A_424, %get3A_427 : vector<16xf32>
      %ge3A = arith.constant 0.000000e+00 : f32
      %ge3A_429 = vector.broadcast %ge3A : f32 to vector<16xf32>
      %ge3A_430 = arith.cmpf oge, %add3A_428, %ge3A_429 : vector<16xf32>
      %mul3A_431 = arith.constant 2.000000e-01 : f32
      %mul3A_432 = vector.broadcast %mul3A_431 : f32 to vector<16xf32>
      %mul3A_433 = arith.mulf %mul3A_432, %add3A_428 : vector<16xf32>
      %select_n3A = arith.select %ge3A_430, %add3A_428, %mul3A_433 : vector<16xi1>, vector<16xf32>
      %exp3A = math.exp %select_n3A : vector<16xf32>
      %jit3A = arith.constant 0.000000e+00 : f32
      %broadcast_in_dim3A = vector.broadcast %jit3A : f32 to vector<16xf32>
      %select_n3A_434 = arith.select %lt3A_4, %exp3A, %broadcast_in_dim3A : vector<16xi1>, vector<16xf32>
      %swap3A_435 = arith.index_cast %scan3A_421 : i32 to index
      %swap3A_436 = arith.constant 64 : index
      %swap3A_437 = tpu.vector_load %arg15[%swap3A_435, %swap3A_436] {strides = array<i32>} : memref<80x80xf32, #tpu.memory_space<vmem>>, vector<16xf32>,
      tpu.vector_store %arg15[%swap3A_435, %swap3A_436], %select_n3A_434 {strides = array<i32>} : memref<80x80xf32, #tpu.memory_space<vmem>>, vector<16xf32>,
      %slice3A = vector.extract_strided_slice %select_n3A_434 {offsets = [0], sizes = [1], strides = [1]} : vector<16xf32> to vector<1xf32>
      %squeeze3A = vector.extract %slice3A[0] : f32 from vector<1xf32>
      %get3A_438 = arith.index_cast %scan3A_421 : i32 to index
      %get3A_439 = arith.constant 0 : index
      %get3A_440 = tpu.vector_load %arg15[%get3A_438, %get3A_439] {strides = array<i32>} : memref<80x80xf32, #tpu.memory_space<vmem>>, vector<16xf32>,
      %mul3A_441 = vector.broadcast %squeeze3A : f32 to vector<16xf32>
      %mul3A_442 = arith.mulf %get3A_440, %mul3A_441 : vector<16xf32>
      %swap3A_443 = arith.index_cast %scan3A_421 : i32 to index
      %swap3A_444 = arith.constant 0 : index
      %swap3A_445 = tpu.vector_load %arg15[%swap3A_443, %swap3A_444] {strides = array<i32>} : memref<80x80xf32, #tpu.memory_space<vmem>>, vector<16xf32>,
      tpu.vector_store %arg15[%swap3A_443, %swap3A_444], %mul3A_442 {strides = array<i32>} : memref<80x80xf32, #tpu.memory_space<vmem>>, vector<16xf32>,
      %get3A_446 = arith.index_cast %scan3A_421 : i32 to index
      %get3A_447 = arith.constant 16 : index
      %get3A_448 = tpu.vector_load %arg15[%get3A_446, %get3A_447] {strides = array<i32>} : memref<80x80xf32, #tpu.memory_space<vmem>>, vector<16xf32>,
      %mul3A_449 = vector.broadcast %squeeze3A : f32 to vector<16xf32>
      %mul3A_450 = arith.mulf %get3A_448, %mul3A_449 : vector<16xf32>
      %swap3A_451 = arith.index_cast %scan3A_421 : i32 to index
      %swap3A_452 = arith.constant 16 : index
      %swap3A_453 = tpu.vector_load %arg15[%swap3A_451, %swap3A_452] {strides = array<i32>} : memref<80x80xf32, #tpu.memory_space<vmem>>, vector<16xf32>,
      tpu.vector_store %arg15[%swap3A_451, %swap3A_452], %mul3A_450 {strides = array<i32>} : memref<80x80xf32, #tpu.memory_space<vmem>>, vector<16xf32>,
      %get3A_454 = arith.index_cast %scan3A_421 : i32 to index
      %get3A_455 = arith.constant 32 : index
      %get3A_456 = tpu.vector_load %arg15[%get3A_454, %get3A_455] {strides = array<i32>} : memref<80x80xf32, #tpu.memory_space<vmem>>, vector<16xf32>,
      %mul3A_457 = vector.broadcast %squeeze3A : f32 to vector<16xf32>
      %mul3A_458 = arith.mulf %get3A_456, %mul3A_457 : vector<16xf32>
      %swap3A_459 = arith.index_cast %scan3A_421 : i32 to index
      %swap3A_460 = arith.constant 32 : index
      %swap3A_461 = tpu.vector_load %arg15[%swap3A_459, %swap3A_460] {strides = array<i32>} : memref<80x80xf32, #tpu.memory_space<vmem>>, vector<16xf32>,
      tpu.vector_store %arg15[%swap3A_459, %swap3A_460], %mul3A_458 {strides = array<i32>} : memref<80x80xf32, #tpu.memory_space<vmem>>, vector<16xf32>,
      %get3A_462 = arith.index_cast %scan3A_421 : i32 to index
      %get3A_463 = arith.constant 48 : index
      %get3A_464 = tpu.vector_load %arg15[%get3A_462, %get3A_463] {strides = array<i32>} : memref<80x80xf32, #tpu.memory_space<vmem>>, vector<16xf32>,
      %mul3A_465 = vector.broadcast %squeeze3A : f32 to vector<16xf32>
      %mul3A_466 = arith.mulf %get3A_464, %mul3A_465 : vector<16xf32>
      %swap3A_467 = arith.index_cast %scan3A_421 : i32 to index
      %swap3A_468 = arith.constant 48 : index
      %swap3A_469 = tpu.vector_load %arg15[%swap3A_467, %swap3A_468] {strides = array<i32>} : memref<80x80xf32, #tpu.memory_space<vmem>>, vector<16xf32>,
      tpu.vector_store %arg15[%swap3A_467, %swap3A_468], %mul3A_466 {strides = array<i32>} : memref<80x80xf32, #tpu.memory_space<vmem>>, vector<16xf32>,
    }
    %scan3A_269 = arith.constant 80 : i32
    %dma_wait3A_270 = arith.constant 0 : i32
    %dma_wait3A_271 = arith.constant 0 : i32
    %dma_wait3A_272 = tpu.memref_slice %arg19[%dma_wait3A_270, %dma_wait3A_271] : memref<10000x80xf32, #tpu.memory_space<vmem_shared>> -> memref<10000x80xf32, #tpu.memory_space<vmem_shared>>
    tpu.wait_indirect_dma semaphore(%arg27 : memref<!tpu.dma_semaphore, #tpu.memory_space<semaphore_mem>>) src(%arg14 : memref<80x80xf32, #tpu.memory_space<vmem>>) dst(%dma_wait3A_272 : memref<10000x80xf32, #tpu.memory_space<vmem_shared>>)
    %dma_wait3A_273 = arith.constant 4 : i32
    %dma_wait3A_274 = arith.constant 0 : i32
    %dma_wait3A_275 = arith.constant 0 : i32
    %dma_wait3A_276 = tpu.memref_slice %arg4[%add3A, %dma_wait3A_273, %dma_wait3A_274, %dma_wait3A_275] : memref<32x125x2x80xi32, #tpu.memory_space<hbm>> -> memref<1x1x2x80xi32, #tpu.memory_space<hbm>>
    %dma_wait3A_277 = tpu.memref_squeeze %dma_wait3A_276 : memref<1x1x2x80xi32, #tpu.memory_space<hbm>> -> memref<2x80xi32, #tpu.memory_space<hbm>>
    %dma_wait3A_278 = arith.constant 0 : i32
    %dma_wait3A_279 = arith.constant 0 : i32
    %dma_wait3A_280 = tpu.memref_slice %arg4[%add3A, %dma_wait3A_273, %dma_wait3A_278, %dma_wait3A_279] : memref<32x125x2x80xi32, #tpu.memory_space<hbm>> -> memref<1x1x2x80xi32, #tpu.memory_space<hbm>>
    %dma_wait3A_281 = tpu.memref_squeeze %dma_wait3A_280 : memref<1x1x2x80xi32, #tpu.memory_space<hbm>> -> memref<2x80xi32, #tpu.memory_space<hbm>>
    tpu.wait_dma2 semaphore(%arg21 : memref<!tpu.dma_semaphore, #tpu.memory_space<semaphore_mem>>) src(%dma_wait3A_281 : memref<2x80xi32, #tpu.memory_space<hbm>>) dst(%arg8 : memref<2x80xi32, #tpu.memory_space<vmem>>)
    %dma_start3A_282 = arith.constant 0 : i32
    %dma_start3A_283 = arith.constant 0 : i32
    %dma_start3A_284 = tpu.memref_slice %arg8[%dma_start3A_282, %dma_start3A_283] : memref<2x80xi32, #tpu.memory_space<vmem>> -> memref<1x80xi32, #tpu.memory_space<vmem>>
    %dma_start3A_285 = tpu.memref_squeeze %dma_start3A_284 : memref<1x80xi32, #tpu.memory_space<vmem>> -> memref<80xi32, #tpu.memory_space<vmem>>
    %dma_start3A_286 = arith.constant 0 : i32
    %dma_start3A_287 = arith.constant 0 : i32
    %dma_start3A_288 = tpu.memref_slice %arg2[%dma_start3A_286, %dma_start3A_287] : memref<10000x80xf32, #tpu.memory_space<hbm>> -> memref<10000x80xf32, #tpu.memory_space<hbm>>
    tpu.enqueue_indirect_dma source(%dma_start3A_288 : memref<10000x80xf32, #tpu.memory_space<hbm>>) target(%arg14 : memref<80x80xf32, #tpu.memory_space<vmem>>) offsets(%dma_start3A_285 : memref<80xi32, #tpu.memory_space<vmem>>) semaphore(%arg24 : memref<!tpu.dma_semaphore, #tpu.memory_space<semaphore_mem>>)
    %dma_start3A_289 = arith.constant 1 : i32
    %dma_start3A_290 = arith.constant 0 : i32
    %dma_start3A_291 = tpu.memref_slice %arg8[%dma_start3A_289, %dma_start3A_290] : memref<2x80xi32, #tpu.memory_space<vmem>> -> memref<1x80xi32, #tpu.memory_space<vmem>>
    %dma_start3A_292 = tpu.memref_squeeze %dma_start3A_291 : memref<1x80xi32, #tpu.memory_space<vmem>> -> memref<80xi32, #tpu.memory_space<vmem>>
    %dma_start3A_293 = arith.constant 0 : i32
    %dma_start3A_294 = arith.constant 0 : i32
    %dma_start3A_295 = tpu.memref_slice %arg3[%dma_start3A_293, %dma_start3A_294] : memref<10000x16xf32, #tpu.memory_space<hbm>> -> memref<10000x16xf32, #tpu.memory_space<hbm>>
    tpu.enqueue_indirect_dma source(%dma_start3A_295 : memref<10000x16xf32, #tpu.memory_space<hbm>>) target(%arg17 : memref<80x16xf32, #tpu.memory_space<vmem>>) offsets(%dma_start3A_292 : memref<80xi32, #tpu.memory_space<vmem>>) semaphore(%arg24 : memref<!tpu.dma_semaphore, #tpu.memory_space<semaphore_mem>>)
    %dma_start3A_296 = arith.constant 0 : i32
    %dma_start3A_297 = arith.constant 0 : i32
    %dma_start3A_298 = tpu.memref_slice %arg19[%dma_start3A_296, %dma_start3A_297] : memref<10000x80xf32, #tpu.memory_space<vmem_shared>> -> memref<10000x80xf32, #tpu.memory_space<vmem_shared>>
    tpu.enqueue_indirect_dma source(%arg15 : memref<80x80xf32, #tpu.memory_space<vmem>>) target(%dma_start3A_298 : memref<10000x80xf32, #tpu.memory_space<vmem_shared>>) offsets(%arg12 : memref<80xi32, #tpu.memory_space<vmem>>) semaphore(%arg28 : memref<!tpu.dma_semaphore, #tpu.memory_space<semaphore_mem>>) {add = true}
    %scan3A_299 = arith.constant 0 : i32
    %scan3A_300 = arith.constant 0 : i32
    %scan3A_301 = arith.constant 40 : i32
    %scan3A_302 = arith.addi %scan3A_300, %scan3A_301 : i32
    %scan3A_303 = arith.constant 1 : i32
    scf.for %scan3A_421 = %scan3A_300 to %scan3A_302 step %scan3A_303  : i32 {
      %mul3A_422 = arith.constant 3 : i32
      %mul3A_423 = arith.muli %mul3A_422, %scan3A_421 : i32
      %add3A_424 = arith.constant 3 : i32
      %add3A_425 = arith.addi %mul3A_423, %add3A_424 : i32
      %dma_wait3A_426 = arith.constant 0 : i32
      %dma_wait3A_427 = arith.constant 0 : i32
      %dma_wait3A_428 = tpu.memref_slice %arg7[%dma_wait3A_426, %dma_wait3A_427] : memref<2x80xi32, #tpu.memory_space<vmem>> -> memref<1x80xi32, #tpu.memory_space<vmem>>
      %dma_wait3A_429 = tpu.memref_squeeze %dma_wait3A_428 : memref<1x80xi32, #tpu.memory_space<vmem>> -> memref<80xi32, #tpu.memory_space<vmem>>
      %dma_wait3A_430 = arith.constant 0 : i32
      %dma_wait3A_431 = arith.constant 0 : i32
      %dma_wait3A_432 = tpu.memref_slice %arg2[%dma_wait3A_430, %dma_wait3A_431] : memref<10000x80xf32, #tpu.memory_space<hbm>> -> memref<10000x80xf32, #tpu.memory_space<hbm>>
      tpu.wait_indirect_dma semaphore(%arg23 : memref<!tpu.dma_semaphore, #tpu.memory_space<semaphore_mem>>) src(%dma_wait3A_432 : memref<10000x80xf32, #tpu.memory_space<hbm>>) dst(%arg13 : memref<80x80xf32, #tpu.memory_space<vmem>>)
      %dma_wait3A_433 = arith.constant 1 : i32
      %dma_wait3A_434 = arith.constant 0 : i32
      %dma_wait3A_435 = tpu.memref_slice %arg7[%dma_wait3A_433, %dma_wait3A_434] : memref<2x80xi32, #tpu.memory_space<vmem>> -> memref<1x80xi32, #tpu.memory_space<vmem>>
      %dma_wait3A_436 = tpu.memref_squeeze %dma_wait3A_435 : memref<1x80xi32, #tpu.memory_space<vmem>> -> memref<80xi32, #tpu.memory_space<vmem>>
      %dma_wait3A_437 = arith.constant 0 : i32
      %dma_wait3A_438 = arith.constant 0 : i32
      %dma_wait3A_439 = tpu.memref_slice %arg3[%dma_wait3A_437, %dma_wait3A_438] : memref<10000x16xf32, #tpu.memory_space<hbm>> -> memref<10000x16xf32, #tpu.memory_space<hbm>>
      tpu.wait_indirect_dma semaphore(%arg23 : memref<!tpu.dma_semaphore, #tpu.memory_space<semaphore_mem>>) src(%dma_wait3A_439 : memref<10000x16xf32, #tpu.memory_space<hbm>>) dst(%arg16 : memref<80x16xf32, #tpu.memory_space<vmem>>)
      %get3A_440 = arith.constant 1 : i32
      %get3A_441 = arith.index_cast %get3A_440 : i32 to index
      %get3A_442 = arith.constant 0 : index
      %get3A_443 = tpu.vector_load %arg7[%get3A_441, %get3A_442] {strides = array<i32>} : memref<2x80xi32, #tpu.memory_space<vmem>>, vector<16xi32>,
      %swap3A_444 = arith.constant 0 : index
      %swap3A_445 = tpu.vector_load %arg10[%swap3A_444] {strides = array<i32>} : memref<80xi32, #tpu.memory_space<vmem>>, vector<16xi32>,
      tpu.vector_store %arg10[%swap3A_444], %get3A_443 {strides = array<i32>} : memref<80xi32, #tpu.memory_space<vmem>>, vector<16xi32>,
      %get3A_446 = arith.constant 1 : i32
      %get3A_447 = arith.index_cast %get3A_446 : i32 to index
      %get3A_448 = arith.constant 16 : index
      %get3A_449 = tpu.vector_load %arg7[%get3A_447, %get3A_448] {strides = array<i32>} : memref<2x80xi32, #tpu.memory_space<vmem>>, vector<16xi32>,
      %swap3A_450 = arith.constant 16 : index
      %swap3A_451 = tpu.vector_load %arg10[%swap3A_450] {strides = array<i32>} : memref<80xi32, #tpu.memory_space<vmem>>, vector<16xi32>,
      tpu.vector_store %arg10[%swap3A_450], %get3A_449 {strides = array<i32>} : memref<80xi32, #tpu.memory_space<vmem>>, vector<16xi32>,
      %get3A_452 = arith.constant 1 : i32
      %get3A_453 = arith.index_cast %get3A_452 : i32 to index
      %get3A_454 = arith.constant 32 : index
      %get3A_455 = tpu.vector_load %arg7[%get3A_453, %get3A_454] {strides = array<i32>} : memref<2x80xi32, #tpu.memory_space<vmem>>, vector<16xi32>,
      %swap3A_456 = arith.constant 32 : index
      %swap3A_457 = tpu.vector_load %arg10[%swap3A_456] {strides = array<i32>} : memref<80xi32, #tpu.memory_space<vmem>>, vector<16xi32>,
      tpu.vector_store %arg10[%swap3A_456], %get3A_455 {strides = array<i32>} : memref<80xi32, #tpu.memory_space<vmem>>, vector<16xi32>,
      %get3A_458 = arith.constant 1 : i32
      %get3A_459 = arith.index_cast %get3A_458 : i32 to index
      %get3A_460 = arith.constant 48 : index
      %get3A_461 = tpu.vector_load %arg7[%get3A_459, %get3A_460] {strides = array<i32>} : memref<2x80xi32, #tpu.memory_space<vmem>>, vector<16xi32>,
      %swap3A_462 = arith.constant 48 : index
      %swap3A_463 = tpu.vector_load %arg10[%swap3A_462] {strides = array<i32>} : memref<80xi32, #tpu.memory_space<vmem>>, vector<16xi32>,
      tpu.vector_store %arg10[%swap3A_462], %get3A_461 {strides = array<i32>} : memref<80xi32, #tpu.memory_space<vmem>>, vector<16xi32>,
      %get3A_464 = arith.constant 1 : i32
      %get3A_465 = arith.index_cast %get3A_464 : i32 to index
      %get3A_466 = arith.constant 64 : index
      %get3A_467 = tpu.vector_load %arg7[%get3A_465, %get3A_466] {strides = array<i32>} : memref<2x80xi32, #tpu.memory_space<vmem>>, vector<16xi32>,
      %swap3A_468 = arith.constant 64 : index
      %swap3A_469 = tpu.vector_load %arg10[%swap3A_468] {strides = array<i32>} : memref<80xi32, #tpu.memory_space<vmem>>, vector<16xi32>,
      tpu.vector_store %arg10[%swap3A_468], %get3A_467 {strides = array<i32>} : memref<80xi32, #tpu.memory_space<vmem>>, vector<16xi32>,
      %add3A_470 = arith.constant 3 : i32
      %add3A_471 = arith.addi %add3A_425, %add3A_470 : i32
      %lt3A_472 = arith.constant 125 : i32
      %lt3A_473 = arith.cmpi slt, %add3A_471, %lt3A_472 : i32
      %convert_element_type3A = arith.extui %lt3A_473 : i1 to i32
      %cond3A = arith.constant 0 : i32
      %cond3A_474 = arith.cmpi ne, %convert_element_type3A, %cond3A : i32
      scf.if %cond3A_474 {
        %add3A_629 = arith.constant 3 : i32
        %add3A_630 = arith.addi %add3A_425, %add3A_629 : i32
        %dma_start3A_631 = arith.constant 0 : i32
        %dma_start3A_632 = arith.constant 0 : i32
        %dma_start3A_633 = tpu.memref_slice %arg4[%add3A, %add3A_630, %dma_start3A_631, %dma_start3A_632] : memref<32x125x2x80xi32, #tpu.memory_space<hbm>> -> memref<1x1x2x80xi32, #tpu.memory_space<hbm>>
        %dma_start3A_634 = tpu.memref_squeeze %dma_start3A_633 : memref<1x1x2x80xi32, #tpu.memory_space<hbm>> -> memref<2x80xi32, #tpu.memory_space<hbm>>
        %dma_start3A_635 = arith.constant 0 : i32
        %dma_start3A_636 = arith.constant 0 : i32
        %dma_start3A_637 = tpu.memref_slice %arg4[%add3A, %add3A_630, %dma_start3A_635, %dma_start3A_636] : memref<32x125x2x80xi32, #tpu.memory_space<hbm>> -> memref<1x1x2x80xi32, #tpu.memory_space<hbm>>
        %dma_start3A_638 = tpu.memref_squeeze %dma_start3A_637 : memref<1x1x2x80xi32, #tpu.memory_space<hbm>> -> memref<2x80xi32, #tpu.memory_space<hbm>>
        tpu.enqueue_dma source(%dma_start3A_638 : memref<2x80xi32, #tpu.memory_space<hbm>>) target(%arg7 : memref<2x80xi32, #tpu.memory_space<vmem>>) target_semaphore(%arg20 : memref<!tpu.dma_semaphore, #tpu.memory_space<semaphore_mem>>)
      } else {
      }
      %scan3A_475 = arith.constant 0 : i32
      %scan3A_476 = arith.constant 0 : i32
      %scan3A_477 = arith.constant 80 : i32
      %scan3A_478 = arith.addi %scan3A_476, %scan3A_477 : i32
      %scan3A_479 = arith.constant 1 : i32
      scf.for %scan3A_629 = %scan3A_476 to %scan3A_478 step %scan3A_479  : i32 {
        %get3A_630 = arith.index_cast %scan3A_629 : i32 to index
        %get3A_631 = arith.constant 64 : index
        %get3A_632 = tpu.vector_load %arg13[%get3A_630, %get3A_631] {strides = array<i32>} : memref<80x80xf32, #tpu.memory_space<vmem>>, vector<16xf32>,
        %get3A_633 = arith.index_cast %scan3A_629 : i32 to index
        %get3A_634 = arith.constant 0 : index
        %get3A_635 = tpu.vector_load %arg16[%get3A_633, %get3A_634] {strides = array<i32>} : memref<80x16xf32, #tpu.memory_space<vmem>>, vector<16xf32>,
        %add3A_636 = arith.addf %get3A_632, %get3A_635 : vector<16xf32>
        %ge3A = arith.constant 0.000000e+00 : f32
        %ge3A_637 = vector.broadcast %ge3A : f32 to vector<16xf32>
        %ge3A_638 = arith.cmpf oge, %add3A_636, %ge3A_637 : vector<16xf32>
        %mul3A_639 = arith.constant 2.000000e-01 : f32
        %mul3A_640 = vector.broadcast %mul3A_639 : f32 to vector<16xf32>
        %mul3A_641 = arith.mulf %mul3A_640, %add3A_636 : vector<16xf32>
        %select_n3A = arith.select %ge3A_638, %add3A_636, %mul3A_641 : vector<16xi1>, vector<16xf32>
        %exp3A = math.exp %select_n3A : vector<16xf32>
        %jit3A = arith.constant 0.000000e+00 : f32
        %broadcast_in_dim3A = vector.broadcast %jit3A : f32 to vector<16xf32>
        %select_n3A_642 = arith.select %lt3A_4, %exp3A, %broadcast_in_dim3A : vector<16xi1>, vector<16xf32>
        %swap3A_643 = arith.index_cast %scan3A_629 : i32 to index
        %swap3A_644 = arith.constant 64 : index
        %swap3A_645 = tpu.vector_load %arg13[%swap3A_643, %swap3A_644] {strides = array<i32>} : memref<80x80xf32, #tpu.memory_space<vmem>>, vector<16xf32>,
        tpu.vector_store %arg13[%swap3A_643, %swap3A_644], %select_n3A_642 {strides = array<i32>} : memref<80x80xf32, #tpu.memory_space<vmem>>, vector<16xf32>,
        %slice3A = vector.extract_strided_slice %select_n3A_642 {offsets = [0], sizes = [1], strides = [1]} : vector<16xf32> to vector<1xf32>
        %squeeze3A = vector.extract %slice3A[0] : f32 from vector<1xf32>
        %get3A_646 = arith.index_cast %scan3A_629 : i32 to index
        %get3A_647 = arith.constant 0 : index
        %get3A_648 = tpu.vector_load %arg13[%get3A_646, %get3A_647] {strides = array<i32>} : memref<80x80xf32, #tpu.memory_space<vmem>>, vector<16xf32>,
        %mul3A_649 = vector.broadcast %squeeze3A : f32 to vector<16xf32>
        %mul3A_650 = arith.mulf %get3A_648, %mul3A_649 : vector<16xf32>
        %swap3A_651 = arith.index_cast %scan3A_629 : i32 to index
        %swap3A_652 = arith.constant 0 : index
        %swap3A_653 = tpu.vector_load %arg13[%swap3A_651, %swap3A_652] {strides = array<i32>} : memref<80x80xf32, #tpu.memory_space<vmem>>, vector<16xf32>,
        tpu.vector_store %arg13[%swap3A_651, %swap3A_652], %mul3A_650 {strides = array<i32>} : memref<80x80xf32, #tpu.memory_space<vmem>>, vector<16xf32>,
        %get3A_654 = arith.index_cast %scan3A_629 : i32 to index
        %get3A_655 = arith.constant 16 : index
        %get3A_656 = tpu.vector_load %arg13[%get3A_654, %get3A_655] {strides = array<i32>} : memref<80x80xf32, #tpu.memory_space<vmem>>, vector<16xf32>,
        %mul3A_657 = vector.broadcast %squeeze3A : f32 to vector<16xf32>
        %mul3A_658 = arith.mulf %get3A_656, %mul3A_657 : vector<16xf32>
        %swap3A_659 = arith.index_cast %scan3A_629 : i32 to index
        %swap3A_660 = arith.constant 16 : index
        %swap3A_661 = tpu.vector_load %arg13[%swap3A_659, %swap3A_660] {strides = array<i32>} : memref<80x80xf32, #tpu.memory_space<vmem>>, vector<16xf32>,
        tpu.vector_store %arg13[%swap3A_659, %swap3A_660], %mul3A_658 {strides = array<i32>} : memref<80x80xf32, #tpu.memory_space<vmem>>, vector<16xf32>,
        %get3A_662 = arith.index_cast %scan3A_629 : i32 to index
        %get3A_663 = arith.constant 32 : index
        %get3A_664 = tpu.vector_load %arg13[%get3A_662, %get3A_663] {strides = array<i32>} : memref<80x80xf32, #tpu.memory_space<vmem>>, vector<16xf32>,
        %mul3A_665 = vector.broadcast %squeeze3A : f32 to vector<16xf32>
        %mul3A_666 = arith.mulf %get3A_664, %mul3A_665 : vector<16xf32>
        %swap3A_667 = arith.index_cast %scan3A_629 : i32 to index
        %swap3A_668 = arith.constant 32 : index
        %swap3A_669 = tpu.vector_load %arg13[%swap3A_667, %swap3A_668] {strides = array<i32>} : memref<80x80xf32, #tpu.memory_space<vmem>>, vector<16xf32>,
        tpu.vector_store %arg13[%swap3A_667, %swap3A_668], %mul3A_666 {strides = array<i32>} : memref<80x80xf32, #tpu.memory_space<vmem>>, vector<16xf32>,
        %get3A_670 = arith.index_cast %scan3A_629 : i32 to index
        %get3A_671 = arith.constant 48 : index
        %get3A_672 = tpu.vector_load %arg13[%get3A_670, %get3A_671] {strides = array<i32>} : memref<80x80xf32, #tpu.memory_space<vmem>>, vector<16xf32>,
        %mul3A_673 = vector.broadcast %squeeze3A : f32 to vector<16xf32>
        %mul3A_674 = arith.mulf %get3A_672, %mul3A_673 : vector<16xf32>
        %swap3A_675 = arith.index_cast %scan3A_629 : i32 to index
        %swap3A_676 = arith.constant 48 : index
        %swap3A_677 = tpu.vector_load %arg13[%swap3A_675, %swap3A_676] {strides = array<i32>} : memref<80x80xf32, #tpu.memory_space<vmem>>, vector<16xf32>,
        tpu.vector_store %arg13[%swap3A_675, %swap3A_676], %mul3A_674 {strides = array<i32>} : memref<80x80xf32, #tpu.memory_space<vmem>>, vector<16xf32>,
      }
      %scan3A_480 = arith.constant 80 : i32
      %add3A_481 = arith.constant 2 : i32
      %add3A_482 = arith.addi %add3A_425, %add3A_481 : i32
      %lt3A_483 = arith.constant 125 : i32
      %lt3A_484 = arith.cmpi slt, %add3A_482, %lt3A_483 : i32
      %convert_element_type3A_485 = arith.extui %lt3A_484 : i1 to i32
      %cond3A_486 = arith.constant 0 : i32
      %cond3A_487 = arith.cmpi ne, %convert_element_type3A_485, %cond3A_486 : i32
      scf.if %cond3A_487 {
        %dma_wait3A_629 = arith.constant 0 : i32
        %dma_wait3A_630 = arith.constant 0 : i32
        %dma_wait3A_631 = tpu.memref_slice %arg19[%dma_wait3A_629, %dma_wait3A_630] : memref<10000x80xf32, #tpu.memory_space<vmem_shared>> -> memref<10000x80xf32, #tpu.memory_space<vmem_shared>>
        tpu.wait_indirect_dma semaphore(%arg28 : memref<!tpu.dma_semaphore, #tpu.memory_space<semaphore_mem>>) src(%arg15 : memref<80x80xf32, #tpu.memory_space<vmem>>) dst(%dma_wait3A_631 : memref<10000x80xf32, #tpu.memory_space<vmem_shared>>)
        %add3A_632 = arith.constant 2 : i32
        %add3A_633 = arith.addi %add3A_425, %add3A_632 : i32
        %dma_wait3A_634 = arith.constant 0 : i32
        %dma_wait3A_635 = arith.constant 0 : i32
        %dma_wait3A_636 = tpu.memref_slice %arg4[%add3A, %add3A_633, %dma_wait3A_634, %dma_wait3A_635] : memref<32x125x2x80xi32, #tpu.memory_space<hbm>> -> memref<1x1x2x80xi32, #tpu.memory_space<hbm>>
        %dma_wait3A_637 = tpu.memref_squeeze %dma_wait3A_636 : memref<1x1x2x80xi32, #tpu.memory_space<hbm>> -> memref<2x80xi32, #tpu.memory_space<hbm>>
        %dma_wait3A_638 = arith.constant 0 : i32
        %dma_wait3A_639 = arith.constant 0 : i32
        %dma_wait3A_640 = tpu.memref_slice %arg4[%add3A, %add3A_633, %dma_wait3A_638, %dma_wait3A_639] : memref<32x125x2x80xi32, #tpu.memory_space<hbm>> -> memref<1x1x2x80xi32, #tpu.memory_space<hbm>>
        %dma_wait3A_641 = tpu.memref_squeeze %dma_wait3A_640 : memref<1x1x2x80xi32, #tpu.memory_space<hbm>> -> memref<2x80xi32, #tpu.memory_space<hbm>>
        tpu.wait_dma2 semaphore(%arg22 : memref<!tpu.dma_semaphore, #tpu.memory_space<semaphore_mem>>) src(%dma_wait3A_641 : memref<2x80xi32, #tpu.memory_space<hbm>>) dst(%arg9 : memref<2x80xi32, #tpu.memory_space<vmem>>)
        %dma_start3A_642 = arith.constant 0 : i32
        %dma_start3A_643 = arith.constant 0 : i32
        %dma_start3A_644 = tpu.memref_slice %arg9[%dma_start3A_642, %dma_start3A_643] : memref<2x80xi32, #tpu.memory_space<vmem>> -> memref<1x80xi32, #tpu.memory_space<vmem>>
        %dma_start3A_645 = tpu.memref_squeeze %dma_start3A_644 : memref<1x80xi32, #tpu.memory_space<vmem>> -> memref<80xi32, #tpu.memory_space<vmem>>
        %dma_start3A_646 = arith.constant 0 : i32
        %dma_start3A_647 = arith.constant 0 : i32
        %dma_start3A_648 = tpu.memref_slice %arg2[%dma_start3A_646, %dma_start3A_647] : memref<10000x80xf32, #tpu.memory_space<hbm>> -> memref<10000x80xf32, #tpu.memory_space<hbm>>
        tpu.enqueue_indirect_dma source(%dma_start3A_648 : memref<10000x80xf32, #tpu.memory_space<hbm>>) target(%arg15 : memref<80x80xf32, #tpu.memory_space<vmem>>) offsets(%dma_start3A_645 : memref<80xi32, #tpu.memory_space<vmem>>) semaphore(%arg25 : memref<!tpu.dma_semaphore, #tpu.memory_space<semaphore_mem>>)
        %dma_start3A_649 = arith.constant 1 : i32
        %dma_start3A_650 = arith.constant 0 : i32
        %dma_start3A_651 = tpu.memref_slice %arg9[%dma_start3A_649, %dma_start3A_650] : memref<2x80xi32, #tpu.memory_space<vmem>> -> memref<1x80xi32, #tpu.memory_space<vmem>>
        %dma_start3A_652 = tpu.memref_squeeze %dma_start3A_651 : memref<1x80xi32, #tpu.memory_space<vmem>> -> memref<80xi32, #tpu.memory_space<vmem>>
        %dma_start3A_653 = arith.constant 0 : i32
        %dma_start3A_654 = arith.constant 0 : i32
        %dma_start3A_655 = tpu.memref_slice %arg3[%dma_start3A_653, %dma_start3A_654] : memref<10000x16xf32, #tpu.memory_space<hbm>> -> memref<10000x16xf32, #tpu.memory_space<hbm>>
        tpu.enqueue_indirect_dma source(%dma_start3A_655 : memref<10000x16xf32, #tpu.memory_space<hbm>>) target(%arg18 : memref<80x16xf32, #tpu.memory_space<vmem>>) offsets(%dma_start3A_652 : memref<80xi32, #tpu.memory_space<vmem>>) semaphore(%arg25 : memref<!tpu.dma_semaphore, #tpu.memory_space<semaphore_mem>>)
      } else {
      }
      %dma_start3A_488 = arith.constant 0 : i32
      %dma_start3A_489 = arith.constant 0 : i32
      %dma_start3A_490 = tpu.memref_slice %arg19[%dma_start3A_488, %dma_start3A_489] : memref<10000x80xf32, #tpu.memory_space<vmem_shared>> -> memref<10000x80xf32, #tpu.memory_space<vmem_shared>>
      tpu.enqueue_indirect_dma source(%arg13 : memref<80x80xf32, #tpu.memory_space<vmem>>) target(%dma_start3A_490 : memref<10000x80xf32, #tpu.memory_space<vmem_shared>>) offsets(%arg10 : memref<80xi32, #tpu.memory_space<vmem>>) semaphore(%arg26 : memref<!tpu.dma_semaphore, #tpu.memory_space<semaphore_mem>>) {add = true}
      %add3A_491 = arith.constant 1 : i32
      %add3A_492 = arith.addi %add3A_425, %add3A_491 : i32
      %dma_wait3A_493 = arith.constant 0 : i32
      %dma_wait3A_494 = arith.constant 0 : i32
      %dma_wait3A_495 = tpu.memref_slice %arg8[%dma_wait3A_493, %dma_wait3A_494] : memref<2x80xi32, #tpu.memory_space<vmem>> -> memref<1x80xi32, #tpu.memory_space<vmem>>
      %dma_wait3A_496 = tpu.memref_squeeze %dma_wait3A_495 : memref<1x80xi32, #tpu.memory_space<vmem>> -> memref<80xi32, #tpu.memory_space<vmem>>
      %dma_wait3A_497 = arith.constant 0 : i32
      %dma_wait3A_498 = arith.constant 0 : i32
      %dma_wait3A_499 = tpu.memref_slice %arg2[%dma_wait3A_497, %dma_wait3A_498] : memref<10000x80xf32, #tpu.memory_space<hbm>> -> memref<10000x80xf32, #tpu.memory_space<hbm>>
      tpu.wait_indirect_dma semaphore(%arg24 : memref<!tpu.dma_semaphore, #tpu.memory_space<semaphore_mem>>) src(%dma_wait3A_499 : memref<10000x80xf32, #tpu.memory_space<hbm>>) dst(%arg14 : memref<80x80xf32, #tpu.memory_space<vmem>>)
      %dma_wait3A_500 = arith.constant 1 : i32
      %dma_wait3A_501 = arith.constant 0 : i32
      %dma_wait3A_502 = tpu.memref_slice %arg8[%dma_wait3A_500, %dma_wait3A_501] : memref<2x80xi32, #tpu.memory_space<vmem>> -> memref<1x80xi32, #tpu.memory_space<vmem>>
      %dma_wait3A_503 = tpu.memref_squeeze %dma_wait3A_502 : memref<1x80xi32, #tpu.memory_space<vmem>> -> memref<80xi32, #tpu.memory_space<vmem>>
      %dma_wait3A_504 = arith.constant 0 : i32
      %dma_wait3A_505 = arith.constant 0 : i32
      %dma_wait3A_506 = tpu.memref_slice %arg3[%dma_wait3A_504, %dma_wait3A_505] : memref<10000x16xf32, #tpu.memory_space<hbm>> -> memref<10000x16xf32, #tpu.memory_space<hbm>>
      tpu.wait_indirect_dma semaphore(%arg24 : memref<!tpu.dma_semaphore, #tpu.memory_space<semaphore_mem>>) src(%dma_wait3A_506 : memref<10000x16xf32, #tpu.memory_space<hbm>>) dst(%arg17 : memref<80x16xf32, #tpu.memory_space<vmem>>)
      %get3A_507 = arith.constant 1 : i32
      %get3A_508 = arith.index_cast %get3A_507 : i32 to index
      %get3A_509 = arith.constant 0 : index
      %get3A_510 = tpu.vector_load %arg8[%get3A_508, %get3A_509] {strides = array<i32>} : memref<2x80xi32, #tpu.memory_space<vmem>>, vector<16xi32>,
      %swap3A_511 = arith.constant 0 : index
      %swap3A_512 = tpu.vector_load %arg11[%swap3A_511] {strides = array<i32>} : memref<80xi32, #tpu.memory_space<vmem>>, vector<16xi32>,
      tpu.vector_store %arg11[%swap3A_511], %get3A_510 {strides = array<i32>} : memref<80xi32, #tpu.memory_space<vmem>>, vector<16xi32>,
      %get3A_513 = arith.constant 1 : i32
      %get3A_514 = arith.index_cast %get3A_513 : i32 to index
      %get3A_515 = arith.constant 16 : index
      %get3A_516 = tpu.vector_load %arg8[%get3A_514, %get3A_515] {strides = array<i32>} : memref<2x80xi32, #tpu.memory_space<vmem>>, vector<16xi32>,
      %swap3A_517 = arith.constant 16 : index
      %swap3A_518 = tpu.vector_load %arg11[%swap3A_517] {strides = array<i32>} : memref<80xi32, #tpu.memory_space<vmem>>, vector<16xi32>,
      tpu.vector_store %arg11[%swap3A_517], %get3A_516 {strides = array<i32>} : memref<80xi32, #tpu.memory_space<vmem>>, vector<16xi32>,
      %get3A_519 = arith.constant 1 : i32
      %get3A_520 = arith.index_cast %get3A_519 : i32 to index
      %get3A_521 = arith.constant 32 : index
      %get3A_522 = tpu.vector_load %arg8[%get3A_520, %get3A_521] {strides = array<i32>} : memref<2x80xi32, #tpu.memory_space<vmem>>, vector<16xi32>,
      %swap3A_523 = arith.constant 32 : index
      %swap3A_524 = tpu.vector_load %arg11[%swap3A_523] {strides = array<i32>} : memref<80xi32, #tpu.memory_space<vmem>>, vector<16xi32>,
      tpu.vector_store %arg11[%swap3A_523], %get3A_522 {strides = array<i32>} : memref<80xi32, #tpu.memory_space<vmem>>, vector<16xi32>,
      %get3A_525 = arith.constant 1 : i32
      %get3A_526 = arith.index_cast %get3A_525 : i32 to index
      %get3A_527 = arith.constant 48 : index
      %get3A_528 = tpu.vector_load %arg8[%get3A_526, %get3A_527] {strides = array<i32>} : memref<2x80xi32, #tpu.memory_space<vmem>>, vector<16xi32>,
      %swap3A_529 = arith.constant 48 : index
      %swap3A_530 = tpu.vector_load %arg11[%swap3A_529] {strides = array<i32>} : memref<80xi32, #tpu.memory_space<vmem>>, vector<16xi32>,
      tpu.vector_store %arg11[%swap3A_529], %get3A_528 {strides = array<i32>} : memref<80xi32, #tpu.memory_space<vmem>>, vector<16xi32>,
      %get3A_531 = arith.constant 1 : i32
      %get3A_532 = arith.index_cast %get3A_531 : i32 to index
      %get3A_533 = arith.constant 64 : index
      %get3A_534 = tpu.vector_load %arg8[%get3A_532, %get3A_533] {strides = array<i32>} : memref<2x80xi32, #tpu.memory_space<vmem>>, vector<16xi32>,
      %swap3A_535 = arith.constant 64 : index
      %swap3A_536 = tpu.vector_load %arg11[%swap3A_535] {strides = array<i32>} : memref<80xi32, #tpu.memory_space<vmem>>, vector<16xi32>,
      tpu.vector_store %arg11[%swap3A_535], %get3A_534 {strides = array<i32>} : memref<80xi32, #tpu.memory_space<vmem>>, vector<16xi32>,
      %add3A_537 = arith.constant 3 : i32
      %add3A_538 = arith.addi %add3A_492, %add3A_537 : i32
      %lt3A_539 = arith.constant 125 : i32
      %lt3A_540 = arith.cmpi slt, %add3A_538, %lt3A_539 : i32
      %convert_element_type3A_541 = arith.extui %lt3A_540 : i1 to i32
      %cond3A_542 = arith.constant 0 : i32
      %cond3A_543 = arith.cmpi ne, %convert_element_type3A_541, %cond3A_542 : i32
      scf.if %cond3A_543 {
        %add3A_629 = arith.constant 3 : i32
        %add3A_630 = arith.addi %add3A_492, %add3A_629 : i32
        %dma_start3A_631 = arith.constant 0 : i32
        %dma_start3A_632 = arith.constant 0 : i32
        %dma_start3A_633 = tpu.memref_slice %arg4[%add3A, %add3A_630, %dma_start3A_631, %dma_start3A_632] : memref<32x125x2x80xi32, #tpu.memory_space<hbm>> -> memref<1x1x2x80xi32, #tpu.memory_space<hbm>>
        %dma_start3A_634 = tpu.memref_squeeze %dma_start3A_633 : memref<1x1x2x80xi32, #tpu.memory_space<hbm>> -> memref<2x80xi32, #tpu.memory_space<hbm>>
        %dma_start3A_635 = arith.constant 0 : i32
        %dma_start3A_636 = arith.constant 0 : i32
        %dma_start3A_637 = tpu.memref_slice %arg4[%add3A, %add3A_630, %dma_start3A_635, %dma_start3A_636] : memref<32x125x2x80xi32, #tpu.memory_space<hbm>> -> memref<1x1x2x80xi32, #tpu.memory_space<hbm>>
        %dma_start3A_638 = tpu.memref_squeeze %dma_start3A_637 : memref<1x1x2x80xi32, #tpu.memory_space<hbm>> -> memref<2x80xi32, #tpu.memory_space<hbm>>
        tpu.enqueue_dma source(%dma_start3A_638 : memref<2x80xi32, #tpu.memory_space<hbm>>) target(%arg8 : memref<2x80xi32, #tpu.memory_space<vmem>>) target_semaphore(%arg21 : memref<!tpu.dma_semaphore, #tpu.memory_space<semaphore_mem>>)
      } else {
      }
      %scan3A_544 = arith.constant 0 : i32
      %scan3A_545 = arith.constant 0 : i32
      %scan3A_546 = arith.constant 80 : i32
      %scan3A_547 = arith.addi %scan3A_545, %scan3A_546 : i32
      %scan3A_548 = arith.constant 1 : i32
      scf.for %scan3A_629 = %scan3A_545 to %scan3A_547 step %scan3A_548  : i32 {
        %get3A_630 = arith.index_cast %scan3A_629 : i32 to index
        %get3A_631 = arith.constant 64 : index
        %get3A_632 = tpu.vector_load %arg14[%get3A_630, %get3A_631] {strides = array<i32>} : memref<80x80xf32, #tpu.memory_space<vmem>>, vector<16xf32>,
        %get3A_633 = arith.index_cast %scan3A_629 : i32 to index
        %get3A_634 = arith.constant 0 : index
        %get3A_635 = tpu.vector_load %arg17[%get3A_633, %get3A_634] {strides = array<i32>} : memref<80x16xf32, #tpu.memory_space<vmem>>, vector<16xf32>,
        %add3A_636 = arith.addf %get3A_632, %get3A_635 : vector<16xf32>
        %ge3A = arith.constant 0.000000e+00 : f32
        %ge3A_637 = vector.broadcast %ge3A : f32 to vector<16xf32>
        %ge3A_638 = arith.cmpf oge, %add3A_636, %ge3A_637 : vector<16xf32>
        %mul3A_639 = arith.constant 2.000000e-01 : f32
        %mul3A_640 = vector.broadcast %mul3A_639 : f32 to vector<16xf32>
        %mul3A_641 = arith.mulf %mul3A_640, %add3A_636 : vector<16xf32>
        %select_n3A = arith.select %ge3A_638, %add3A_636, %mul3A_641 : vector<16xi1>, vector<16xf32>
        %exp3A = math.exp %select_n3A : vector<16xf32>
        %jit3A = arith.constant 0.000000e+00 : f32
        %broadcast_in_dim3A = vector.broadcast %jit3A : f32 to vector<16xf32>
        %select_n3A_642 = arith.select %lt3A_4, %exp3A, %broadcast_in_dim3A : vector<16xi1>, vector<16xf32>
        %swap3A_643 = arith.index_cast %scan3A_629 : i32 to index
        %swap3A_644 = arith.constant 64 : index
        %swap3A_645 = tpu.vector_load %arg14[%swap3A_643, %swap3A_644] {strides = array<i32>} : memref<80x80xf32, #tpu.memory_space<vmem>>, vector<16xf32>,
        tpu.vector_store %arg14[%swap3A_643, %swap3A_644], %select_n3A_642 {strides = array<i32>} : memref<80x80xf32, #tpu.memory_space<vmem>>, vector<16xf32>,
        %slice3A = vector.extract_strided_slice %select_n3A_642 {offsets = [0], sizes = [1], strides = [1]} : vector<16xf32> to vector<1xf32>
        %squeeze3A = vector.extract %slice3A[0] : f32 from vector<1xf32>
        %get3A_646 = arith.index_cast %scan3A_629 : i32 to index
        %get3A_647 = arith.constant 0 : index
        %get3A_648 = tpu.vector_load %arg14[%get3A_646, %get3A_647] {strides = array<i32>} : memref<80x80xf32, #tpu.memory_space<vmem>>, vector<16xf32>,
        %mul3A_649 = vector.broadcast %squeeze3A : f32 to vector<16xf32>
        %mul3A_650 = arith.mulf %get3A_648, %mul3A_649 : vector<16xf32>
        %swap3A_651 = arith.index_cast %scan3A_629 : i32 to index
        %swap3A_652 = arith.constant 0 : index
        %swap3A_653 = tpu.vector_load %arg14[%swap3A_651, %swap3A_652] {strides = array<i32>} : memref<80x80xf32, #tpu.memory_space<vmem>>, vector<16xf32>,
        tpu.vector_store %arg14[%swap3A_651, %swap3A_652], %mul3A_650 {strides = array<i32>} : memref<80x80xf32, #tpu.memory_space<vmem>>, vector<16xf32>,
        %get3A_654 = arith.index_cast %scan3A_629 : i32 to index
        %get3A_655 = arith.constant 16 : index
        %get3A_656 = tpu.vector_load %arg14[%get3A_654, %get3A_655] {strides = array<i32>} : memref<80x80xf32, #tpu.memory_space<vmem>>, vector<16xf32>,
        %mul3A_657 = vector.broadcast %squeeze3A : f32 to vector<16xf32>
        %mul3A_658 = arith.mulf %get3A_656, %mul3A_657 : vector<16xf32>
        %swap3A_659 = arith.index_cast %scan3A_629 : i32 to index
        %swap3A_660 = arith.constant 16 : index
        %swap3A_661 = tpu.vector_load %arg14[%swap3A_659, %swap3A_660] {strides = array<i32>} : memref<80x80xf32, #tpu.memory_space<vmem>>, vector<16xf32>,
        tpu.vector_store %arg14[%swap3A_659, %swap3A_660], %mul3A_658 {strides = array<i32>} : memref<80x80xf32, #tpu.memory_space<vmem>>, vector<16xf32>,
        %get3A_662 = arith.index_cast %scan3A_629 : i32 to index
        %get3A_663 = arith.constant 32 : index
        %get3A_664 = tpu.vector_load %arg14[%get3A_662, %get3A_663] {strides = array<i32>} : memref<80x80xf32, #tpu.memory_space<vmem>>, vector<16xf32>,
        %mul3A_665 = vector.broadcast %squeeze3A : f32 to vector<16xf32>
        %mul3A_666 = arith.mulf %get3A_664, %mul3A_665 : vector<16xf32>
        %swap3A_667 = arith.index_cast %scan3A_629 : i32 to index
        %swap3A_668 = arith.constant 32 : index
        %swap3A_669 = tpu.vector_load %arg14[%swap3A_667, %swap3A_668] {strides = array<i32>} : memref<80x80xf32, #tpu.memory_space<vmem>>, vector<16xf32>,
        tpu.vector_store %arg14[%swap3A_667, %swap3A_668], %mul3A_666 {strides = array<i32>} : memref<80x80xf32, #tpu.memory_space<vmem>>, vector<16xf32>,
        %get3A_670 = arith.index_cast %scan3A_629 : i32 to index
        %get3A_671 = arith.constant 48 : index
        %get3A_672 = tpu.vector_load %arg14[%get3A_670, %get3A_671] {strides = array<i32>} : memref<80x80xf32, #tpu.memory_space<vmem>>, vector<16xf32>,
        %mul3A_673 = vector.broadcast %squeeze3A : f32 to vector<16xf32>
        %mul3A_674 = arith.mulf %get3A_672, %mul3A_673 : vector<16xf32>
        %swap3A_675 = arith.index_cast %scan3A_629 : i32 to index
        %swap3A_676 = arith.constant 48 : index
        %swap3A_677 = tpu.vector_load %arg14[%swap3A_675, %swap3A_676] {strides = array<i32>} : memref<80x80xf32, #tpu.memory_space<vmem>>, vector<16xf32>,
        tpu.vector_store %arg14[%swap3A_675, %swap3A_676], %mul3A_674 {strides = array<i32>} : memref<80x80xf32, #tpu.memory_space<vmem>>, vector<16xf32>,
      }
      %scan3A_549 = arith.constant 80 : i32
      %add3A_550 = arith.constant 2 : i32
      %add3A_551 = arith.addi %add3A_492, %add3A_550 : i32
      %lt3A_552 = arith.constant 125 : i32
      %lt3A_553 = arith.cmpi slt, %add3A_551, %lt3A_552 : i32
      %convert_element_type3A_554 = arith.extui %lt3A_553 : i1 to i32
      %cond3A_555 = arith.constant 0 : i32
      %cond3A_556 = arith.cmpi ne, %convert_element_type3A_554, %cond3A_555 : i32
      scf.if %cond3A_556 {
        %dma_wait3A_629 = arith.constant 0 : i32
        %dma_wait3A_630 = arith.constant 0 : i32
        %dma_wait3A_631 = tpu.memref_slice %arg19[%dma_wait3A_629, %dma_wait3A_630] : memref<10000x80xf32, #tpu.memory_space<vmem_shared>> -> memref<10000x80xf32, #tpu.memory_space<vmem_shared>>
        tpu.wait_indirect_dma semaphore(%arg26 : memref<!tpu.dma_semaphore, #tpu.memory_space<semaphore_mem>>) src(%arg13 : memref<80x80xf32, #tpu.memory_space<vmem>>) dst(%dma_wait3A_631 : memref<10000x80xf32, #tpu.memory_space<vmem_shared>>)
        %add3A_632 = arith.constant 2 : i32
        %add3A_633 = arith.addi %add3A_492, %add3A_632 : i32
        %dma_wait3A_634 = arith.constant 0 : i32
        %dma_wait3A_635 = arith.constant 0 : i32
        %dma_wait3A_636 = tpu.memref_slice %arg4[%add3A, %add3A_633, %dma_wait3A_634, %dma_wait3A_635] : memref<32x125x2x80xi32, #tpu.memory_space<hbm>> -> memref<1x1x2x80xi32, #tpu.memory_space<hbm>>
        %dma_wait3A_637 = tpu.memref_squeeze %dma_wait3A_636 : memref<1x1x2x80xi32, #tpu.memory_space<hbm>> -> memref<2x80xi32, #tpu.memory_space<hbm>>
        %dma_wait3A_638 = arith.constant 0 : i32
        %dma_wait3A_639 = arith.constant 0 : i32
        %dma_wait3A_640 = tpu.memref_slice %arg4[%add3A, %add3A_633, %dma_wait3A_638, %dma_wait3A_639] : memref<32x125x2x80xi32, #tpu.memory_space<hbm>> -> memref<1x1x2x80xi32, #tpu.memory_space<hbm>>
        %dma_wait3A_641 = tpu.memref_squeeze %dma_wait3A_640 : memref<1x1x2x80xi32, #tpu.memory_space<hbm>> -> memref<2x80xi32, #tpu.memory_space<hbm>>
        tpu.wait_dma2 semaphore(%arg20 : memref<!tpu.dma_semaphore, #tpu.memory_space<semaphore_mem>>) src(%dma_wait3A_641 : memref<2x80xi32, #tpu.memory_space<hbm>>) dst(%arg7 : memref<2x80xi32, #tpu.memory_space<vmem>>)
        %dma_start3A_642 = arith.constant 0 : i32
        %dma_start3A_643 = arith.constant 0 : i32
        %dma_start3A_644 = tpu.memref_slice %arg7[%dma_start3A_642, %dma_start3A_643] : memref<2x80xi32, #tpu.memory_space<vmem>> -> memref<1x80xi32, #tpu.memory_space<vmem>>
        %dma_start3A_645 = tpu.memref_squeeze %dma_start3A_644 : memref<1x80xi32, #tpu.memory_space<vmem>> -> memref<80xi32, #tpu.memory_space<vmem>>
        %dma_start3A_646 = arith.constant 0 : i32
        %dma_start3A_647 = arith.constant 0 : i32
        %dma_start3A_648 = tpu.memref_slice %arg2[%dma_start3A_646, %dma_start3A_647] : memref<10000x80xf32, #tpu.memory_space<hbm>> -> memref<10000x80xf32, #tpu.memory_space<hbm>>
        tpu.enqueue_indirect_dma source(%dma_start3A_648 : memref<10000x80xf32, #tpu.memory_space<hbm>>) target(%arg13 : memref<80x80xf32, #tpu.memory_space<vmem>>) offsets(%dma_start3A_645 : memref<80xi32, #tpu.memory_space<vmem>>) semaphore(%arg23 : memref<!tpu.dma_semaphore, #tpu.memory_space<semaphore_mem>>)
        %dma_start3A_649 = arith.constant 1 : i32
        %dma_start3A_650 = arith.constant 0 : i32
        %dma_start3A_651 = tpu.memref_slice %arg7[%dma_start3A_649, %dma_start3A_650] : memref<2x80xi32, #tpu.memory_space<vmem>> -> memref<1x80xi32, #tpu.memory_space<vmem>>
        %dma_start3A_652 = tpu.memref_squeeze %dma_start3A_651 : memref<1x80xi32, #tpu.memory_space<vmem>> -> memref<80xi32, #tpu.memory_space<vmem>>
        %dma_start3A_653 = arith.constant 0 : i32
        %dma_start3A_654 = arith.constant 0 : i32
        %dma_start3A_655 = tpu.memref_slice %arg3[%dma_start3A_653, %dma_start3A_654] : memref<10000x16xf32, #tpu.memory_space<hbm>> -> memref<10000x16xf32, #tpu.memory_space<hbm>>
        tpu.enqueue_indirect_dma source(%dma_start3A_655 : memref<10000x16xf32, #tpu.memory_space<hbm>>) target(%arg16 : memref<80x16xf32, #tpu.memory_space<vmem>>) offsets(%dma_start3A_652 : memref<80xi32, #tpu.memory_space<vmem>>) semaphore(%arg23 : memref<!tpu.dma_semaphore, #tpu.memory_space<semaphore_mem>>)
      } else {
      }
      %dma_start3A_557 = arith.constant 0 : i32
      %dma_start3A_558 = arith.constant 0 : i32
      %dma_start3A_559 = tpu.memref_slice %arg19[%dma_start3A_557, %dma_start3A_558] : memref<10000x80xf32, #tpu.memory_space<vmem_shared>> -> memref<10000x80xf32, #tpu.memory_space<vmem_shared>>
      tpu.enqueue_indirect_dma source(%arg14 : memref<80x80xf32, #tpu.memory_space<vmem>>) target(%dma_start3A_559 : memref<10000x80xf32, #tpu.memory_space<vmem_shared>>) offsets(%arg11 : memref<80xi32, #tpu.memory_space<vmem>>) semaphore(%arg27 : memref<!tpu.dma_semaphore, #tpu.memory_space<semaphore_mem>>) {add = true}
      %add3A_560 = arith.constant 2 : i32
      %add3A_561 = arith.addi %add3A_425, %add3A_560 : i32
      %dma_wait3A_562 = arith.constant 0 : i32
      %dma_wait3A_563 = arith.constant 0 : i32
      %dma_wait3A_564 = tpu.memref_slice %arg9[%dma_wait3A_562, %dma_wait3A_563] : memref<2x80xi32, #tpu.memory_space<vmem>> -> memref<1x80xi32, #tpu.memory_space<vmem>>
      %dma_wait3A_565 = tpu.memref_squeeze %dma_wait3A_564 : memref<1x80xi32, #tpu.memory_space<vmem>> -> memref<80xi32, #tpu.memory_space<vmem>>
      %dma_wait3A_566 = arith.constant 0 : i32
      %dma_wait3A_567 = arith.constant 0 : i32
      %dma_wait3A_568 = tpu.memref_slice %arg2[%dma_wait3A_566, %dma_wait3A_567] : memref<10000x80xf32, #tpu.memory_space<hbm>> -> memref<10000x80xf32, #tpu.memory_space<hbm>>
      tpu.wait_indirect_dma semaphore(%arg25 : memref<!tpu.dma_semaphore, #tpu.memory_space<semaphore_mem>>) src(%dma_wait3A_568 : memref<10000x80xf32, #tpu.memory_space<hbm>>) dst(%arg15 : memref<80x80xf32, #tpu.memory_space<vmem>>)
      %dma_wait3A_569 = arith.constant 1 : i32
      %dma_wait3A_570 = arith.constant 0 : i32
      %dma_wait3A_571 = tpu.memref_slice %arg9[%dma_wait3A_569, %dma_wait3A_570] : memref<2x80xi32, #tpu.memory_space<vmem>> -> memref<1x80xi32, #tpu.memory_space<vmem>>
      %dma_wait3A_572 = tpu.memref_squeeze %dma_wait3A_571 : memref<1x80xi32, #tpu.memory_space<vmem>> -> memref<80xi32, #tpu.memory_space<vmem>>
      %dma_wait3A_573 = arith.constant 0 : i32
      %dma_wait3A_574 = arith.constant 0 : i32
      %dma_wait3A_575 = tpu.memref_slice %arg3[%dma_wait3A_573, %dma_wait3A_574] : memref<10000x16xf32, #tpu.memory_space<hbm>> -> memref<10000x16xf32, #tpu.memory_space<hbm>>
      tpu.wait_indirect_dma semaphore(%arg25 : memref<!tpu.dma_semaphore, #tpu.memory_space<semaphore_mem>>) src(%dma_wait3A_575 : memref<10000x16xf32, #tpu.memory_space<hbm>>) dst(%arg18 : memref<80x16xf32, #tpu.memory_space<vmem>>)
      %get3A_576 = arith.constant 1 : i32
      %get3A_577 = arith.index_cast %get3A_576 : i32 to index
      %get3A_578 = arith.constant 0 : index
      %get3A_579 = tpu.vector_load %arg9[%get3A_577, %get3A_578] {strides = array<i32>} : memref<2x80xi32, #tpu.memory_space<vmem>>, vector<16xi32>,
      %swap3A_580 = arith.constant 0 : index
      %swap3A_581 = tpu.vector_load %arg12[%swap3A_580] {strides = array<i32>} : memref<80xi32, #tpu.memory_space<vmem>>, vector<16xi32>,
      tpu.vector_store %arg12[%swap3A_580], %get3A_579 {strides = array<i32>} : memref<80xi32, #tpu.memory_space<vmem>>, vector<16xi32>,
      %get3A_582 = arith.constant 1 : i32
      %get3A_583 = arith.index_cast %get3A_582 : i32 to index
      %get3A_584 = arith.constant 16 : index
      %get3A_585 = tpu.vector_load %arg9[%get3A_583, %get3A_584] {strides = array<i32>} : memref<2x80xi32, #tpu.memory_space<vmem>>, vector<16xi32>,
      %swap3A_586 = arith.constant 16 : index
      %swap3A_587 = tpu.vector_load %arg12[%swap3A_586] {strides = array<i32>} : memref<80xi32, #tpu.memory_space<vmem>>, vector<16xi32>,
      tpu.vector_store %arg12[%swap3A_586], %get3A_585 {strides = array<i32>} : memref<80xi32, #tpu.memory_space<vmem>>, vector<16xi32>,
      %get3A_588 = arith.constant 1 : i32
      %get3A_589 = arith.index_cast %get3A_588 : i32 to index
      %get3A_590 = arith.constant 32 : index
      %get3A_591 = tpu.vector_load %arg9[%get3A_589, %get3A_590] {strides = array<i32>} : memref<2x80xi32, #tpu.memory_space<vmem>>, vector<16xi32>,
      %swap3A_592 = arith.constant 32 : index
      %swap3A_593 = tpu.vector_load %arg12[%swap3A_592] {strides = array<i32>} : memref<80xi32, #tpu.memory_space<vmem>>, vector<16xi32>,
      tpu.vector_store %arg12[%swap3A_592], %get3A_591 {strides = array<i32>} : memref<80xi32, #tpu.memory_space<vmem>>, vector<16xi32>,
      %get3A_594 = arith.constant 1 : i32
      %get3A_595 = arith.index_cast %get3A_594 : i32 to index
      %get3A_596 = arith.constant 48 : index
      %get3A_597 = tpu.vector_load %arg9[%get3A_595, %get3A_596] {strides = array<i32>} : memref<2x80xi32, #tpu.memory_space<vmem>>, vector<16xi32>,
      %swap3A_598 = arith.constant 48 : index
      %swap3A_599 = tpu.vector_load %arg12[%swap3A_598] {strides = array<i32>} : memref<80xi32, #tpu.memory_space<vmem>>, vector<16xi32>,
      tpu.vector_store %arg12[%swap3A_598], %get3A_597 {strides = array<i32>} : memref<80xi32, #tpu.memory_space<vmem>>, vector<16xi32>,
      %get3A_600 = arith.constant 1 : i32
      %get3A_601 = arith.index_cast %get3A_600 : i32 to index
      %get3A_602 = arith.constant 64 : index
      %get3A_603 = tpu.vector_load %arg9[%get3A_601, %get3A_602] {strides = array<i32>} : memref<2x80xi32, #tpu.memory_space<vmem>>, vector<16xi32>,
      %swap3A_604 = arith.constant 64 : index
      %swap3A_605 = tpu.vector_load %arg12[%swap3A_604] {strides = array<i32>} : memref<80xi32, #tpu.memory_space<vmem>>, vector<16xi32>,
      tpu.vector_store %arg12[%swap3A_604], %get3A_603 {strides = array<i32>} : memref<80xi32, #tpu.memory_space<vmem>>, vector<16xi32>,
      %add3A_606 = arith.constant 3 : i32
      %add3A_607 = arith.addi %add3A_561, %add3A_606 : i32
      %lt3A_608 = arith.constant 125 : i32
      %lt3A_609 = arith.cmpi slt, %add3A_607, %lt3A_608 : i32
      %convert_element_type3A_610 = arith.extui %lt3A_609 : i1 to i32
      %cond3A_611 = arith.constant 0 : i32
      %cond3A_612 = arith.cmpi ne, %convert_element_type3A_610, %cond3A_611 : i32
      scf.if %cond3A_612 {
        %add3A_629 = arith.constant 3 : i32
        %add3A_630 = arith.addi %add3A_561, %add3A_629 : i32
        %dma_start3A_631 = arith.constant 0 : i32
        %dma_start3A_632 = arith.constant 0 : i32
        %dma_start3A_633 = tpu.memref_slice %arg4[%add3A, %add3A_630, %dma_start3A_631, %dma_start3A_632] : memref<32x125x2x80xi32, #tpu.memory_space<hbm>> -> memref<1x1x2x80xi32, #tpu.memory_space<hbm>>
        %dma_start3A_634 = tpu.memref_squeeze %dma_start3A_633 : memref<1x1x2x80xi32, #tpu.memory_space<hbm>> -> memref<2x80xi32, #tpu.memory_space<hbm>>
        %dma_start3A_635 = arith.constant 0 : i32
        %dma_start3A_636 = arith.constant 0 : i32
        %dma_start3A_637 = tpu.memref_slice %arg4[%add3A, %add3A_630, %dma_start3A_635, %dma_start3A_636] : memref<32x125x2x80xi32, #tpu.memory_space<hbm>> -> memref<1x1x2x80xi32, #tpu.memory_space<hbm>>
        %dma_start3A_638 = tpu.memref_squeeze %dma_start3A_637 : memref<1x1x2x80xi32, #tpu.memory_space<hbm>> -> memref<2x80xi32, #tpu.memory_space<hbm>>
        tpu.enqueue_dma source(%dma_start3A_638 : memref<2x80xi32, #tpu.memory_space<hbm>>) target(%arg9 : memref<2x80xi32, #tpu.memory_space<vmem>>) target_semaphore(%arg22 : memref<!tpu.dma_semaphore, #tpu.memory_space<semaphore_mem>>)
      } else {
      }
      %scan3A_613 = arith.constant 0 : i32
      %scan3A_614 = arith.constant 0 : i32
      %scan3A_615 = arith.constant 80 : i32
      %scan3A_616 = arith.addi %scan3A_614, %scan3A_615 : i32
      %scan3A_617 = arith.constant 1 : i32
      scf.for %scan3A_629 = %scan3A_614 to %scan3A_616 step %scan3A_617  : i32 {
        %get3A_630 = arith.index_cast %scan3A_629 : i32 to index
        %get3A_631 = arith.constant 64 : index
        %get3A_632 = tpu.vector_load %arg15[%get3A_630, %get3A_631] {strides = array<i32>} : memref<80x80xf32, #tpu.memory_space<vmem>>, vector<16xf32>,
        %get3A_633 = arith.index_cast %scan3A_629 : i32 to index
        %get3A_634 = arith.constant 0 : index
        %get3A_635 = tpu.vector_load %arg18[%get3A_633, %get3A_634] {strides = array<i32>} : memref<80x16xf32, #tpu.memory_space<vmem>>, vector<16xf32>,
        %add3A_636 = arith.addf %get3A_632, %get3A_635 : vector<16xf32>
        %ge3A = arith.constant 0.000000e+00 : f32
        %ge3A_637 = vector.broadcast %ge3A : f32 to vector<16xf32>
        %ge3A_638 = arith.cmpf oge, %add3A_636, %ge3A_637 : vector<16xf32>
        %mul3A_639 = arith.constant 2.000000e-01 : f32
        %mul3A_640 = vector.broadcast %mul3A_639 : f32 to vector<16xf32>
        %mul3A_641 = arith.mulf %mul3A_640, %add3A_636 : vector<16xf32>
        %select_n3A = arith.select %ge3A_638, %add3A_636, %mul3A_641 : vector<16xi1>, vector<16xf32>
        %exp3A = math.exp %select_n3A : vector<16xf32>
        %jit3A = arith.constant 0.000000e+00 : f32
        %broadcast_in_dim3A = vector.broadcast %jit3A : f32 to vector<16xf32>
        %select_n3A_642 = arith.select %lt3A_4, %exp3A, %broadcast_in_dim3A : vector<16xi1>, vector<16xf32>
        %swap3A_643 = arith.index_cast %scan3A_629 : i32 to index
        %swap3A_644 = arith.constant 64 : index
        %swap3A_645 = tpu.vector_load %arg15[%swap3A_643, %swap3A_644] {strides = array<i32>} : memref<80x80xf32, #tpu.memory_space<vmem>>, vector<16xf32>,
        tpu.vector_store %arg15[%swap3A_643, %swap3A_644], %select_n3A_642 {strides = array<i32>} : memref<80x80xf32, #tpu.memory_space<vmem>>, vector<16xf32>,
        %slice3A = vector.extract_strided_slice %select_n3A_642 {offsets = [0], sizes = [1], strides = [1]} : vector<16xf32> to vector<1xf32>
        %squeeze3A = vector.extract %slice3A[0] : f32 from vector<1xf32>
        %get3A_646 = arith.index_cast %scan3A_629 : i32 to index
        %get3A_647 = arith.constant 0 : index
        %get3A_648 = tpu.vector_load %arg15[%get3A_646, %get3A_647] {strides = array<i32>} : memref<80x80xf32, #tpu.memory_space<vmem>>, vector<16xf32>,
        %mul3A_649 = vector.broadcast %squeeze3A : f32 to vector<16xf32>
        %mul3A_650 = arith.mulf %get3A_648, %mul3A_649 : vector<16xf32>
        %swap3A_651 = arith.index_cast %scan3A_629 : i32 to index
        %swap3A_652 = arith.constant 0 : index
        %swap3A_653 = tpu.vector_load %arg15[%swap3A_651, %swap3A_652] {strides = array<i32>} : memref<80x80xf32, #tpu.memory_space<vmem>>, vector<16xf32>,
        tpu.vector_store %arg15[%swap3A_651, %swap3A_652], %mul3A_650 {strides = array<i32>} : memref<80x80xf32, #tpu.memory_space<vmem>>, vector<16xf32>,
        %get3A_654 = arith.index_cast %scan3A_629 : i32 to index
        %get3A_655 = arith.constant 16 : index
        %get3A_656 = tpu.vector_load %arg15[%get3A_654, %get3A_655] {strides = array<i32>} : memref<80x80xf32, #tpu.memory_space<vmem>>, vector<16xf32>,
        %mul3A_657 = vector.broadcast %squeeze3A : f32 to vector<16xf32>
        %mul3A_658 = arith.mulf %get3A_656, %mul3A_657 : vector<16xf32>
        %swap3A_659 = arith.index_cast %scan3A_629 : i32 to index
        %swap3A_660 = arith.constant 16 : index
        %swap3A_661 = tpu.vector_load %arg15[%swap3A_659, %swap3A_660] {strides = array<i32>} : memref<80x80xf32, #tpu.memory_space<vmem>>, vector<16xf32>,
        tpu.vector_store %arg15[%swap3A_659, %swap3A_660], %mul3A_658 {strides = array<i32>} : memref<80x80xf32, #tpu.memory_space<vmem>>, vector<16xf32>,
        %get3A_662 = arith.index_cast %scan3A_629 : i32 to index
        %get3A_663 = arith.constant 32 : index
        %get3A_664 = tpu.vector_load %arg15[%get3A_662, %get3A_663] {strides = array<i32>} : memref<80x80xf32, #tpu.memory_space<vmem>>, vector<16xf32>,
        %mul3A_665 = vector.broadcast %squeeze3A : f32 to vector<16xf32>
        %mul3A_666 = arith.mulf %get3A_664, %mul3A_665 : vector<16xf32>
        %swap3A_667 = arith.index_cast %scan3A_629 : i32 to index
        %swap3A_668 = arith.constant 32 : index
        %swap3A_669 = tpu.vector_load %arg15[%swap3A_667, %swap3A_668] {strides = array<i32>} : memref<80x80xf32, #tpu.memory_space<vmem>>, vector<16xf32>,
        tpu.vector_store %arg15[%swap3A_667, %swap3A_668], %mul3A_666 {strides = array<i32>} : memref<80x80xf32, #tpu.memory_space<vmem>>, vector<16xf32>,
        %get3A_670 = arith.index_cast %scan3A_629 : i32 to index
        %get3A_671 = arith.constant 48 : index
        %get3A_672 = tpu.vector_load %arg15[%get3A_670, %get3A_671] {strides = array<i32>} : memref<80x80xf32, #tpu.memory_space<vmem>>, vector<16xf32>,
        %mul3A_673 = vector.broadcast %squeeze3A : f32 to vector<16xf32>
        %mul3A_674 = arith.mulf %get3A_672, %mul3A_673 : vector<16xf32>
        %swap3A_675 = arith.index_cast %scan3A_629 : i32 to index
        %swap3A_676 = arith.constant 48 : index
        %swap3A_677 = tpu.vector_load %arg15[%swap3A_675, %swap3A_676] {strides = array<i32>} : memref<80x80xf32, #tpu.memory_space<vmem>>, vector<16xf32>,
        tpu.vector_store %arg15[%swap3A_675, %swap3A_676], %mul3A_674 {strides = array<i32>} : memref<80x80xf32, #tpu.memory_space<vmem>>, vector<16xf32>,
      }
      %scan3A_618 = arith.constant 80 : i32
      %add3A_619 = arith.constant 2 : i32
      %add3A_620 = arith.addi %add3A_561, %add3A_619 : i32
      %lt3A_621 = arith.constant 125 : i32
      %lt3A_622 = arith.cmpi slt, %add3A_620, %lt3A_621 : i32
      %convert_element_type3A_623 = arith.extui %lt3A_622 : i1 to i32
      %cond3A_624 = arith.constant 0 : i32
      %cond3A_625 = arith.cmpi ne, %convert_element_type3A_623, %cond3A_624 : i32
      scf.if %cond3A_625 {
        %dma_wait3A_629 = arith.constant 0 : i32
        %dma_wait3A_630 = arith.constant 0 : i32
        %dma_wait3A_631 = tpu.memref_slice %arg19[%dma_wait3A_629, %dma_wait3A_630] : memref<10000x80xf32, #tpu.memory_space<vmem_shared>> -> memref<10000x80xf32, #tpu.memory_space<vmem_shared>>
        tpu.wait_indirect_dma semaphore(%arg27 : memref<!tpu.dma_semaphore, #tpu.memory_space<semaphore_mem>>) src(%arg14 : memref<80x80xf32, #tpu.memory_space<vmem>>) dst(%dma_wait3A_631 : memref<10000x80xf32, #tpu.memory_space<vmem_shared>>)
        %add3A_632 = arith.constant 2 : i32
        %add3A_633 = arith.addi %add3A_561, %add3A_632 : i32
        %dma_wait3A_634 = arith.constant 0 : i32
        %dma_wait3A_635 = arith.constant 0 : i32
        %dma_wait3A_636 = tpu.memref_slice %arg4[%add3A, %add3A_633, %dma_wait3A_634, %dma_wait3A_635] : memref<32x125x2x80xi32, #tpu.memory_space<hbm>> -> memref<1x1x2x80xi32, #tpu.memory_space<hbm>>
        %dma_wait3A_637 = tpu.memref_squeeze %dma_wait3A_636 : memref<1x1x2x80xi32, #tpu.memory_space<hbm>> -> memref<2x80xi32, #tpu.memory_space<hbm>>
        %dma_wait3A_638 = arith.constant 0 : i32
        %dma_wait3A_639 = arith.constant 0 : i32
        %dma_wait3A_640 = tpu.memref_slice %arg4[%add3A, %add3A_633, %dma_wait3A_638, %dma_wait3A_639] : memref<32x125x2x80xi32, #tpu.memory_space<hbm>> -> memref<1x1x2x80xi32, #tpu.memory_space<hbm>>
        %dma_wait3A_641 = tpu.memref_squeeze %dma_wait3A_640 : memref<1x1x2x80xi32, #tpu.memory_space<hbm>> -> memref<2x80xi32, #tpu.memory_space<hbm>>
        tpu.wait_dma2 semaphore(%arg21 : memref<!tpu.dma_semaphore, #tpu.memory_space<semaphore_mem>>) src(%dma_wait3A_641 : memref<2x80xi32, #tpu.memory_space<hbm>>) dst(%arg8 : memref<2x80xi32, #tpu.memory_space<vmem>>)
        %dma_start3A_642 = arith.constant 0 : i32
        %dma_start3A_643 = arith.constant 0 : i32
        %dma_start3A_644 = tpu.memref_slice %arg8[%dma_start3A_642, %dma_start3A_643] : memref<2x80xi32, #tpu.memory_space<vmem>> -> memref<1x80xi32, #tpu.memory_space<vmem>>
        %dma_start3A_645 = tpu.memref_squeeze %dma_start3A_644 : memref<1x80xi32, #tpu.memory_space<vmem>> -> memref<80xi32, #tpu.memory_space<vmem>>
        %dma_start3A_646 = arith.constant 0 : i32
        %dma_start3A_647 = arith.constant 0 : i32
        %dma_start3A_648 = tpu.memref_slice %arg2[%dma_start3A_646, %dma_start3A_647] : memref<10000x80xf32, #tpu.memory_space<hbm>> -> memref<10000x80xf32, #tpu.memory_space<hbm>>
        tpu.enqueue_indirect_dma source(%dma_start3A_648 : memref<10000x80xf32, #tpu.memory_space<hbm>>) target(%arg14 : memref<80x80xf32, #tpu.memory_space<vmem>>) offsets(%dma_start3A_645 : memref<80xi32, #tpu.memory_space<vmem>>) semaphore(%arg24 : memref<!tpu.dma_semaphore, #tpu.memory_space<semaphore_mem>>)
        %dma_start3A_649 = arith.constant 1 : i32
        %dma_start3A_650 = arith.constant 0 : i32
        %dma_start3A_651 = tpu.memref_slice %arg8[%dma_start3A_649, %dma_start3A_650] : memref<2x80xi32, #tpu.memory_space<vmem>> -> memref<1x80xi32, #tpu.memory_space<vmem>>
        %dma_start3A_652 = tpu.memref_squeeze %dma_start3A_651 : memref<1x80xi32, #tpu.memory_space<vmem>> -> memref<80xi32, #tpu.memory_space<vmem>>
        %dma_start3A_653 = arith.constant 0 : i32
        %dma_start3A_654 = arith.constant 0 : i32
        %dma_start3A_655 = tpu.memref_slice %arg3[%dma_start3A_653, %dma_start3A_654] : memref<10000x16xf32, #tpu.memory_space<hbm>> -> memref<10000x16xf32, #tpu.memory_space<hbm>>
        tpu.enqueue_indirect_dma source(%dma_start3A_655 : memref<10000x16xf32, #tpu.memory_space<hbm>>) target(%arg17 : memref<80x16xf32, #tpu.memory_space<vmem>>) offsets(%dma_start3A_652 : memref<80xi32, #tpu.memory_space<vmem>>) semaphore(%arg24 : memref<!tpu.dma_semaphore, #tpu.memory_space<semaphore_mem>>)
      } else {
      }
      %dma_start3A_626 = arith.constant 0 : i32
      %dma_start3A_627 = arith.constant 0 : i32
      %dma_start3A_628 = tpu.memref_slice %arg19[%dma_start3A_626, %dma_start3A_627] : memref<10000x80xf32, #tpu.memory_space<vmem_shared>> -> memref<10000x80xf32, #tpu.memory_space<vmem_shared>>
      tpu.enqueue_indirect_dma source(%arg15 : memref<80x80xf32, #tpu.memory_space<vmem>>) target(%dma_start3A_628 : memref<10000x80xf32, #tpu.memory_space<vmem_shared>>) offsets(%arg12 : memref<80xi32, #tpu.memory_space<vmem>>) semaphore(%arg28 : memref<!tpu.dma_semaphore, #tpu.memory_space<semaphore_mem>>) {add = true}
    }
    %scan3A_304 = arith.constant 40 : i32
    %dma_wait3A_305 = arith.constant 0 : i32
    %dma_wait3A_306 = arith.constant 0 : i32
    %dma_wait3A_307 = tpu.memref_slice %arg7[%dma_wait3A_305, %dma_wait3A_306] : memref<2x80xi32, #tpu.memory_space<vmem>> -> memref<1x80xi32, #tpu.memory_space<vmem>>
    %dma_wait3A_308 = tpu.memref_squeeze %dma_wait3A_307 : memref<1x80xi32, #tpu.memory_space<vmem>> -> memref<80xi32, #tpu.memory_space<vmem>>
    %dma_wait3A_309 = arith.constant 0 : i32
    %dma_wait3A_310 = arith.constant 0 : i32
    %dma_wait3A_311 = tpu.memref_slice %arg2[%dma_wait3A_309, %dma_wait3A_310] : memref<10000x80xf32, #tpu.memory_space<hbm>> -> memref<10000x80xf32, #tpu.memory_space<hbm>>
    tpu.wait_indirect_dma semaphore(%arg23 : memref<!tpu.dma_semaphore, #tpu.memory_space<semaphore_mem>>) src(%dma_wait3A_311 : memref<10000x80xf32, #tpu.memory_space<hbm>>) dst(%arg13 : memref<80x80xf32, #tpu.memory_space<vmem>>)
    %dma_wait3A_312 = arith.constant 1 : i32
    %dma_wait3A_313 = arith.constant 0 : i32
    %dma_wait3A_314 = tpu.memref_slice %arg7[%dma_wait3A_312, %dma_wait3A_313] : memref<2x80xi32, #tpu.memory_space<vmem>> -> memref<1x80xi32, #tpu.memory_space<vmem>>
    %dma_wait3A_315 = tpu.memref_squeeze %dma_wait3A_314 : memref<1x80xi32, #tpu.memory_space<vmem>> -> memref<80xi32, #tpu.memory_space<vmem>>
    %dma_wait3A_316 = arith.constant 0 : i32
    %dma_wait3A_317 = arith.constant 0 : i32
    %dma_wait3A_318 = tpu.memref_slice %arg3[%dma_wait3A_316, %dma_wait3A_317] : memref<10000x16xf32, #tpu.memory_space<hbm>> -> memref<10000x16xf32, #tpu.memory_space<hbm>>
    tpu.wait_indirect_dma semaphore(%arg23 : memref<!tpu.dma_semaphore, #tpu.memory_space<semaphore_mem>>) src(%dma_wait3A_318 : memref<10000x16xf32, #tpu.memory_space<hbm>>) dst(%arg16 : memref<80x16xf32, #tpu.memory_space<vmem>>)
    %get3A_319 = arith.constant 1 : i32
    %get3A_320 = arith.index_cast %get3A_319 : i32 to index
    %get3A_321 = arith.constant 0 : index
    %get3A_322 = tpu.vector_load %arg7[%get3A_320, %get3A_321] {strides = array<i32>} : memref<2x80xi32, #tpu.memory_space<vmem>>, vector<16xi32>,
    %swap3A_323 = arith.constant 0 : index
    %swap3A_324 = tpu.vector_load %arg10[%swap3A_323] {strides = array<i32>} : memref<80xi32, #tpu.memory_space<vmem>>, vector<16xi32>,
    tpu.vector_store %arg10[%swap3A_323], %get3A_322 {strides = array<i32>} : memref<80xi32, #tpu.memory_space<vmem>>, vector<16xi32>,
    %get3A_325 = arith.constant 1 : i32
    %get3A_326 = arith.index_cast %get3A_325 : i32 to index
    %get3A_327 = arith.constant 16 : index
    %get3A_328 = tpu.vector_load %arg7[%get3A_326, %get3A_327] {strides = array<i32>} : memref<2x80xi32, #tpu.memory_space<vmem>>, vector<16xi32>,
    %swap3A_329 = arith.constant 16 : index
    %swap3A_330 = tpu.vector_load %arg10[%swap3A_329] {strides = array<i32>} : memref<80xi32, #tpu.memory_space<vmem>>, vector<16xi32>,
    tpu.vector_store %arg10[%swap3A_329], %get3A_328 {strides = array<i32>} : memref<80xi32, #tpu.memory_space<vmem>>, vector<16xi32>,
    %get3A_331 = arith.constant 1 : i32
    %get3A_332 = arith.index_cast %get3A_331 : i32 to index
    %get3A_333 = arith.constant 32 : index
    %get3A_334 = tpu.vector_load %arg7[%get3A_332, %get3A_333] {strides = array<i32>} : memref<2x80xi32, #tpu.memory_space<vmem>>, vector<16xi32>,
    %swap3A_335 = arith.constant 32 : index
    %swap3A_336 = tpu.vector_load %arg10[%swap3A_335] {strides = array<i32>} : memref<80xi32, #tpu.memory_space<vmem>>, vector<16xi32>,
    tpu.vector_store %arg10[%swap3A_335], %get3A_334 {strides = array<i32>} : memref<80xi32, #tpu.memory_space<vmem>>, vector<16xi32>,
    %get3A_337 = arith.constant 1 : i32
    %get3A_338 = arith.index_cast %get3A_337 : i32 to index
    %get3A_339 = arith.constant 48 : index
    %get3A_340 = tpu.vector_load %arg7[%get3A_338, %get3A_339] {strides = array<i32>} : memref<2x80xi32, #tpu.memory_space<vmem>>, vector<16xi32>,
    %swap3A_341 = arith.constant 48 : index
    %swap3A_342 = tpu.vector_load %arg10[%swap3A_341] {strides = array<i32>} : memref<80xi32, #tpu.memory_space<vmem>>, vector<16xi32>,
    tpu.vector_store %arg10[%swap3A_341], %get3A_340 {strides = array<i32>} : memref<80xi32, #tpu.memory_space<vmem>>, vector<16xi32>,
    %get3A_343 = arith.constant 1 : i32
    %get3A_344 = arith.index_cast %get3A_343 : i32 to index
    %get3A_345 = arith.constant 64 : index
    %get3A_346 = tpu.vector_load %arg7[%get3A_344, %get3A_345] {strides = array<i32>} : memref<2x80xi32, #tpu.memory_space<vmem>>, vector<16xi32>,
    %swap3A_347 = arith.constant 64 : index
    %swap3A_348 = tpu.vector_load %arg10[%swap3A_347] {strides = array<i32>} : memref<80xi32, #tpu.memory_space<vmem>>, vector<16xi32>,
    tpu.vector_store %arg10[%swap3A_347], %get3A_346 {strides = array<i32>} : memref<80xi32, #tpu.memory_space<vmem>>, vector<16xi32>,
    %scan3A_349 = arith.constant 0 : i32
    %scan3A_350 = arith.constant 0 : i32
    %scan3A_351 = arith.constant 80 : i32
    %scan3A_352 = arith.addi %scan3A_350, %scan3A_351 : i32
    %scan3A_353 = arith.constant 1 : i32
    scf.for %scan3A_421 = %scan3A_350 to %scan3A_352 step %scan3A_353  : i32 {
      %get3A_422 = arith.index_cast %scan3A_421 : i32 to index
      %get3A_423 = arith.constant 64 : index
      %get3A_424 = tpu.vector_load %arg13[%get3A_422, %get3A_423] {strides = array<i32>} : memref<80x80xf32, #tpu.memory_space<vmem>>, vector<16xf32>,
      %get3A_425 = arith.index_cast %scan3A_421 : i32 to index
      %get3A_426 = arith.constant 0 : index
      %get3A_427 = tpu.vector_load %arg16[%get3A_425, %get3A_426] {strides = array<i32>} : memref<80x16xf32, #tpu.memory_space<vmem>>, vector<16xf32>,
      %add3A_428 = arith.addf %get3A_424, %get3A_427 : vector<16xf32>
      %ge3A = arith.constant 0.000000e+00 : f32
      %ge3A_429 = vector.broadcast %ge3A : f32 to vector<16xf32>
      %ge3A_430 = arith.cmpf oge, %add3A_428, %ge3A_429 : vector<16xf32>
      %mul3A_431 = arith.constant 2.000000e-01 : f32
      %mul3A_432 = vector.broadcast %mul3A_431 : f32 to vector<16xf32>
      %mul3A_433 = arith.mulf %mul3A_432, %add3A_428 : vector<16xf32>
      %select_n3A = arith.select %ge3A_430, %add3A_428, %mul3A_433 : vector<16xi1>, vector<16xf32>
      %exp3A = math.exp %select_n3A : vector<16xf32>
      %jit3A = arith.constant 0.000000e+00 : f32
      %broadcast_in_dim3A = vector.broadcast %jit3A : f32 to vector<16xf32>
      %select_n3A_434 = arith.select %lt3A_4, %exp3A, %broadcast_in_dim3A : vector<16xi1>, vector<16xf32>
      %swap3A_435 = arith.index_cast %scan3A_421 : i32 to index
      %swap3A_436 = arith.constant 64 : index
      %swap3A_437 = tpu.vector_load %arg13[%swap3A_435, %swap3A_436] {strides = array<i32>} : memref<80x80xf32, #tpu.memory_space<vmem>>, vector<16xf32>,
      tpu.vector_store %arg13[%swap3A_435, %swap3A_436], %select_n3A_434 {strides = array<i32>} : memref<80x80xf32, #tpu.memory_space<vmem>>, vector<16xf32>,
      %slice3A = vector.extract_strided_slice %select_n3A_434 {offsets = [0], sizes = [1], strides = [1]} : vector<16xf32> to vector<1xf32>
      %squeeze3A = vector.extract %slice3A[0] : f32 from vector<1xf32>
      %get3A_438 = arith.index_cast %scan3A_421 : i32 to index
      %get3A_439 = arith.constant 0 : index
      %get3A_440 = tpu.vector_load %arg13[%get3A_438, %get3A_439] {strides = array<i32>} : memref<80x80xf32, #tpu.memory_space<vmem>>, vector<16xf32>,
      %mul3A_441 = vector.broadcast %squeeze3A : f32 to vector<16xf32>
      %mul3A_442 = arith.mulf %get3A_440, %mul3A_441 : vector<16xf32>
      %swap3A_443 = arith.index_cast %scan3A_421 : i32 to index
      %swap3A_444 = arith.constant 0 : index
      %swap3A_445 = tpu.vector_load %arg13[%swap3A_443, %swap3A_444] {strides = array<i32>} : memref<80x80xf32, #tpu.memory_space<vmem>>, vector<16xf32>,
      tpu.vector_store %arg13[%swap3A_443, %swap3A_444], %mul3A_442 {strides = array<i32>} : memref<80x80xf32, #tpu.memory_space<vmem>>, vector<16xf32>,
      %get3A_446 = arith.index_cast %scan3A_421 : i32 to index
      %get3A_447 = arith.constant 16 : index
      %get3A_448 = tpu.vector_load %arg13[%get3A_446, %get3A_447] {strides = array<i32>} : memref<80x80xf32, #tpu.memory_space<vmem>>, vector<16xf32>,
      %mul3A_449 = vector.broadcast %squeeze3A : f32 to vector<16xf32>
      %mul3A_450 = arith.mulf %get3A_448, %mul3A_449 : vector<16xf32>
      %swap3A_451 = arith.index_cast %scan3A_421 : i32 to index
      %swap3A_452 = arith.constant 16 : index
      %swap3A_453 = tpu.vector_load %arg13[%swap3A_451, %swap3A_452] {strides = array<i32>} : memref<80x80xf32, #tpu.memory_space<vmem>>, vector<16xf32>,
      tpu.vector_store %arg13[%swap3A_451, %swap3A_452], %mul3A_450 {strides = array<i32>} : memref<80x80xf32, #tpu.memory_space<vmem>>, vector<16xf32>,
      %get3A_454 = arith.index_cast %scan3A_421 : i32 to index
      %get3A_455 = arith.constant 32 : index
      %get3A_456 = tpu.vector_load %arg13[%get3A_454, %get3A_455] {strides = array<i32>} : memref<80x80xf32, #tpu.memory_space<vmem>>, vector<16xf32>,
      %mul3A_457 = vector.broadcast %squeeze3A : f32 to vector<16xf32>
      %mul3A_458 = arith.mulf %get3A_456, %mul3A_457 : vector<16xf32>
      %swap3A_459 = arith.index_cast %scan3A_421 : i32 to index
      %swap3A_460 = arith.constant 32 : index
      %swap3A_461 = tpu.vector_load %arg13[%swap3A_459, %swap3A_460] {strides = array<i32>} : memref<80x80xf32, #tpu.memory_space<vmem>>, vector<16xf32>,
      tpu.vector_store %arg13[%swap3A_459, %swap3A_460], %mul3A_458 {strides = array<i32>} : memref<80x80xf32, #tpu.memory_space<vmem>>, vector<16xf32>,
      %get3A_462 = arith.index_cast %scan3A_421 : i32 to index
      %get3A_463 = arith.constant 48 : index
      %get3A_464 = tpu.vector_load %arg13[%get3A_462, %get3A_463] {strides = array<i32>} : memref<80x80xf32, #tpu.memory_space<vmem>>, vector<16xf32>,
      %mul3A_465 = vector.broadcast %squeeze3A : f32 to vector<16xf32>
      %mul3A_466 = arith.mulf %get3A_464, %mul3A_465 : vector<16xf32>
      %swap3A_467 = arith.index_cast %scan3A_421 : i32 to index
      %swap3A_468 = arith.constant 48 : index
      %swap3A_469 = tpu.vector_load %arg13[%swap3A_467, %swap3A_468] {strides = array<i32>} : memref<80x80xf32, #tpu.memory_space<vmem>>, vector<16xf32>,
      tpu.vector_store %arg13[%swap3A_467, %swap3A_468], %mul3A_466 {strides = array<i32>} : memref<80x80xf32, #tpu.memory_space<vmem>>, vector<16xf32>,
    }
    %scan3A_354 = arith.constant 80 : i32
    %dma_start3A_355 = arith.constant 0 : i32
    %dma_start3A_356 = arith.constant 0 : i32
    %dma_start3A_357 = tpu.memref_slice %arg19[%dma_start3A_355, %dma_start3A_356] : memref<10000x80xf32, #tpu.memory_space<vmem_shared>> -> memref<10000x80xf32, #tpu.memory_space<vmem_shared>>
    tpu.enqueue_indirect_dma source(%arg13 : memref<80x80xf32, #tpu.memory_space<vmem>>) target(%dma_start3A_357 : memref<10000x80xf32, #tpu.memory_space<vmem_shared>>) offsets(%arg10 : memref<80xi32, #tpu.memory_space<vmem>>) semaphore(%arg26 : memref<!tpu.dma_semaphore, #tpu.memory_space<semaphore_mem>>) {add = true}
    %dma_wait3A_358 = arith.constant 0 : i32
    %dma_wait3A_359 = arith.constant 0 : i32
    %dma_wait3A_360 = tpu.memref_slice %arg8[%dma_wait3A_358, %dma_wait3A_359] : memref<2x80xi32, #tpu.memory_space<vmem>> -> memref<1x80xi32, #tpu.memory_space<vmem>>
    %dma_wait3A_361 = tpu.memref_squeeze %dma_wait3A_360 : memref<1x80xi32, #tpu.memory_space<vmem>> -> memref<80xi32, #tpu.memory_space<vmem>>
    %dma_wait3A_362 = arith.constant 0 : i32
    %dma_wait3A_363 = arith.constant 0 : i32
    %dma_wait3A_364 = tpu.memref_slice %arg2[%dma_wait3A_362, %dma_wait3A_363] : memref<10000x80xf32, #tpu.memory_space<hbm>> -> memref<10000x80xf32, #tpu.memory_space<hbm>>
    tpu.wait_indirect_dma semaphore(%arg24 : memref<!tpu.dma_semaphore, #tpu.memory_space<semaphore_mem>>) src(%dma_wait3A_364 : memref<10000x80xf32, #tpu.memory_space<hbm>>) dst(%arg14 : memref<80x80xf32, #tpu.memory_space<vmem>>)
    %dma_wait3A_365 = arith.constant 1 : i32
    %dma_wait3A_366 = arith.constant 0 : i32
    %dma_wait3A_367 = tpu.memref_slice %arg8[%dma_wait3A_365, %dma_wait3A_366] : memref<2x80xi32, #tpu.memory_space<vmem>> -> memref<1x80xi32, #tpu.memory_space<vmem>>
    %dma_wait3A_368 = tpu.memref_squeeze %dma_wait3A_367 : memref<1x80xi32, #tpu.memory_space<vmem>> -> memref<80xi32, #tpu.memory_space<vmem>>
    %dma_wait3A_369 = arith.constant 0 : i32
    %dma_wait3A_370 = arith.constant 0 : i32
    %dma_wait3A_371 = tpu.memref_slice %arg3[%dma_wait3A_369, %dma_wait3A_370] : memref<10000x16xf32, #tpu.memory_space<hbm>> -> memref<10000x16xf32, #tpu.memory_space<hbm>>
    tpu.wait_indirect_dma semaphore(%arg24 : memref<!tpu.dma_semaphore, #tpu.memory_space<semaphore_mem>>) src(%dma_wait3A_371 : memref<10000x16xf32, #tpu.memory_space<hbm>>) dst(%arg17 : memref<80x16xf32, #tpu.memory_space<vmem>>)
    %get3A_372 = arith.constant 1 : i32
    %get3A_373 = arith.index_cast %get3A_372 : i32 to index
    %get3A_374 = arith.constant 0 : index
    %get3A_375 = tpu.vector_load %arg8[%get3A_373, %get3A_374] {strides = array<i32>} : memref<2x80xi32, #tpu.memory_space<vmem>>, vector<16xi32>,
    %swap3A_376 = arith.constant 0 : index
    %swap3A_377 = tpu.vector_load %arg11[%swap3A_376] {strides = array<i32>} : memref<80xi32, #tpu.memory_space<vmem>>, vector<16xi32>,
    tpu.vector_store %arg11[%swap3A_376], %get3A_375 {strides = array<i32>} : memref<80xi32, #tpu.memory_space<vmem>>, vector<16xi32>,
    %get3A_378 = arith.constant 1 : i32
    %get3A_379 = arith.index_cast %get3A_378 : i32 to index
    %get3A_380 = arith.constant 16 : index
    %get3A_381 = tpu.vector_load %arg8[%get3A_379, %get3A_380] {strides = array<i32>} : memref<2x80xi32, #tpu.memory_space<vmem>>, vector<16xi32>,
    %swap3A_382 = arith.constant 16 : index
    %swap3A_383 = tpu.vector_load %arg11[%swap3A_382] {strides = array<i32>} : memref<80xi32, #tpu.memory_space<vmem>>, vector<16xi32>,
    tpu.vector_store %arg11[%swap3A_382], %get3A_381 {strides = array<i32>} : memref<80xi32, #tpu.memory_space<vmem>>, vector<16xi32>,
    %get3A_384 = arith.constant 1 : i32
    %get3A_385 = arith.index_cast %get3A_384 : i32 to index
    %get3A_386 = arith.constant 32 : index
    %get3A_387 = tpu.vector_load %arg8[%get3A_385, %get3A_386] {strides = array<i32>} : memref<2x80xi32, #tpu.memory_space<vmem>>, vector<16xi32>,
    %swap3A_388 = arith.constant 32 : index
    %swap3A_389 = tpu.vector_load %arg11[%swap3A_388] {strides = array<i32>} : memref<80xi32, #tpu.memory_space<vmem>>, vector<16xi32>,
    tpu.vector_store %arg11[%swap3A_388], %get3A_387 {strides = array<i32>} : memref<80xi32, #tpu.memory_space<vmem>>, vector<16xi32>,
    %get3A_390 = arith.constant 1 : i32
    %get3A_391 = arith.index_cast %get3A_390 : i32 to index
    %get3A_392 = arith.constant 48 : index
    %get3A_393 = tpu.vector_load %arg8[%get3A_391, %get3A_392] {strides = array<i32>} : memref<2x80xi32, #tpu.memory_space<vmem>>, vector<16xi32>,
    %swap3A_394 = arith.constant 48 : index
    %swap3A_395 = tpu.vector_load %arg11[%swap3A_394] {strides = array<i32>} : memref<80xi32, #tpu.memory_space<vmem>>, vector<16xi32>,
    tpu.vector_store %arg11[%swap3A_394], %get3A_393 {strides = array<i32>} : memref<80xi32, #tpu.memory_space<vmem>>, vector<16xi32>,
    %get3A_396 = arith.constant 1 : i32
    %get3A_397 = arith.index_cast %get3A_396 : i32 to index
    %get3A_398 = arith.constant 64 : index
    %get3A_399 = tpu.vector_load %arg8[%get3A_397, %get3A_398] {strides = array<i32>} : memref<2x80xi32, #tpu.memory_space<vmem>>, vector<16xi32>,
    %swap3A_400 = arith.constant 64 : index
    %swap3A_401 = tpu.vector_load %arg11[%swap3A_400] {strides = array<i32>} : memref<80xi32, #tpu.memory_space<vmem>>, vector<16xi32>,
    tpu.vector_store %arg11[%swap3A_400], %get3A_399 {strides = array<i32>} : memref<80xi32, #tpu.memory_space<vmem>>, vector<16xi32>,
    %scan3A_402 = arith.constant 0 : i32
    %scan3A_403 = arith.constant 0 : i32
    %scan3A_404 = arith.constant 80 : i32
    %scan3A_405 = arith.addi %scan3A_403, %scan3A_404 : i32
    %scan3A_406 = arith.constant 1 : i32
    scf.for %scan3A_421 = %scan3A_403 to %scan3A_405 step %scan3A_406  : i32 {
      %get3A_422 = arith.index_cast %scan3A_421 : i32 to index
      %get3A_423 = arith.constant 64 : index
      %get3A_424 = tpu.vector_load %arg14[%get3A_422, %get3A_423] {strides = array<i32>} : memref<80x80xf32, #tpu.memory_space<vmem>>, vector<16xf32>,
      %get3A_425 = arith.index_cast %scan3A_421 : i32 to index
      %get3A_426 = arith.constant 0 : index
      %get3A_427 = tpu.vector_load %arg17[%get3A_425, %get3A_426] {strides = array<i32>} : memref<80x16xf32, #tpu.memory_space<vmem>>, vector<16xf32>,
      %add3A_428 = arith.addf %get3A_424, %get3A_427 : vector<16xf32>
      %ge3A = arith.constant 0.000000e+00 : f32
      %ge3A_429 = vector.broadcast %ge3A : f32 to vector<16xf32>
      %ge3A_430 = arith.cmpf oge, %add3A_428, %ge3A_429 : vector<16xf32>
      %mul3A_431 = arith.constant 2.000000e-01 : f32
      %mul3A_432 = vector.broadcast %mul3A_431 : f32 to vector<16xf32>
      %mul3A_433 = arith.mulf %mul3A_432, %add3A_428 : vector<16xf32>
      %select_n3A = arith.select %ge3A_430, %add3A_428, %mul3A_433 : vector<16xi1>, vector<16xf32>
      %exp3A = math.exp %select_n3A : vector<16xf32>
      %jit3A = arith.constant 0.000000e+00 : f32
      %broadcast_in_dim3A = vector.broadcast %jit3A : f32 to vector<16xf32>
      %select_n3A_434 = arith.select %lt3A_4, %exp3A, %broadcast_in_dim3A : vector<16xi1>, vector<16xf32>
      %swap3A_435 = arith.index_cast %scan3A_421 : i32 to index
      %swap3A_436 = arith.constant 64 : index
      %swap3A_437 = tpu.vector_load %arg14[%swap3A_435, %swap3A_436] {strides = array<i32>} : memref<80x80xf32, #tpu.memory_space<vmem>>, vector<16xf32>,
      tpu.vector_store %arg14[%swap3A_435, %swap3A_436], %select_n3A_434 {strides = array<i32>} : memref<80x80xf32, #tpu.memory_space<vmem>>, vector<16xf32>,
      %slice3A = vector.extract_strided_slice %select_n3A_434 {offsets = [0], sizes = [1], strides = [1]} : vector<16xf32> to vector<1xf32>
      %squeeze3A = vector.extract %slice3A[0] : f32 from vector<1xf32>
      %get3A_438 = arith.index_cast %scan3A_421 : i32 to index
      %get3A_439 = arith.constant 0 : index
      %get3A_440 = tpu.vector_load %arg14[%get3A_438, %get3A_439] {strides = array<i32>} : memref<80x80xf32, #tpu.memory_space<vmem>>, vector<16xf32>,
      %mul3A_441 = vector.broadcast %squeeze3A : f32 to vector<16xf32>
      %mul3A_442 = arith.mulf %get3A_440, %mul3A_441 : vector<16xf32>
      %swap3A_443 = arith.index_cast %scan3A_421 : i32 to index
      %swap3A_444 = arith.constant 0 : index
      %swap3A_445 = tpu.vector_load %arg14[%swap3A_443, %swap3A_444] {strides = array<i32>} : memref<80x80xf32, #tpu.memory_space<vmem>>, vector<16xf32>,
      tpu.vector_store %arg14[%swap3A_443, %swap3A_444], %mul3A_442 {strides = array<i32>} : memref<80x80xf32, #tpu.memory_space<vmem>>, vector<16xf32>,
      %get3A_446 = arith.index_cast %scan3A_421 : i32 to index
      %get3A_447 = arith.constant 16 : index
      %get3A_448 = tpu.vector_load %arg14[%get3A_446, %get3A_447] {strides = array<i32>} : memref<80x80xf32, #tpu.memory_space<vmem>>, vector<16xf32>,
      %mul3A_449 = vector.broadcast %squeeze3A : f32 to vector<16xf32>
      %mul3A_450 = arith.mulf %get3A_448, %mul3A_449 : vector<16xf32>
      %swap3A_451 = arith.index_cast %scan3A_421 : i32 to index
      %swap3A_452 = arith.constant 16 : index
      %swap3A_453 = tpu.vector_load %arg14[%swap3A_451, %swap3A_452] {strides = array<i32>} : memref<80x80xf32, #tpu.memory_space<vmem>>, vector<16xf32>,
      tpu.vector_store %arg14[%swap3A_451, %swap3A_452], %mul3A_450 {strides = array<i32>} : memref<80x80xf32, #tpu.memory_space<vmem>>, vector<16xf32>,
      %get3A_454 = arith.index_cast %scan3A_421 : i32 to index
      %get3A_455 = arith.constant 32 : index
      %get3A_456 = tpu.vector_load %arg14[%get3A_454, %get3A_455] {strides = array<i32>} : memref<80x80xf32, #tpu.memory_space<vmem>>, vector<16xf32>,
      %mul3A_457 = vector.broadcast %squeeze3A : f32 to vector<16xf32>
      %mul3A_458 = arith.mulf %get3A_456, %mul3A_457 : vector<16xf32>
      %swap3A_459 = arith.index_cast %scan3A_421 : i32 to index
      %swap3A_460 = arith.constant 32 : index
      %swap3A_461 = tpu.vector_load %arg14[%swap3A_459, %swap3A_460] {strides = array<i32>} : memref<80x80xf32, #tpu.memory_space<vmem>>, vector<16xf32>,
      tpu.vector_store %arg14[%swap3A_459, %swap3A_460], %mul3A_458 {strides = array<i32>} : memref<80x80xf32, #tpu.memory_space<vmem>>, vector<16xf32>,
      %get3A_462 = arith.index_cast %scan3A_421 : i32 to index
      %get3A_463 = arith.constant 48 : index
      %get3A_464 = tpu.vector_load %arg14[%get3A_462, %get3A_463] {strides = array<i32>} : memref<80x80xf32, #tpu.memory_space<vmem>>, vector<16xf32>,
      %mul3A_465 = vector.broadcast %squeeze3A : f32 to vector<16xf32>
      %mul3A_466 = arith.mulf %get3A_464, %mul3A_465 : vector<16xf32>
      %swap3A_467 = arith.index_cast %scan3A_421 : i32 to index
      %swap3A_468 = arith.constant 48 : index
      %swap3A_469 = tpu.vector_load %arg14[%swap3A_467, %swap3A_468] {strides = array<i32>} : memref<80x80xf32, #tpu.memory_space<vmem>>, vector<16xf32>,
      tpu.vector_store %arg14[%swap3A_467, %swap3A_468], %mul3A_466 {strides = array<i32>} : memref<80x80xf32, #tpu.memory_space<vmem>>, vector<16xf32>,
    }
    %scan3A_407 = arith.constant 80 : i32
    %dma_start3A_408 = arith.constant 0 : i32
    %dma_start3A_409 = arith.constant 0 : i32
    %dma_start3A_410 = tpu.memref_slice %arg19[%dma_start3A_408, %dma_start3A_409] : memref<10000x80xf32, #tpu.memory_space<vmem_shared>> -> memref<10000x80xf32, #tpu.memory_space<vmem_shared>>
    tpu.enqueue_indirect_dma source(%arg14 : memref<80x80xf32, #tpu.memory_space<vmem>>) target(%dma_start3A_410 : memref<10000x80xf32, #tpu.memory_space<vmem_shared>>) offsets(%arg11 : memref<80xi32, #tpu.memory_space<vmem>>) semaphore(%arg27 : memref<!tpu.dma_semaphore, #tpu.memory_space<semaphore_mem>>) {add = true}
    %dma_wait3A_411 = arith.constant 0 : i32
    %dma_wait3A_412 = arith.constant 0 : i32
    %dma_wait3A_413 = tpu.memref_slice %arg19[%dma_wait3A_411, %dma_wait3A_412] : memref<10000x80xf32, #tpu.memory_space<vmem_shared>> -> memref<10000x80xf32, #tpu.memory_space<vmem_shared>>
    tpu.wait_indirect_dma semaphore(%arg26 : memref<!tpu.dma_semaphore, #tpu.memory_space<semaphore_mem>>) src(%arg13 : memref<80x80xf32, #tpu.memory_space<vmem>>) dst(%dma_wait3A_413 : memref<10000x80xf32, #tpu.memory_space<vmem_shared>>)
    %dma_wait3A_414 = arith.constant 0 : i32
    %dma_wait3A_415 = arith.constant 0 : i32
    %dma_wait3A_416 = tpu.memref_slice %arg19[%dma_wait3A_414, %dma_wait3A_415] : memref<10000x80xf32, #tpu.memory_space<vmem_shared>> -> memref<10000x80xf32, #tpu.memory_space<vmem_shared>>
    tpu.wait_indirect_dma semaphore(%arg27 : memref<!tpu.dma_semaphore, #tpu.memory_space<semaphore_mem>>) src(%arg14 : memref<80x80xf32, #tpu.memory_space<vmem>>) dst(%dma_wait3A_416 : memref<10000x80xf32, #tpu.memory_space<vmem_shared>>)
    %dma_wait3A_417 = arith.constant 0 : i32
    %dma_wait3A_418 = arith.constant 0 : i32
    %dma_wait3A_419 = tpu.memref_slice %arg19[%dma_wait3A_417, %dma_wait3A_418] : memref<10000x80xf32, #tpu.memory_space<vmem_shared>> -> memref<10000x80xf32, #tpu.memory_space<vmem_shared>>
    tpu.wait_indirect_dma semaphore(%arg28 : memref<!tpu.dma_semaphore, #tpu.memory_space<semaphore_mem>>) src(%arg15 : memref<80x80xf32, #tpu.memory_space<vmem>>) dst(%dma_wait3A_419 : memref<10000x80xf32, #tpu.memory_space<vmem_shared>>)
    %barrier3A_420 = arith.constant 0 : index
    tpu.barrier barrier_id(%barrier3A_420)
    "tpu.region"() ({
      %run_scoped3A_421 = tpu.sem_alloc : memref<!tpu.dma_semaphore, #tpu.memory_space<semaphore_mem>>
      %dma_start3A_422 = arith.constant 0 : i32
      %dma_start3A_423 = tpu.memref_slice %arg6[%arg0, %mul3A_2, %dma_start3A_422] : memref<2x10000x80xf32, #tpu.memory_space<hbm>> -> memref<1x625x80xf32, #tpu.memory_space<hbm>>
      %dma_start3A_424 = tpu.memref_squeeze %dma_start3A_423 : memref<1x625x80xf32, #tpu.memory_space<hbm>> -> memref<625x80xf32, #tpu.memory_space<hbm>>
      %dma_start3A_425 = arith.constant 0 : i32
      %dma_start3A_426 = tpu.memref_slice %arg19[%mul3A_2, %dma_start3A_425] : memref<10000x80xf32, #tpu.memory_space<vmem_shared>> -> memref<625x80xf32, #tpu.memory_space<vmem_shared>>
      tpu.enqueue_dma source(%dma_start3A_426 : memref<625x80xf32, #tpu.memory_space<vmem_shared>>) target(%dma_start3A_424 : memref<625x80xf32, #tpu.memory_space<hbm>>) target_semaphore(%run_scoped3A_421 : memref<!tpu.dma_semaphore, #tpu.memory_space<semaphore_mem>>)
      %dma_wait3A_427 = arith.constant 0 : i32
      %dma_wait3A_428 = tpu.memref_slice %arg6[%arg0, %mul3A_2, %dma_wait3A_427] : memref<2x10000x80xf32, #tpu.memory_space<hbm>> -> memref<1x625x80xf32, #tpu.memory_space<hbm>>
      %dma_wait3A_429 = tpu.memref_squeeze %dma_wait3A_428 : memref<1x625x80xf32, #tpu.memory_space<hbm>> -> memref<625x80xf32, #tpu.memory_space<hbm>>
      %dma_wait3A_430 = arith.constant 0 : i32
      %dma_wait3A_431 = tpu.memref_slice %arg19[%mul3A_2, %dma_wait3A_430] : memref<10000x80xf32, #tpu.memory_space<vmem_shared>> -> memref<625x80xf32, #tpu.memory_space<vmem_shared>>
      tpu.wait_dma2 semaphore(%run_scoped3A_421 : memref<!tpu.dma_semaphore, #tpu.memory_space<semaphore_mem>>) src(%dma_wait3A_431 : memref<625x80xf32, #tpu.memory_space<vmem_shared>>) dst(%dma_wait3A_429 : memref<625x80xf32, #tpu.memory_space<hbm>>)
      tpu.yield
    }) : () -> ()
    return
  }
}

module attributes {stable_mosaic.version = 14 : i64} {
  func.func @_tc_pre1_body(%arg0: i32, %arg1: memref<400x128xf32, #tpu.memory_space<vmem>>, %arg2: memref<128x128xf32, #tpu.memory_space<vmem>>, %arg3: memref<128x8xf32, #tpu.memory_space<vmem>>, %arg4: memref<128x8xf32, #tpu.memory_space<vmem>>, %arg5: memref<400x144xf32, #tpu.memory_space<vmem>>, %arg6: memref<400x16xf32, #tpu.memory_space<vmem>>) attributes {dimension_semantics = [#tpu.dimension_semantics<arbitrary>], iteration_bounds = array<i64: 25>, scalar_prefetch = 0 : i64, scratch_operands = 0 : i64, tpu.core_type = #tpu.core_type<tc>, window_params = [{transform_indices = @transform_0, window_bounds = array<i64: 400, 128>}, {pipeline_mode = #tpu.pipeline_mode<synchronous>, transform_indices = @transform_1, window_bounds = array<i64: 128, 128>}, {pipeline_mode = #tpu.pipeline_mode<synchronous>, transform_indices = @transform_2, window_bounds = array<i64: 128, 8>}, {pipeline_mode = #tpu.pipeline_mode<synchronous>, transform_indices = @transform_3, window_bounds = array<i64: 128, 8>}, {transform_indices = @transform_4, window_bounds = array<i64: 400, 144>}, {transform_indices = @transform_5, window_bounds = array<i64: 400, 16>}]} {
    %get3A = arith.constant 0 : index
    %get3A_0 = arith.constant 0 : index
    %get3A_1 = vector.load %arg1[%get3A, %get3A_0] : memref<400x128xf32, #tpu.memory_space<vmem>>, vector<400x128xf32>
    %get3A_2 = arith.constant 0 : index
    %get3A_3 = arith.constant 0 : index
    %get3A_4 = vector.load %arg2[%get3A_2, %get3A_3] : memref<128x128xf32, #tpu.memory_space<vmem>>, vector<128x128xf32>
    %dot_general3A = arith.constant dense<0.000000e+00> : vector<400x128xf32>
    %dot_general3A_5 = tpu.matmul %get3A_1, %get3A_4, %dot_general3A {dimension_numbers = #tpu.dot_dimension_numbers<[1], [0], [0], [1], [0, 0, 1, 1], [], []>, transpose_lhs_hint = false} : vector<400x128xf32>, vector<128x128xf32>, vector<400x128xf32> -> vector<400x128xf32>
    %get3A_6 = arith.constant 0 : index
    %get3A_7 = arith.constant 0 : index
    %get3A_8 = vector.load %arg3[%get3A_6, %get3A_7] : memref<128x8xf32, #tpu.memory_space<vmem>>, vector<128x8xf32>
    %dot_general3A_9 = arith.constant dense<0.000000e+00> : vector<400x8xf32>
    %dot_general3A_10 = tpu.matmul %dot_general3A_5, %get3A_8, %dot_general3A_9 {dimension_numbers = #tpu.dot_dimension_numbers<[1], [0], [0], [1], [0, 0, 1, 1], [], []>, transpose_lhs_hint = false} : vector<400x128xf32>, vector<128x8xf32>, vector<400x8xf32> -> vector<400x8xf32>
    %get3A_11 = arith.constant 0 : index
    %get3A_12 = arith.constant 0 : index
    %get3A_13 = vector.load %arg4[%get3A_11, %get3A_12] : memref<128x8xf32, #tpu.memory_space<vmem>>, vector<128x8xf32>
    %dot_general3A_14 = arith.constant dense<0.000000e+00> : vector<400x8xf32>
    %dot_general3A_15 = tpu.matmul %dot_general3A_5, %get3A_13, %dot_general3A_14 {dimension_numbers = #tpu.dot_dimension_numbers<[1], [0], [0], [1], [0, 0, 1, 1], [], []>, transpose_lhs_hint = false} : vector<400x128xf32>, vector<128x8xf32>, vector<400x8xf32> -> vector<400x8xf32>
    %broadcast_in_dim3A = arith.constant 0.000000e+00 : f32
    %broadcast_in_dim3A_16 = vector.broadcast %broadcast_in_dim3A : f32 to vector<400x8xf32>
    %concatenate3A = tpu.concatenate %dot_general3A_5, %dot_general3A_10, %broadcast_in_dim3A_16 in 1 : vector<400x128xf32>, vector<400x8xf32>, vector<400x8xf32> -> vector<400x144xf32>
    %swap3A = arith.constant 0 : index
    %swap3A_17 = arith.constant 0 : index
    %swap3A_18 = vector.load %arg5[%swap3A, %swap3A_17] : memref<400x144xf32, #tpu.memory_space<vmem>>, vector<400x144xf32>
    tpu.vector_store %arg5[%swap3A, %swap3A_17], %concatenate3A {strides = array<i32>} : memref<400x144xf32, #tpu.memory_space<vmem>>, vector<400x144xf32>,
    %concatenate3A_19 = tpu.concatenate %dot_general3A_15, %broadcast_in_dim3A_16 in 1 : vector<400x8xf32>, vector<400x8xf32> -> vector<400x16xf32>
    %swap3A_20 = arith.constant 0 : index
    %swap3A_21 = arith.constant 0 : index
    %swap3A_22 = vector.load %arg6[%swap3A_20, %swap3A_21] : memref<400x16xf32, #tpu.memory_space<vmem>>, vector<400x16xf32>
    tpu.vector_store %arg6[%swap3A_20, %swap3A_21], %concatenate3A_19 {strides = array<i32>} : memref<400x16xf32, #tpu.memory_space<vmem>>, vector<400x16xf32>,
    return
  }
  func.func @transform_0(%arg0: i32) -> (i32, i32) {
    %c0_i32 = arith.constant 0 : i32
    %c0_i32_0 = arith.constant 0 : i32
    return %arg0, %c0_i32 : i32, i32
  }
  func.func @transform_1(%arg0: i32) -> (i32, i32) {
    %c0_i32 = arith.constant 0 : i32
    %c0_i32_0 = arith.constant 0 : i32
    %c0_i32_1 = arith.constant 0 : i32
    return %c0_i32, %c0_i32_0 : i32, i32
  }
  func.func @transform_2(%arg0: i32) -> (i32, i32) {
    %c0_i32 = arith.constant 0 : i32
    %c0_i32_0 = arith.constant 0 : i32
    %c0_i32_1 = arith.constant 0 : i32
    return %c0_i32, %c0_i32_0 : i32, i32
  }
  func.func @transform_3(%arg0: i32) -> (i32, i32) {
    %c0_i32 = arith.constant 0 : i32
    %c0_i32_0 = arith.constant 0 : i32
    %c0_i32_1 = arith.constant 0 : i32
    return %c0_i32, %c0_i32_0 : i32, i32
  }
  func.func @transform_4(%arg0: i32) -> (i32, i32) {
    %c0_i32 = arith.constant 0 : i32
    %c0_i32_0 = arith.constant 0 : i32
    return %arg0, %c0_i32 : i32, i32
  }
  func.func @transform_5(%arg0: i32) -> (i32, i32) {
    %c0_i32 = arith.constant 0 : i32
    %c0_i32_0 = arith.constant 0 : i32
    return %arg0, %c0_i32 : i32, i32
  }
}

module attributes {stable_mosaic.version = 14 : i64} {
  func.func @_tc_mid_body(%arg0: i32, %arg1: memref<2x400x144xf32, #tpu.memory_space<vmem>>, %arg2: memref<128x64xf32, #tpu.memory_space<vmem>>, %arg3: memref<64x1xf32, #tpu.memory_space<vmem>>, %arg4: memref<64x1xf32, #tpu.memory_space<vmem>>, %arg5: memref<8x128xf32, #tpu.memory_space<vmem>>, %arg6: memref<400x80xf32, #tpu.memory_space<vmem>>, %arg7: memref<400x16xf32, #tpu.memory_space<vmem>>) attributes {dimension_semantics = [#tpu.dimension_semantics<arbitrary>], iteration_bounds = array<i64: 25>, scalar_prefetch = 0 : i64, scratch_operands = 0 : i64, tpu.core_type = #tpu.core_type<tc>, window_params = [{transform_indices = @transform_0, window_bounds = array<i64: 2, 400, 144>}, {pipeline_mode = #tpu.pipeline_mode<synchronous>, transform_indices = @transform_1, window_bounds = array<i64: 128, 64>}, {pipeline_mode = #tpu.pipeline_mode<synchronous>, transform_indices = @transform_2, window_bounds = array<i64: 64, 1>}, {pipeline_mode = #tpu.pipeline_mode<synchronous>, transform_indices = @transform_3, window_bounds = array<i64: 64, 1>}, {pipeline_mode = #tpu.pipeline_mode<synchronous>, transform_indices = @transform_4, window_bounds = array<i64: 8, 128>}, {transform_indices = @transform_5, window_bounds = array<i64: 400, 80>}, {transform_indices = @transform_6, window_bounds = array<i64: 400, 16>}]} {
    %get3A = arith.constant 0 : index
    %get3A_0 = arith.constant 0 : index
    %get3A_1 = arith.constant 0 : index
    %get3A_2 = vector.load %arg1[%get3A, %get3A_0, %get3A_1] : memref<2x400x144xf32, #tpu.memory_space<vmem>>, vector<1x400x144xf32>
    %get3A_3 = vector.shape_cast %get3A_2 : vector<1x400x144xf32> to vector<400x144xf32>
    %get3A_4 = arith.constant 1 : index
    %get3A_5 = arith.constant 0 : index
    %get3A_6 = arith.constant 0 : index
    %get3A_7 = vector.load %arg1[%get3A_4, %get3A_5, %get3A_6] : memref<2x400x144xf32, #tpu.memory_space<vmem>>, vector<1x400x144xf32>
    %get3A_8 = vector.shape_cast %get3A_7 : vector<1x400x144xf32> to vector<400x144xf32>
    %add3A = arith.addf %get3A_3, %get3A_8 : vector<400x144xf32>
    %slice3A = vector.extract_strided_slice %add3A {offsets = [0, 0], sizes = [400, 128], strides = [1, 1]} : vector<400x144xf32> to vector<400x128xf32>
    %slice3A_9 = vector.extract_strided_slice %add3A {offsets = [0, 128], sizes = [400, 8], strides = [1, 1]} : vector<400x144xf32> to vector<400x8xf32>
    %get3A_10 = arith.constant 0 : index
    %get3A_11 = arith.constant 0 : index
    %get3A_12 = vector.load %arg5[%get3A_10, %get3A_11] : memref<8x128xf32, #tpu.memory_space<vmem>>, vector<8x128xf32>
    %dot_general3A = arith.constant dense<0.000000e+00> : vector<400x128xf32>
    %dot_general3A_13 = tpu.matmul %slice3A_9, %get3A_12, %dot_general3A {dimension_numbers = #tpu.dot_dimension_numbers<[1], [0], [0], [1], [0, 0, 1, 1], [], []>, transpose_lhs_hint = false} : vector<400x8xf32>, vector<8x128xf32>, vector<400x128xf32> -> vector<400x128xf32>
    %add3A_14 = arith.constant 9.99999971E-10 : f32
    %add3A_15 = vector.broadcast %add3A_14 : f32 to vector<400x128xf32>
    %add3A_16 = arith.addf %dot_general3A_13, %add3A_15 : vector<400x128xf32>
    %div3A = arith.divf %slice3A, %add3A_16 : vector<400x128xf32>
    %gt3A = arith.constant 0.000000e+00 : f32
    %gt3A_17 = vector.broadcast %gt3A : f32 to vector<400x128xf32>
    %gt3A_18 = arith.cmpf ogt, %div3A, %gt3A_17 : vector<400x128xf32>
    %exp3A = math.exp %div3A : vector<400x128xf32>
    %sub3A = arith.constant 1.000000e+00 : f32
    %sub3A_19 = vector.broadcast %sub3A : f32 to vector<400x128xf32>
    %sub3A_20 = arith.subf %exp3A, %sub3A_19 : vector<400x128xf32>
    %select_n3A = arith.select %gt3A_18, %div3A, %sub3A_20 : vector<400x128xi1>, vector<400x128xf32>
    %get3A_21 = arith.constant 0 : index
    %get3A_22 = arith.constant 0 : index
    %get3A_23 = vector.load %arg2[%get3A_21, %get3A_22] : memref<128x64xf32, #tpu.memory_space<vmem>>, vector<128x64xf32>
    %dot_general3A_24 = arith.constant dense<0.000000e+00> : vector<400x64xf32>
    %dot_general3A_25 = tpu.matmul %select_n3A, %get3A_23, %dot_general3A_24 {dimension_numbers = #tpu.dot_dimension_numbers<[1], [0], [0], [1], [0, 0, 1, 1], [], []>, transpose_lhs_hint = false} : vector<400x128xf32>, vector<128x64xf32>, vector<400x64xf32> -> vector<400x64xf32>
    %get3A_26 = arith.constant 0 : index
    %get3A_27 = arith.constant 0 : index
    %get3A_28 = vector.load %arg3[%get3A_26, %get3A_27] : memref<64x1xf32, #tpu.memory_space<vmem>>, vector<64x1xf32>
    %dot_general3A_29 = arith.constant dense<0.000000e+00> : vector<400x1xf32>
    %dot_general3A_30 = tpu.matmul %dot_general3A_25, %get3A_28, %dot_general3A_29 {dimension_numbers = #tpu.dot_dimension_numbers<[1], [0], [0], [1], [0, 0, 1, 1], [], []>, transpose_lhs_hint = false} : vector<400x64xf32>, vector<64x1xf32>, vector<400x1xf32> -> vector<400x1xf32>
    %get3A_31 = arith.constant 0 : index
    %get3A_32 = arith.constant 0 : index
    %get3A_33 = vector.load %arg4[%get3A_31, %get3A_32] : memref<64x1xf32, #tpu.memory_space<vmem>>, vector<64x1xf32>
    %dot_general3A_34 = arith.constant dense<0.000000e+00> : vector<400x1xf32>
    %dot_general3A_35 = tpu.matmul %dot_general3A_25, %get3A_33, %dot_general3A_34 {dimension_numbers = #tpu.dot_dimension_numbers<[1], [0], [0], [1], [0, 0, 1, 1], [], []>, transpose_lhs_hint = false} : vector<400x64xf32>, vector<64x1xf32>, vector<400x1xf32> -> vector<400x1xf32>
    %broadcast_in_dim3A = arith.constant 0.000000e+00 : f32
    %broadcast_in_dim3A_36 = vector.broadcast %broadcast_in_dim3A : f32 to vector<400x15xf32>
    %concatenate3A = tpu.concatenate %dot_general3A_25, %dot_general3A_30, %broadcast_in_dim3A_36 in 1 : vector<400x64xf32>, vector<400x1xf32>, vector<400x15xf32> -> vector<400x80xf32>
    %swap3A = arith.constant 0 : index
    %swap3A_37 = arith.constant 0 : index
    %swap3A_38 = vector.load %arg6[%swap3A, %swap3A_37] : memref<400x80xf32, #tpu.memory_space<vmem>>, vector<400x80xf32>
    tpu.vector_store %arg6[%swap3A, %swap3A_37], %concatenate3A {strides = array<i32>} : memref<400x80xf32, #tpu.memory_space<vmem>>, vector<400x80xf32>,
    %concatenate3A_39 = tpu.concatenate %dot_general3A_35, %broadcast_in_dim3A_36 in 1 : vector<400x1xf32>, vector<400x15xf32> -> vector<400x16xf32>
    %swap3A_40 = arith.constant 0 : index
    %swap3A_41 = arith.constant 0 : index
    %swap3A_42 = vector.load %arg7[%swap3A_40, %swap3A_41] : memref<400x16xf32, #tpu.memory_space<vmem>>, vector<400x16xf32>
    tpu.vector_store %arg7[%swap3A_40, %swap3A_41], %concatenate3A_39 {strides = array<i32>} : memref<400x16xf32, #tpu.memory_space<vmem>>, vector<400x16xf32>,
    return
  }
  func.func @transform_0(%arg0: i32) -> (i32, i32, i32) {
    %c0_i32 = arith.constant 0 : i32
    %c0_i32_0 = arith.constant 0 : i32
    %c0_i32_1 = arith.constant 0 : i32
    return %c0_i32, %arg0, %c0_i32_0 : i32, i32, i32
  }
  func.func @transform_1(%arg0: i32) -> (i32, i32) {
    %c0_i32 = arith.constant 0 : i32
    %c0_i32_0 = arith.constant 0 : i32
    %c0_i32_1 = arith.constant 0 : i32
    return %c0_i32, %c0_i32_0 : i32, i32
  }
  func.func @transform_2(%arg0: i32) -> (i32, i32) {
    %c0_i32 = arith.constant 0 : i32
    %c0_i32_0 = arith.constant 0 : i32
    %c0_i32_1 = arith.constant 0 : i32
    return %c0_i32, %c0_i32_0 : i32, i32
  }
  func.func @transform_3(%arg0: i32) -> (i32, i32) {
    %c0_i32 = arith.constant 0 : i32
    %c0_i32_0 = arith.constant 0 : i32
    %c0_i32_1 = arith.constant 0 : i32
    return %c0_i32, %c0_i32_0 : i32, i32
  }
  func.func @transform_4(%arg0: i32) -> (i32, i32) {
    %c0_i32 = arith.constant 0 : i32
    %c0_i32_0 = arith.constant 0 : i32
    %c0_i32_1 = arith.constant 0 : i32
    return %c0_i32, %c0_i32_0 : i32, i32
  }
  func.func @transform_5(%arg0: i32) -> (i32, i32) {
    %c0_i32 = arith.constant 0 : i32
    %c0_i32_0 = arith.constant 0 : i32
    return %arg0, %c0_i32 : i32, i32
  }
  func.func @transform_6(%arg0: i32) -> (i32, i32) {
    %c0_i32 = arith.constant 0 : i32
    %c0_i32_0 = arith.constant 0 : i32
    return %arg0, %c0_i32 : i32, i32
  }
}

module attributes {stable_mosaic.version = 14 : i64} {
  func.func @_tc_post_body(%arg0: i32, %arg1: memref<2x400x80xf32, #tpu.memory_space<vmem>>, %arg2: memref<16x64xf32, #tpu.memory_space<vmem>>, %arg3: memref<400x64xf32, #tpu.memory_space<vmem>>) attributes {dimension_semantics = [#tpu.dimension_semantics<arbitrary>], iteration_bounds = array<i64: 25>, scalar_prefetch = 0 : i64, scratch_operands = 0 : i64, tpu.core_type = #tpu.core_type<tc>, window_params = [{transform_indices = @transform_0, window_bounds = array<i64: 2, 400, 80>}, {pipeline_mode = #tpu.pipeline_mode<synchronous>, transform_indices = @transform_1, window_bounds = array<i64: 16, 64>}, {transform_indices = @transform_2, window_bounds = array<i64: 400, 64>}]} {
    %get3A = arith.constant 0 : index
    %get3A_0 = arith.constant 0 : index
    %get3A_1 = arith.constant 0 : index
    %get3A_2 = vector.load %arg1[%get3A, %get3A_0, %get3A_1] : memref<2x400x80xf32, #tpu.memory_space<vmem>>, vector<1x400x80xf32>
    %get3A_3 = vector.shape_cast %get3A_2 : vector<1x400x80xf32> to vector<400x80xf32>
    %get3A_4 = arith.constant 1 : index
    %get3A_5 = arith.constant 0 : index
    %get3A_6 = arith.constant 0 : index
    %get3A_7 = vector.load %arg1[%get3A_4, %get3A_5, %get3A_6] : memref<2x400x80xf32, #tpu.memory_space<vmem>>, vector<1x400x80xf32>
    %get3A_8 = vector.shape_cast %get3A_7 : vector<1x400x80xf32> to vector<400x80xf32>
    %add3A = arith.addf %get3A_3, %get3A_8 : vector<400x80xf32>
    %slice3A = vector.extract_strided_slice %add3A {offsets = [0, 0], sizes = [400, 64], strides = [1, 1]} : vector<400x80xf32> to vector<400x64xf32>
    %slice3A_9 = vector.extract_strided_slice %add3A {offsets = [0, 64], sizes = [400, 16], strides = [1, 1]} : vector<400x80xf32> to vector<400x16xf32>
    %get3A_10 = arith.constant 0 : index
    %get3A_11 = arith.constant 0 : index
    %get3A_12 = vector.load %arg2[%get3A_10, %get3A_11] : memref<16x64xf32, #tpu.memory_space<vmem>>, vector<16x64xf32>
    %dot_general3A = arith.constant dense<0.000000e+00> : vector<400x64xf32>
    %dot_general3A_13 = tpu.matmul %slice3A_9, %get3A_12, %dot_general3A {dimension_numbers = #tpu.dot_dimension_numbers<[1], [0], [0], [1], [0, 0, 1, 1], [], []>, transpose_lhs_hint = false} : vector<400x16xf32>, vector<16x64xf32>, vector<400x64xf32> -> vector<400x64xf32>
    %add3A_14 = arith.constant 9.99999971E-10 : f32
    %add3A_15 = vector.broadcast %add3A_14 : f32 to vector<400x64xf32>
    %add3A_16 = arith.addf %dot_general3A_13, %add3A_15 : vector<400x64xf32>
    %div3A = arith.divf %slice3A, %add3A_16 : vector<400x64xf32>
    %swap3A = arith.constant 0 : index
    %swap3A_17 = arith.constant 0 : index
    %swap3A_18 = vector.load %arg3[%swap3A, %swap3A_17] : memref<400x64xf32, #tpu.memory_space<vmem>>, vector<400x64xf32>
    tpu.vector_store %arg3[%swap3A, %swap3A_17], %div3A {strides = array<i32>} : memref<400x64xf32, #tpu.memory_space<vmem>>, vector<400x64xf32>,
    return
  }
  func.func @transform_0(%arg0: i32) -> (i32, i32, i32) {
    %c0_i32 = arith.constant 0 : i32
    %c0_i32_0 = arith.constant 0 : i32
    %c0_i32_1 = arith.constant 0 : i32
    return %c0_i32, %arg0, %c0_i32_0 : i32, i32, i32
  }
  func.func @transform_1(%arg0: i32) -> (i32, i32) {
    %c0_i32 = arith.constant 0 : i32
    %c0_i32_0 = arith.constant 0 : i32
    %c0_i32_1 = arith.constant 0 : i32
    return %c0_i32, %c0_i32_0 : i32, i32
  }
  func.func @transform_2(%arg0: i32) -> (i32, i32) {
    %c0_i32 = arith.constant 0 : i32
    %c0_i32_0 = arith.constant 0 : i32
    return %arg0, %c0_i32 : i32, i32
  }
}

</mosaic_0001>

<sc_bundles>
// kernel: kernel.10.cloned.1.call-start
scs
__scs_entry_jumppad:
0x0: {  	(pc) =	sbr.rel $0x88, $3  }
0x1: {  	(tag) =	ssettag $0x0;
	lr =	simm.s32 $0x1  }
0x2: {  	[smem:$0x3F99] =	sst lr;
	_ =	strace $0xD0000000  }
0x3: {  	_ = 	snop  }
0x4: {  	_ = 	snop  }
0x5: {  	_ = 	snop  }
0x6: {  	_ = 	snop  }
0x7: {  	_ = 	snop  }
__scs_overlays_trampoline_lowered:
0x8: {  	[smem:$0x3FA8] =	sst s0  }
0x9: {  	[smem:$0x3FA9] =	sst s1  }
0xa: {  	[smem:$0x3FAA] =	sst s2  }
0xb: {  	[smem:$0x3FAB] =	sst s3  }
0xc: {  	[smem:$0x3FAC] =	sst s4  }
0xd: {  	[smem:$0x3FAD] =	sst s5  }
0xe: {  	[smem:$0x3FAE] =	sst s6  }
0xf: {  	[smem:$0x3FAF] =	sst s7  }
0x10: {  	[smem:$0x3FB0] =	sst s8  }
0x11: {  	[smem:$0x3FB1] =	sst s9;
	s0 =	simm.s32 @!p0 $0x0  }
0x12: {  	s1 =	sld [smem:$0x3F97];
	s0 =	simm.s32 @p0 $0x1  }
0x13: {  	[smem:$0x3FB2] =	sst s0;
	s0 =	simm.s32 @!p1 $0x0  }
0x14: {  	s2 =	sld [smem:$0x3F96];
	s0 =	simm.s32 @p1 $0x1  }
0x15: {  	[smem:$0x3FB3] =	sst s0;
	s0 =	simm.s32 @!p2 $0x0  }
0x16: {  	s3 =	sld [smem:$0x3FDB];
	s0 =	simm.s32 @p2 $0x1  }
0x17: {  	s4 =	simm.s32 $0x1BF5;
	[smem:$0x3FB5] =	sst s0  }
0x18: {  	s0 =	sld [smem:$0x3F98];
	_ =	swait.ge [sflag:s4], $0x0  }
0x19: {  	s7 =	sld [smem:$0x3F99]  }
0x1a: {  	s8 =	sadd.s32 $0xFFFFE003, lr  }
0x1b: {  	s9 =	sadd.s32 $0xFFFFFEF7, lr;
	s5 =	simm.s32 $0xFFFFFFFF;
	p2 =	slt.u32 s8, $0xFFFFF086  }
0x1c: {  	p1 =	slt.u32 s9, $0xF7A;
	s5 =	simm.s32 @!p2 $0x0  }
0x1d: {  	s5 =	simm.s32 @p1 $0x1;
	p0 =	seq.s32 s7, s2  }
0x1e: {  	s7 =	smul.u32 @!p0 $0xF7A, s2;
	p2 =	seq.s32 @!p0 s5, $0x0  }
0x1f: {  	s9 =	smul.u32 $0xF7A, s1;
	s8 =	simm.s32 @!p0 $0x1BF5;
	p2 =	por !p2, p0  }
0x20: {  	[sflag:s8] =	ssyncset.s32 @!p0 $0xFFFFF086;
	s6 =	sadd.s32 @!p0 s3, s7;
	s7 =	simm.s32 @!p0 $0x108  }
0x21: {  	s3 =	sadd.s32 s3, s9;
	s6 =	sadd.s32 @!p0 $0x88, s6;
	s7 =	simm.s32 @p2 $0x1082  }
0x22: {  	[simem:s7], [sflag:s8] =	dma.local @!p0 [hbm:s6], $0xF7A  }
0x23: {  	s9 =	sor.u32 $0xD0000000, s2;
	s6 =	simm.s32 $0x108;
	_ =	swait.ge @!p0 [sflag:s8], $0x0  }
0x24: {  	s3 =	sadd.s32 $0x88, s3;
	s6 =	simm.s32 @!p1 $0x1082;
	[sflag:s4] =	ssyncset.s32 $0xFFFFF086  }
0x25: {  	[simem:s6], [sflag:s4] =	dma.local [hbm:s3], $0xF7A  }
0x26: {  	[smem:$0x3F99] =	sst s1;
	(tag) =	ssettag s2;
	_ =	strace s9  }
0x27: {  	s1 =	sld [smem:$0x3FA9]  }
0x28: {  	s2 =	sld [smem:$0x3FAA]  }
0x29: {  	s4 =	sld [smem:$0x3FAC]  }
0x2a: {  	p0 =	seq.s32 s5, $0x0;
	s5 =	sld [smem:$0x3FAD]  }
0x2b: {  	s6 =	sld [smem:$0x3FAE]  }
0x2c: {  	s7 =	sld [smem:$0x3FAF]  }
0x2d: {  	s3 =	simm.s32 $0x108;
	s8 =	sld [smem:$0x3FB0]  }
0x2e: {  	s3 =	simm.s32 @!p0 $0x1082;
	s9 =	sld [smem:$0x3FB1]  }
0x2f: {  	lr =	sadd.s32 s0, s3;
	s0 =	sld [smem:$0x3FA8]  }
0x30: {  	s3 =	sld [smem:$0x3FAB]  }
0x31: {  	[smem:$0x3FB4] =	sst s10  }
0x32: {  	s10 =	sld [smem:$0x3FB2];
	_ =	sdelay $0x3  }
0x33: {  	p0 =	seq.s32 s10, $0x1;
	s10 =	sld [smem:$0x3FB4];
	_ =	sdelay $0x3  }
0x34: {  	[smem:$0x3FB4] =	sst s10  }
0x35: {  	s10 =	sld [smem:$0x3FB3];
	_ =	sdelay $0x3  }
0x36: {  	p1 =	seq.s32 s10, $0x1;
	s10 =	sld [smem:$0x3FB4];
	_ =	sdelay $0x3  }
0x37: {  	[smem:$0x3FB4] =	sst s10  }
0x38: {  	s10 =	sld [smem:$0x3FB5]  }
0x39: {  	_ = 	snop;
	(pc) =	sbr.ind lr, $3  }
0x3a: {  	_ = 	snop  }
0x3b: {  	_ = 	snop  }
0x3c: {  	p2 =	seq.s32 s10, $0x1;
	s10 =	sld [smem:$0x3FB4]  }
0x3d: {  	_ =	shalt  }
0x3e: {  	_ =	shalt  }
0x3f: {  	_ =	shalt  }
0x40: {  	_ =	shalt  }
0x41: {  	_ =	shalt  }
0x42: {  	_ =	shalt  }
0x43: {  	_ =	shalt  }
0x44: {  	_ =	shalt  }
0x45: {  	_ =	shalt  }
0x46: {  	_ =	shalt  }
0x47: {  	_ =	shalt  }
0x48: {  	_ =	shalt  }
0x49: {  	_ =	shalt  }
0x4a: {  	_ =	shalt  }
0x4b: {  	_ =	shalt  }
0x4c: {  	_ =	shalt  }
0x4d: {  	_ =	shalt  }
0x4e: {  	_ =	shalt  }
0x4f: {  	_ =	shalt  }
0x50: {  	_ =	shalt  }
0x51: {  	_ =	shalt  }
0x52: {  	_ =	shalt  }
0x53: {  	_ =	shalt  }
0x54: {  	_ =	shalt  }
0x55: {  	_ =	shalt  }
0x56: {  	_ =	shalt  }
0x57: {  	_ =	shalt  }
0x58: {  	_ =	shalt  }
0x59: {  	_ =	shalt  }
0x5a: {  	_ =	shalt  }
0x5b: {  	_ =	shalt  }
0x5c: {  	_ =	shalt  }
0x5d: {  	_ =	shalt  }
0x5e: {  	_ =	shalt  }
0x5f: {  	_ =	shalt  }
0x60: {  	_ =	shalt  }
0x61: {  	_ =	shalt  }
0x62: {  	_ =	shalt  }
0x63: {  	_ =	shalt  }
0x64: {  	_ =	shalt  }
0x65: {  	_ =	shalt  }
0x66: {  	_ =	shalt  }
0x67: {  	_ =	shalt  }
0x68: {  	_ =	shalt  }
0x69: {  	_ =	shalt  }
0x6a: {  	_ =	shalt  }
0x6b: {  	_ =	shalt  }
0x6c: {  	_ =	shalt  }
0x6d: {  	_ =	shalt  }
0x6e: {  	_ =	shalt  }
0x6f: {  	_ =	shalt  }
0x70: {  	_ =	shalt  }
0x71: {  	_ =	shalt  }
0x72: {  	_ =	shalt  }
0x73: {  	_ =	shalt  }
0x74: {  	_ =	shalt  }
0x75: {  	_ =	shalt  }
0x76: {  	_ =	shalt  }
0x77: {  	_ =	shalt  }
0x78: {  	_ =	shalt  }
0x79: {  	_ =	shalt  }
0x7a: {  	_ =	shalt  }
0x7b: {  	_ =	shalt  }
0x7c: {  	_ =	shalt  }
0x7d: {  	_ =	shalt  }
0x7e: {  	_ =	shalt  }
0x7f: {  	_ =	shalt  }
0x80: {  	_ =	shalt  }
0x81: {  	_ =	shalt  }
0x82: {  	_ =	shalt  }
0x83: {  	_ =	shalt  }
0x84: {  	_ =	shalt  }
0x85: {  	_ =	shalt  }
0x86: {  	_ =	shalt  }
0x87: {  	_ =	shalt  }
.Lfunc_end0:
.L_simem_size_0:
called_computation.1_lowered:
.L_overlay_start_0:
0x88: {  	s2 =	sld [smem:$0x3FD9]  }
0x89: {  	s3 =	sld [smem:$0x3FFE];
	_ =	sdelay $0x1  }
0x8a: {  	s1 =	srdreg.scid  }
0x8b: {  	s0 =	sand.u32 $0x1, s1  }
0x8c: {  	s17 =	sshll.u32 s0, $0xA;
	s2 =	sadd.s32 s3, s2  }
0x8d: {  	s2 =	sadd.s32 s2, s17  }
0x8e: {  	[smem:$0x3FC0] =	sst s2  }
0x8f: {  	_ = 	snop  }
0x90: {  	s2 =	sld [smem:$0x3FD0];
	(tm) =	ssettm $0x1  }
0x91: {  	s18 =	sld [smem:$0x3FFB];
	_ =	sdelay $0x3  }
0x92: {  	_ =	strace s18  }
0x93: {  	s3 =	sld [smem:$0x3FFC];
	_ =	sdelay $0x3  }
0x94: {  	_ =	strace s3  }
0x95: {  	s3 =	sld [smem:$0x3FFD];
	_ =	sdelay $0x3  }
0x96: {  	_ =	strace s3  }
0x97: {  	_ =	strace $0x8FFFFFFF  }
0x98: {  	s19 =	sld [smem:$0x3FDB];
	_ =	sdelay $0x1  }
0x99: {  	s4 =	simm.s32 $_scs_section_size  }
0x9a: {  	s5 =	simm.s32 $_size__tile_overlayer_lowered;
	s6 =	simm.s32 $_tile_overlayer_lowered  }
0x9b: {  	s22 =	simm.s32 $0x1BFF;
	s21 =	sshll.u32 s6, $0x1;
	s3 =	sadd.s32 s4, s19  }
0x9c: {  	s7 =	simm.s32 $0x0;
	s20 =	sshll.u32 s5, $0x1;
	s5 =	sadd.s32 s21, s3  }
0x9d: {  	[timem:s7], [sflag:s22] =	dma.local [hbm:s5], s20  }
0x9e: {  	_ =	swait.ge [sflag:s22], s20  }
0x9f: {  	s4 =	ssub.s32 $0x0, s20;
	[sflag:s22] =	ssyncset.done $0x0  }
0xa0: {  	[sflag:s22] =	ssyncadd.s32 s4;
	_ =	sdelay $0x1  }
0xa1: {  	s23 =	simm.s32 $0x1B8B  }
0xa2: {  	_ =	swait.ge [sflag:s23], $0x1  }
0xa3: {  	[sflag:s23] =	ssyncset.done $0x0  }
0xa4: {  	s25 =	simm.s32 $0x1B8E;
	s24 =	sld [smem:$0x3FFE];
	[sflag:s23] =	ssyncadd.s32 $0xFFFFFFFF  }
0xa5: {  	s26 =	simm.s32 $execute0_lowered;
	[smem:$0x3FD2] =	sst s25  }
0xa6: {  	s5 =	sshll.u32 s26, $0x1;
	_ =	strace $0x80000049;
	[dreg:$0x1] =	wrdreg $0xFFFFFFFF  }
0xa7: {  	s28 =	simm.s32 $_size_execute0_lowered;
	s3 =	sadd.s32 s3, s5;
	[dreg:$0x0] =	wrdreg $0x0  }
0xa8: {  	s5 =	sshll.u32 s28, $0x1;
	[dreg:$0x2] =	wrdreg s3  }
0xa9: {  	[dreg:$0x3] =	wrdreg s5  }
0xaa: {  	[dreg:$0x4] =	wrdreg $0xC0  }
0xab: {  	_ =	task [dreg:s7], $0x5FFFF  }
0xac: {  	[dreg:$0x1] =	wrdreg $0xFFFFFFFF  }
0xad: {  	[dreg:$0x0] =	wrdreg $0x60  }
0xae: {  	[dreg:$0x2] =	wrdreg s24  }
0xaf: {  	[dreg:$0x3] =	wrdreg s2  }
0xb0: {  	[dreg:$0x4] =	wrdreg $0x5CD00  }
0xb1: {  	[dreg:$0x5] =	wrdreg $0x9  }
0xb2: {  	_ =	task.clear_ibuf [dreg:s7], $0x6FFFF;
	_ =	strace $0x90000049  }
0xb3: {  	s29 =	simm.s32 $0x9;
	_ =	strace $0x8000004B  }
0xb4: {  	_ =	swait.ge [sflag:s29], $0x1  }
0xb5: {  	[sflag:s29] =	ssyncadd.s32 $0xFFFFFFFF  }
0xb6: {  	_ =	strace $0x9000004B  }
0xb7: {  	_ =	sfence  }
0xb8: {  	s30 =	sld [smem:$0x0];
	_ =	sdelay $0x2  }
0xb9: {  	s31 =	sshll.u32 s1, $0xD;
	s1 =	sshrl.u32 s1, $0x2  }
0xba: {  	s3 =	sand.u32 $0x4000, s31;
	s1 =	sadd.s32 s1, s30  }
0xbb: {  	s0 =	sor.u32 s3, s0;
	s1 =	sshll.u32 s1, $0x11  }
0xbc: {  	s0 =	sor.u32 s1, s0  }
0xbd: {  	s0 =	sadd.s32 $0x8F2B, s0  }
0xbe: {  	[sflag:s0] =	ssyncadd.remote.s32 $0x1  }
0xbf: {  	_ =	sfence.sel $0xFFFF  }
0xc0: {  	[dreg:$0x0] =	wrdreg $0xFFFFFFFF;
	(pc) =	sbr.abs _section_cstart, $3  }
0xc1: {  	[dreg:$0x1] =	wrdreg $0xFFFFFFFF  }
0xc2: {  	_ =	task.clear_ibuf [dreg:s7], $0x2FFFF;
	_ =	strace $0x9FFFFFFF  }
0xc3: {  	(tm) =	ssettm $0x7FFFFFFF  }
tec
execute0_lowered:
.L_overlay_start_1:
0x0: {  	(tag) =	ssettag $0x1  }
0x1: {  	s0 =	rddreg [dreg:$0x0]  }
0x2: {  	s2 =	rddreg [dreg:$0x1]  }
0x3: {  	s3 =	rddreg [dreg:$0x2];
	s4 =	simm.s32 $0x0  }
0x4: {  	s12 =	stileid.u32;
	s1 =	srdreg.scid;
	s30 =	simm.s32 $0x140  }
0x5: {  	s31 =	simm.s32 $0x4;
	s13 =	simm.s32 $0x7;
	s14 =	simm.s32 $0x1  }
0x6: {  	s18 =	simm.s32 $0x230;
	s19 =	simm.s32 $0x6;
	[smem:$0x7FF] =	sst s4  }
0x7: {  	s7 =	smul.u32 $0xC350, s12;
	s1 =	sand.u32 $0x1, s1;
	s5 =	sadd.s32 $0x1200, s0  }
0x8: {  	s6 =	sadd.s32 $0x19A00, s0;
	s10 =	sshll.u32 s12, $0x1;
	s22 =	sshll.u32 s12, $0x6  }
0x9: {  	s12 =	simm.s32 $0x5;
	_ =	strace $0x8000004A;
	s8 =	smul.u32 $0xC3500, s1  }
0xa: {  	s11 =	ssub.s32 $0x2, s1;
	s1 =	sor.u32 s1, s10;
	s10 =	sor.u32 $0x1C0A, s22  }
0xb: {  	s22 =	simm.s32 $0xA0;
	s9 =	sshrl.u32 s7, $0x3;
	s20 =	sshrl.u32 s11, $0x1  }
0xc: {  	s1 =	smul.u32 $0x4E20, s1;
	[dreg:$0x5] =	wrdreg s10;
	s8 =	sadd.s32 s7, s8  }
0xd: {  	s9 =	sadd.s32 s9, s0;
	s21 =	ssub.s32 s11, s20;
	s7 =	sadd.s32 s7, s3  }
0xe: {  	s20 =	simm.s32 $0xA;
	s8 =	sshrl.u32 s8, $0x3;
	s9 =	sadd.s32 $0x1EA00, s9  }
0xf: {  	s23 =	sshrl.u32 s1, $0x3;
	s29 =	smax.u32 s21, $0x1;
	[dreg:$0x4] =	wrdreg s9  }
0x10: {  	s15 =	sadd.s32 $0x3C0, s1;
	s24 =	sadd.s32 s2, s23;
	[dreg:$0xd] =	wrdreg s29  }
0x11: {  	s16 =	sadd.s32 $0x460, s1;
	s11 =	sadd.s32 $0x14, s24;
	[dreg:$0x6] =	wrdreg s24  }
0x12: {  	s17 =	sadd.s32 $0x500, s1;
	s25 =	sadd.s32 $0x28, s24;
	[dreg:$0x7] =	wrdreg s11  }
0x13: {  	s1 =	simm.s32 $0x34D0;
	s26 =	sadd.s32 $0x3C, s24;
	[dreg:$0x8] =	wrdreg s25  }
0x14: {  	s21 =	simm.s32 $0x9;
	s28 =	sadd.s32 $0x50, s24;
	[dreg:$0x9] =	wrdreg s26  }
0x15: {  	s0 =	sadd.s32 s8, s0;
	s9 =	sadd.s32 $0x64, s24;
	[dreg:$0xa] =	wrdreg s28  }
0x16: {  	s23 =	simm.s32 $0x50;
	s0 =	sadd.s32 $0x37200, s0;
	[dreg:$0xb] =	wrdreg s9  }
0x17: {  	s8 =	simm.s32 $0x2;
	s24 =	simm.s32 $0x2D0;
	[dreg:$0xc] =	wrdreg s0  }
0x18: {  	s11 =	sshrl.u32 s7, $0x3;
	s26 =	simm.s32 $0x1BD0;
	s0 =	simm.s32 $0x3  }
0x19: {  	vm0 =	vmmov $0x1;
	s9 =	simm.s32 $0x8;
	s25 =	simm.s32 $0x0;
	[dreg:$0xe] =	wrdreg s11  }
.LBB2_1:
0x1a: {  	[dreg:$0xf] =	wrdreg s25  }
0x1b: {  	s7 =	rddreg [dreg:$0x4]  }
0x1c: {  	[spmem:s11], [sflag:s10] =	dma.local [hbm:s7], $0x186A  }
0x1d: {  	_ =	swait.ge [sflag:s20], $0x186A  }
0x1e: {  	[sflag:s20] =	ssyncset.done $0x0  }
0x1f: {  	[sflag:s20] =	ssyncadd.s32 $0xFFFFE796  }
0x20: {  	[bflag:$0x0] =	sbarrier.arrive $0xFFFF  }
0x21: {  	s29 =	rddreg [dreg:$0x6]  }
0x22: {  	[tilespmem:s4], [sflag:$0xA] =	stream.linear.gather [hbm4b:s29+s4], $0xA0, $0x38;
	[tilespmem:$0x12020] =	vst v63  }
0x23: {  	_ =	swait.ge [sflag:s20], $0xA0  }
0x24: {  	[sflag:s20] =	ssyncset.done $0x0  }
0x25: {  	s10 =	rddreg [dreg:$0x7];
	[sflag:s20] =	ssyncadd.s32 $0xFFFFFF60  }
0x26: {  	[tilespmem:s22], [sflag:$0xA] =	stream.linear.gather [hbm4b:s10+s4], $0xA0, $0x38;
	[tilespmem:$0x12020] =	vst v63  }
0x27: {  	_ =	swait.ge [sflag:s20], $0xA0  }
0x28: {  	[sflag:s20] =	ssyncset.done $0x0  }
0x29: {  	[sflag:s20] =	ssyncadd.s32 $0xFFFFFF60  }
0x2a: {  	[tilespmem:s24], [sflag:$0x4] =	stream.indirect.gather [hbm4b:s5+s23], $0x50, s4, s23, $0xb8;
	[tilespmem:$0x12020] =	vst v63  }
0x2b: {  	s11 =	simm.s32 $0x4DD0  }
0x2c: {  	[tilespmem:s11], [sflag:$0x4] =	stream.indirect.gather [hbm4b:s6+s23], $0x10, s23, s23, $0xb8;
	[tilespmem:$0x12020] =	vst v63  }
0x2d: {  	_ = 	snop  }
0x2e: {  	[tilespmem:s26], [sflag:$0x5] =	stream.indirect.gather [hbm4b:s5+s23], $0x50, s22, s23, $0xb8;
	[tilespmem:$0x12020] =	vst v63  }
0x2f: {  	s25 =	simm.s32 $0x52D0;
	s20 =	simm.s32 $0xF0  }
0x30: {  	[tilespmem:s25], [sflag:$0x5] =	stream.indirect.gather [hbm4b:s6+s23], $0x10, s20, s23, $0xb8;
	[tilespmem:$0x12020] =	vst v63  }
0x31: {  	s28 =	rddreg [dreg:$0x8]  }
0x32: {  	[tilespmem:s30], [sflag:$0x3] =	stream.linear.gather [hbm4b:s28+s4], $0xA0, $0x38;
	[tilespmem:$0x12020] =	vst v63  }
0x33: {  	_ =	swait.ge [sflag:s31], $0x1900  }
0x34: {  	[sflag:s31] =	ssyncset.done $0x0  }
0x35: {  	[sflag:s31] =	ssyncadd.s32 $0xFFFFE700  }
0x36: {  	_ =	swait.ge [sflag:s31], $0x500  }
0x37: {  	[sflag:s31] =	ssyncset.done $0x0  }
0x38: {  	[sflag:s31] =	ssyncadd.s32 $0xFFFFFB00  }
0x39: {  	v0 =	vld [tilespmem:$0x50]  }
0x3a: {  	v1 =	vld [tilespmem:$0x60]  }
0x3b: {  	v2 =	vld [tilespmem:$0x70]  }
0x3c: {  	v3 =	vld [tilespmem:$0x80]  }
0x3d: {  	v4 =	vld [tilespmem:$0x90]  }
0x3e: {  	[tilespmem:$0x1E0] =	vst v0  }
0x3f: {  	[tilespmem:$0x1F0] =	vst v1  }
0x40: {  	[tilespmem:$0x200] =	vst v2  }
0x41: {  	[tilespmem:$0x210] =	vst v3  }
0x42: {  	s7 =	simm.s32 $0x2F0;
	s29 =	rddreg [dreg:$0x9];
	[tilespmem:$0x220] =	vst v4  }
0x43: {  	[tilespmem:s4], [sflag:$0x1] =	stream.linear.gather [hbm4b:s29+s4], $0xA0, $0x38;
	[tilespmem:$0x12020] =	vst v63  }
0x44: {  	s10 =	simm.s32 $0x2F0;
	s25 =	simm.s32 $0x0;
	s20 =	simm.s32 $0x40;
	v0 =	vld [tilespmem:s7+$0x20]  }
.LBB2_2:
0x45: {  	p0 =	sne.s32 s20, $0x13C0;
	v1 =	vld [tilespmem:s25+$0x4DD0];
	_ =	sdelay $0x4  }
0x46: {  	v0 =	vadd.f32 v1, v0;
	_ =	sdelay $0x1  }
0x47: {  	v1 =	vmul.f32 $2.000000030e-01, v0  }
0x48: {  	vm1 =	vge.f32 v0, $0.0e+00  }
0x49: {  	v0 =	vsel vm1, v0, v1  }
0x4a: {  	v0 =	vmul.f32 $1.442695020e+00, v0;
	_ =	sdelay $0x1  }
0x4b: {  	(erf) = vpow2.f32 v0;
	_ =	sdelay $0x4  }
0x4c: {  	v0 =	vld [tilespmem:s7+$0xFFFFFFF0]  }
0x4d: {  	v1 =	vld [tilespmem:s7+$0x10]  }
0x4e: {  	v2 =	vld [tilespmem:s7+$0x0]  }
0x4f: {  	v3 =	vld [tilespmem:s7+$0xFFFFFFE0]  }
0x50: {  	v4 =	vpop (erf)  }
0x51: {  	v5 =	vnsel vm0, $0x0, v4;
	v4 =	vbroadcast v4, $0x0  }
0x52: {  	[tilespmem:s7+$0x20] =	vst v5  }
0x53: {  	v2 =	vmul.f32 v4, v2;
	v1 =	vmul.f32 v1, v4  }
.Ltmp0:
0x54: {  	v0 =	vmul.f32 v4, v0;
	v3 =	vmul.f32 v4, v3;
	(pc) =	sbr.rel @p0 .LBB2_2-.Ltmp0, $4  }
0x55: {  	[tilespmem:s7+$0x10] =	vst v1  }
0x56: {  	[tilespmem:s7+$0x0] =	vst v2  }
0x57: {  	s7 =	sadd.s32 $0x50, s7;
	[tilespmem:s10+$0xFFFFFFF0] =	vst v0  }
0x58: {  	s25 =	sshra.s32 s20, $0x2;
	s20 =	sadd.s32 $0x40, s20;
	v0 =	vld [tilespmem:s7+$0x20];
	[tilespmem:s10+$0xFFFFFFE0] =	vst v3;
	s10 =	smov.u32 s7  }
0x59: {  	v1 =	vld [tilespmem:s25+$0x4DD0];
	_ =	sdelay $0x4  }
0x5a: {  	v0 =	vadd.f32 v1, v0;
	_ =	sdelay $0x1  }
0x5b: {  	v1 =	vmul.f32 $2.000000030e-01, v0  }
0x5c: {  	vm1 =	vge.f32 v0, $0.0e+00  }
0x5d: {  	v0 =	vsel vm1, v0, v1  }
0x5e: {  	v0 =	vmul.f32 $1.442695020e+00, v0;
	_ =	sdelay $0x1  }
0x5f: {  	(erf) = vpow2.f32 v0;
	_ =	sdelay $0x6  }
0x60: {  	v0 =	vld [tilespmem:s7+$0x10]  }
0x61: {  	v1 =	vld [tilespmem:s7+$0x0]  }
0x62: {  	v2 =	vld [tilespmem:s7+$0xFFFFFFF0];
	v3 =	vpop (erf)  }
0x63: {  	v4 =	vld [tilespmem:s7+$0xFFFFFFE0];
	v5 =	vbroadcast v3, $0x0;
	_ =	sdelay $0x1  }
0x64: {  	v3 =	vnsel vm0, $0x0, v3;
	v0 =	vmul.f32 v0, v5  }
0x65: {  	[tilespmem:s7+$0x20] =	vst v3;
	v1 =	vmul.f32 v5, v1  }
0x66: {  	v2 =	vmul.f32 v5, v2;
	[tilespmem:s7+$0x10] =	vst v0  }
0x67: {  	v0 =	vmul.f32 v5, v4;
	[tilespmem:s7+$0x0] =	vst v1  }
0x68: {  	[tilespmem:s10+$0xFFFFFFF0] =	vst v2  }
0x69: {  	[tilespmem:s10+$0xFFFFFFE0] =	vst v0  }
0x6a: {  	_ =	swait.ge [sflag:s0], $0xA0  }
0x6b: {  	[sflag:s0] =	ssyncset.done $0x0  }
0x6c: {  	[sflag:s0] =	ssyncadd.s32 $0xFFFFFF60  }
0x6d: {  	[tilespmem:s1], [sflag:$0x6] =	stream.indirect.gather [hbm4b:s5+s23], $0x50, s30, s23, $0xb8;
	[tilespmem:$0x12020] =	vst v63  }
0x6e: {  	s11 =	simm.s32 $0x190;
	s20 =	simm.s32 $0x57D0  }
0x6f: {  	[tilespmem:s20], [sflag:$0x6] =	stream.indirect.gather [hbm4b:s6+s23], $0x10, s11, s23, $0xb8;
	[tilespmem:$0x12020] =	vst v63  }
0x70: {  	s25 =	simm.s32 $0x1E0  }
0x71: {  	[spmem:s3] =	stream.indirect.scatter.add.f32 [tilespmem:s24], [sflag:$0x7], $0x50, s25, s23, $0xb8;
	[tilespmem:$0x12020] =	vst v63  }
0x72: {  	_ =	swait.ge [sflag:s12], $0x1900  }
0x73: {  	[sflag:s12] =	ssyncset.done $0x0  }
0x74: {  	[sflag:s12] =	ssyncadd.s32 $0xFFFFE700  }
0x75: {  	_ =	swait.ge [sflag:s12], $0x500  }
0x76: {  	[sflag:s12] =	ssyncset.done $0x0  }
0x77: {  	[sflag:s12] =	ssyncadd.s32 $0xFFFFFB00  }
0x78: {  	v0 =	vld [tilespmem:$0xF0]  }
0x79: {  	v1 =	vld [tilespmem:$0x100]  }
0x7a: {  	v2 =	vld [tilespmem:$0x110]  }
0x7b: {  	v3 =	vld [tilespmem:$0x120]  }
0x7c: {  	v63 =	vld [tilespmem:$0x130]  }
0x7d: {  	[tilespmem:$0x230] =	vst v0  }
0x7e: {  	[tilespmem:$0x240] =	vst v1  }
0x7f: {  	[tilespmem:$0x250] =	vst v2  }
0x80: {  	[tilespmem:$0x260] =	vst v3  }
0x81: {  	s28 =	simm.s32 $0x0;
	s7 =	simm.s32 $0x1BF0;
	s29 =	rddreg [dreg:$0xa];
	[tilespmem:$0x270] =	vst v63  }
0x82: {  	[tilespmem:s22], [sflag:$0x2] =	stream.linear.gather [hbm4b:s29+s28], $0xA0, $0x38;
	[tilespmem:$0x12020] =	vst v63  }
0x83: {  	s10 =	simm.s32 $0x1BF0;
	s20 =	simm.s32 $0x40;
	s25 =	simm.s32 $0x0;
	v0 =	vld [tilespmem:s7+$0x20]  }
.LBB2_4:
0x84: {  	p0 =	sne.s32 s20, $0x13C0;
	v1 =	vld [tilespmem:s25+$0x52D0];
	_ =	sdelay $0x4  }
0x85: {  	v0 =	vadd.f32 v1, v0;
	_ =	sdelay $0x1  }
0x86: {  	v1 =	vmul.f32 $2.000000030e-01, v0  }
0x87: {  	vm1 =	vge.f32 v0, $0.0e+00  }
0x88: {  	v0 =	vsel vm1, v0, v1  }
0x89: {  	v0 =	vmul.f32 $1.442695020e+00, v0;
	_ =	sdelay $0x1  }
0x8a: {  	(erf) = vpow2.f32 v0;
	_ =	sdelay $0x4  }
0x8b: {  	v0 =	vld [tilespmem:s7+$0xFFFFFFF0]  }
0x8c: {  	v1 =	vld [tilespmem:s7+$0x10]  }
0x8d: {  	v2 =	vld [tilespmem:s7+$0x0]  }
0x8e: {  	v3 =	vld [tilespmem:s7+$0xFFFFFFE0]  }
0x8f: {  	v4 =	vpop (erf)  }
0x90: {  	v5 =	vnsel vm0, $0x0, v4;
	v4 =	vbroadcast v4, $0x0  }
0x91: {  	[tilespmem:s7+$0x20] =	vst v5  }
0x92: {  	v2 =	vmul.f32 v4, v2;
	v1 =	vmul.f32 v1, v4  }
.Ltmp1:
0x93: {  	v0 =	vmul.f32 v4, v0;
	v3 =	vmul.f32 v4, v3;
	(pc) =	sbr.rel @p0 .LBB2_4-.Ltmp1, $4  }
0x94: {  	[tilespmem:s7+$0x10] =	vst v1  }
0x95: {  	[tilespmem:s7+$0x0] =	vst v2  }
0x96: {  	s7 =	sadd.s32 $0x50, s7;
	[tilespmem:s10+$0xFFFFFFF0] =	vst v0  }
0x97: {  	s25 =	sshra.s32 s20, $0x2;
	s20 =	sadd.s32 $0x40, s20;
	v0 =	vld [tilespmem:s7+$0x20];
	[tilespmem:s10+$0xFFFFFFE0] =	vst v3;
	s10 =	smov.u32 s7  }
0x98: {  	v1 =	vld [tilespmem:s25+$0x52D0];
	_ =	sdelay $0x4  }
0x99: {  	v0 =	vadd.f32 v1, v0;
	_ =	sdelay $0x1  }
0x9a: {  	v1 =	vmul.f32 $2.000000030e-01, v0  }
0x9b: {  	vm1 =	vge.f32 v0, $0.0e+00  }
0x9c: {  	v0 =	vsel vm1, v0, v1  }
0x9d: {  	v0 =	vmul.f32 $1.442695020e+00, v0;
	_ =	sdelay $0x1  }
0x9e: {  	(erf) = vpow2.f32 v0;
	_ =	sdelay $0x6  }
0x9f: {  	v0 =	vld [tilespmem:s7+$0x10]  }
0xa0: {  	v1 =	vld [tilespmem:s7+$0x0]  }
0xa1: {  	v2 =	vld [tilespmem:s7+$0xFFFFFFF0];
	v3 =	vpop (erf)  }
0xa2: {  	v4 =	vld [tilespmem:s7+$0xFFFFFFE0];
	v5 =	vbroadcast v3, $0x0;
	_ =	sdelay $0x1  }
0xa3: {  	v3 =	vnsel vm0, $0x0, v3;
	v0 =	vmul.f32 v0, v5  }
0xa4: {  	[tilespmem:s7+$0x20] =	vst v3;
	v1 =	vmul.f32 v5, v1  }
0xa5: {  	v2 =	vmul.f32 v5, v2;
	[tilespmem:s7+$0x10] =	vst v0  }
0xa6: {  	v0 =	vmul.f32 v5, v4;
	[tilespmem:s7+$0x0] =	vst v1  }
0xa7: {  	[tilespmem:s10+$0xFFFFFFF0] =	vst v2  }
0xa8: {  	[tilespmem:s10+$0xFFFFFFE0] =	vst v0  }
0xa9: {  	_ =	swait.ge [sflag:s13], $0x1900  }
0xaa: {  	[sflag:s13] =	ssyncset.done $0x0  }
0xab: {  	[sflag:s13] =	ssyncadd.s32 $0xFFFFE700  }
0xac: {  	_ =	swait.ge [sflag:s14], $0xA0  }
0xad: {  	[sflag:s14] =	ssyncset.done $0x0  }
0xae: {  	s25 =	simm.s32 $0x0;
	[sflag:s14] =	ssyncadd.s32 $0xFFFFFF60  }
0xaf: {  	[tilespmem:s24], [sflag:$0x4] =	stream.indirect.gather [hbm4b:s5+s23], $0x50, s25, s23, $0xb8;
	[tilespmem:$0x12020] =	vst v63  }
0xb0: {  	s28 =	simm.s32 $0x4DD0  }
0xb1: {  	[tilespmem:s28], [sflag:$0x4] =	stream.indirect.gather [hbm4b:s6+s23], $0x10, s23, s23, $0xb8;
	[tilespmem:$0x12020] =	vst v63  }
0xb2: {  	_ = 	snop  }
0xb3: {  	[spmem:s3] =	stream.indirect.scatter.add.f32 [tilespmem:s26], [sflag:$0x8], $0x50, s18, s23, $0xb8;
	[tilespmem:$0x12020] =	vst v63  }
0xb4: {  	_ =	swait.ge [sflag:s19], $0x1900  }
0xb5: {  	[sflag:s19] =	ssyncset.done $0x0  }
0xb6: {  	[sflag:s19] =	ssyncadd.s32 $0xFFFFE700  }
0xb7: {  	_ =	swait.ge [sflag:s19], $0x500  }
0xb8: {  	[sflag:s19] =	ssyncset.done $0x0  }
0xb9: {  	[sflag:s19] =	ssyncadd.s32 $0xFFFFFB00  }
0xba: {  	v0 =	vld [tilespmem:$0x190]  }
0xbb: {  	v1 =	vld [tilespmem:$0x1A0]  }
0xbc: {  	v2 =	vld [tilespmem:$0x1B0]  }
0xbd: {  	v3 =	vld [tilespmem:$0x1C0]  }
0xbe: {  	v63 =	vld [tilespmem:$0x1D0]  }
0xbf: {  	[tilespmem:$0x280] =	vst v0  }
0xc0: {  	[tilespmem:$0x290] =	vst v1  }
0xc1: {  	[tilespmem:$0x2A0] =	vst v2  }
0xc2: {  	[tilespmem:$0x2B0] =	vst v3  }
0xc3: {  	s7 =	simm.s32 $0x34F0;
	s29 =	rddreg [dreg:$0xb];
	[tilespmem:$0x2C0] =	vst v63  }
0xc4: {  	[tilespmem:s30], [sflag:$0x3] =	stream.linear.gather [hbm4b:s29+s25], $0xA0, $0x38;
	[tilespmem:$0x12020] =	vst v63  }
0xc5: {  	s20 =	simm.s32 $0x40;
	s10 =	simm.s32 $0x34F0;
	s25 =	simm.s32 $0x0;
	v0 =	vld [tilespmem:s7+$0x20]  }
.LBB2_6:
0xc6: {  	p0 =	sne.s32 s20, $0x13C0;
	v1 =	vld [tilespmem:s25+$0x57D0];
	_ =	sdelay $0x4  }
0xc7: {  	v0 =	vadd.f32 v1, v0;
	_ =	sdelay $0x1  }
0xc8: {  	v1 =	vmul.f32 $2.000000030e-01, v0  }
0xc9: {  	vm1 =	vge.f32 v0, $0.0e+00  }
0xca: {  	v0 =	vsel vm1, v0, v1  }
0xcb: {  	v0 =	vmul.f32 $1.442695020e+00, v0;
	_ =	sdelay $0x1  }
0xcc: {  	(erf) = vpow2.f32 v0;
	_ =	sdelay $0x4  }
0xcd: {  	v0 =	vld [tilespmem:s7+$0xFFFFFFF0]  }
0xce: {  	v1 =	vld [tilespmem:s7+$0x10]  }
0xcf: {  	v2 =	vld [tilespmem:s7+$0x0]  }
0xd0: {  	v3 =	vld [tilespmem:s7+$0xFFFFFFE0]  }
0xd1: {  	v4 =	vpop (erf)  }
0xd2: {  	v5 =	vnsel vm0, $0x0, v4;
	v4 =	vbroadcast v4, $0x0  }
0xd3: {  	[tilespmem:s7+$0x20] =	vst v5  }
0xd4: {  	v2 =	vmul.f32 v4, v2;
	v1 =	vmul.f32 v1, v4  }
.Ltmp2:
0xd5: {  	v0 =	vmul.f32 v4, v0;
	v3 =	vmul.f32 v4, v3;
	(pc) =	sbr.rel @p0 .LBB2_6-.Ltmp2, $4  }
0xd6: {  	[tilespmem:s7+$0x10] =	vst v1  }
0xd7: {  	[tilespmem:s7+$0x0] =	vst v2  }
0xd8: {  	s7 =	sadd.s32 $0x50, s7;
	[tilespmem:s10+$0xFFFFFFF0] =	vst v0  }
0xd9: {  	s25 =	sshra.s32 s20, $0x2;
	s20 =	sadd.s32 $0x40, s20;
	v0 =	vld [tilespmem:s7+$0x20];
	[tilespmem:s10+$0xFFFFFFE0] =	vst v3;
	s10 =	smov.u32 s7  }
0xda: {  	v1 =	vld [tilespmem:s25+$0x57D0];
	_ =	sdelay $0x4  }
0xdb: {  	v0 =	vadd.f32 v1, v0;
	_ =	sdelay $0x1  }
0xdc: {  	v1 =	vmul.f32 $2.000000030e-01, v0  }
0xdd: {  	vm1 =	vge.f32 v0, $0.0e+00  }
0xde: {  	v0 =	vsel vm1, v0, v1  }
0xdf: {  	v0 =	vmul.f32 $1.442695020e+00, v0;
	_ =	sdelay $0x1  }
0xe0: {  	(erf) = vpow2.f32 v0;
	_ =	sdelay $0x6  }
0xe1: {  	v61 =	vld [tilespmem:s7+$0x10]  }
0xe2: {  	v62 =	vld [tilespmem:s7+$0x0]  }
0xe3: {  	v2 =	vld [tilespmem:s7+$0xFFFFFFF0];
	v3 =	vpop (erf)  }
0xe4: {  	v4 =	vld [tilespmem:s7+$0xFFFFFFE0];
	v5 =	vbroadcast v3, $0x0;
	_ =	sdelay $0x1  }
0xe5: {  	v3 =	vnsel vm0, $0x0, v3;
	v0 =	vmul.f32 v61, v5  }
0xe6: {  	[tilespmem:s7+$0x20] =	vst v3;
	v1 =	vmul.f32 v5, v62  }
0xe7: {  	v2 =	vmul.f32 v5, v2;
	[tilespmem:s7+$0x10] =	vst v0  }
0xe8: {  	v63 =	vmul.f32 v5, v4;
	[tilespmem:s7+$0x0] =	vst v1  }
0xe9: {  	[tilespmem:s10+$0xFFFFFFF0] =	vst v2  }
0xea: {  	[tilespmem:s10+$0xFFFFFFE0] =	vst v63  }
0xeb: {  	_ =	swait.ge [sflag:s9], $0x1900  }
0xec: {  	[sflag:s9] =	ssyncset.done $0x0  }
0xed: {  	[sflag:s9] =	ssyncadd.s32 $0xFFFFE700  }
0xee: {  	_ =	swait.ge [sflag:s8], $0xA0  }
0xef: {  	[sflag:s8] =	ssyncset.done $0x0  }
0xf0: {  	[sflag:s8] =	ssyncadd.s32 $0xFFFFFF60  }
0xf1: {  	[tilespmem:s26], [sflag:$0x5] =	stream.indirect.gather [hbm4b:s5+s23], $0x50, s22, s23, $0xb8;
	[tilespmem:$0x12020] =	vst v63  }
0xf2: {  	s25 =	simm.s32 $0xF0;
	s28 =	simm.s32 $0x52D0  }
0xf3: {  	[tilespmem:s28], [sflag:$0x5] =	stream.indirect.gather [hbm4b:s6+s23], $0x10, s25, s23, $0xb8;
	[tilespmem:$0x12020] =	vst v63  }
0xf4: {  	s29 =	simm.s32 $0x280;
	s7 =	simm.s32 $0x0;
	s10 =	simm.s32 $0x0  }
0xf5: {  	[spmem:s3] =	stream.indirect.scatter.add.f32 [tilespmem:s1], [sflag:$0x9], $0x50, s29, s23, $0xb8;
	[tilespmem:$0x12020] =	vst v63  }
.LBB2_8:
0xf6: {  	_ =	swait.ge [sflag:s31], $0x1900  }
0xf7: {  	[sflag:s31] =	ssyncset.done $0x0  }
0xf8: {  	[sflag:s31] =	ssyncadd.s32 $0xFFFFE700  }
0xf9: {  	_ =	swait.ge [sflag:s31], $0x500  }
0xfa: {  	[sflag:s31] =	ssyncset.done $0x0  }
0xfb: {  	[sflag:s31] =	ssyncadd.s32 $0xFFFFFB00  }
0xfc: {  	v0 =	vld [tilespmem:$0x50]  }
0xfd: {  	v1 =	vld [tilespmem:$0x60]  }
0xfe: {  	v2 =	vld [tilespmem:$0x70]  }
0xff: {  	v3 =	vld [tilespmem:$0x80]  }
0x100: {  	v4 =	vld [tilespmem:$0x90]  }
0x101: {  	s20 =	smul.u32 $0x1E0, s10;
	[tilespmem:$0x1E0] =	vst v0  }
0x102: {  	[tilespmem:$0x1F0] =	vst v1  }
0x103: {  	s11 =	sadd.s32 s20, s15;
	[tilespmem:$0x200] =	vst v2  }
0x104: {  	s11 =	sshrl.u32 s11, $0x3;
	[tilespmem:$0x210] =	vst v3  }
0x105: {  	s25 =	simm.s32 $0x2F0;
	s11 =	sadd.s32 s2, s11;
	[tilespmem:$0x220] =	vst v4  }
0x106: {  	[tilespmem:s7], [sflag:$0x1] =	stream.linear.gather [hbm4b:s11+s7], $0xA0, $0x38;
	[tilespmem:$0x12020] =	vst v63  }
0x107: {  	s29 =	simm.s32 $0x40;
	s28 =	simm.s32 $0x2F0;
	s11 =	simm.s32 $0x0;
	v0 =	vld [tilespmem:s25+$0x20]  }
.LBB2_9:
0x108: {  	p0 =	sne.s32 s29, $0x13C0;
	v1 =	vld [tilespmem:s11+$0x4DD0];
	_ =	sdelay $0x4  }
0x109: {  	v0 =	vadd.f32 v1, v0;
	_ =	sdelay $0x1  }
0x10a: {  	v1 =	vmul.f32 $2.000000030e-01, v0  }
0x10b: {  	vm1 =	vge.f32 v0, $0.0e+00  }
0x10c: {  	v0 =	vsel vm1, v0, v1  }
0x10d: {  	v0 =	vmul.f32 $1.442695020e+00, v0;
	_ =	sdelay $0x1  }
0x10e: {  	(erf) = vpow2.f32 v0;
	_ =	sdelay $0x4  }
0x10f: {  	v0 =	vld [tilespmem:s25+$0xFFFFFFF0]  }
0x110: {  	v1 =	vld [tilespmem:s25+$0x10]  }
0x111: {  	v2 =	vld [tilespmem:s25+$0x0]  }
0x112: {  	v3 =	vld [tilespmem:s25+$0xFFFFFFE0]  }
0x113: {  	v4 =	vpop (erf)  }
0x114: {  	v5 =	vnsel vm0, $0x0, v4;
	v4 =	vbroadcast v4, $0x0  }
0x115: {  	[tilespmem:s25+$0x20] =	vst v5  }
0x116: {  	v2 =	vmul.f32 v4, v2;
	v1 =	vmul.f32 v1, v4  }
.Ltmp3:
0x117: {  	v0 =	vmul.f32 v4, v0;
	v3 =	vmul.f32 v4, v3;
	(pc) =	sbr.rel @p0 .LBB2_9-.Ltmp3, $4  }
0x118: {  	[tilespmem:s25+$0x10] =	vst v1  }
0x119: {  	[tilespmem:s25+$0x0] =	vst v2  }
0x11a: {  	s25 =	sadd.s32 $0x50, s25;
	[tilespmem:s28+$0xFFFFFFF0] =	vst v0  }
0x11b: {  	s11 =	sshra.s32 s29, $0x2;
	s29 =	sadd.s32 $0x40, s29;
	v0 =	vld [tilespmem:s25+$0x20];
	[tilespmem:s28+$0xFFFFFFE0] =	vst v3;
	s28 =	smov.u32 s25  }
0x11c: {  	v1 =	vld [tilespmem:s11+$0x4DD0];
	_ =	sdelay $0x4  }
0x11d: {  	v0 =	vadd.f32 v1, v0;
	_ =	sdelay $0x1  }
0x11e: {  	v1 =	vmul.f32 $2.000000030e-01, v0  }
0x11f: {  	vm1 =	vge.f32 v0, $0.0e+00  }
0x120: {  	v0 =	vsel vm1, v0, v1  }
0x121: {  	v0 =	vmul.f32 $1.442695020e+00, v0;
	_ =	sdelay $0x1  }
0x122: {  	(erf) = vpow2.f32 v0;
	_ =	sdelay $0x6  }
0x123: {  	v0 =	vld [tilespmem:s25+$0x10]  }
0x124: {  	v1 =	vld [tilespmem:s25+$0x0]  }
0x125: {  	v2 =	vld [tilespmem:s25+$0xFFFFFFF0];
	v3 =	vpop (erf)  }
0x126: {  	v4 =	vld [tilespmem:s25+$0xFFFFFFE0];
	v5 =	vbroadcast v3, $0x0;
	_ =	sdelay $0x1  }
0x127: {  	v3 =	vnsel vm0, $0x0, v3;
	v0 =	vmul.f32 v0, v5  }
0x128: {  	[tilespmem:s25+$0x20] =	vst v3;
	v1 =	vmul.f32 v5, v1  }
0x129: {  	v2 =	vmul.f32 v5, v2;
	[tilespmem:s25+$0x10] =	vst v0  }
0x12a: {  	v0 =	vmul.f32 v5, v4;
	[tilespmem:s25+$0x0] =	vst v1  }
0x12b: {  	[tilespmem:s28+$0xFFFFFFF0] =	vst v2  }
0x12c: {  	[tilespmem:s28+$0xFFFFFFE0] =	vst v0  }
0x12d: {  	_ =	swait.ge [sflag:s21], $0x1900  }
0x12e: {  	[sflag:s21] =	ssyncset.done $0x0  }
0x12f: {  	[sflag:s21] =	ssyncadd.s32 $0xFFFFE700  }
0x130: {  	_ =	swait.ge [sflag:s0], $0xA0  }
0x131: {  	[sflag:s0] =	ssyncset.done $0x0  }
0x132: {  	[sflag:s0] =	ssyncadd.s32 $0xFFFFFF60  }
0x133: {  	[tilespmem:s1], [sflag:$0x6] =	stream.indirect.gather [hbm4b:s5+s23], $0x50, s30, s23, $0xb8;
	[tilespmem:$0x12020] =	vst v63  }
0x134: {  	s11 =	simm.s32 $0x190;
	s25 =	simm.s32 $0x57D0  }
0x135: {  	[tilespmem:s25], [sflag:$0x6] =	stream.indirect.gather [hbm4b:s6+s23], $0x10, s11, s23, $0xb8;
	[tilespmem:$0x12020] =	vst v63  }
0x136: {  	s25 =	simm.s32 $0x1E0  }
0x137: {  	[spmem:s3] =	stream.indirect.scatter.add.f32 [tilespmem:s24], [sflag:$0x7], $0x50, s25, s23, $0xb8;
	[tilespmem:$0x12020] =	vst v63  }
0x138: {  	_ =	swait.ge [sflag:s12], $0x1900  }
0x139: {  	[sflag:s12] =	ssyncset.done $0x0  }
0x13a: {  	[sflag:s12] =	ssyncadd.s32 $0xFFFFE700  }
0x13b: {  	_ =	swait.ge [sflag:s12], $0x500  }
0x13c: {  	[sflag:s12] =	ssyncset.done $0x0  }
0x13d: {  	[sflag:s12] =	ssyncadd.s32 $0xFFFFFB00  }
0x13e: {  	v0 =	vld [tilespmem:$0xF0]  }
0x13f: {  	v1 =	vld [tilespmem:$0x100]  }
0x140: {  	v2 =	vld [tilespmem:$0x110]  }
0x141: {  	v3 =	vld [tilespmem:$0x120]  }
0x142: {  	v63 =	vld [tilespmem:$0x130]  }
0x143: {  	[tilespmem:$0x230] =	vst v0  }
0x144: {  	[tilespmem:$0x240] =	vst v1  }
0x145: {  	s25 =	sadd.s32 s20, s16;
	[tilespmem:$0x250] =	vst v2  }
0x146: {  	s11 =	sshrl.u32 s25, $0x3;
	[tilespmem:$0x260] =	vst v3  }
0x147: {  	s25 =	simm.s32 $0x0;
	s11 =	sadd.s32 s2, s11;
	[tilespmem:$0x270] =	vst v63  }
0x148: {  	[tilespmem:s22], [sflag:$0x2] =	stream.linear.gather [hbm4b:s11+s25], $0xA0, $0x38;
	[tilespmem:$0x12020] =	vst v63  }
0x149: {  	s25 =	simm.s32 $0x1BF0  }
0x14a: {  	s29 =	simm.s32 $0x40;
	s28 =	simm.s32 $0x1BF0;
	s11 =	simm.s32 $0x0;
	v0 =	vld [tilespmem:s25+$0x20]  }
.LBB2_11:
0x14b: {  	p0 =	sne.s32 s29, $0x13C0;
	v1 =	vld [tilespmem:s11+$0x52D0];
	_ =	sdelay $0x4  }
0x14c: {  	v0 =	vadd.f32 v1, v0;
	_ =	sdelay $0x1  }
0x14d: {  	v1 =	vmul.f32 $2.000000030e-01, v0  }
0x14e: {  	vm1 =	vge.f32 v0, $0.0e+00  }
0x14f: {  	v0 =	vsel vm1, v0, v1  }
0x150: {  	v0 =	vmul.f32 $1.442695020e+00, v0;
	_ =	sdelay $0x1  }
0x151: {  	(erf) = vpow2.f32 v0;
	_ =	sdelay $0x4  }
0x152: {  	v0 =	vld [tilespmem:s25+$0xFFFFFFF0]  }
0x153: {  	v1 =	vld [tilespmem:s25+$0x10]  }
0x154: {  	v2 =	vld [tilespmem:s25+$0x0]  }
0x155: {  	v3 =	vld [tilespmem:s25+$0xFFFFFFE0]  }
0x156: {  	v4 =	vpop (erf)  }
0x157: {  	v5 =	vnsel vm0, $0x0, v4;
	v4 =	vbroadcast v4, $0x0  }
0x158: {  	[tilespmem:s25+$0x20] =	vst v5  }
0x159: {  	v2 =	vmul.f32 v4, v2;
	v1 =	vmul.f32 v1, v4  }
.Ltmp4:
0x15a: {  	v0 =	vmul.f32 v4, v0;
	v3 =	vmul.f32 v4, v3;
	(pc) =	sbr.rel @p0 .LBB2_11-.Ltmp4, $4  }
0x15b: {  	[tilespmem:s25+$0x10] =	vst v1  }
0x15c: {  	[tilespmem:s25+$0x0] =	vst v2  }
0x15d: {  	s25 =	sadd.s32 $0x50, s25;
	[tilespmem:s28+$0xFFFFFFF0] =	vst v0  }
0x15e: {  	s11 =	sshra.s32 s29, $0x2;
	s29 =	sadd.s32 $0x40, s29;
	v0 =	vld [tilespmem:s25+$0x20];
	[tilespmem:s28+$0xFFFFFFE0] =	vst v3;
	s28 =	smov.u32 s25  }
0x15f: {  	v1 =	vld [tilespmem:s11+$0x52D0];
	_ =	sdelay $0x4  }
0x160: {  	v0 =	vadd.f32 v1, v0;
	_ =	sdelay $0x1  }
0x161: {  	v1 =	vmul.f32 $2.000000030e-01, v0  }
0x162: {  	vm1 =	vge.f32 v0, $0.0e+00  }
0x163: {  	v0 =	vsel vm1, v0, v1  }
0x164: {  	v0 =	vmul.f32 $1.442695020e+00, v0;
	_ =	sdelay $0x1  }
0x165: {  	(erf) = vpow2.f32 v0;
	_ =	sdelay $0x6  }
0x166: {  	v0 =	vld [tilespmem:s25+$0x10]  }
0x167: {  	v1 =	vld [tilespmem:s25+$0x0]  }
0x168: {  	v2 =	vld [tilespmem:s25+$0xFFFFFFF0];
	v3 =	vpop (erf)  }
0x169: {  	v4 =	vld [tilespmem:s25+$0xFFFFFFE0];
	v5 =	vbroadcast v3, $0x0;
	_ =	sdelay $0x1  }
0x16a: {  	v3 =	vnsel vm0, $0x0, v3;
	v0 =	vmul.f32 v0, v5  }
0x16b: {  	[tilespmem:s25+$0x20] =	vst v3;
	v1 =	vmul.f32 v5, v1  }
0x16c: {  	v2 =	vmul.f32 v5, v2;
	[tilespmem:s25+$0x10] =	vst v0  }
0x16d: {  	v0 =	vmul.f32 v5, v4;
	[tilespmem:s25+$0x0] =	vst v1  }
0x16e: {  	[tilespmem:s28+$0xFFFFFFF0] =	vst v2  }
0x16f: {  	[tilespmem:s28+$0xFFFFFFE0] =	vst v0  }
0x170: {  	_ =	swait.ge [sflag:s13], $0x1900  }
0x171: {  	[sflag:s13] =	ssyncset.done $0x0  }
0x172: {  	[sflag:s13] =	ssyncadd.s32 $0xFFFFE700  }
0x173: {  	_ =	swait.ge [sflag:s14], $0xA0  }
0x174: {  	[sflag:s14] =	ssyncset.done $0x0  }
0x175: {  	[sflag:s14] =	ssyncadd.s32 $0xFFFFFF60  }
0x176: {  	[tilespmem:s24], [sflag:$0x4] =	stream.indirect.gather [hbm4b:s5+s23], $0x50, s4, s23, $0xb8;
	[tilespmem:$0x12020] =	vst v63  }
0x177: {  	s29 =	simm.s32 $0x4DD0  }
0x178: {  	[tilespmem:s29], [sflag:$0x4] =	stream.indirect.gather [hbm4b:s6+s23], $0x10, s23, s23, $0xb8;
	[tilespmem:$0x12020] =	vst v63  }
0x179: {  	_ = 	snop  }
0x17a: {  	[spmem:s3] =	stream.indirect.scatter.add.f32 [tilespmem:s26], [sflag:$0x8], $0x50, s18, s23, $0xb8;
	[tilespmem:$0x12020] =	vst v63  }
0x17b: {  	_ =	swait.ge [sflag:s19], $0x1900  }
0x17c: {  	[sflag:s19] =	ssyncset.done $0x0  }
0x17d: {  	[sflag:s19] =	ssyncadd.s32 $0xFFFFE700  }
0x17e: {  	_ =	swait.ge [sflag:s19], $0x500  }
0x17f: {  	[sflag:s19] =	ssyncset.done $0x0  }
0x180: {  	[sflag:s19] =	ssyncadd.s32 $0xFFFFFB00  }
0x181: {  	v0 =	vld [tilespmem:$0x190]  }
0x182: {  	v1 =	vld [tilespmem:$0x1A0]  }
0x183: {  	v2 =	vld [tilespmem:$0x1B0]  }
0x184: {  	v3 =	vld [tilespmem:$0x1C0]  }
0x185: {  	v63 =	vld [tilespmem:$0x1D0]  }
0x186: {  	[tilespmem:$0x280] =	vst v0  }
0x187: {  	p0 =	seq.s32 s10, $0x27;
	[tilespmem:$0x290] =	vst v1  }
0x188: {  	s11 =	sadd.s32 @!p0 s20, s17;
	[tilespmem:$0x2A0] =	vst v2  }
0x189: {  	s11 =	sshrl.u32 @!p0 s11, $0x3;
	[tilespmem:$0x2B0] =	vst v3  }
0x18a: {  	s20 =	simm.s32 @!p0 $0x0;
	s11 =	sadd.s32 @!p0 s2, s11;
	s25 =	simm.s32 @!p0 $0x140;
	[tilespmem:$0x2C0] =	vst v63  }
0x18b: {  	[tilespmem:s25], [sflag:$0x3] =	stream.linear.gather @!p0 [hbm4b:s11+s20], $0xA0, $0x38;
	[tilespmem:$0x12020] =	vst v63  }
0x18c: {  	s20 =	simm.s32 $0x34F0  }
0x18d: {  	s28 =	simm.s32 $0x40;
	s11 =	simm.s32 $0x0;
	s25 =	simm.s32 $0x34F0;
	v0 =	vld [tilespmem:s20+$0x20]  }
.LBB2_13:
0x18e: {  	p0 =	sne.s32 s28, $0x13C0;
	v1 =	vld [tilespmem:s11+$0x57D0];
	_ =	sdelay $0x4  }
0x18f: {  	v0 =	vadd.f32 v1, v0;
	_ =	sdelay $0x1  }
0x190: {  	v1 =	vmul.f32 $2.000000030e-01, v0  }
0x191: {  	vm1 =	vge.f32 v0, $0.0e+00  }
0x192: {  	v0 =	vsel vm1, v0, v1  }
0x193: {  	v0 =	vmul.f32 $1.442695020e+00, v0;
	_ =	sdelay $0x1  }
0x194: {  	(erf) = vpow2.f32 v0;
	_ =	sdelay $0x4  }
0x195: {  	v0 =	vld [tilespmem:s20+$0xFFFFFFF0]  }
0x196: {  	v1 =	vld [tilespmem:s20+$0x10]  }
0x197: {  	v2 =	vld [tilespmem:s20+$0x0]  }
0x198: {  	v3 =	vld [tilespmem:s20+$0xFFFFFFE0]  }
0x199: {  	v4 =	vpop (erf)  }
0x19a: {  	v5 =	vnsel vm0, $0x0, v4;
	v4 =	vbroadcast v4, $0x0  }
0x19b: {  	[tilespmem:s20+$0x20] =	vst v5  }
0x19c: {  	v2 =	vmul.f32 v4, v2;
	v1 =	vmul.f32 v1, v4  }
.Ltmp5:
0x19d: {  	v0 =	vmul.f32 v4, v0;
	v3 =	vmul.f32 v4, v3;
	(pc) =	sbr.rel @p0 .LBB2_13-.Ltmp5, $4  }
0x19e: {  	[tilespmem:s20+$0x10] =	vst v1  }
0x19f: {  	[tilespmem:s20+$0x0] =	vst v2  }
0x1a0: {  	s20 =	sadd.s32 $0x50, s20;
	[tilespmem:s25+$0xFFFFFFF0] =	vst v0  }
0x1a1: {  	s11 =	sshra.s32 s28, $0x2;
	s28 =	sadd.s32 $0x40, s28;
	v0 =	vld [tilespmem:s20+$0x20];
	[tilespmem:s25+$0xFFFFFFE0] =	vst v3;
	s25 =	smov.u32 s20  }
0x1a2: {  	v1 =	vld [tilespmem:s11+$0x57D0];
	_ =	sdelay $0x4  }
0x1a3: {  	v0 =	vadd.f32 v1, v0;
	_ =	sdelay $0x1  }
0x1a4: {  	v1 =	vmul.f32 $2.000000030e-01, v0  }
0x1a5: {  	vm1 =	vge.f32 v0, $0.0e+00  }
0x1a6: {  	v0 =	vsel vm1, v0, v1  }
0x1a7: {  	v0 =	vmul.f32 $1.442695020e+00, v0;
	_ =	sdelay $0x1  }
0x1a8: {  	(erf) = vpow2.f32 v0;
	_ =	sdelay $0x6  }
0x1a9: {  	v61 =	vld [tilespmem:s20+$0x10]  }
0x1aa: {  	v62 =	vld [tilespmem:s20+$0x0]  }
0x1ab: {  	v2 =	vld [tilespmem:s20+$0xFFFFFFF0];
	v3 =	vpop (erf)  }
0x1ac: {  	v4 =	vld [tilespmem:s20+$0xFFFFFFE0];
	v5 =	vbroadcast v3, $0x0;
	_ =	sdelay $0x1  }
0x1ad: {  	v3 =	vnsel vm0, $0x0, v3;
	v0 =	vmul.f32 v61, v5  }
0x1ae: {  	[tilespmem:s20+$0x20] =	vst v3;
	v1 =	vmul.f32 v5, v62  }
0x1af: {  	v2 =	vmul.f32 v5, v2;
	[tilespmem:s20+$0x10] =	vst v0  }
0x1b0: {  	v63 =	vmul.f32 v5, v4;
	[tilespmem:s20+$0x0] =	vst v1  }
0x1b1: {  	[tilespmem:s25+$0xFFFFFFF0] =	vst v2  }
0x1b2: {  	[tilespmem:s25+$0xFFFFFFE0] =	vst v63  }
0x1b3: {  	_ =	swait.ge [sflag:s9], $0x1900  }
0x1b4: {  	[sflag:s9] =	ssyncset.done $0x0  }
0x1b5: {  	[sflag:s9] =	ssyncadd.s32 $0xFFFFE700  }
0x1b6: {  	_ =	swait.ge [sflag:s8], $0xA0  }
0x1b7: {  	s10 =	sadd.s32 $0x1, s10;
	[sflag:s8] =	ssyncset.done $0x0  }
0x1b8: {  	p0 =	sne.s32 s10, $0x28;
	[sflag:s8] =	ssyncadd.s32 $0xFFFFFF60  }
0x1b9: {  	[tilespmem:s26], [sflag:$0x5] =	stream.indirect.gather [hbm4b:s5+s23], $0x50, s22, s23, $0xb8;
	[tilespmem:$0x12020] =	vst v63  }
.Ltmp6:
0x1ba: {  	_ = 	snop;
	(pc) =	sbr.rel @p0 .LBB2_8-.Ltmp6, $4  }
0x1bb: {  	s28 =	simm.s32 $0x52D0;
	s25 =	simm.s32 $0xF0  }
0x1bc: {  	[tilespmem:s28], [sflag:$0x5] =	stream.indirect.gather [hbm4b:s6+s23], $0x10, s25, s23, $0xb8;
	[tilespmem:$0x12020] =	vst v63  }
0x1bd: {  	s29 =	simm.s32 $0x280  }
0x1be: {  	[spmem:s3] =	stream.indirect.scatter.add.f32 [tilespmem:s1], [sflag:$0x9], $0x50, s29, s23, $0xb8;
	[tilespmem:$0x12020] =	vst v63  }
0x1bf: {  	_ =	swait.ge [sflag:s31], $0x1900  }
0x1c0: {  	[sflag:s31] =	ssyncset.done $0x0  }
0x1c1: {  	[sflag:s31] =	ssyncadd.s32 $0xFFFFE700  }
0x1c2: {  	_ =	swait.ge [sflag:s31], $0x500  }
0x1c3: {  	[sflag:s31] =	ssyncset.done $0x0  }
0x1c4: {  	[sflag:s31] =	ssyncadd.s32 $0xFFFFFB00  }
0x1c5: {  	v0 =	vld [tilespmem:$0x50]  }
0x1c6: {  	v1 =	vld [tilespmem:$0x60]  }
0x1c7: {  	v2 =	vld [tilespmem:$0x70]  }
0x1c8: {  	v3 =	vld [tilespmem:$0x80]  }
0x1c9: {  	v4 =	vld [tilespmem:$0x90]  }
0x1ca: {  	[tilespmem:$0x1E0] =	vst v0  }
0x1cb: {  	[tilespmem:$0x1F0] =	vst v1  }
0x1cc: {  	[tilespmem:$0x200] =	vst v2  }
0x1cd: {  	[tilespmem:$0x210] =	vst v3  }
0x1ce: {  	s7 =	simm.s32 $0x2F0;
	[tilespmem:$0x220] =	vst v4  }
0x1cf: {  	s11 =	simm.s32 $0x0;
	s20 =	simm.s32 $0x40;
	s10 =	simm.s32 $0x2F0;
	v0 =	vld [tilespmem:s7+$0x20]  }
.LBB2_16:
0x1d0: {  	p0 =	sne.s32 s20, $0x13C0;
	v1 =	vld [tilespmem:s11+$0x4DD0];
	_ =	sdelay $0x4  }
0x1d1: {  	v0 =	vadd.f32 v1, v0;
	_ =	sdelay $0x1  }
0x1d2: {  	v1 =	vmul.f32 $2.000000030e-01, v0  }
0x1d3: {  	vm1 =	vge.f32 v0, $0.0e+00  }
0x1d4: {  	v0 =	vsel vm1, v0, v1  }
0x1d5: {  	v0 =	vmul.f32 $1.442695020e+00, v0;
	_ =	sdelay $0x1  }
0x1d6: {  	(erf) = vpow2.f32 v0;
	_ =	sdelay $0x4  }
0x1d7: {  	v0 =	vld [tilespmem:s7+$0xFFFFFFF0]  }
0x1d8: {  	v1 =	vld [tilespmem:s7+$0x10]  }
0x1d9: {  	v2 =	vld [tilespmem:s7+$0x0]  }
0x1da: {  	v3 =	vld [tilespmem:s7+$0xFFFFFFE0]  }
0x1db: {  	v4 =	vpop (erf)  }
0x1dc: {  	v5 =	vnsel vm0, $0x0, v4;
	v4 =	vbroadcast v4, $0x0  }
0x1dd: {  	[tilespmem:s7+$0x20] =	vst v5  }
0x1de: {  	v2 =	vmul.f32 v4, v2;
	v1 =	vmul.f32 v1, v4  }
.Ltmp7:
0x1df: {  	v0 =	vmul.f32 v4, v0;
	v3 =	vmul.f32 v4, v3;
	(pc) =	sbr.rel @p0 .LBB2_16-.Ltmp7, $4  }
0x1e0: {  	[tilespmem:s7+$0x10] =	vst v1  }
0x1e1: {  	[tilespmem:s7+$0x0] =	vst v2  }
0x1e2: {  	s7 =	sadd.s32 $0x50, s7;
	[tilespmem:s10+$0xFFFFFFF0] =	vst v0  }
0x1e3: {  	s11 =	sshra.s32 s20, $0x2;
	s20 =	sadd.s32 $0x40, s20;
	v0 =	vld [tilespmem:s7+$0x20];
	[tilespmem:s10+$0xFFFFFFE0] =	vst v3;
	s10 =	smov.u32 s7  }
0x1e4: {  	v1 =	vld [tilespmem:s11+$0x4DD0];
	_ =	sdelay $0x4  }
0x1e5: {  	v0 =	vadd.f32 v1, v0;
	_ =	sdelay $0x1  }
0x1e6: {  	v1 =	vmul.f32 $2.000000030e-01, v0  }
0x1e7: {  	vm1 =	vge.f32 v0, $0.0e+00  }
0x1e8: {  	v0 =	vsel vm1, v0, v1  }
0x1e9: {  	v0 =	vmul.f32 $1.442695020e+00, v0;
	_ =	sdelay $0x1  }
0x1ea: {  	(erf) = vpow2.f32 v0;
	_ =	sdelay $0x6  }
0x1eb: {  	v0 =	vld [tilespmem:s7+$0x10]  }
0x1ec: {  	v1 =	vld [tilespmem:s7+$0x0]  }
0x1ed: {  	v2 =	vld [tilespmem:s7+$0xFFFFFFF0];
	v3 =	vpop (erf)  }
0x1ee: {  	v4 =	vld [tilespmem:s7+$0xFFFFFFE0];
	v5 =	vbroadcast v3, $0x0;
	_ =	sdelay $0x1  }
0x1ef: {  	v3 =	vnsel vm0, $0x0, v3;
	v0 =	vmul.f32 v0, v5  }
0x1f0: {  	[tilespmem:s7+$0x20] =	vst v3;
	v1 =	vmul.f32 v5, v1  }
0x1f1: {  	v2 =	vmul.f32 v5, v2;
	[tilespmem:s7+$0x10] =	vst v0  }
0x1f2: {  	v0 =	vmul.f32 v5, v4;
	[tilespmem:s7+$0x0] =	vst v1  }
0x1f3: {  	[tilespmem:s10+$0xFFFFFFF0] =	vst v2  }
0x1f4: {  	s29 =	simm.s32 $0x1E0;
	[tilespmem:s10+$0xFFFFFFE0] =	vst v0  }
0x1f5: {  	[spmem:s3] =	stream.indirect.scatter.add.f32 [tilespmem:s24], [sflag:$0x7], $0x50, s29, s23, $0xb8;
	[tilespmem:$0x12020] =	vst v63  }
0x1f6: {  	_ =	swait.ge [sflag:s12], $0x1900  }
0x1f7: {  	[sflag:s12] =	ssyncset.done $0x0  }
0x1f8: {  	[sflag:s12] =	ssyncadd.s32 $0xFFFFE700  }
0x1f9: {  	_ =	swait.ge [sflag:s12], $0x500  }
0x1fa: {  	[sflag:s12] =	ssyncset.done $0x0  }
0x1fb: {  	[sflag:s12] =	ssyncadd.s32 $0xFFFFFB00  }
0x1fc: {  	v0 =	vld [tilespmem:$0xF0]  }
0x1fd: {  	v1 =	vld [tilespmem:$0x100]  }
0x1fe: {  	v2 =	vld [tilespmem:$0x110]  }
0x1ff: {  	v3 =	vld [tilespmem:$0x120]  }
0x200: {  	v63 =	vld [tilespmem:$0x130]  }
0x201: {  	[tilespmem:$0x230] =	vst v0  }
0x202: {  	[tilespmem:$0x240] =	vst v1  }
0x203: {  	[tilespmem:$0x250] =	vst v2  }
0x204: {  	[tilespmem:$0x260] =	vst v3  }
0x205: {  	s11 =	simm.s32 $0x0;
	s7 =	simm.s32 $0x1BF0;
	[tilespmem:$0x270] =	vst v63  }
0x206: {  	s20 =	simm.s32 $0x40;
	s10 =	simm.s32 $0x1BF0;
	s25 =	rddreg [dreg:$0xf];
	v0 =	vld [tilespmem:s7+$0x20]  }
.LBB2_18:
0x207: {  	p0 =	sne.s32 s20, $0x13C0;
	v1 =	vld [tilespmem:s11+$0x52D0];
	_ =	sdelay $0x4  }
0x208: {  	v0 =	vadd.f32 v1, v0;
	_ =	sdelay $0x1  }
0x209: {  	v1 =	vmul.f32 $2.000000030e-01, v0  }
0x20a: {  	vm1 =	vge.f32 v0, $0.0e+00  }
0x20b: {  	v0 =	vsel vm1, v0, v1  }
0x20c: {  	v0 =	vmul.f32 $1.442695020e+00, v0;
	_ =	sdelay $0x1  }
0x20d: {  	(erf) = vpow2.f32 v0;
	_ =	sdelay $0x4  }
0x20e: {  	v0 =	vld [tilespmem:s7+$0xFFFFFFF0]  }
0x20f: {  	v1 =	vld [tilespmem:s7+$0x10]  }
0x210: {  	v2 =	vld [tilespmem:s7+$0x0]  }
0x211: {  	v3 =	vld [tilespmem:s7+$0xFFFFFFE0]  }
0x212: {  	v4 =	vpop (erf)  }
0x213: {  	v5 =	vnsel vm0, $0x0, v4;
	v4 =	vbroadcast v4, $0x0  }
0x214: {  	[tilespmem:s7+$0x20] =	vst v5  }
0x215: {  	v2 =	vmul.f32 v4, v2;
	v1 =	vmul.f32 v1, v4  }
.Ltmp8:
0x216: {  	v0 =	vmul.f32 v4, v0;
	v3 =	vmul.f32 v4, v3;
	(pc) =	sbr.rel @p0 .LBB2_18-.Ltmp8, $4  }
0x217: {  	[tilespmem:s7+$0x10] =	vst v1  }
0x218: {  	[tilespmem:s7+$0x0] =	vst v2  }
0x219: {  	s7 =	sadd.s32 $0x50, s7;
	[tilespmem:s10+$0xFFFFFFF0] =	vst v0  }
0x21a: {  	s11 =	sshra.s32 s20, $0x2;
	s20 =	sadd.s32 $0x40, s20;
	v0 =	vld [tilespmem:s7+$0x20];
	[tilespmem:s10+$0xFFFFFFE0] =	vst v3;
	s10 =	smov.u32 s7  }
0x21b: {  	v1 =	vld [tilespmem:s11+$0x52D0];
	_ =	sdelay $0x4  }
0x21c: {  	v0 =	vadd.f32 v1, v0;
	_ =	sdelay $0x1  }
0x21d: {  	v1 =	vmul.f32 $2.000000030e-01, v0  }
0x21e: {  	vm1 =	vge.f32 v0, $0.0e+00  }
0x21f: {  	v0 =	vsel vm1, v0, v1  }
0x220: {  	v0 =	vmul.f32 $1.442695020e+00, v0;
	_ =	sdelay $0x1  }
0x221: {  	(erf) = vpow2.f32 v0;
	_ =	sdelay $0x6  }
0x222: {  	v61 =	vld [tilespmem:s7+$0x10]  }
0x223: {  	v62 =	vld [tilespmem:s7+$0x0]  }
0x224: {  	v2 =	vld [tilespmem:s7+$0xFFFFFFF0];
	v3 =	vpop (erf)  }
0x225: {  	v4 =	vld [tilespmem:s7+$0xFFFFFFE0];
	v5 =	vbroadcast v3, $0x0;
	_ =	sdelay $0x1  }
0x226: {  	v3 =	vnsel vm0, $0x0, v3;
	v0 =	vmul.f32 v61, v5  }
0x227: {  	[tilespmem:s7+$0x20] =	vst v3;
	v1 =	vmul.f32 v5, v62  }
0x228: {  	v2 =	vmul.f32 v5, v2;
	[tilespmem:s7+$0x10] =	vst v0  }
0x229: {  	v63 =	vmul.f32 v5, v4;
	[tilespmem:s7+$0x0] =	vst v1  }
0x22a: {  	[tilespmem:s10+$0xFFFFFFF0] =	vst v2  }
0x22b: {  	[tilespmem:s10+$0xFFFFFFE0] =	vst v63  }
0x22c: {  	[spmem:s3] =	stream.indirect.scatter.add.f32 [tilespmem:s26], [sflag:$0x8], $0x50, s18, s23, $0xb8;
	[tilespmem:$0x12020] =	vst v63  }
0x22d: {  	_ =	swait.ge [sflag:s13], $0x1900  }
0x22e: {  	[sflag:s13] =	ssyncset.done $0x0  }
0x22f: {  	[sflag:s13] =	ssyncadd.s32 $0xFFFFE700  }
0x230: {  	_ =	swait.ge [sflag:s9], $0x1900  }
0x231: {  	[sflag:s9] =	ssyncset.done $0x0  }
0x232: {  	[sflag:s9] =	ssyncadd.s32 $0xFFFFE700  }
0x233: {  	_ =	swait.ge [sflag:s21], $0x1900  }
0x234: {  	[sflag:s21] =	ssyncset.done $0x0  }
0x235: {  	[sflag:s21] =	ssyncadd.s32 $0xFFFFE700  }
0x236: {  	[bflag:$0x0] =	sbarrier.arrive $0xFFFF  }
0x237: {  	s10 =	rddreg [dreg:$0x5]  }
0x238: {  	s28 =	rddreg [dreg:$0xc]  }
0x239: {  	s20 =	simm.s32 $0xA;
	s11 =	rddreg [dreg:$0xe]  }
0x23a: {  	[hbm:s28], [sflag:s10] =	dma.local [spmem:s11], $0x186A  }
0x23b: {  	_ =	swait.ge [sflag:s20], $0x186A  }
0x23c: {  	s25 =	sadd.s32 $0x1, s25;
	s29 =	rddreg [dreg:$0xd]  }
0x23d: {  	p0 =	sne.s32 s25, s29  }
.Ltmp9:
0x23e: {  	_ = 	snop;
	(pc) =	sbr.rel @p0 .LBB2_1-.Ltmp9, $3  }
0x23f: {  	_ =	sdelay $0x1  }
0x240: {  	[sflag:s20] =	ssyncset.done $0x0  }
0x241: {  	[sflag:s20] =	ssyncadd.s32 $0xFFFFE796  }
0x242: {  	_ =	sfence.sel $0x180000  }
0x243: {  	[bflag:$0x0] =	sbarrier.arrive $0xFFFF  }
0x244: {  	_ =	strace $0x9000004A  }
0x245: {  	s0 =	stileid.u32;
	[bflag:$0x2] =	sbarrier.arrive $0xFFFF  }
0x246: {  	p0 =	sne.s32 s0, $0x0;
	s0 =	rddreg [dreg:$0x3]  }
0x247: {  	s0 =	sadd.s32 @!p0 $0x100000, s0  }
0x248: {  	[sflag:s0] =	ssyncadd.tile.s32 @!p0 $0x1;
	_ =	shalt  }
.Lfunc_end2:
_tile_overlayer_lowered:
.L_overlay_start_2:
0x249: {  	(tag) =	ssettag $0x2  }
0x24a: {  	s0 =	rddreg [dreg:$0x0];
	s2 =	stileid.u32  }
0x24b: {  	s1 =	rddreg [dreg:$0x1];
	p0 =	sne.s32 s2, $0x0  }
0x24c: {  	s3 =	rddreg [dreg:$0x2];
	[bflag:$0x3] =	sbarrier.arrive $0xFFFF;
	s2 =	simm.s32 @!p0 $0x1C0A  }
0x24d: {  	[timem:s3], [sflag:s2] =	dma.local @!p0 [hbm:s0], s1  }
0x24e: {  	s0 =	simm.s32 @!p0 $0xA  }
0x24f: {  	_ =	swait.ge @!p0 [sflag:s0], s1  }
0x250: {  	s1 =	ssub.s32 @!p0 $0x0, s1;
	[sflag:s0] =	ssyncset.done @!p0 $0x0  }
0x251: {  	[sflag:s0] =	ssyncadd.s32 @!p0 s1  }
0x252: {  	[bflag:$0x3] =	sbarrier.arrive $0xFFFF  }
0x253: {  	_ =	shalt  }

// kernel: kernel.7.cloned.1.call-start
scs
__scs_entry_jumppad:
0x0: {  	(pc) =	sbr.rel $0x88, $3  }
0x1: {  	(tag) =	ssettag $0x0;
	lr =	simm.s32 $0x1  }
0x2: {  	[smem:$0x3F99] =	sst lr;
	_ =	strace $0xD0000000  }
0x3: {  	_ = 	snop  }
0x4: {  	_ = 	snop  }
0x5: {  	_ = 	snop  }
0x6: {  	_ = 	snop  }
0x7: {  	_ = 	snop  }
__scs_overlays_trampoline_lowered:
0x8: {  	[smem:$0x3FA8] =	sst s0  }
0x9: {  	[smem:$0x3FA9] =	sst s1  }
0xa: {  	[smem:$0x3FAA] =	sst s2  }
0xb: {  	[smem:$0x3FAB] =	sst s3  }
0xc: {  	[smem:$0x3FAC] =	sst s4  }
0xd: {  	[smem:$0x3FAD] =	sst s5  }
0xe: {  	[smem:$0x3FAE] =	sst s6  }
0xf: {  	[smem:$0x3FAF] =	sst s7  }
0x10: {  	[smem:$0x3FB0] =	sst s8  }
0x11: {  	[smem:$0x3FB1] =	sst s9;
	s0 =	simm.s32 @!p0 $0x0  }
0x12: {  	s1 =	sld [smem:$0x3F97];
	s0 =	simm.s32 @p0 $0x1  }
0x13: {  	[smem:$0x3FB2] =	sst s0;
	s0 =	simm.s32 @!p1 $0x0  }
0x14: {  	s2 =	sld [smem:$0x3F96];
	s0 =	simm.s32 @p1 $0x1  }
0x15: {  	[smem:$0x3FB3] =	sst s0;
	s0 =	simm.s32 @!p2 $0x0  }
0x16: {  	s3 =	sld [smem:$0x3FDB];
	s0 =	simm.s32 @p2 $0x1  }
0x17: {  	s4 =	simm.s32 $0x1BF5;
	[smem:$0x3FB5] =	sst s0  }
0x18: {  	s0 =	sld [smem:$0x3F98];
	_ =	swait.ge [sflag:s4], $0x0  }
0x19: {  	s7 =	sld [smem:$0x3F99]  }
0x1a: {  	s8 =	sadd.s32 $0xFFFFE003, lr  }
0x1b: {  	s9 =	sadd.s32 $0xFFFFFEF7, lr;
	s5 =	simm.s32 $0xFFFFFFFF;
	p2 =	slt.u32 s8, $0xFFFFF086  }
0x1c: {  	p1 =	slt.u32 s9, $0xF7A;
	s5 =	simm.s32 @!p2 $0x0  }
0x1d: {  	s5 =	simm.s32 @p1 $0x1;
	p0 =	seq.s32 s7, s2  }
0x1e: {  	s7 =	smul.u32 @!p0 $0xF7A, s2;
	p2 =	seq.s32 @!p0 s5, $0x0  }
0x1f: {  	s9 =	smul.u32 $0xF7A, s1;
	s8 =	simm.s32 @!p0 $0x1BF5;
	p2 =	por !p2, p0  }
0x20: {  	[sflag:s8] =	ssyncset.s32 @!p0 $0xFFFFF086;
	s6 =	sadd.s32 @!p0 s3, s7;
	s7 =	simm.s32 @!p0 $0x108  }
0x21: {  	s3 =	sadd.s32 s3, s9;
	s6 =	sadd.s32 @!p0 $0x88, s6;
	s7 =	simm.s32 @p2 $0x1082  }
0x22: {  	[simem:s7], [sflag:s8] =	dma.local @!p0 [hbm:s6], $0xF7A  }
0x23: {  	s9 =	sor.u32 $0xD0000000, s2;
	s6 =	simm.s32 $0x108;
	_ =	swait.ge @!p0 [sflag:s8], $0x0  }
0x24: {  	s3 =	sadd.s32 $0x88, s3;
	s6 =	simm.s32 @!p1 $0x1082;
	[sflag:s4] =	ssyncset.s32 $0xFFFFF086  }
0x25: {  	[simem:s6], [sflag:s4] =	dma.local [hbm:s3], $0xF7A  }
0x26: {  	[smem:$0x3F99] =	sst s1;
	(tag) =	ssettag s2;
	_ =	strace s9  }
0x27: {  	s1 =	sld [smem:$0x3FA9]  }
0x28: {  	s2 =	sld [smem:$0x3FAA]  }
0x29: {  	s4 =	sld [smem:$0x3FAC]  }
0x2a: {  	p0 =	seq.s32 s5, $0x0;
	s5 =	sld [smem:$0x3FAD]  }
0x2b: {  	s6 =	sld [smem:$0x3FAE]  }
0x2c: {  	s7 =	sld [smem:$0x3FAF]  }
0x2d: {  	s3 =	simm.s32 $0x108;
	s8 =	sld [smem:$0x3FB0]  }
0x2e: {  	s3 =	simm.s32 @!p0 $0x1082;
	s9 =	sld [smem:$0x3FB1]  }
0x2f: {  	lr =	sadd.s32 s0, s3;
	s0 =	sld [smem:$0x3FA8]  }
0x30: {  	s3 =	sld [smem:$0x3FAB]  }
0x31: {  	[smem:$0x3FB4] =	sst s10  }
0x32: {  	s10 =	sld [smem:$0x3FB2];
	_ =	sdelay $0x3  }
0x33: {  	p0 =	seq.s32 s10, $0x1;
	s10 =	sld [smem:$0x3FB4];
	_ =	sdelay $0x3  }
0x34: {  	[smem:$0x3FB4] =	sst s10  }
0x35: {  	s10 =	sld [smem:$0x3FB3];
	_ =	sdelay $0x3  }
0x36: {  	p1 =	seq.s32 s10, $0x1;
	s10 =	sld [smem:$0x3FB4];
	_ =	sdelay $0x3  }
0x37: {  	[smem:$0x3FB4] =	sst s10  }
0x38: {  	s10 =	sld [smem:$0x3FB5]  }
0x39: {  	_ = 	snop;
	(pc) =	sbr.ind lr, $3  }
0x3a: {  	_ = 	snop  }
0x3b: {  	_ = 	snop  }
0x3c: {  	p2 =	seq.s32 s10, $0x1;
	s10 =	sld [smem:$0x3FB4]  }
0x3d: {  	_ =	shalt  }
0x3e: {  	_ =	shalt  }
0x3f: {  	_ =	shalt  }
0x40: {  	_ =	shalt  }
0x41: {  	_ =	shalt  }
0x42: {  	_ =	shalt  }
0x43: {  	_ =	shalt  }
0x44: {  	_ =	shalt  }
0x45: {  	_ =	shalt  }
0x46: {  	_ =	shalt  }
0x47: {  	_ =	shalt  }
0x48: {  	_ =	shalt  }
0x49: {  	_ =	shalt  }
0x4a: {  	_ =	shalt  }
0x4b: {  	_ =	shalt  }
0x4c: {  	_ =	shalt  }
0x4d: {  	_ =	shalt  }
0x4e: {  	_ =	shalt  }
0x4f: {  	_ =	shalt  }
0x50: {  	_ =	shalt  }
0x51: {  	_ =	shalt  }
0x52: {  	_ =	shalt  }
0x53: {  	_ =	shalt  }
0x54: {  	_ =	shalt  }
0x55: {  	_ =	shalt  }
0x56: {  	_ =	shalt  }
0x57: {  	_ =	shalt  }
0x58: {  	_ =	shalt  }
0x59: {  	_ =	shalt  }
0x5a: {  	_ =	shalt  }
0x5b: {  	_ =	shalt  }
0x5c: {  	_ =	shalt  }
0x5d: {  	_ =	shalt  }
0x5e: {  	_ =	shalt  }
0x5f: {  	_ =	shalt  }
0x60: {  	_ =	shalt  }
0x61: {  	_ =	shalt  }
0x62: {  	_ =	shalt  }
0x63: {  	_ =	shalt  }
0x64: {  	_ =	shalt  }
0x65: {  	_ =	shalt  }
0x66: {  	_ =	shalt  }
0x67: {  	_ =	shalt  }
0x68: {  	_ =	shalt  }
0x69: {  	_ =	shalt  }
0x6a: {  	_ =	shalt  }
0x6b: {  	_ =	shalt  }
0x6c: {  	_ =	shalt  }
0x6d: {  	_ =	shalt  }
0x6e: {  	_ =	shalt  }
0x6f: {  	_ =	shalt  }
0x70: {  	_ =	shalt  }
0x71: {  	_ =	shalt  }
0x72: {  	_ =	shalt  }
0x73: {  	_ =	shalt  }
0x74: {  	_ =	shalt  }
0x75: {  	_ =	shalt  }
0x76: {  	_ =	shalt  }
0x77: {  	_ =	shalt  }
0x78: {  	_ =	shalt  }
0x79: {  	_ =	shalt  }
0x7a: {  	_ =	shalt  }
0x7b: {  	_ =	shalt  }
0x7c: {  	_ =	shalt  }
0x7d: {  	_ =	shalt  }
0x7e: {  	_ =	shalt  }
0x7f: {  	_ =	shalt  }
0x80: {  	_ =	shalt  }
0x81: {  	_ =	shalt  }
0x82: {  	_ =	shalt  }
0x83: {  	_ =	shalt  }
0x84: {  	_ =	shalt  }
0x85: {  	_ =	shalt  }
0x86: {  	_ =	shalt  }
0x87: {  	_ =	shalt  }
.Lfunc_end0:
.L_simem_size_0:
called_computation_lowered:
.L_overlay_start_0:
0x88: {  	s2 =	sld [smem:$0x3FD9]  }
0x89: {  	s3 =	sld [smem:$0x3FFE];
	_ =	sdelay $0x1  }
0x8a: {  	s1 =	srdreg.scid  }
0x8b: {  	s0 =	sand.u32 $0x1, s1  }
0x8c: {  	s17 =	sshll.u32 s0, $0xA;
	s2 =	sadd.s32 s3, s2  }
0x8d: {  	s2 =	sadd.s32 s2, s17  }
0x8e: {  	[smem:$0x3FC0] =	sst s2  }
0x8f: {  	_ = 	snop  }
0x90: {  	s2 =	sld [smem:$0x3FD0];
	(tm) =	ssettm $0x1  }
0x91: {  	s18 =	sld [smem:$0x3FFB];
	_ =	sdelay $0x3  }
0x92: {  	_ =	strace s18  }
0x93: {  	s3 =	sld [smem:$0x3FFC];
	_ =	sdelay $0x3  }
0x94: {  	_ =	strace s3  }
0x95: {  	s3 =	sld [smem:$0x3FFD];
	_ =	sdelay $0x3  }
0x96: {  	_ =	strace s3  }
0x97: {  	_ =	strace $0x8FFFFFFF  }
0x98: {  	s19 =	sld [smem:$0x3FDB];
	_ =	sdelay $0x1  }
0x99: {  	s4 =	simm.s32 $_scs_section_size  }
0x9a: {  	s5 =	simm.s32 $_size__tile_overlayer_lowered;
	s6 =	simm.s32 $_tile_overlayer_lowered  }
0x9b: {  	s22 =	simm.s32 $0x1BFF;
	s21 =	sshll.u32 s6, $0x1;
	s3 =	sadd.s32 s4, s19  }
0x9c: {  	s7 =	simm.s32 $0x0;
	s20 =	sshll.u32 s5, $0x1;
	s5 =	sadd.s32 s21, s3  }
0x9d: {  	[timem:s7], [sflag:s22] =	dma.local [hbm:s5], s20  }
0x9e: {  	_ =	swait.ge [sflag:s22], s20  }
0x9f: {  	s4 =	ssub.s32 $0x0, s20;
	[sflag:s22] =	ssyncset.done $0x0  }
0xa0: {  	[sflag:s22] =	ssyncadd.s32 s4;
	_ =	sdelay $0x1  }
0xa1: {  	s23 =	simm.s32 $0x1B8B  }
0xa2: {  	_ =	swait.ge [sflag:s23], $0x1  }
0xa3: {  	[sflag:s23] =	ssyncset.done $0x0  }
0xa4: {  	s25 =	simm.s32 $0x1B8E;
	s24 =	sld [smem:$0x3FFE];
	[sflag:s23] =	ssyncadd.s32 $0xFFFFFFFF  }
0xa5: {  	s26 =	simm.s32 $execute0_lowered;
	[smem:$0x3FD2] =	sst s25  }
0xa6: {  	s5 =	sshll.u32 s26, $0x1;
	_ =	strace $0x80000046;
	[dreg:$0x1] =	wrdreg $0xFFFFFFFF  }
0xa7: {  	s28 =	simm.s32 $_size_execute0_lowered;
	s3 =	sadd.s32 s3, s5;
	[dreg:$0x0] =	wrdreg $0x0  }
0xa8: {  	s5 =	sshll.u32 s28, $0x1;
	[dreg:$0x2] =	wrdreg s3  }
0xa9: {  	[dreg:$0x3] =	wrdreg s5  }
0xaa: {  	[dreg:$0x4] =	wrdreg $0xC0  }
0xab: {  	_ =	task [dreg:s7], $0x5FFFF  }
0xac: {  	[dreg:$0x1] =	wrdreg $0xFFFFFFFF  }
0xad: {  	[dreg:$0x0] =	wrdreg $0x60  }
0xae: {  	[dreg:$0x2] =	wrdreg s24  }
0xaf: {  	[dreg:$0x3] =	wrdreg s2  }
0xb0: {  	[dreg:$0x4] =	wrdreg $0x98D00  }
0xb1: {  	[dreg:$0x5] =	wrdreg $0x9  }
0xb2: {  	_ =	task.clear_ibuf [dreg:s7], $0x6FFFF;
	_ =	strace $0x90000046  }
0xb3: {  	s29 =	simm.s32 $0x9;
	_ =	strace $0x80000048  }
0xb4: {  	_ =	swait.ge [sflag:s29], $0x1  }
0xb5: {  	[sflag:s29] =	ssyncadd.s32 $0xFFFFFFFF  }
0xb6: {  	_ =	strace $0x90000048  }
0xb7: {  	_ =	sfence  }
0xb8: {  	s30 =	sld [smem:$0x0];
	_ =	sdelay $0x2  }
0xb9: {  	s31 =	sshll.u32 s1, $0xD;
	s1 =	sshrl.u32 s1, $0x2  }
0xba: {  	s3 =	sand.u32 $0x4000, s31;
	s1 =	sadd.s32 s1, s30  }
0xbb: {  	s0 =	sor.u32 s3, s0;
	s1 =	sshll.u32 s1, $0x11  }
0xbc: {  	s0 =	sor.u32 s1, s0  }
0xbd: {  	s0 =	sadd.s32 $0x8F2B, s0  }
0xbe: {  	[sflag:s0] =	ssyncadd.remote.s32 $0x1  }
0xbf: {  	_ =	sfence.sel $0xFFFF  }
0xc0: {  	[dreg:$0x0] =	wrdreg $0xFFFFFFFF;
	(pc) =	sbr.abs _section_cstart, $3  }
0xc1: {  	[dreg:$0x1] =	wrdreg $0xFFFFFFFF  }
0xc2: {  	_ =	task.clear_ibuf [dreg:s7], $0x2FFFF;
	_ =	strace $0x9FFFFFFF  }
0xc3: {  	(tm) =	ssettm $0x7FFFFFFF  }
tec
execute0_lowered:
.L_overlay_start_1:
0x0: {  	(tag) =	ssettag $0x1  }
0x1: {  	s0 =	rddreg [dreg:$0x0]  }
0x2: {  	s1 =	rddreg [dreg:$0x1]  }
0x3: {  	s3 =	rddreg [dreg:$0x2];
	s4 =	simm.s32 $0x0  }
0x4: {  	s12 =	stileid.u32;
	s2 =	srdreg.scid;
	s30 =	simm.s32 $0x140  }
0x5: {  	s31 =	simm.s32 $0x4;
	s13 =	simm.s32 $0x7;
	s14 =	simm.s32 $0x1  }
0x6: {  	s18 =	simm.s32 $0x230;
	s19 =	simm.s32 $0x6;
	[smem:$0x7FF] =	sst s4  }
0x7: {  	s7 =	smul.u32 $0x15F90, s12;
	s2 =	sand.u32 $0x1, s2;
	s5 =	sadd.s32 $0x1200, s0  }
0x8: {  	s6 =	sadd.s32 $0x2D200, s0;
	s10 =	sshll.u32 s12, $0x1;
	s22 =	sshll.u32 s12, $0x6  }
0x9: {  	s12 =	simm.s32 $0x5;
	_ =	strace $0x80000047;
	s8 =	smul.u32 $0x15F900, s2  }
0xa: {  	s11 =	ssub.s32 $0x2, s2;
	s2 =	sor.u32 s2, s10;
	s10 =	sor.u32 $0x1C0A, s22  }
0xb: {  	s22 =	simm.s32 $0xA0;
	s9 =	sshrl.u32 s7, $0x3;
	s20 =	sshrl.u32 s11, $0x1  }
0xc: {  	s2 =	smul.u32 $0x4E20, s2;
	[dreg:$0x5] =	wrdreg s10;
	s8 =	sadd.s32 s7, s8  }
0xd: {  	s9 =	sadd.s32 s9, s0;
	s21 =	ssub.s32 s11, s20;
	s7 =	sadd.s32 s7, s3  }
0xe: {  	s20 =	simm.s32 $0xA;
	s8 =	sshrl.u32 s8, $0x3;
	s9 =	sadd.s32 $0x32200, s9  }
0xf: {  	s23 =	sshrl.u32 s2, $0x3;
	s29 =	smax.u32 s21, $0x1;
	[dreg:$0x4] =	wrdreg s9  }
0x10: {  	s15 =	sadd.s32 $0x3C0, s2;
	s24 =	sadd.s32 s1, s23;
	[dreg:$0xd] =	wrdreg s29  }
0x11: {  	s16 =	sadd.s32 $0x460, s2;
	s11 =	sadd.s32 $0x14, s24;
	[dreg:$0x6] =	wrdreg s24  }
0x12: {  	s17 =	sadd.s32 $0x500, s2;
	s25 =	sadd.s32 $0x28, s24;
	[dreg:$0x7] =	wrdreg s11  }
0x13: {  	s2 =	simm.s32 $0x5CD0;
	s26 =	sadd.s32 $0x3C, s24;
	[dreg:$0x8] =	wrdreg s25  }
0x14: {  	s21 =	simm.s32 $0x9;
	s28 =	sadd.s32 $0x50, s24;
	[dreg:$0x9] =	wrdreg s26  }
0x15: {  	s0 =	sadd.s32 s8, s0;
	s9 =	sadd.s32 $0x64, s24;
	[dreg:$0xa] =	wrdreg s28  }
0x16: {  	s23 =	simm.s32 $0x50;
	s0 =	sadd.s32 $0x5E200, s0;
	[dreg:$0xb] =	wrdreg s9  }
0x17: {  	s8 =	simm.s32 $0x2;
	s24 =	simm.s32 $0x2D0;
	[dreg:$0xc] =	wrdreg s0  }
0x18: {  	s11 =	sshrl.u32 s7, $0x3;
	s26 =	simm.s32 $0x2FD0;
	s0 =	simm.s32 $0x3  }
0x19: {  	vm0 =	vmmov $0xff;
	s9 =	simm.s32 $0x8;
	s25 =	simm.s32 $0x0;
	[dreg:$0xe] =	wrdreg s11  }
.LBB2_1:
0x1a: {  	[dreg:$0xf] =	wrdreg s25  }
0x1b: {  	s7 =	rddreg [dreg:$0x4]  }
0x1c: {  	[spmem:s11], [sflag:s10] =	dma.local [hbm:s7], $0x2BF2  }
0x1d: {  	_ =	swait.ge [sflag:s20], $0x2BF2  }
0x1e: {  	[sflag:s20] =	ssyncset.done $0x0  }
0x1f: {  	[sflag:s20] =	ssyncadd.s32 $0xFFFFD40E  }
0x20: {  	[bflag:$0x0] =	sbarrier.arrive $0xFFFF  }
0x21: {  	s29 =	rddreg [dreg:$0x6]  }
0x22: {  	[tilespmem:s4], [sflag:$0xA] =	stream.linear.gather [hbm4b:s29+s4], $0xA0, $0x38;
	[tilespmem:$0x1F860] =	vst v63  }
0x23: {  	_ =	swait.ge [sflag:s20], $0xA0  }
0x24: {  	[sflag:s20] =	ssyncset.done $0x0  }
0x25: {  	s10 =	rddreg [dreg:$0x7];
	[sflag:s20] =	ssyncadd.s32 $0xFFFFFF60  }
0x26: {  	[tilespmem:s22], [sflag:$0xA] =	stream.linear.gather [hbm4b:s10+s4], $0xA0, $0x38;
	[tilespmem:$0x1F860] =	vst v63  }
0x27: {  	_ =	swait.ge [sflag:s20], $0xA0  }
0x28: {  	[sflag:s20] =	ssyncset.done $0x0  }
0x29: {  	[sflag:s20] =	ssyncadd.s32 $0xFFFFFF60  }
0x2a: {  	[tilespmem:s24], [sflag:$0x4] =	stream.indirect.gather [hbm4b:s5+s23], $0x90, s4, s23, $0xb8;
	[tilespmem:$0x1F860] =	vst v63  }
0x2b: {  	s11 =	simm.s32 $0x89D0  }
0x2c: {  	[tilespmem:s11], [sflag:$0x4] =	stream.indirect.gather [hbm4b:s6+s23], $0x10, s23, s23, $0xb8;
	[tilespmem:$0x1F860] =	vst v63  }
0x2d: {  	_ = 	snop  }
0x2e: {  	[tilespmem:s26], [sflag:$0x5] =	stream.indirect.gather [hbm4b:s5+s23], $0x90, s22, s23, $0xb8;
	[tilespmem:$0x1F860] =	vst v63  }
0x2f: {  	s25 =	simm.s32 $0x8ED0;
	s20 =	simm.s32 $0xF0  }
0x30: {  	[tilespmem:s25], [sflag:$0x5] =	stream.indirect.gather [hbm4b:s6+s23], $0x10, s20, s23, $0xb8;
	[tilespmem:$0x1F860] =	vst v63  }
0x31: {  	s28 =	rddreg [dreg:$0x8]  }
0x32: {  	[tilespmem:s30], [sflag:$0x3] =	stream.linear.gather [hbm4b:s28+s4], $0xA0, $0x38;
	[tilespmem:$0x1F860] =	vst v63  }
0x33: {  	_ =	swait.ge [sflag:s31], $0x2D00  }
0x34: {  	[sflag:s31] =	ssyncset.done $0x0  }
0x35: {  	[sflag:s31] =	ssyncadd.s32 $0xFFFFD300  }
0x36: {  	_ =	swait.ge [sflag:s31], $0x500  }
0x37: {  	[sflag:s31] =	ssyncset.done $0x0  }
0x38: {  	[sflag:s31] =	ssyncadd.s32 $0xFFFFFB00  }
0x39: {  	v0 =	vld [tilespmem:$0x50]  }
0x3a: {  	v1 =	vld [tilespmem:$0x60]  }
0x3b: {  	v2 =	vld [tilespmem:$0x70]  }
0x3c: {  	v3 =	vld [tilespmem:$0x80]  }
0x3d: {  	v4 =	vld [tilespmem:$0x90]  }
0x3e: {  	[tilespmem:$0x1E0] =	vst v0  }
0x3f: {  	[tilespmem:$0x1F0] =	vst v1  }
0x40: {  	[tilespmem:$0x200] =	vst v2  }
0x41: {  	[tilespmem:$0x210] =	vst v3  }
0x42: {  	s7 =	simm.s32 $0x310;
	s29 =	rddreg [dreg:$0x9];
	[tilespmem:$0x220] =	vst v4  }
0x43: {  	[tilespmem:s4], [sflag:$0x1] =	stream.linear.gather [hbm4b:s29+s4], $0xA0, $0x38;
	[tilespmem:$0x1F860] =	vst v63  }
0x44: {  	s10 =	simm.s32 $0x310;
	s25 =	simm.s32 $0x0;
	s20 =	simm.s32 $0x40;
	v0 =	vld [tilespmem:s7+$0x40]  }
.LBB2_2:
0x45: {  	p0 =	sne.s32 s20, $0x13C0;
	v1 =	vld [tilespmem:s25+$0x89D0];
	_ =	sdelay $0x4  }
0x46: {  	v0 =	vadd.f32 v1, v0;
	_ =	sdelay $0x1  }
0x47: {  	v1 =	vmul.f32 $2.000000030e-01, v0  }
0x48: {  	vm1 =	vge.f32 v0, $0.0e+00  }
0x49: {  	v0 =	vsel vm1, v0, v1  }
0x4a: {  	v0 =	vmul.f32 $1.442695020e+00, v0;
	_ =	sdelay $0x1  }
0x4b: {  	(erf) = vpow2.f32 v0;
	_ =	sdelay $0x4  }
0x4c: {  	v0 =	vld [tilespmem:s7+$0x30]  }
0x4d: {  	v1 =	vld [tilespmem:s7+$0x20]  }
0x4e: {  	v2 =	vld [tilespmem:s7+$0x10]  }
0x4f: {  	v3 =	vld [tilespmem:s7+$0x0]  }
0x50: {  	v4 =	vld [tilespmem:s7+$0xFFFFFFF0];
	v5 =	vpop (erf)  }
0x51: {  	v6 =	vnsel vm0, $0x0, v5;
	v7 =	vld [tilespmem:s7+$0xFFFFFFE0];
	v8 =	vbroadcast v5, $0x6;
	v9 =	vbroadcast v5, $0x7  }
0x52: {  	v10 =	vbroadcast v5, $0x4;
	v11 =	vbroadcast v5, $0x5;
	[tilespmem:s7+$0x40] =	vst v6;
	v6 =	vld [tilespmem:s7+$0xFFFFFFD0]  }
0x53: {  	v12 =	vld [tilespmem:s7+$0xFFFFFFC0];
	v1 =	vmul.f32 v1, v8;
	v0 =	vmul.f32 v0, v9  }
0x54: {  	v2 =	vmul.f32 v2, v11;
	v3 =	vmul.f32 v3, v10  }
0x55: {  	v8 =	vbroadcast v5, $0x2;
	v9 =	vbroadcast v5, $0x3;
	[tilespmem:s7+$0x30] =	vst v0  }
0x56: {  	v0 =	vbroadcast v5, $0x0;
	v5 =	vbroadcast v5, $0x1;
	[tilespmem:s7+$0x20] =	vst v1  }
0x57: {  	v4 =	vmul.f32 v4, v9;
	v1 =	vmul.f32 v8, v7;
	[tilespmem:s7+$0x10] =	vst v2  }
.Ltmp0:
0x58: {  	v2 =	vmul.f32 v0, v12;
	v0 =	vmul.f32 v5, v6;
	[tilespmem:s7+$0x0] =	vst v3;
	(pc) =	sbr.rel @p0 .LBB2_2-.Ltmp0, $4  }
0x59: {  	[tilespmem:s7+$0xFFFFFFF0] =	vst v4  }
0x5a: {  	[tilespmem:s7+$0xFFFFFFE0] =	vst v1  }
0x5b: {  	s7 =	sadd.s32 $0x90, s7;
	[tilespmem:s10+$0xFFFFFFD0] =	vst v0  }
0x5c: {  	s25 =	sshra.s32 s20, $0x2;
	s20 =	sadd.s32 $0x40, s20;
	v0 =	vld [tilespmem:s7+$0x40];
	[tilespmem:s10+$0xFFFFFFC0] =	vst v2;
	s10 =	smov.u32 s7  }
0x5d: {  	v1 =	vld [tilespmem:s25+$0x89D0];
	_ =	sdelay $0x4  }
0x5e: {  	v0 =	vadd.f32 v1, v0;
	_ =	sdelay $0x1  }
0x5f: {  	v1 =	vmul.f32 $2.000000030e-01, v0  }
0x60: {  	vm1 =	vge.f32 v0, $0.0e+00  }
0x61: {  	v0 =	vsel vm1, v0, v1  }
0x62: {  	v0 =	vmul.f32 $1.442695020e+00, v0;
	_ =	sdelay $0x1  }
0x63: {  	(erf) = vpow2.f32 v0;
	_ =	sdelay $0x6  }
0x64: {  	v0 =	vld [tilespmem:s7+$0x30]  }
0x65: {  	v1 =	vld [tilespmem:s7+$0x20]  }
0x66: {  	v2 =	vld [tilespmem:s7+$0x10];
	v3 =	vpop (erf)  }
0x67: {  	v6 =	vld [tilespmem:s7+$0xFFFFFFF0];
	v5 =	vbroadcast v3, $0x7  }
0x68: {  	v4 =	vld [tilespmem:s7+$0x0];
	v7 =	vbroadcast v3, $0x6  }
0x69: {  	v9 =	vld [tilespmem:s7+$0xFFFFFFE0];
	v8 =	vnsel vm0, $0x0, v3;
	v10 =	vbroadcast v3, $0x5;
	v0 =	vmul.f32 v0, v5  }
0x6a: {  	v58 =	vld [tilespmem:s7+$0xFFFFFFD0];
	v61 =	vbroadcast v3, $0x3;
	[tilespmem:s7+$0x40] =	vst v8;
	v1 =	vmul.f32 v1, v7  }
0x6b: {  	v60 =	vld [tilespmem:s7+$0xFFFFFFC0];
	v59 =	vbroadcast v3, $0x4;
	v2 =	vmul.f32 v2, v10;
	[tilespmem:s7+$0x30] =	vst v0  }
0x6c: {  	v62 =	vbroadcast v3, $0x2;
	v6 =	vmul.f32 v6, v61;
	[tilespmem:s7+$0x20] =	vst v1  }
0x6d: {  	v0 =	vmul.f32 v4, v59;
	v1 =	vbroadcast v3, $0x1;
	[tilespmem:s7+$0x10] =	vst v2  }
0x6e: {  	v2 =	vbroadcast v3, $0x0;
	v3 =	vmul.f32 v62, v9;
	[tilespmem:s7+$0xFFFFFFF0] =	vst v6  }
0x6f: {  	[tilespmem:s7+$0x0] =	vst v0;
	v0 =	vmul.f32 v1, v58  }
0x70: {  	v1 =	vmul.f32 v2, v60;
	[tilespmem:s7+$0xFFFFFFE0] =	vst v3  }
0x71: {  	[tilespmem:s10+$0xFFFFFFD0] =	vst v0  }
0x72: {  	[tilespmem:s10+$0xFFFFFFC0] =	vst v1  }
0x73: {  	_ =	swait.ge [sflag:s0], $0xA0  }
0x74: {  	[sflag:s0] =	ssyncset.done $0x0  }
0x75: {  	[sflag:s0] =	ssyncadd.s32 $0xFFFFFF60  }
0x76: {  	[tilespmem:s2], [sflag:$0x6] =	stream.indirect.gather [hbm4b:s5+s23], $0x90, s30, s23, $0xb8;
	[tilespmem:$0x1F860] =	vst v63  }
0x77: {  	s11 =	simm.s32 $0x190;
	s20 =	simm.s32 $0x93D0  }
0x78: {  	[tilespmem:s20], [sflag:$0x6] =	stream.indirect.gather [hbm4b:s6+s23], $0x10, s11, s23, $0xb8;
	[tilespmem:$0x1F860] =	vst v63  }
0x79: {  	s25 =	simm.s32 $0x1E0  }
0x7a: {  	[spmem:s3] =	stream.indirect.scatter.add.f32 [tilespmem:s24], [sflag:$0x7], $0x90, s25, s23, $0xb8;
	[tilespmem:$0x1F860] =	vst v63  }
0x7b: {  	_ =	swait.ge [sflag:s12], $0x2D00  }
0x7c: {  	[sflag:s12] =	ssyncset.done $0x0  }
0x7d: {  	[sflag:s12] =	ssyncadd.s32 $0xFFFFD300  }
0x7e: {  	_ =	swait.ge [sflag:s12], $0x500  }
0x7f: {  	[sflag:s12] =	ssyncset.done $0x0  }
0x80: {  	[sflag:s12] =	ssyncadd.s32 $0xFFFFFB00  }
0x81: {  	v0 =	vld [tilespmem:$0xF0]  }
0x82: {  	v1 =	vld [tilespmem:$0x100]  }
0x83: {  	v2 =	vld [tilespmem:$0x110]  }
0x84: {  	v3 =	vld [tilespmem:$0x120]  }
0x85: {  	v63 =	vld [tilespmem:$0x130]  }
0x86: {  	[tilespmem:$0x230] =	vst v0  }
0x87: {  	[tilespmem:$0x240] =	vst v1  }
0x88: {  	[tilespmem:$0x250] =	vst v2  }
0x89: {  	[tilespmem:$0x260] =	vst v3  }
0x8a: {  	s28 =	simm.s32 $0x0;
	s7 =	simm.s32 $0x3010;
	s29 =	rddreg [dreg:$0xa];
	[tilespmem:$0x270] =	vst v63  }
0x8b: {  	[tilespmem:s22], [sflag:$0x2] =	stream.linear.gather [hbm4b:s29+s28], $0xA0, $0x38;
	[tilespmem:$0x1F860] =	vst v63  }
0x8c: {  	s10 =	simm.s32 $0x3010;
	s20 =	simm.s32 $0x40;
	s25 =	simm.s32 $0x0;
	v0 =	vld [tilespmem:s7+$0x40]  }
.LBB2_4:
0x8d: {  	p0 =	sne.s32 s20, $0x13C0;
	v1 =	vld [tilespmem:s25+$0x8ED0];
	_ =	sdelay $0x4  }
0x8e: {  	v0 =	vadd.f32 v1, v0;
	_ =	sdelay $0x1  }
0x8f: {  	v1 =	vmul.f32 $2.000000030e-01, v0  }
0x90: {  	vm1 =	vge.f32 v0, $0.0e+00  }
0x91: {  	v0 =	vsel vm1, v0, v1  }
0x92: {  	v0 =	vmul.f32 $1.442695020e+00, v0;
	_ =	sdelay $0x1  }
0x93: {  	(erf) = vpow2.f32 v0;
	_ =	sdelay $0x4  }
0x94: {  	v0 =	vld [tilespmem:s7+$0x30]  }
0x95: {  	v1 =	vld [tilespmem:s7+$0x20]  }
0x96: {  	v2 =	vld [tilespmem:s7+$0x10]  }
0x97: {  	v3 =	vld [tilespmem:s7+$0x0]  }
0x98: {  	v4 =	vld [tilespmem:s7+$0xFFFFFFF0];
	v5 =	vpop (erf)  }
0x99: {  	v6 =	vnsel vm0, $0x0, v5;
	v7 =	vld [tilespmem:s7+$0xFFFFFFE0];
	v8 =	vbroadcast v5, $0x6;
	v9 =	vbroadcast v5, $0x7  }
0x9a: {  	v10 =	vbroadcast v5, $0x4;
	v11 =	vbroadcast v5, $0x5;
	[tilespmem:s7+$0x40] =	vst v6;
	v6 =	vld [tilespmem:s7+$0xFFFFFFD0]  }
0x9b: {  	v12 =	vld [tilespmem:s7+$0xFFFFFFC0];
	v1 =	vmul.f32 v1, v8;
	v0 =	vmul.f32 v0, v9  }
0x9c: {  	v2 =	vmul.f32 v2, v11;
	v3 =	vmul.f32 v3, v10  }
0x9d: {  	v8 =	vbroadcast v5, $0x2;
	v9 =	vbroadcast v5, $0x3;
	[tilespmem:s7+$0x30] =	vst v0  }
0x9e: {  	v0 =	vbroadcast v5, $0x0;
	v5 =	vbroadcast v5, $0x1;
	[tilespmem:s7+$0x20] =	vst v1  }
0x9f: {  	v4 =	vmul.f32 v4, v9;
	v1 =	vmul.f32 v8, v7;
	[tilespmem:s7+$0x10] =	vst v2  }
.Ltmp1:
0xa0: {  	v2 =	vmul.f32 v0, v12;
	v0 =	vmul.f32 v5, v6;
	[tilespmem:s7+$0x0] =	vst v3;
	(pc) =	sbr.rel @p0 .LBB2_4-.Ltmp1, $4  }
0xa1: {  	[tilespmem:s7+$0xFFFFFFF0] =	vst v4  }
0xa2: {  	[tilespmem:s7+$0xFFFFFFE0] =	vst v1  }
0xa3: {  	s7 =	sadd.s32 $0x90, s7;
	[tilespmem:s10+$0xFFFFFFD0] =	vst v0  }
0xa4: {  	s25 =	sshra.s32 s20, $0x2;
	s20 =	sadd.s32 $0x40, s20;
	v0 =	vld [tilespmem:s7+$0x40];
	[tilespmem:s10+$0xFFFFFFC0] =	vst v2;
	s10 =	smov.u32 s7  }
0xa5: {  	v1 =	vld [tilespmem:s25+$0x8ED0];
	_ =	sdelay $0x4  }
0xa6: {  	v0 =	vadd.f32 v1, v0;
	_ =	sdelay $0x1  }
0xa7: {  	v1 =	vmul.f32 $2.000000030e-01, v0  }
0xa8: {  	vm1 =	vge.f32 v0, $0.0e+00  }
0xa9: {  	v0 =	vsel vm1, v0, v1  }
0xaa: {  	v0 =	vmul.f32 $1.442695020e+00, v0;
	_ =	sdelay $0x1  }
0xab: {  	(erf) = vpow2.f32 v0;
	_ =	sdelay $0x6  }
0xac: {  	v0 =	vld [tilespmem:s7+$0x30]  }
0xad: {  	v1 =	vld [tilespmem:s7+$0x20]  }
0xae: {  	v2 =	vld [tilespmem:s7+$0x10];
	v3 =	vpop (erf)  }
0xaf: {  	v6 =	vld [tilespmem:s7+$0xFFFFFFF0];
	v5 =	vbroadcast v3, $0x7  }
0xb0: {  	v4 =	vld [tilespmem:s7+$0x0];
	v7 =	vbroadcast v3, $0x6  }
0xb1: {  	v9 =	vld [tilespmem:s7+$0xFFFFFFE0];
	v8 =	vnsel vm0, $0x0, v3;
	v10 =	vbroadcast v3, $0x5;
	v0 =	vmul.f32 v0, v5  }
0xb2: {  	v58 =	vld [tilespmem:s7+$0xFFFFFFD0];
	v61 =	vbroadcast v3, $0x3;
	[tilespmem:s7+$0x40] =	vst v8;
	v1 =	vmul.f32 v1, v7  }
0xb3: {  	v60 =	vld [tilespmem:s7+$0xFFFFFFC0];
	v59 =	vbroadcast v3, $0x4;
	v2 =	vmul.f32 v2, v10;
	[tilespmem:s7+$0x30] =	vst v0  }
0xb4: {  	v62 =	vbroadcast v3, $0x2;
	v6 =	vmul.f32 v6, v61;
	[tilespmem:s7+$0x20] =	vst v1  }
0xb5: {  	v0 =	vmul.f32 v4, v59;
	v1 =	vbroadcast v3, $0x1;
	[tilespmem:s7+$0x10] =	vst v2  }
0xb6: {  	v2 =	vbroadcast v3, $0x0;
	v3 =	vmul.f32 v62, v9;
	[tilespmem:s7+$0xFFFFFFF0] =	vst v6  }
0xb7: {  	[tilespmem:s7+$0x0] =	vst v0;
	v0 =	vmul.f32 v1, v58  }
0xb8: {  	v1 =	vmul.f32 v2, v60;
	[tilespmem:s7+$0xFFFFFFE0] =	vst v3  }
0xb9: {  	[tilespmem:s10+$0xFFFFFFD0] =	vst v0  }
0xba: {  	[tilespmem:s10+$0xFFFFFFC0] =	vst v1  }
0xbb: {  	_ =	swait.ge [sflag:s13], $0x2D00  }
0xbc: {  	[sflag:s13] =	ssyncset.done $0x0  }
0xbd: {  	[sflag:s13] =	ssyncadd.s32 $0xFFFFD300  }
0xbe: {  	_ =	swait.ge [sflag:s14], $0xA0  }
0xbf: {  	[sflag:s14] =	ssyncset.done $0x0  }
0xc0: {  	s25 =	simm.s32 $0x0;
	[sflag:s14] =	ssyncadd.s32 $0xFFFFFF60  }
0xc1: {  	[tilespmem:s24], [sflag:$0x4] =	stream.indirect.gather [hbm4b:s5+s23], $0x90, s25, s23, $0xb8;
	[tilespmem:$0x1F860] =	vst v63  }
0xc2: {  	s28 =	simm.s32 $0x89D0  }
0xc3: {  	[tilespmem:s28], [sflag:$0x4] =	stream.indirect.gather [hbm4b:s6+s23], $0x10, s23, s23, $0xb8;
	[tilespmem:$0x1F860] =	vst v63  }
0xc4: {  	_ = 	snop  }
0xc5: {  	[spmem:s3] =	stream.indirect.scatter.add.f32 [tilespmem:s26], [sflag:$0x8], $0x90, s18, s23, $0xb8;
	[tilespmem:$0x1F860] =	vst v63  }
0xc6: {  	_ =	swait.ge [sflag:s19], $0x2D00  }
0xc7: {  	[sflag:s19] =	ssyncset.done $0x0  }
0xc8: {  	[sflag:s19] =	ssyncadd.s32 $0xFFFFD300  }
0xc9: {  	_ =	swait.ge [sflag:s19], $0x500  }
0xca: {  	[sflag:s19] =	ssyncset.done $0x0  }
0xcb: {  	[sflag:s19] =	ssyncadd.s32 $0xFFFFFB00  }
0xcc: {  	v0 =	vld [tilespmem:$0x190]  }
0xcd: {  	v1 =	vld [tilespmem:$0x1A0]  }
0xce: {  	v2 =	vld [tilespmem:$0x1B0]  }
0xcf: {  	v3 =	vld [tilespmem:$0x1C0]  }
0xd0: {  	v63 =	vld [tilespmem:$0x1D0]  }
0xd1: {  	[tilespmem:$0x280] =	vst v0  }
0xd2: {  	[tilespmem:$0x290] =	vst v1  }
0xd3: {  	[tilespmem:$0x2A0] =	vst v2  }
0xd4: {  	[tilespmem:$0x2B0] =	vst v3  }
0xd5: {  	s7 =	simm.s32 $0x5D10;
	s29 =	rddreg [dreg:$0xb];
	[tilespmem:$0x2C0] =	vst v63  }
0xd6: {  	[tilespmem:s30], [sflag:$0x3] =	stream.linear.gather [hbm4b:s29+s25], $0xA0, $0x38;
	[tilespmem:$0x1F860] =	vst v63  }
0xd7: {  	s20 =	simm.s32 $0x40;
	s10 =	simm.s32 $0x5D10;
	s25 =	simm.s32 $0x0;
	v0 =	vld [tilespmem:s7+$0x40]  }
.LBB2_6:
0xd8: {  	p0 =	sne.s32 s20, $0x13C0;
	v1 =	vld [tilespmem:s25+$0x93D0];
	_ =	sdelay $0x4  }
0xd9: {  	v0 =	vadd.f32 v1, v0;
	_ =	sdelay $0x1  }
0xda: {  	v1 =	vmul.f32 $2.000000030e-01, v0  }
0xdb: {  	vm1 =	vge.f32 v0, $0.0e+00  }
0xdc: {  	v0 =	vsel vm1, v0, v1  }
0xdd: {  	v0 =	vmul.f32 $1.442695020e+00, v0;
	_ =	sdelay $0x1  }
0xde: {  	(erf) = vpow2.f32 v0;
	_ =	sdelay $0x4  }
0xdf: {  	v0 =	vld [tilespmem:s7+$0x30]  }
0xe0: {  	v1 =	vld [tilespmem:s7+$0x20]  }
0xe1: {  	v2 =	vld [tilespmem:s7+$0x10]  }
0xe2: {  	v3 =	vld [tilespmem:s7+$0x0]  }
0xe3: {  	v4 =	vld [tilespmem:s7+$0xFFFFFFF0];
	v5 =	vpop (erf)  }
0xe4: {  	v6 =	vnsel vm0, $0x0, v5;
	v7 =	vld [tilespmem:s7+$0xFFFFFFE0];
	v8 =	vbroadcast v5, $0x6;
	v9 =	vbroadcast v5, $0x7  }
0xe5: {  	v10 =	vbroadcast v5, $0x4;
	v11 =	vbroadcast v5, $0x5;
	[tilespmem:s7+$0x40] =	vst v6;
	v6 =	vld [tilespmem:s7+$0xFFFFFFD0]  }
0xe6: {  	v12 =	vld [tilespmem:s7+$0xFFFFFFC0];
	v1 =	vmul.f32 v1, v8;
	v0 =	vmul.f32 v0, v9  }
0xe7: {  	v2 =	vmul.f32 v2, v11;
	v3 =	vmul.f32 v3, v10  }
0xe8: {  	v8 =	vbroadcast v5, $0x2;
	v9 =	vbroadcast v5, $0x3;
	[tilespmem:s7+$0x30] =	vst v0  }
0xe9: {  	v0 =	vbroadcast v5, $0x0;
	v5 =	vbroadcast v5, $0x1;
	[tilespmem:s7+$0x20] =	vst v1  }
0xea: {  	v4 =	vmul.f32 v4, v9;
	v1 =	vmul.f32 v8, v7;
	[tilespmem:s7+$0x10] =	vst v2  }
.Ltmp2:
0xeb: {  	v2 =	vmul.f32 v0, v12;
	v0 =	vmul.f32 v5, v6;
	[tilespmem:s7+$0x0] =	vst v3;
	(pc) =	sbr.rel @p0 .LBB2_6-.Ltmp2, $4  }
0xec: {  	[tilespmem:s7+$0xFFFFFFF0] =	vst v4  }
0xed: {  	[tilespmem:s7+$0xFFFFFFE0] =	vst v1  }
0xee: {  	s7 =	sadd.s32 $0x90, s7;
	[tilespmem:s10+$0xFFFFFFD0] =	vst v0  }
0xef: {  	s25 =	sshra.s32 s20, $0x2;
	s20 =	sadd.s32 $0x40, s20;
	v0 =	vld [tilespmem:s7+$0x40];
	[tilespmem:s10+$0xFFFFFFC0] =	vst v2;
	s10 =	smov.u32 s7  }
0xf0: {  	v1 =	vld [tilespmem:s25+$0x93D0];
	_ =	sdelay $0x4  }
0xf1: {  	v0 =	vadd.f32 v1, v0;
	_ =	sdelay $0x1  }
0xf2: {  	v1 =	vmul.f32 $2.000000030e-01, v0  }
0xf3: {  	vm1 =	vge.f32 v0, $0.0e+00  }
0xf4: {  	v0 =	vsel vm1, v0, v1  }
0xf5: {  	v0 =	vmul.f32 $1.442695020e+00, v0;
	_ =	sdelay $0x1  }
0xf6: {  	(erf) = vpow2.f32 v0;
	_ =	sdelay $0x6  }
0xf7: {  	v51 =	vld [tilespmem:s7+$0x30]  }
0xf8: {  	v52 =	vld [tilespmem:s7+$0x20]  }
0xf9: {  	v2 =	vld [tilespmem:s7+$0x10];
	v3 =	vpop (erf)  }
0xfa: {  	v4 =	vld [tilespmem:s7+$0x0];
	v5 =	vbroadcast v3, $0x7  }
0xfb: {  	v6 =	vld [tilespmem:s7+$0xFFFFFFF0];
	v7 =	vbroadcast v3, $0x6  }
0xfc: {  	v9 =	vld [tilespmem:s7+$0xFFFFFFE0];
	v8 =	vnsel vm0, $0x0, v3;
	v10 =	vbroadcast v3, $0x5;
	v0 =	vmul.f32 v51, v5  }
0xfd: {  	v53 =	vld [tilespmem:s7+$0xFFFFFFD0];
	v54 =	vbroadcast v3, $0x4;
	[tilespmem:s7+$0x40] =	vst v8;
	v1 =	vmul.f32 v52, v7  }
0xfe: {  	v55 =	vld [tilespmem:s7+$0xFFFFFFC0];
	v56 =	vbroadcast v3, $0x3;
	v2 =	vmul.f32 v2, v10;
	[tilespmem:s7+$0x30] =	vst v0  }
0xff: {  	v58 =	vbroadcast v3, $0x2;
	v57 =	vmul.f32 v4, v54;
	[tilespmem:s7+$0x20] =	vst v1  }
0x100: {  	v59 =	vbroadcast v3, $0x1;
	v6 =	vmul.f32 v6, v56;
	[tilespmem:s7+$0x10] =	vst v2  }
0x101: {  	v60 =	vbroadcast v3, $0x0;
	v61 =	vmul.f32 v58, v9;
	[tilespmem:s7+$0x0] =	vst v57  }
0x102: {  	v62 =	vmul.f32 v59, v53;
	[tilespmem:s7+$0xFFFFFFF0] =	vst v6  }
0x103: {  	v63 =	vmul.f32 v60, v55;
	[tilespmem:s7+$0xFFFFFFE0] =	vst v61  }
0x104: {  	[tilespmem:s10+$0xFFFFFFD0] =	vst v62  }
0x105: {  	[tilespmem:s10+$0xFFFFFFC0] =	vst v63  }
0x106: {  	_ =	swait.ge [sflag:s9], $0x2D00  }
0x107: {  	[sflag:s9] =	ssyncset.done $0x0  }
0x108: {  	[sflag:s9] =	ssyncadd.s32 $0xFFFFD300  }
0x109: {  	_ =	swait.ge [sflag:s8], $0xA0  }
0x10a: {  	[sflag:s8] =	ssyncset.done $0x0  }
0x10b: {  	[sflag:s8] =	ssyncadd.s32 $0xFFFFFF60  }
0x10c: {  	[tilespmem:s26], [sflag:$0x5] =	stream.indirect.gather [hbm4b:s5+s23], $0x90, s22, s23, $0xb8;
	[tilespmem:$0x1F860] =	vst v63  }
0x10d: {  	s25 =	simm.s32 $0xF0;
	s28 =	simm.s32 $0x8ED0  }
0x10e: {  	[tilespmem:s28], [sflag:$0x5] =	stream.indirect.gather [hbm4b:s6+s23], $0x10, s25, s23, $0xb8;
	[tilespmem:$0x1F860] =	vst v63  }
0x10f: {  	s29 =	simm.s32 $0x280;
	s7 =	simm.s32 $0x0;
	s10 =	simm.s32 $0x0  }
0x110: {  	[spmem:s3] =	stream.indirect.scatter.add.f32 [tilespmem:s2], [sflag:$0x9], $0x90, s29, s23, $0xb8;
	[tilespmem:$0x1F860] =	vst v63  }
.LBB2_8:
0x111: {  	_ =	swait.ge [sflag:s31], $0x2D00  }
0x112: {  	[sflag:s31] =	ssyncset.done $0x0  }
0x113: {  	[sflag:s31] =	ssyncadd.s32 $0xFFFFD300  }
0x114: {  	_ =	swait.ge [sflag:s31], $0x500  }
0x115: {  	[sflag:s31] =	ssyncset.done $0x0  }
0x116: {  	[sflag:s31] =	ssyncadd.s32 $0xFFFFFB00  }
0x117: {  	v0 =	vld [tilespmem:$0x50]  }
0x118: {  	v1 =	vld [tilespmem:$0x60]  }
0x119: {  	v2 =	vld [tilespmem:$0x70]  }
0x11a: {  	v3 =	vld [tilespmem:$0x80]  }
0x11b: {  	v4 =	vld [tilespmem:$0x90]  }
0x11c: {  	s20 =	smul.u32 $0x1E0, s10;
	[tilespmem:$0x1E0] =	vst v0  }
0x11d: {  	[tilespmem:$0x1F0] =	vst v1  }
0x11e: {  	s11 =	sadd.s32 s20, s15;
	[tilespmem:$0x200] =	vst v2  }
0x11f: {  	s11 =	sshrl.u32 s11, $0x3;
	[tilespmem:$0x210] =	vst v3  }
0x120: {  	s25 =	simm.s32 $0x310;
	s11 =	sadd.s32 s1, s11;
	[tilespmem:$0x220] =	vst v4  }
0x121: {  	[tilespmem:s7], [sflag:$0x1] =	stream.linear.gather [hbm4b:s11+s7], $0xA0, $0x38;
	[tilespmem:$0x1F860] =	vst v63  }
0x122: {  	s29 =	simm.s32 $0x40;
	s28 =	simm.s32 $0x310;
	s11 =	simm.s32 $0x0;
	v0 =	vld [tilespmem:s25+$0x40]  }
.LBB2_9:
0x123: {  	p0 =	sne.s32 s29, $0x13C0;
	v1 =	vld [tilespmem:s11+$0x89D0];
	_ =	sdelay $0x4  }
0x124: {  	v0 =	vadd.f32 v1, v0;
	_ =	sdelay $0x1  }
0x125: {  	v1 =	vmul.f32 $2.000000030e-01, v0  }
0x126: {  	vm1 =	vge.f32 v0, $0.0e+00  }
0x127: {  	v0 =	vsel vm1, v0, v1  }
0x128: {  	v0 =	vmul.f32 $1.442695020e+00, v0;
	_ =	sdelay $0x1  }
0x129: {  	(erf) = vpow2.f32 v0;
	_ =	sdelay $0x4  }
0x12a: {  	v0 =	vld [tilespmem:s25+$0x30]  }
0x12b: {  	v1 =	vld [tilespmem:s25+$0x20]  }
0x12c: {  	v2 =	vld [tilespmem:s25+$0x10]  }
0x12d: {  	v3 =	vld [tilespmem:s25+$0x0]  }
0x12e: {  	v4 =	vld [tilespmem:s25+$0xFFFFFFF0];
	v5 =	vpop (erf)  }
0x12f: {  	v6 =	vnsel vm0, $0x0, v5;
	v7 =	vld [tilespmem:s25+$0xFFFFFFE0];
	v8 =	vbroadcast v5, $0x6;
	v9 =	vbroadcast v5, $0x7  }
0x130: {  	v10 =	vbroadcast v5, $0x4;
	v11 =	vbroadcast v5, $0x5;
	[tilespmem:s25+$0x40] =	vst v6;
	v6 =	vld [tilespmem:s25+$0xFFFFFFD0]  }
0x131: {  	v12 =	vld [tilespmem:s25+$0xFFFFFFC0];
	v1 =	vmul.f32 v1, v8;
	v0 =	vmul.f32 v0, v9  }
0x132: {  	v2 =	vmul.f32 v2, v11;
	v3 =	vmul.f32 v3, v10  }
0x133: {  	v8 =	vbroadcast v5, $0x2;
	v9 =	vbroadcast v5, $0x3;
	[tilespmem:s25+$0x30] =	vst v0  }
0x134: {  	v0 =	vbroadcast v5, $0x0;
	v5 =	vbroadcast v5, $0x1;
	[tilespmem:s25+$0x20] =	vst v1  }
0x135: {  	v4 =	vmul.f32 v4, v9;
	v1 =	vmul.f32 v8, v7;
	[tilespmem:s25+$0x10] =	vst v2  }
.Ltmp3:
0x136: {  	v2 =	vmul.f32 v0, v12;
	v0 =	vmul.f32 v5, v6;
	[tilespmem:s25+$0x0] =	vst v3;
	(pc) =	sbr.rel @p0 .LBB2_9-.Ltmp3, $4  }
0x137: {  	[tilespmem:s25+$0xFFFFFFF0] =	vst v4  }
0x138: {  	[tilespmem:s25+$0xFFFFFFE0] =	vst v1  }
0x139: {  	s25 =	sadd.s32 $0x90, s25;
	[tilespmem:s28+$0xFFFFFFD0] =	vst v0  }
0x13a: {  	s11 =	sshra.s32 s29, $0x2;
	s29 =	sadd.s32 $0x40, s29;
	v0 =	vld [tilespmem:s25+$0x40];
	[tilespmem:s28+$0xFFFFFFC0] =	vst v2;
	s28 =	smov.u32 s25  }
0x13b: {  	v1 =	vld [tilespmem:s11+$0x89D0];
	_ =	sdelay $0x4  }
0x13c: {  	v0 =	vadd.f32 v1, v0;
	_ =	sdelay $0x1  }
0x13d: {  	v1 =	vmul.f32 $2.000000030e-01, v0  }
0x13e: {  	vm1 =	vge.f32 v0, $0.0e+00  }
0x13f: {  	v0 =	vsel vm1, v0, v1  }
0x140: {  	v0 =	vmul.f32 $1.442695020e+00, v0;
	_ =	sdelay $0x1  }
0x141: {  	(erf) = vpow2.f32 v0;
	_ =	sdelay $0x6  }
0x142: {  	v0 =	vld [tilespmem:s25+$0x30]  }
0x143: {  	v1 =	vld [tilespmem:s25+$0x20]  }
0x144: {  	v2 =	vld [tilespmem:s25+$0x10];
	v3 =	vpop (erf)  }
0x145: {  	v6 =	vld [tilespmem:s25+$0xFFFFFFF0];
	v5 =	vbroadcast v3, $0x7  }
0x146: {  	v4 =	vld [tilespmem:s25+$0x0];
	v7 =	vbroadcast v3, $0x6  }
0x147: {  	v9 =	vld [tilespmem:s25+$0xFFFFFFE0];
	v8 =	vnsel vm0, $0x0, v3;
	v10 =	vbroadcast v3, $0x5;
	v0 =	vmul.f32 v0, v5  }
0x148: {  	v58 =	vld [tilespmem:s25+$0xFFFFFFD0];
	v61 =	vbroadcast v3, $0x3;
	[tilespmem:s25+$0x40] =	vst v8;
	v1 =	vmul.f32 v1, v7  }
0x149: {  	v60 =	vld [tilespmem:s25+$0xFFFFFFC0];
	v59 =	vbroadcast v3, $0x4;
	v2 =	vmul.f32 v2, v10;
	[tilespmem:s25+$0x30] =	vst v0  }
0x14a: {  	v62 =	vbroadcast v3, $0x2;
	v6 =	vmul.f32 v6, v61;
	[tilespmem:s25+$0x20] =	vst v1  }
0x14b: {  	v0 =	vmul.f32 v4, v59;
	v1 =	vbroadcast v3, $0x1;
	[tilespmem:s25+$0x10] =	vst v2  }
0x14c: {  	v2 =	vbroadcast v3, $0x0;
	v3 =	vmul.f32 v62, v9;
	[tilespmem:s25+$0xFFFFFFF0] =	vst v6  }
0x14d: {  	[tilespmem:s25+$0x0] =	vst v0;
	v0 =	vmul.f32 v1, v58  }
0x14e: {  	v1 =	vmul.f32 v2, v60;
	[tilespmem:s25+$0xFFFFFFE0] =	vst v3  }
0x14f: {  	[tilespmem:s28+$0xFFFFFFD0] =	vst v0  }
0x150: {  	[tilespmem:s28+$0xFFFFFFC0] =	vst v1  }
0x151: {  	_ =	swait.ge [sflag:s21], $0x2D00  }
0x152: {  	[sflag:s21] =	ssyncset.done $0x0  }
0x153: {  	[sflag:s21] =	ssyncadd.s32 $0xFFFFD300  }
0x154: {  	_ =	swait.ge [sflag:s0], $0xA0  }
0x155: {  	[sflag:s0] =	ssyncset.done $0x0  }
0x156: {  	[sflag:s0] =	ssyncadd.s32 $0xFFFFFF60  }
0x157: {  	[tilespmem:s2], [sflag:$0x6] =	stream.indirect.gather [hbm4b:s5+s23], $0x90, s30, s23, $0xb8;
	[tilespmem:$0x1F860] =	vst v63  }
0x158: {  	s11 =	simm.s32 $0x190;
	s25 =	simm.s32 $0x93D0  }
0x159: {  	[tilespmem:s25], [sflag:$0x6] =	stream.indirect.gather [hbm4b:s6+s23], $0x10, s11, s23, $0xb8;
	[tilespmem:$0x1F860] =	vst v63  }
0x15a: {  	s25 =	simm.s32 $0x1E0  }
0x15b: {  	[spmem:s3] =	stream.indirect.scatter.add.f32 [tilespmem:s24], [sflag:$0x7], $0x90, s25, s23, $0xb8;
	[tilespmem:$0x1F860] =	vst v63  }
0x15c: {  	_ =	swait.ge [sflag:s12], $0x2D00  }
0x15d: {  	[sflag:s12] =	ssyncset.done $0x0  }
0x15e: {  	[sflag:s12] =	ssyncadd.s32 $0xFFFFD300  }
0x15f: {  	_ =	swait.ge [sflag:s12], $0x500  }
0x160: {  	[sflag:s12] =	ssyncset.done $0x0  }
0x161: {  	[sflag:s12] =	ssyncadd.s32 $0xFFFFFB00  }
0x162: {  	v0 =	vld [tilespmem:$0xF0]  }
0x163: {  	v1 =	vld [tilespmem:$0x100]  }
0x164: {  	v2 =	vld [tilespmem:$0x110]  }
0x165: {  	v3 =	vld [tilespmem:$0x120]  }
0x166: {  	v63 =	vld [tilespmem:$0x130]  }
0x167: {  	[tilespmem:$0x230] =	vst v0  }
0x168: {  	[tilespmem:$0x240] =	vst v1  }
0x169: {  	s25 =	sadd.s32 s20, s16;
	[tilespmem:$0x250] =	vst v2  }
0x16a: {  	s11 =	sshrl.u32 s25, $0x3;
	[tilespmem:$0x260] =	vst v3  }
0x16b: {  	s25 =	simm.s32 $0x0;
	s11 =	sadd.s32 s1, s11;
	[tilespmem:$0x270] =	vst v63  }
0x16c: {  	[tilespmem:s22], [sflag:$0x2] =	stream.linear.gather [hbm4b:s11+s25], $0xA0, $0x38;
	[tilespmem:$0x1F860] =	vst v63  }
0x16d: {  	s25 =	simm.s32 $0x3010  }
0x16e: {  	s29 =	simm.s32 $0x40;
	s28 =	simm.s32 $0x3010;
	s11 =	simm.s32 $0x0;
	v0 =	vld [tilespmem:s25+$0x40]  }
.LBB2_11:
0x16f: {  	p0 =	sne.s32 s29, $0x13C0;
	v1 =	vld [tilespmem:s11+$0x8ED0];
	_ =	sdelay $0x4  }
0x170: {  	v0 =	vadd.f32 v1, v0;
	_ =	sdelay $0x1  }
0x171: {  	v1 =	vmul.f32 $2.000000030e-01, v0  }
0x172: {  	vm1 =	vge.f32 v0, $0.0e+00  }
0x173: {  	v0 =	vsel vm1, v0, v1  }
0x174: {  	v0 =	vmul.f32 $1.442695020e+00, v0;
	_ =	sdelay $0x1  }
0x175: {  	(erf) = vpow2.f32 v0;
	_ =	sdelay $0x4  }
0x176: {  	v0 =	vld [tilespmem:s25+$0x30]  }
0x177: {  	v1 =	vld [tilespmem:s25+$0x20]  }
0x178: {  	v2 =	vld [tilespmem:s25+$0x10]  }
0x179: {  	v3 =	vld [tilespmem:s25+$0x0]  }
0x17a: {  	v4 =	vld [tilespmem:s25+$0xFFFFFFF0];
	v5 =	vpop (erf)  }
0x17b: {  	v6 =	vnsel vm0, $0x0, v5;
	v7 =	vld [tilespmem:s25+$0xFFFFFFE0];
	v8 =	vbroadcast v5, $0x6;
	v9 =	vbroadcast v5, $0x7  }
0x17c: {  	v10 =	vbroadcast v5, $0x4;
	v11 =	vbroadcast v5, $0x5;
	[tilespmem:s25+$0x40] =	vst v6;
	v6 =	vld [tilespmem:s25+$0xFFFFFFD0]  }
0x17d: {  	v12 =	vld [tilespmem:s25+$0xFFFFFFC0];
	v1 =	vmul.f32 v1, v8;
	v0 =	vmul.f32 v0, v9  }
0x17e: {  	v2 =	vmul.f32 v2, v11;
	v3 =	vmul.f32 v3, v10  }
0x17f: {  	v8 =	vbroadcast v5, $0x2;
	v9 =	vbroadcast v5, $0x3;
	[tilespmem:s25+$0x30] =	vst v0  }
0x180: {  	v0 =	vbroadcast v5, $0x0;
	v5 =	vbroadcast v5, $0x1;
	[tilespmem:s25+$0x20] =	vst v1  }
0x181: {  	v4 =	vmul.f32 v4, v9;
	v1 =	vmul.f32 v8, v7;
	[tilespmem:s25+$0x10] =	vst v2  }
.Ltmp4:
0x182: {  	v2 =	vmul.f32 v0, v12;
	v0 =	vmul.f32 v5, v6;
	[tilespmem:s25+$0x0] =	vst v3;
	(pc) =	sbr.rel @p0 .LBB2_11-.Ltmp4, $4  }
0x183: {  	[tilespmem:s25+$0xFFFFFFF0] =	vst v4  }
0x184: {  	[tilespmem:s25+$0xFFFFFFE0] =	vst v1  }
0x185: {  	s25 =	sadd.s32 $0x90, s25;
	[tilespmem:s28+$0xFFFFFFD0] =	vst v0  }
0x186: {  	s11 =	sshra.s32 s29, $0x2;
	s29 =	sadd.s32 $0x40, s29;
	v0 =	vld [tilespmem:s25+$0x40];
	[tilespmem:s28+$0xFFFFFFC0] =	vst v2;
	s28 =	smov.u32 s25  }
0x187: {  	v1 =	vld [tilespmem:s11+$0x8ED0];
	_ =	sdelay $0x4  }
0x188: {  	v0 =	vadd.f32 v1, v0;
	_ =	sdelay $0x1  }
0x189: {  	v1 =	vmul.f32 $2.000000030e-01, v0  }
0x18a: {  	vm1 =	vge.f32 v0, $0.0e+00  }
0x18b: {  	v0 =	vsel vm1, v0, v1  }
0x18c: {  	v0 =	vmul.f32 $1.442695020e+00, v0;
	_ =	sdelay $0x1  }
0x18d: {  	(erf) = vpow2.f32 v0;
	_ =	sdelay $0x6  }
0x18e: {  	v0 =	vld [tilespmem:s25+$0x30]  }
0x18f: {  	v1 =	vld [tilespmem:s25+$0x20]  }
0x190: {  	v2 =	vld [tilespmem:s25+$0x10];
	v3 =	vpop (erf)  }
0x191: {  	v6 =	vld [tilespmem:s25+$0xFFFFFFF0];
	v5 =	vbroadcast v3, $0x7  }
0x192: {  	v4 =	vld [tilespmem:s25+$0x0];
	v7 =	vbroadcast v3, $0x6  }
0x193: {  	v9 =	vld [tilespmem:s25+$0xFFFFFFE0];
	v8 =	vnsel vm0, $0x0, v3;
	v10 =	vbroadcast v3, $0x5;
	v0 =	vmul.f32 v0, v5  }
0x194: {  	v58 =	vld [tilespmem:s25+$0xFFFFFFD0];
	v61 =	vbroadcast v3, $0x3;
	[tilespmem:s25+$0x40] =	vst v8;
	v1 =	vmul.f32 v1, v7  }
0x195: {  	v60 =	vld [tilespmem:s25+$0xFFFFFFC0];
	v59 =	vbroadcast v3, $0x4;
	v2 =	vmul.f32 v2, v10;
	[tilespmem:s25+$0x30] =	vst v0  }
0x196: {  	v62 =	vbroadcast v3, $0x2;
	v6 =	vmul.f32 v6, v61;
	[tilespmem:s25+$0x20] =	vst v1  }
0x197: {  	v0 =	vmul.f32 v4, v59;
	v1 =	vbroadcast v3, $0x1;
	[tilespmem:s25+$0x10] =	vst v2  }
0x198: {  	v2 =	vbroadcast v3, $0x0;
	v3 =	vmul.f32 v62, v9;
	[tilespmem:s25+$0xFFFFFFF0] =	vst v6  }
0x199: {  	[tilespmem:s25+$0x0] =	vst v0;
	v0 =	vmul.f32 v1, v58  }
0x19a: {  	v1 =	vmul.f32 v2, v60;
	[tilespmem:s25+$0xFFFFFFE0] =	vst v3  }
0x19b: {  	[tilespmem:s28+$0xFFFFFFD0] =	vst v0  }
0x19c: {  	[tilespmem:s28+$0xFFFFFFC0] =	vst v1  }
0x19d: {  	_ =	swait.ge [sflag:s13], $0x2D00  }
0x19e: {  	[sflag:s13] =	ssyncset.done $0x0  }
0x19f: {  	[sflag:s13] =	ssyncadd.s32 $0xFFFFD300  }
0x1a0: {  	_ =	swait.ge [sflag:s14], $0xA0  }
0x1a1: {  	[sflag:s14] =	ssyncset.done $0x0  }
0x1a2: {  	[sflag:s14] =	ssyncadd.s32 $0xFFFFFF60  }
0x1a3: {  	[tilespmem:s24], [sflag:$0x4] =	stream.indirect.gather [hbm4b:s5+s23], $0x90, s4, s23, $0xb8;
	[tilespmem:$0x1F860] =	vst v63  }
0x1a4: {  	s29 =	simm.s32 $0x89D0  }
0x1a5: {  	[tilespmem:s29], [sflag:$0x4] =	stream.indirect.gather [hbm4b:s6+s23], $0x10, s23, s23, $0xb8;
	[tilespmem:$0x1F860] =	vst v63  }
0x1a6: {  	_ = 	snop  }
0x1a7: {  	[spmem:s3] =	stream.indirect.scatter.add.f32 [tilespmem:s26], [sflag:$0x8], $0x90, s18, s23, $0xb8;
	[tilespmem:$0x1F860] =	vst v63  }
0x1a8: {  	_ =	swait.ge [sflag:s19], $0x2D00  }
0x1a9: {  	[sflag:s19] =	ssyncset.done $0x0  }
0x1aa: {  	[sflag:s19] =	ssyncadd.s32 $0xFFFFD300  }
0x1ab: {  	_ =	swait.ge [sflag:s19], $0x500  }
0x1ac: {  	[sflag:s19] =	ssyncset.done $0x0  }
0x1ad: {  	[sflag:s19] =	ssyncadd.s32 $0xFFFFFB00  }
0x1ae: {  	v0 =	vld [tilespmem:$0x190]  }
0x1af: {  	v1 =	vld [tilespmem:$0x1A0]  }
0x1b0: {  	v2 =	vld [tilespmem:$0x1B0]  }
0x1b1: {  	v3 =	vld [tilespmem:$0x1C0]  }
0x1b2: {  	v63 =	vld [tilespmem:$0x1D0]  }
0x1b3: {  	[tilespmem:$0x280] =	vst v0  }
0x1b4: {  	p0 =	seq.s32 s10, $0x27;
	[tilespmem:$0x290] =	vst v1  }
0x1b5: {  	s11 =	sadd.s32 @!p0 s20, s17;
	[tilespmem:$0x2A0] =	vst v2  }
0x1b6: {  	s11 =	sshrl.u32 @!p0 s11, $0x3;
	[tilespmem:$0x2B0] =	vst v3  }
0x1b7: {  	s20 =	simm.s32 @!p0 $0x0;
	s11 =	sadd.s32 @!p0 s1, s11;
	s25 =	simm.s32 @!p0 $0x140;
	[tilespmem:$0x2C0] =	vst v63  }
0x1b8: {  	[tilespmem:s25], [sflag:$0x3] =	stream.linear.gather @!p0 [hbm4b:s11+s20], $0xA0, $0x38;
	[tilespmem:$0x1F860] =	vst v63  }
0x1b9: {  	s20 =	simm.s32 $0x5D10  }
0x1ba: {  	s28 =	simm.s32 $0x40;
	s11 =	simm.s32 $0x0;
	s25 =	simm.s32 $0x5D10;
	v0 =	vld [tilespmem:s20+$0x40]  }
.LBB2_13:
0x1bb: {  	p0 =	sne.s32 s28, $0x13C0;
	v1 =	vld [tilespmem:s11+$0x93D0];
	_ =	sdelay $0x4  }
0x1bc: {  	v0 =	vadd.f32 v1, v0;
	_ =	sdelay $0x1  }
0x1bd: {  	v1 =	vmul.f32 $2.000000030e-01, v0  }
0x1be: {  	vm1 =	vge.f32 v0, $0.0e+00  }
0x1bf: {  	v0 =	vsel vm1, v0, v1  }
0x1c0: {  	v0 =	vmul.f32 $1.442695020e+00, v0;
	_ =	sdelay $0x1  }
0x1c1: {  	(erf) = vpow2.f32 v0;
	_ =	sdelay $0x4  }
0x1c2: {  	v0 =	vld [tilespmem:s20+$0x30]  }
0x1c3: {  	v1 =	vld [tilespmem:s20+$0x20]  }
0x1c4: {  	v2 =	vld [tilespmem:s20+$0x10]  }
0x1c5: {  	v3 =	vld [tilespmem:s20+$0x0]  }
0x1c6: {  	v4 =	vld [tilespmem:s20+$0xFFFFFFF0];
	v5 =	vpop (erf)  }
0x1c7: {  	v6 =	vnsel vm0, $0x0, v5;
	v7 =	vld [tilespmem:s20+$0xFFFFFFE0];
	v8 =	vbroadcast v5, $0x6;
	v9 =	vbroadcast v5, $0x7  }
0x1c8: {  	v10 =	vbroadcast v5, $0x4;
	v11 =	vbroadcast v5, $0x5;
	[tilespmem:s20+$0x40] =	vst v6;
	v6 =	vld [tilespmem:s20+$0xFFFFFFD0]  }
0x1c9: {  	v12 =	vld [tilespmem:s20+$0xFFFFFFC0];
	v1 =	vmul.f32 v1, v8;
	v0 =	vmul.f32 v0, v9  }
0x1ca: {  	v2 =	vmul.f32 v2, v11;
	v3 =	vmul.f32 v3, v10  }
0x1cb: {  	v8 =	vbroadcast v5, $0x2;
	v9 =	vbroadcast v5, $0x3;
	[tilespmem:s20+$0x30] =	vst v0  }
0x1cc: {  	v0 =	vbroadcast v5, $0x0;
	v5 =	vbroadcast v5, $0x1;
	[tilespmem:s20+$0x20] =	vst v1  }
0x1cd: {  	v4 =	vmul.f32 v4, v9;
	v1 =	vmul.f32 v8, v7;
	[tilespmem:s20+$0x10] =	vst v2  }
.Ltmp5:
0x1ce: {  	v2 =	vmul.f32 v0, v12;
	v0 =	vmul.f32 v5, v6;
	[tilespmem:s20+$0x0] =	vst v3;
	(pc) =	sbr.rel @p0 .LBB2_13-.Ltmp5, $4  }
0x1cf: {  	[tilespmem:s20+$0xFFFFFFF0] =	vst v4  }
0x1d0: {  	[tilespmem:s20+$0xFFFFFFE0] =	vst v1  }
0x1d1: {  	s20 =	sadd.s32 $0x90, s20;
	[tilespmem:s25+$0xFFFFFFD0] =	vst v0  }
0x1d2: {  	s11 =	sshra.s32 s28, $0x2;
	s28 =	sadd.s32 $0x40, s28;
	v0 =	vld [tilespmem:s20+$0x40];
	[tilespmem:s25+$0xFFFFFFC0] =	vst v2;
	s25 =	smov.u32 s20  }
0x1d3: {  	v1 =	vld [tilespmem:s11+$0x93D0];
	_ =	sdelay $0x4  }
0x1d4: {  	v0 =	vadd.f32 v1, v0;
	_ =	sdelay $0x1  }
0x1d5: {  	v1 =	vmul.f32 $2.000000030e-01, v0  }
0x1d6: {  	vm1 =	vge.f32 v0, $0.0e+00  }
0x1d7: {  	v0 =	vsel vm1, v0, v1  }
0x1d8: {  	v0 =	vmul.f32 $1.442695020e+00, v0;
	_ =	sdelay $0x1  }
0x1d9: {  	(erf) = vpow2.f32 v0;
	_ =	sdelay $0x6  }
0x1da: {  	v51 =	vld [tilespmem:s20+$0x30]  }
0x1db: {  	v52 =	vld [tilespmem:s20+$0x20]  }
0x1dc: {  	v2 =	vld [tilespmem:s20+$0x10];
	v3 =	vpop (erf)  }
0x1dd: {  	v4 =	vld [tilespmem:s20+$0x0];
	v5 =	vbroadcast v3, $0x7  }
0x1de: {  	v6 =	vld [tilespmem:s20+$0xFFFFFFF0];
	v7 =	vbroadcast v3, $0x6  }
0x1df: {  	v9 =	vld [tilespmem:s20+$0xFFFFFFE0];
	v8 =	vnsel vm0, $0x0, v3;
	v10 =	vbroadcast v3, $0x5;
	v0 =	vmul.f32 v51, v5  }
0x1e0: {  	v53 =	vld [tilespmem:s20+$0xFFFFFFD0];
	v54 =	vbroadcast v3, $0x4;
	[tilespmem:s20+$0x40] =	vst v8;
	v1 =	vmul.f32 v52, v7  }
0x1e1: {  	v55 =	vld [tilespmem:s20+$0xFFFFFFC0];
	v56 =	vbroadcast v3, $0x3;
	v2 =	vmul.f32 v2, v10;
	[tilespmem:s20+$0x30] =	vst v0  }
0x1e2: {  	v58 =	vbroadcast v3, $0x2;
	v57 =	vmul.f32 v4, v54;
	[tilespmem:s20+$0x20] =	vst v1  }
0x1e3: {  	v59 =	vbroadcast v3, $0x1;
	v6 =	vmul.f32 v6, v56;
	[tilespmem:s20+$0x10] =	vst v2  }
0x1e4: {  	v60 =	vbroadcast v3, $0x0;
	v61 =	vmul.f32 v58, v9;
	[tilespmem:s20+$0x0] =	vst v57  }
0x1e5: {  	v62 =	vmul.f32 v59, v53;
	[tilespmem:s20+$0xFFFFFFF0] =	vst v6  }
0x1e6: {  	v63 =	vmul.f32 v60, v55;
	[tilespmem:s20+$0xFFFFFFE0] =	vst v61  }
0x1e7: {  	[tilespmem:s25+$0xFFFFFFD0] =	vst v62  }
0x1e8: {  	[tilespmem:s25+$0xFFFFFFC0] =	vst v63  }
0x1e9: {  	_ =	swait.ge [sflag:s9], $0x2D00  }
0x1ea: {  	[sflag:s9] =	ssyncset.done $0x0  }
0x1eb: {  	[sflag:s9] =	ssyncadd.s32 $0xFFFFD300  }
0x1ec: {  	_ =	swait.ge [sflag:s8], $0xA0  }
0x1ed: {  	s10 =	sadd.s32 $0x1, s10;
	[sflag:s8] =	ssyncset.done $0x0  }
0x1ee: {  	p0 =	sne.s32 s10, $0x28;
	[sflag:s8] =	ssyncadd.s32 $0xFFFFFF60  }
0x1ef: {  	[tilespmem:s26], [sflag:$0x5] =	stream.indirect.gather [hbm4b:s5+s23], $0x90, s22, s23, $0xb8;
	[tilespmem:$0x1F860] =	vst v63  }
.Ltmp6:
0x1f0: {  	_ = 	snop;
	(pc) =	sbr.rel @p0 .LBB2_8-.Ltmp6, $4  }
0x1f1: {  	s28 =	simm.s32 $0x8ED0;
	s25 =	simm.s32 $0xF0  }
0x1f2: {  	[tilespmem:s28], [sflag:$0x5] =	stream.indirect.gather [hbm4b:s6+s23], $0x10, s25, s23, $0xb8;
	[tilespmem:$0x1F860] =	vst v63  }
0x1f3: {  	s29 =	simm.s32 $0x280  }
0x1f4: {  	[spmem:s3] =	stream.indirect.scatter.add.f32 [tilespmem:s2], [sflag:$0x9], $0x90, s29, s23, $0xb8;
	[tilespmem:$0x1F860] =	vst v63  }
0x1f5: {  	_ =	swait.ge [sflag:s31], $0x2D00  }
0x1f6: {  	[sflag:s31] =	ssyncset.done $0x0  }
0x1f7: {  	[sflag:s31] =	ssyncadd.s32 $0xFFFFD300  }
0x1f8: {  	_ =	swait.ge [sflag:s31], $0x500  }
0x1f9: {  	[sflag:s31] =	ssyncset.done $0x0  }
0x1fa: {  	[sflag:s31] =	ssyncadd.s32 $0xFFFFFB00  }
0x1fb: {  	v0 =	vld [tilespmem:$0x50]  }
0x1fc: {  	v1 =	vld [tilespmem:$0x60]  }
0x1fd: {  	v2 =	vld [tilespmem:$0x70]  }
0x1fe: {  	v3 =	vld [tilespmem:$0x80]  }
0x1ff: {  	v4 =	vld [tilespmem:$0x90]  }
0x200: {  	[tilespmem:$0x1E0] =	vst v0  }
0x201: {  	[tilespmem:$0x1F0] =	vst v1  }
0x202: {  	[tilespmem:$0x200] =	vst v2  }
0x203: {  	[tilespmem:$0x210] =	vst v3  }
0x204: {  	s7 =	simm.s32 $0x310;
	[tilespmem:$0x220] =	vst v4  }
0x205: {  	s11 =	simm.s32 $0x0;
	s20 =	simm.s32 $0x40;
	s10 =	simm.s32 $0x310;
	v0 =	vld [tilespmem:s7+$0x40]  }
.LBB2_16:
0x206: {  	p0 =	sne.s32 s20, $0x13C0;
	v1 =	vld [tilespmem:s11+$0x89D0];
	_ =	sdelay $0x4  }
0x207: {  	v0 =	vadd.f32 v1, v0;
	_ =	sdelay $0x1  }
0x208: {  	v1 =	vmul.f32 $2.000000030e-01, v0  }
0x209: {  	vm1 =	vge.f32 v0, $0.0e+00  }
0x20a: {  	v0 =	vsel vm1, v0, v1  }
0x20b: {  	v0 =	vmul.f32 $1.442695020e+00, v0;
	_ =	sdelay $0x1  }
0x20c: {  	(erf) = vpow2.f32 v0;
	_ =	sdelay $0x4  }
0x20d: {  	v0 =	vld [tilespmem:s7+$0x30]  }
0x20e: {  	v1 =	vld [tilespmem:s7+$0x20]  }
0x20f: {  	v2 =	vld [tilespmem:s7+$0x10]  }
0x210: {  	v3 =	vld [tilespmem:s7+$0x0]  }
0x211: {  	v4 =	vld [tilespmem:s7+$0xFFFFFFF0];
	v5 =	vpop (erf)  }
0x212: {  	v6 =	vnsel vm0, $0x0, v5;
	v7 =	vld [tilespmem:s7+$0xFFFFFFE0];
	v8 =	vbroadcast v5, $0x6;
	v9 =	vbroadcast v5, $0x7  }
0x213: {  	v10 =	vbroadcast v5, $0x4;
	v11 =	vbroadcast v5, $0x5;
	[tilespmem:s7+$0x40] =	vst v6;
	v6 =	vld [tilespmem:s7+$0xFFFFFFD0]  }
0x214: {  	v12 =	vld [tilespmem:s7+$0xFFFFFFC0];
	v1 =	vmul.f32 v1, v8;
	v0 =	vmul.f32 v0, v9  }
0x215: {  	v2 =	vmul.f32 v2, v11;
	v3 =	vmul.f32 v3, v10  }
0x216: {  	v8 =	vbroadcast v5, $0x2;
	v9 =	vbroadcast v5, $0x3;
	[tilespmem:s7+$0x30] =	vst v0  }
0x217: {  	v0 =	vbroadcast v5, $0x0;
	v5 =	vbroadcast v5, $0x1;
	[tilespmem:s7+$0x20] =	vst v1  }
0x218: {  	v4 =	vmul.f32 v4, v9;
	v1 =	vmul.f32 v8, v7;
	[tilespmem:s7+$0x10] =	vst v2  }
.Ltmp7:
0x219: {  	v2 =	vmul.f32 v0, v12;
	v0 =	vmul.f32 v5, v6;
	[tilespmem:s7+$0x0] =	vst v3;
	(pc) =	sbr.rel @p0 .LBB2_16-.Ltmp7, $4  }
0x21a: {  	[tilespmem:s7+$0xFFFFFFF0] =	vst v4  }
0x21b: {  	[tilespmem:s7+$0xFFFFFFE0] =	vst v1  }
0x21c: {  	s7 =	sadd.s32 $0x90, s7;
	[tilespmem:s10+$0xFFFFFFD0] =	vst v0  }
0x21d: {  	s11 =	sshra.s32 s20, $0x2;
	s20 =	sadd.s32 $0x40, s20;
	v0 =	vld [tilespmem:s7+$0x40];
	[tilespmem:s10+$0xFFFFFFC0] =	vst v2;
	s10 =	smov.u32 s7  }
0x21e: {  	v1 =	vld [tilespmem:s11+$0x89D0];
	_ =	sdelay $0x4  }
0x21f: {  	v0 =	vadd.f32 v1, v0;
	_ =	sdelay $0x1  }
0x220: {  	v1 =	vmul.f32 $2.000000030e-01, v0  }
0x221: {  	vm1 =	vge.f32 v0, $0.0e+00  }
0x222: {  	v0 =	vsel vm1, v0, v1  }
0x223: {  	v0 =	vmul.f32 $1.442695020e+00, v0;
	_ =	sdelay $0x1  }
0x224: {  	(erf) = vpow2.f32 v0;
	_ =	sdelay $0x6  }
0x225: {  	v0 =	vld [tilespmem:s7+$0x30]  }
0x226: {  	v1 =	vld [tilespmem:s7+$0x20]  }
0x227: {  	v2 =	vld [tilespmem:s7+$0x10];
	v3 =	vpop (erf)  }
0x228: {  	v6 =	vld [tilespmem:s7+$0xFFFFFFF0];
	v5 =	vbroadcast v3, $0x7  }
0x229: {  	v4 =	vld [tilespmem:s7+$0x0];
	v7 =	vbroadcast v3, $0x6  }
0x22a: {  	v9 =	vld [tilespmem:s7+$0xFFFFFFE0];
	v8 =	vnsel vm0, $0x0, v3;
	v10 =	vbroadcast v3, $0x5;
	v0 =	vmul.f32 v0, v5  }
0x22b: {  	v58 =	vld [tilespmem:s7+$0xFFFFFFD0];
	v61 =	vbroadcast v3, $0x3;
	[tilespmem:s7+$0x40] =	vst v8;
	v1 =	vmul.f32 v1, v7  }
0x22c: {  	v60 =	vld [tilespmem:s7+$0xFFFFFFC0];
	v59 =	vbroadcast v3, $0x4;
	v2 =	vmul.f32 v2, v10;
	[tilespmem:s7+$0x30] =	vst v0  }
0x22d: {  	v62 =	vbroadcast v3, $0x2;
	v6 =	vmul.f32 v6, v61;
	[tilespmem:s7+$0x20] =	vst v1  }
0x22e: {  	v0 =	vmul.f32 v4, v59;
	v1 =	vbroadcast v3, $0x1;
	[tilespmem:s7+$0x10] =	vst v2  }
0x22f: {  	v2 =	vbroadcast v3, $0x0;
	v3 =	vmul.f32 v62, v9;
	[tilespmem:s7+$0xFFFFFFF0] =	vst v6  }
0x230: {  	[tilespmem:s7+$0x0] =	vst v0;
	v0 =	vmul.f32 v1, v58  }
0x231: {  	v1 =	vmul.f32 v2, v60;
	[tilespmem:s7+$0xFFFFFFE0] =	vst v3  }
0x232: {  	[tilespmem:s10+$0xFFFFFFD0] =	vst v0  }
0x233: {  	s29 =	simm.s32 $0x1E0;
	[tilespmem:s10+$0xFFFFFFC0] =	vst v1  }
0x234: {  	[spmem:s3] =	stream.indirect.scatter.add.f32 [tilespmem:s24], [sflag:$0x7], $0x90, s29, s23, $0xb8;
	[tilespmem:$0x1F860] =	vst v63  }
0x235: {  	_ =	swait.ge [sflag:s12], $0x2D00  }
0x236: {  	[sflag:s12] =	ssyncset.done $0x0  }
0x237: {  	[sflag:s12] =	ssyncadd.s32 $0xFFFFD300  }
0x238: {  	_ =	swait.ge [sflag:s12], $0x500  }
0x239: {  	[sflag:s12] =	ssyncset.done $0x0  }
0x23a: {  	[sflag:s12] =	ssyncadd.s32 $0xFFFFFB00  }
0x23b: {  	v0 =	vld [tilespmem:$0xF0]  }
0x23c: {  	v1 =	vld [tilespmem:$0x100]  }
0x23d: {  	v2 =	vld [tilespmem:$0x110]  }
0x23e: {  	v3 =	vld [tilespmem:$0x120]  }
0x23f: {  	v63 =	vld [tilespmem:$0x130]  }
0x240: {  	[tilespmem:$0x230] =	vst v0  }
0x241: {  	[tilespmem:$0x240] =	vst v1  }
0x242: {  	[tilespmem:$0x250] =	vst v2  }
0x243: {  	[tilespmem:$0x260] =	vst v3  }
0x244: {  	s11 =	simm.s32 $0x0;
	s7 =	simm.s32 $0x3010;
	[tilespmem:$0x270] =	vst v63  }
0x245: {  	s20 =	simm.s32 $0x40;
	s10 =	simm.s32 $0x3010;
	s25 =	rddreg [dreg:$0xf];
	v0 =	vld [tilespmem:s7+$0x40]  }
.LBB2_18:
0x246: {  	p0 =	sne.s32 s20, $0x13C0;
	v1 =	vld [tilespmem:s11+$0x8ED0];
	_ =	sdelay $0x4  }
0x247: {  	v0 =	vadd.f32 v1, v0;
	_ =	sdelay $0x1  }
0x248: {  	v1 =	vmul.f32 $2.000000030e-01, v0  }
0x249: {  	vm1 =	vge.f32 v0, $0.0e+00  }
0x24a: {  	v0 =	vsel vm1, v0, v1  }
0x24b: {  	v0 =	vmul.f32 $1.442695020e+00, v0;
	_ =	sdelay $0x1  }
0x24c: {  	(erf) = vpow2.f32 v0;
	_ =	sdelay $0x4  }
0x24d: {  	v0 =	vld [tilespmem:s7+$0x30]  }
0x24e: {  	v1 =	vld [tilespmem:s7+$0x20]  }
0x24f: {  	v2 =	vld [tilespmem:s7+$0x10]  }
0x250: {  	v3 =	vld [tilespmem:s7+$0x0]  }
0x251: {  	v4 =	vld [tilespmem:s7+$0xFFFFFFF0];
	v5 =	vpop (erf)  }
0x252: {  	v6 =	vnsel vm0, $0x0, v5;
	v7 =	vld [tilespmem:s7+$0xFFFFFFE0];
	v8 =	vbroadcast v5, $0x6;
	v9 =	vbroadcast v5, $0x7  }
0x253: {  	v10 =	vbroadcast v5, $0x4;
	v11 =	vbroadcast v5, $0x5;
	[tilespmem:s7+$0x40] =	vst v6;
	v6 =	vld [tilespmem:s7+$0xFFFFFFD0]  }
0x254: {  	v12 =	vld [tilespmem:s7+$0xFFFFFFC0];
	v1 =	vmul.f32 v1, v8;
	v0 =	vmul.f32 v0, v9  }
0x255: {  	v2 =	vmul.f32 v2, v11;
	v3 =	vmul.f32 v3, v10  }
0x256: {  	v8 =	vbroadcast v5, $0x2;
	v9 =	vbroadcast v5, $0x3;
	[tilespmem:s7+$0x30] =	vst v0  }
0x257: {  	v0 =	vbroadcast v5, $0x0;
	v5 =	vbroadcast v5, $0x1;
	[tilespmem:s7+$0x20] =	vst v1  }
0x258: {  	v4 =	vmul.f32 v4, v9;
	v1 =	vmul.f32 v8, v7;
	[tilespmem:s7+$0x10] =	vst v2  }
.Ltmp8:
0x259: {  	v2 =	vmul.f32 v0, v12;
	v0 =	vmul.f32 v5, v6;
	[tilespmem:s7+$0x0] =	vst v3;
	(pc) =	sbr.rel @p0 .LBB2_18-.Ltmp8, $4  }
0x25a: {  	[tilespmem:s7+$0xFFFFFFF0] =	vst v4  }
0x25b: {  	[tilespmem:s7+$0xFFFFFFE0] =	vst v1  }
0x25c: {  	s7 =	sadd.s32 $0x90, s7;
	[tilespmem:s10+$0xFFFFFFD0] =	vst v0  }
0x25d: {  	s11 =	sshra.s32 s20, $0x2;
	s20 =	sadd.s32 $0x40, s20;
	v0 =	vld [tilespmem:s7+$0x40];
	[tilespmem:s10+$0xFFFFFFC0] =	vst v2;
	s10 =	smov.u32 s7  }
0x25e: {  	v1 =	vld [tilespmem:s11+$0x8ED0];
	_ =	sdelay $0x4  }
0x25f: {  	v0 =	vadd.f32 v1, v0;
	_ =	sdelay $0x1  }
0x260: {  	v1 =	vmul.f32 $2.000000030e-01, v0  }
0x261: {  	vm1 =	vge.f32 v0, $0.0e+00  }
0x262: {  	v0 =	vsel vm1, v0, v1  }
0x263: {  	v0 =	vmul.f32 $1.442695020e+00, v0;
	_ =	sdelay $0x1  }
0x264: {  	(erf) = vpow2.f32 v0;
	_ =	sdelay $0x6  }
0x265: {  	v51 =	vld [tilespmem:s7+$0x30]  }
0x266: {  	v52 =	vld [tilespmem:s7+$0x20]  }
0x267: {  	v2 =	vld [tilespmem:s7+$0x10];
	v3 =	vpop (erf)  }
0x268: {  	v4 =	vld [tilespmem:s7+$0x0];
	v5 =	vbroadcast v3, $0x7  }
0x269: {  	v6 =	vld [tilespmem:s7+$0xFFFFFFF0];
	v7 =	vbroadcast v3, $0x6  }
0x26a: {  	v9 =	vld [tilespmem:s7+$0xFFFFFFE0];
	v8 =	vnsel vm0, $0x0, v3;
	v10 =	vbroadcast v3, $0x5;
	v0 =	vmul.f32 v51, v5  }
0x26b: {  	v53 =	vld [tilespmem:s7+$0xFFFFFFD0];
	v54 =	vbroadcast v3, $0x4;
	[tilespmem:s7+$0x40] =	vst v8;
	v1 =	vmul.f32 v52, v7  }
0x26c: {  	v55 =	vld [tilespmem:s7+$0xFFFFFFC0];
	v56 =	vbroadcast v3, $0x3;
	v2 =	vmul.f32 v2, v10;
	[tilespmem:s7+$0x30] =	vst v0  }
0x26d: {  	v58 =	vbroadcast v3, $0x2;
	v57 =	vmul.f32 v4, v54;
	[tilespmem:s7+$0x20] =	vst v1  }
0x26e: {  	v59 =	vbroadcast v3, $0x1;
	v6 =	vmul.f32 v6, v56;
	[tilespmem:s7+$0x10] =	vst v2  }
0x26f: {  	v60 =	vbroadcast v3, $0x0;
	v61 =	vmul.f32 v58, v9;
	[tilespmem:s7+$0x0] =	vst v57  }
0x270: {  	v62 =	vmul.f32 v59, v53;
	[tilespmem:s7+$0xFFFFFFF0] =	vst v6  }
0x271: {  	v63 =	vmul.f32 v60, v55;
	[tilespmem:s7+$0xFFFFFFE0] =	vst v61  }
0x272: {  	[tilespmem:s10+$0xFFFFFFD0] =	vst v62  }
0x273: {  	[tilespmem:s10+$0xFFFFFFC0] =	vst v63  }
0x274: {  	[spmem:s3] =	stream.indirect.scatter.add.f32 [tilespmem:s26], [sflag:$0x8], $0x90, s18, s23, $0xb8;
	[tilespmem:$0x1F860] =	vst v63  }
0x275: {  	_ =	swait.ge [sflag:s13], $0x2D00  }
0x276: {  	[sflag:s13] =	ssyncset.done $0x0  }
0x277: {  	[sflag:s13] =	ssyncadd.s32 $0xFFFFD300  }
0x278: {  	_ =	swait.ge [sflag:s9], $0x2D00  }
0x279: {  	[sflag:s9] =	ssyncset.done $0x0  }
0x27a: {  	[sflag:s9] =	ssyncadd.s32 $0xFFFFD300  }
0x27b: {  	_ =	swait.ge [sflag:s21], $0x2D00  }
0x27c: {  	[sflag:s21] =	ssyncset.done $0x0  }
0x27d: {  	[sflag:s21] =	ssyncadd.s32 $0xFFFFD300  }
0x27e: {  	[bflag:$0x0] =	sbarrier.arrive $0xFFFF  }
0x27f: {  	s10 =	rddreg [dreg:$0x5]  }
0x280: {  	s28 =	rddreg [dreg:$0xc]  }
0x281: {  	s20 =	simm.s32 $0xA;
	s11 =	rddreg [dreg:$0xe]  }
0x282: {  	[hbm:s28], [sflag:s10] =	dma.local [spmem:s11], $0x2BF2  }
0x283: {  	_ =	swait.ge [sflag:s20], $0x2BF2  }
0x284: {  	s25 =	sadd.s32 $0x1, s25;
	s29 =	rddreg [dreg:$0xd]  }
0x285: {  	p0 =	sne.s32 s25, s29  }
.Ltmp9:
0x286: {  	_ = 	snop;
	(pc) =	sbr.rel @p0 .LBB2_1-.Ltmp9, $3  }
0x287: {  	_ =	sdelay $0x1  }
0x288: {  	[sflag:s20] =	ssyncset.done $0x0  }
0x289: {  	[sflag:s20] =	ssyncadd.s32 $0xFFFFD40E  }
0x28a: {  	_ =	sfence.sel $0x180000  }
0x28b: {  	[bflag:$0x0] =	sbarrier.arrive $0xFFFF  }
0x28c: {  	_ =	strace $0x90000047  }
0x28d: {  	s0 =	stileid.u32;
	[bflag:$0x2] =	sbarrier.arrive $0xFFFF  }
0x28e: {  	p0 =	sne.s32 s0, $0x0;
	s0 =	rddreg [dreg:$0x3]  }
0x28f: {  	s0 =	sadd.s32 @!p0 $0x100000, s0  }
0x290: {  	[sflag:s0] =	ssyncadd.tile.s32 @!p0 $0x1;
	_ =	shalt  }
.Lfunc_end2:
_tile_overlayer_lowered:
.L_overlay_start_2:
0x291: {  	(tag) =	ssettag $0x2  }
0x292: {  	s0 =	rddreg [dreg:$0x0];
	s2 =	stileid.u32  }
0x293: {  	s1 =	rddreg [dreg:$0x1];
	p0 =	sne.s32 s2, $0x0  }
0x294: {  	s3 =	rddreg [dreg:$0x2];
	[bflag:$0x3] =	sbarrier.arrive $0xFFFF;
	s2 =	simm.s32 @!p0 $0x1C0A  }
0x295: {  	[timem:s3], [sflag:s2] =	dma.local @!p0 [hbm:s0], s1  }
0x296: {  	s0 =	simm.s32 @!p0 $0xA  }
0x297: {  	_ =	swait.ge @!p0 [sflag:s0], s1  }
0x298: {  	s1 =	ssub.s32 @!p0 $0x0, s1;
	[sflag:s0] =	ssyncset.done @!p0 $0x0  }
0x299: {  	[sflag:s0] =	ssyncadd.s32 @!p0 s1  }
0x29a: {  	[bflag:$0x3] =	sbarrier.arrive $0xFFFF  }
0x29b: {  	_ =	shalt  }

</sc_bundles>
